<compile_context>
chip_gen: v7x
topology: tpu7x:2x2x1
jax: 0.10.2.dev20260603
libtpu: 0.0.44.dev20260713+nightly
codegen_flags: <defaults>
</compile_context>

<pallas_src>
import functools

import jax
import jax.numpy as jnp
from jax import lax
from jax.experimental import pallas as pl
from jax.experimental.pallas import tpu as pltpu
from jax.experimental.pallas import tpu_sc as plsc

B, D, K, N, T = 4096, 256, 512, 64, 16
BB = 512
GRID = B // BB
LAMBDA_ORTHO = 0.01

NC, NS = 2, 16
NW = NC * NS
RPW = B // NW
RU = 8


def _sc_body(g_hbm, out_hbm, g_v, m_v, sem):
    wid = lax.axis_index("s") * NC + lax.axis_index("c")
    row0 = wid * RPW
    pltpu.async_copy(g_hbm.at[pl.ds(row0, RPW)], g_v, sem).wait()

    @plsc.parallel_loop(0, RPW // RU)
    def _rows(i):
        r0 = i * RU
        runs = []
        for j in range(RU):
            first = g_v[r0 + j, pl.ds(0, 16)]
            runs.append(plsc.sort_key_val(first, first)[0])
        for c in range(1, K // 16):
            for j in range(RU):
                chunk = g_v[r0 + j, pl.ds(16 * c, 16)]
                s_desc = plsc.sort_key_val(chunk, chunk, descending=True)[0]
                merged = jnp.minimum(runs[j], s_desc)
                if c != K // 16 - 1:
                    runs[j] = plsc.sort_key_val(merged, merged)[0]
                else:
                    runs[j] = merged
        for j in range(RU):
            m_v[r0 + j] = runs[j]
    pltpu.sync_copy(m_v, out_hbm.at[pl.ds(row0, RPW)])


@functools.cache
def _make_sc_topk16():
    return pl.kernel(
        _sc_body,
        out_type=jax.ShapeDtypeStruct((B, 16), jnp.float32),
        mesh=plsc.VectorSubcoreMesh(core_axis_name="c", subcore_axis_name="s"),
        scratch_types=[
            pltpu.VMEM((RPW, K), jnp.float32),
            pltpu.VMEM((RPW, 16), jnp.float32),
            pltpu.SemaphoreType.DMA,
        ],
        compiler_params=pltpu.CompilerParams(needs_layout_passes=False),
    )


def _sc_topk16(g):
    return _make_sc_topk16()(g)


def _tc_a_body(v_ref, vh_ref, f_ref, neg_ref, mask_ref, bv_ref, out_ref):
    i = pl.program_id(0)
    v = v_ref[...]
    vh = vh_ref[...]
    F = f_ref[...]
    neg = neg_ref[...]
    mcol = mask_ref[:, 0:1]

    base = jnp.sqrt(jnp.sum((vh - v) ** 2, axis=1, keepdims=True) + 1e-8)
    vn = jnp.sum(vh * vh, axis=1, keepdims=True)

    nn = jnp.sum(neg * neg, axis=1)
    sneg = jnp.dot(vh, neg.T, preferred_element_type=jnp.float32)
    nd = jnp.sqrt(jnp.maximum(vn - 2.0 * sneg + nn[None, :], 0.0) + 1e-8)
    ju_row = jnp.sum(jnp.maximum(1.0 + base - nd, 0.0), axis=1, keepdims=True) / N

    blanes = lax.broadcasted_iota(jnp.int32, (BB, 128), 1)
    bv_ref[...] = base * (blanes == 0) + vn * (blanes == 1)

    ju_part = jnp.sum(ju_row * mcol)
    mk_part = jnp.sum(mcol)

    lanes = lax.broadcasted_iota(jnp.int32, (1, 1, 128), 2)
    vals = (ju_part * (lanes == 0) + mk_part * (lanes == 2)).astype(jnp.float32)
    out_ref[...] = vals

    @pl.when(i == 0)
    def _ortho():
        gram = jnp.dot(F, F.T, preferred_element_type=jnp.float32)
        r = lax.broadcasted_iota(jnp.int32, (K, K), 0)
        c = lax.broadcasted_iota(jnp.int32, (K, K), 1)
        eye = (r == c).astype(jnp.float32)
        o = jnp.sum(jnp.abs(gram - eye))
        out_ref[...] = vals + o * (lanes == 3)


def _tc_b_body(vh_ref, g_ref, f_ref, mask_ref, th_ref, bv_ref, out_ref):
    vh = vh_ref[...]
    g = g_ref[...]
    F = f_ref[...]
    mcol = mask_ref[:, 0:1]
    base = bv_ref[:, 0:1]
    vn = bv_ref[:, 1:2]

    th = jnp.max(th_ref[...], axis=1, keepdims=True)
    lt = g < th
    cnt = jnp.sum(lt.astype(jnp.float32), axis=1, keepdims=True)
    eq = g == th
    kr = lax.broadcasted_iota(jnp.int32, (K, K), 0)
    kc = lax.broadcasted_iota(jnp.int32, (K, K), 1)
    tri = (kr <= kc).astype(jnp.bfloat16)
    rank = jnp.dot(eq.astype(jnp.bfloat16), tri,
                   preferred_element_type=jnp.float32)
    msel = jnp.logical_or(lt, jnp.logical_and(eq, rank <= (T - cnt)))

    sum_g = jnp.sum(jnp.where(msel, g, 0.0), axis=1, keepdims=True)
    g_t = g / (sum_g + 1e-10)
    m_t = (1.0 - g_t) ** 2

    fn = jnp.sum(F * F, axis=1)
    s = jnp.dot(vh, F.T, preferred_element_type=jnp.float32)
    dft = jnp.sqrt(jnp.maximum(vn - 2.0 * s + fn[None, :], 0.0) + 1e-8)
    hin = jnp.maximum(m_t + base - dft, 0.0)
    jt_row = jnp.sum(jnp.where(msel, hin, 0.0), axis=1, keepdims=True)

    lanes = lax.broadcasted_iota(jnp.int32, (1, 1, 128), 2)
    out_ref[...] = (jnp.sum(jt_row * mcol) * (lanes == 1)).astype(jnp.float32)


def kernel(v, vhat, d, g, F, negatives, mask):
    del d
    cand = _sc_topk16(g)
    mask2 = jnp.broadcast_to(mask.astype(jnp.float32)[:, None], (B, 128))
    bv, parts_a = pl.pallas_call(
        _tc_a_body,
        grid=(GRID,),
        in_specs=[
            pl.BlockSpec((BB, D), lambda i: (i, 0)),
            pl.BlockSpec((BB, D), lambda i: (i, 0)),
            pl.BlockSpec((K, D), lambda i: (0, 0)),
            pl.BlockSpec((N, D), lambda i: (0, 0)),
            pl.BlockSpec((BB, 128), lambda i: (i, 0)),
        ],
        out_specs=[
            pl.BlockSpec((BB, 128), lambda i: (i, 0)),
            pl.BlockSpec((1, 1, 128), lambda i: (i, 0, 0)),
        ],
        out_shape=[
            jax.ShapeDtypeStruct((B, 128), jnp.float32),
            jax.ShapeDtypeStruct((GRID, 1, 128), jnp.float32),
        ],
    )(v, vhat, F, negatives, mask2)
    parts_b = pl.pallas_call(
        _tc_b_body,
        grid=(GRID,),
        in_specs=[
            pl.BlockSpec((BB, D), lambda i: (i, 0)),
            pl.BlockSpec((BB, K), lambda i: (i, 0)),
            pl.BlockSpec((K, D), lambda i: (0, 0)),
            pl.BlockSpec((BB, 128), lambda i: (i, 0)),
            pl.BlockSpec((BB, 16), lambda i: (i, 0)),
            pl.BlockSpec((BB, 128), lambda i: (i, 0)),
        ],
        out_specs=pl.BlockSpec((1, 1, 128), lambda i: (i, 0, 0)),
        out_shape=jax.ShapeDtypeStruct((GRID, 1, 128), jnp.float32),
    )(vhat, g, F, mask2, cand, bv)
    sums = jnp.sum(parts_a + parts_b, axis=(0, 1))
    ju = sums[0] / sums[2]
    jt = sums[1] / jnp.maximum(sums[2], 1.0)
    ortho = sums[3]
    return ju + jt + LAMBDA_ORTHO * ortho ** 2

# --- scband reference (transcript-rebuilt; emitter-appended) ---
"""Pipeline reference for scband-museloss-module-58600533786738 (READ-ONLY COPY).

The authoritative reference and input builder live on the scoring server;
editing this copy changes nothing except your own understanding.
"""

import jax, jax.numpy as jnp
import numpy as np

LAMBDA_ORTHO = 0.01
MARGIN = 1.0
T = 16


def setup_inputs(seed: int = 0) -> dict:
    key = jax.random.key(seed)
    k1, k2, k3, k4, k5, k6 = jax.random.split(key, 6)
    B, D, K, N = 4096, 256, 512, 64
    return {
        "v": jax.random.normal(k1, (B, D), dtype=jnp.float32),
        "vhat": jax.random.normal(k2, (B, D), dtype=jnp.float32),
        "d": jax.random.normal(k3, (B, D), dtype=jnp.float32),
        "g": jax.random.uniform(k4, (B, K), dtype=jnp.float32),
        "F": jax.random.normal(k5, (K, D), dtype=jnp.float32),
        "negatives": jax.random.normal(k6, (N, D), dtype=jnp.float32),
        "mask": jnp.ones((B,), dtype=bool),
    }


def _l2(u, v):
    dist_squared = jnp.sum((u - v) ** 2, axis=1)
    dist_squared = jnp.maximum(dist_squared, 0.0)
    return jnp.sqrt(dist_squared + 1e-08)


def _contrastive_loss(v, vhat, negatives, mask_f):
    N = negatives.shape[0]
    true_distance = _l2(vhat, v)  # [B]
    diff = vhat[None, :, :] - negatives[:, None, :]  # [N, B, D]
    negative_distance = jnp.sqrt(jnp.maximum(jnp.sum(diff ** 2, axis=2), 0.0) + 1e-08)  # [N, B]
    per_neg = jnp.maximum(1.0 + true_distance[None, :] - negative_distance, 0.0)
    loss = jnp.sum(per_neg, axis=0) / N
    loss = loss * mask_f
    return jnp.sum(loss) / jnp.sum(mask_f)


def _focal_triplet_loss(v, vhat_z, g, F, mask_f):
    # topk smallest of g along dim 1
    _, indices = jax.lax.top_k(-g, T)  # [B, T], ascending g
    F_t = F[indices]  # [B, T, D]
    g_tz = jnp.take_along_axis(g, indices, axis=1)  # [B, T]
    epsilon = 1e-10
    g_t = g_tz / (jnp.sum(g_tz, axis=1, keepdims=True) + epsilon)
    m_t = MARGIN * (1.0 - g_t) ** 2  # [B, T]
    base = _l2(vhat_z, v)  # [B]
    d_ft = jnp.sqrt(jnp.maximum(jnp.sum((vhat_z[:, None, :] - F_t) ** 2, axis=2), 0.0) + 1e-08)  # [B, T]
    current_loss = m_t + base[:, None] - d_ft
    loss = jnp.sum(jnp.maximum(current_loss, 0.0), axis=1)
    loss = loss * mask_f
    return jnp.sum(loss) / jnp.maximum(jnp.sum(mask_f), 1.0)


def _orthogonality_term(F):
    gram = F @ F.T
    eye = jnp.eye(gram.shape[0], dtype=gram.dtype)
    return jnp.sum(jnp.abs(gram - eye))


def reference(v, vhat, d, g, F, negatives, mask):
    mask_f = mask.astype(jnp.float32)
    Ju = _contrastive_loss(v, vhat, negatives, mask_f)
    Jt = _focal_triplet_loss(v, vhat, g, F, mask_f)
    Jz = Ju + Jt + LAMBDA_ORTHO * _orthogonality_term(F) ** 2
    return Jz

if __name__ == "__main__":
    import jax
    _d = setup_inputs()
    print(jax.jit(kernel)(*tuple(_d.values())))

</pallas_src>

<mosaic_0001>
#map = affine_map<(d0, d1) -> (0, 0)>
module attributes {stable_mosaic.version = 14 : i64} {
  func.func @_sc_body(%arg0: i32, %arg1: i32, %arg2: memref<4096x512xf32, #tpu.memory_space<hbm>>, %arg3: memref<4096x16xf32, #tpu.memory_space<hbm>>, %arg4: memref<128x512xf32, #tpu.memory_space<vmem>>, %arg5: memref<128x16xf32, #tpu.memory_space<vmem>>, %arg6: memref<!tpu.dma_semaphore, #tpu.memory_space<semaphore_mem>>) attributes {dimension_semantics = [#tpu.dimension_semantics<core_parallel>, #tpu.dimension_semantics<subcore_parallel>], iteration_bounds = array<i64: 2, 16>, scalar_prefetch = 0 : i64, scratch_operands = 3 : i64, tpu.core_type = #tpu.core_type<sc_vector_subcore>, window_params = [{transform_indices = #map}, {transform_indices = #map}]} {
    %mul3A = arith.constant 2 : i32
    %mul3A_0 = arith.muli %arg1, %mul3A : i32
    %add3A = arith.addi %mul3A_0, %arg0 : i32
    %mul3A_1 = arith.constant 128 : i32
    %mul3A_2 = arith.muli %add3A, %mul3A_1 : i32
    %dma_start3A = arith.constant 0 : i32
    %dma_start3A_3 = tpu.memref_slice %arg2[%mul3A_2, %dma_start3A] : memref<4096x512xf32, #tpu.memory_space<hbm>> -> memref<128x512xf32, #tpu.memory_space<hbm>>
    %dma_start3A_4 = arith.constant 0 : i32
    %dma_start3A_5 = tpu.memref_slice %arg2[%mul3A_2, %dma_start3A_4] : memref<4096x512xf32, #tpu.memory_space<hbm>> -> memref<128x512xf32, #tpu.memory_space<hbm>>
    tpu.enqueue_dma source(%dma_start3A_5 : memref<128x512xf32, #tpu.memory_space<hbm>>) target(%arg4 : memref<128x512xf32, #tpu.memory_space<vmem>>) target_semaphore(%arg6 : memref<!tpu.dma_semaphore, #tpu.memory_space<semaphore_mem>>)
    %dma_wait3A = arith.constant 0 : i32
    %dma_wait3A_6 = tpu.memref_slice %arg2[%mul3A_2, %dma_wait3A] : memref<4096x512xf32, #tpu.memory_space<hbm>> -> memref<128x512xf32, #tpu.memory_space<hbm>>
    %dma_wait3A_7 = arith.constant 0 : i32
    %dma_wait3A_8 = tpu.memref_slice %arg2[%mul3A_2, %dma_wait3A_7] : memref<4096x512xf32, #tpu.memory_space<hbm>> -> memref<128x512xf32, #tpu.memory_space<hbm>>
    tpu.wait_dma2 semaphore(%arg6 : memref<!tpu.dma_semaphore, #tpu.memory_space<semaphore_mem>>) src(%dma_wait3A_8 : memref<128x512xf32, #tpu.memory_space<hbm>>) dst(%arg4 : memref<128x512xf32, #tpu.memory_space<vmem>>)
    %parallel_loop3A = arith.constant 0 : i32
    %parallel_loop3A_9 = arith.constant 16 : i32
    %parallel_loop3A_10 = arith.constant 1 : i32
    scf.for %parallel_loop3A_11 = %parallel_loop3A to %parallel_loop3A_9 step %parallel_loop3A_10  : i32 {
      %parallel_loop3A_12 = arith.constant 8 : i32
      %parallel_loop3A_13 = arith.muli %parallel_loop3A_11, %parallel_loop3A_12 : i32
      %parallel_loop3A_14 = arith.constant 0 : i32
      %parallel_loop3A_15 = arith.addi %parallel_loop3A_13, %parallel_loop3A_14 : i32
      %parallel_loop3A_16 = arith.index_cast %parallel_loop3A_15 : i32 to index
      %parallel_loop3A_17 = arith.constant 0 : index
      %parallel_loop3A_18 = tpu.vector_load %arg4[%parallel_loop3A_16, %parallel_loop3A_17] {strides = array<i32>} : memref<128x512xf32, #tpu.memory_space<vmem>>, vector<16xf32>,
      %parallel_loop3A_19 = arith.constant dense<true> : vector<16xi1>
      %parallel_loop3A_20, %parallel_loop3A_21, %parallel_loop3A_22 = tpu.sort %parallel_loop3A_18, %parallel_loop3A_18 masked %parallel_loop3A_19 : (vector<16xf32>, vector<16xf32>, vector<16xi1>) -> (vector<16xi1>, vector<16xf32>, vector<16xf32>)
      %parallel_loop3A_23 = arith.constant 1 : i32
      %parallel_loop3A_24 = arith.addi %parallel_loop3A_13, %parallel_loop3A_23 : i32
      %parallel_loop3A_25 = arith.index_cast %parallel_loop3A_24 : i32 to index
      %parallel_loop3A_26 = arith.constant 0 : index
      %parallel_loop3A_27 = tpu.vector_load %arg4[%parallel_loop3A_25, %parallel_loop3A_26] {strides = array<i32>} : memref<128x512xf32, #tpu.memory_space<vmem>>, vector<16xf32>,
      %parallel_loop3A_28 = arith.constant dense<true> : vector<16xi1>
      %parallel_loop3A_29, %parallel_loop3A_30, %parallel_loop3A_31 = tpu.sort %parallel_loop3A_27, %parallel_loop3A_27 masked %parallel_loop3A_28 : (vector<16xf32>, vector<16xf32>, vector<16xi1>) -> (vector<16xi1>, vector<16xf32>, vector<16xf32>)
      %parallel_loop3A_32 = arith.constant 2 : i32
      %parallel_loop3A_33 = arith.addi %parallel_loop3A_13, %parallel_loop3A_32 : i32
      %parallel_loop3A_34 = arith.index_cast %parallel_loop3A_33 : i32 to index
      %parallel_loop3A_35 = arith.constant 0 : index
      %parallel_loop3A_36 = tpu.vector_load %arg4[%parallel_loop3A_34, %parallel_loop3A_35] {strides = array<i32>} : memref<128x512xf32, #tpu.memory_space<vmem>>, vector<16xf32>,
      %parallel_loop3A_37 = arith.constant dense<true> : vector<16xi1>
      %parallel_loop3A_38, %parallel_loop3A_39, %parallel_loop3A_40 = tpu.sort %parallel_loop3A_36, %parallel_loop3A_36 masked %parallel_loop3A_37 : (vector<16xf32>, vector<16xf32>, vector<16xi1>) -> (vector<16xi1>, vector<16xf32>, vector<16xf32>)
      %parallel_loop3A_41 = arith.constant 3 : i32
      %parallel_loop3A_42 = arith.addi %parallel_loop3A_13, %parallel_loop3A_41 : i32
      %parallel_loop3A_43 = arith.index_cast %parallel_loop3A_42 : i32 to index
      %parallel_loop3A_44 = arith.constant 0 : index
      %parallel_loop3A_45 = tpu.vector_load %arg4[%parallel_loop3A_43, %parallel_loop3A_44] {strides = array<i32>} : memref<128x512xf32, #tpu.memory_space<vmem>>, vector<16xf32>,
      %parallel_loop3A_46 = arith.constant dense<true> : vector<16xi1>
      %parallel_loop3A_47, %parallel_loop3A_48, %parallel_loop3A_49 = tpu.sort %parallel_loop3A_45, %parallel_loop3A_45 masked %parallel_loop3A_46 : (vector<16xf32>, vector<16xf32>, vector<16xi1>) -> (vector<16xi1>, vector<16xf32>, vector<16xf32>)
      %parallel_loop3A_50 = arith.constant 4 : i32
      %parallel_loop3A_51 = arith.addi %parallel_loop3A_13, %parallel_loop3A_50 : i32
      %parallel_loop3A_52 = arith.index_cast %parallel_loop3A_51 : i32 to index
      %parallel_loop3A_53 = arith.constant 0 : index
      %parallel_loop3A_54 = tpu.vector_load %arg4[%parallel_loop3A_52, %parallel_loop3A_53] {strides = array<i32>} : memref<128x512xf32, #tpu.memory_space<vmem>>, vector<16xf32>,
      %parallel_loop3A_55 = arith.constant dense<true> : vector<16xi1>
      %parallel_loop3A_56, %parallel_loop3A_57, %parallel_loop3A_58 = tpu.sort %parallel_loop3A_54, %parallel_loop3A_54 masked %parallel_loop3A_55 : (vector<16xf32>, vector<16xf32>, vector<16xi1>) -> (vector<16xi1>, vector<16xf32>, vector<16xf32>)
      %parallel_loop3A_59 = arith.constant 5 : i32
      %parallel_loop3A_60 = arith.addi %parallel_loop3A_13, %parallel_loop3A_59 : i32
      %parallel_loop3A_61 = arith.index_cast %parallel_loop3A_60 : i32 to index
      %parallel_loop3A_62 = arith.constant 0 : index
      %parallel_loop3A_63 = tpu.vector_load %arg4[%parallel_loop3A_61, %parallel_loop3A_62] {strides = array<i32>} : memref<128x512xf32, #tpu.memory_space<vmem>>, vector<16xf32>,
      %parallel_loop3A_64 = arith.constant dense<true> : vector<16xi1>
      %parallel_loop3A_65, %parallel_loop3A_66, %parallel_loop3A_67 = tpu.sort %parallel_loop3A_63, %parallel_loop3A_63 masked %parallel_loop3A_64 : (vector<16xf32>, vector<16xf32>, vector<16xi1>) -> (vector<16xi1>, vector<16xf32>, vector<16xf32>)
      %parallel_loop3A_68 = arith.constant 6 : i32
      %parallel_loop3A_69 = arith.addi %parallel_loop3A_13, %parallel_loop3A_68 : i32
      %parallel_loop3A_70 = arith.index_cast %parallel_loop3A_69 : i32 to index
      %parallel_loop3A_71 = arith.constant 0 : index
      %parallel_loop3A_72 = tpu.vector_load %arg4[%parallel_loop3A_70, %parallel_loop3A_71] {strides = array<i32>} : memref<128x512xf32, #tpu.memory_space<vmem>>, vector<16xf32>,
      %parallel_loop3A_73 = arith.constant dense<true> : vector<16xi1>
      %parallel_loop3A_74, %parallel_loop3A_75, %parallel_loop3A_76 = tpu.sort %parallel_loop3A_72, %parallel_loop3A_72 masked %parallel_loop3A_73 : (vector<16xf32>, vector<16xf32>, vector<16xi1>) -> (vector<16xi1>, vector<16xf32>, vector<16xf32>)
      %parallel_loop3A_77 = arith.constant 7 : i32
      %parallel_loop3A_78 = arith.addi %parallel_loop3A_13, %parallel_loop3A_77 : i32
      %parallel_loop3A_79 = arith.index_cast %parallel_loop3A_78 : i32 to index
      %parallel_loop3A_80 = arith.constant 0 : index
      %parallel_loop3A_81 = tpu.vector_load %arg4[%parallel_loop3A_79, %parallel_loop3A_80] {strides = array<i32>} : memref<128x512xf32, #tpu.memory_space<vmem>>, vector<16xf32>,
      %parallel_loop3A_82 = arith.constant dense<true> : vector<16xi1>
      %parallel_loop3A_83, %parallel_loop3A_84, %parallel_loop3A_85 = tpu.sort %parallel_loop3A_81, %parallel_loop3A_81 masked %parallel_loop3A_82 : (vector<16xf32>, vector<16xf32>, vector<16xi1>) -> (vector<16xi1>, vector<16xf32>, vector<16xf32>)
      %parallel_loop3A_86 = arith.constant 0 : i32
      %parallel_loop3A_87 = arith.addi %parallel_loop3A_13, %parallel_loop3A_86 : i32
      %parallel_loop3A_88 = arith.index_cast %parallel_loop3A_87 : i32 to index
      %parallel_loop3A_89 = arith.constant 16 : index
      %parallel_loop3A_90 = tpu.vector_load %arg4[%parallel_loop3A_88, %parallel_loop3A_89] {strides = array<i32>} : memref<128x512xf32, #tpu.memory_space<vmem>>, vector<16xf32>,
      %parallel_loop3A_91 = arith.constant dense<true> : vector<16xi1>
      %parallel_loop3A_92, %parallel_loop3A_93, %parallel_loop3A_94 = tpu.sort %parallel_loop3A_90, %parallel_loop3A_90 masked %parallel_loop3A_91 {descending = true} : (vector<16xf32>, vector<16xf32>, vector<16xi1>) -> (vector<16xi1>, vector<16xf32>, vector<16xf32>)
      %parallel_loop3A_95 = arith.minimumf %parallel_loop3A_21, %parallel_loop3A_93 : vector<16xf32>
      %parallel_loop3A_96 = arith.constant dense<true> : vector<16xi1>
      %parallel_loop3A_97, %parallel_loop3A_98, %parallel_loop3A_99 = tpu.sort %parallel_loop3A_95, %parallel_loop3A_95 masked %parallel_loop3A_96 : (vector<16xf32>, vector<16xf32>, vector<16xi1>) -> (vector<16xi1>, vector<16xf32>, vector<16xf32>)
      %parallel_loop3A_100 = arith.constant 1 : i32
      %parallel_loop3A_101 = arith.addi %parallel_loop3A_13, %parallel_loop3A_100 : i32
      %parallel_loop3A_102 = arith.index_cast %parallel_loop3A_101 : i32 to index
      %parallel_loop3A_103 = arith.constant 16 : index
      %parallel_loop3A_104 = tpu.vector_load %arg4[%parallel_loop3A_102, %parallel_loop3A_103] {strides = array<i32>} : memref<128x512xf32, #tpu.memory_space<vmem>>, vector<16xf32>,
      %parallel_loop3A_105 = arith.constant dense<true> : vector<16xi1>
      %parallel_loop3A_106, %parallel_loop3A_107, %parallel_loop3A_108 = tpu.sort %parallel_loop3A_104, %parallel_loop3A_104 masked %parallel_loop3A_105 {descending = true} : (vector<16xf32>, vector<16xf32>, vector<16xi1>) -> (vector<16xi1>, vector<16xf32>, vector<16xf32>)
      %parallel_loop3A_109 = arith.minimumf %parallel_loop3A_30, %parallel_loop3A_107 : vector<16xf32>
      %parallel_loop3A_110 = arith.constant dense<true> : vector<16xi1>
      %parallel_loop3A_111, %parallel_loop3A_112, %parallel_loop3A_113 = tpu.sort %parallel_loop3A_109, %parallel_loop3A_109 masked %parallel_loop3A_110 : (vector<16xf32>, vector<16xf32>, vector<16xi1>) -> (vector<16xi1>, vector<16xf32>, vector<16xf32>)
      %parallel_loop3A_114 = arith.constant 2 : i32
      %parallel_loop3A_115 = arith.addi %parallel_loop3A_13, %parallel_loop3A_114 : i32
      %parallel_loop3A_116 = arith.index_cast %parallel_loop3A_115 : i32 to index
      %parallel_loop3A_117 = arith.constant 16 : index
      %parallel_loop3A_118 = tpu.vector_load %arg4[%parallel_loop3A_116, %parallel_loop3A_117] {strides = array<i32>} : memref<128x512xf32, #tpu.memory_space<vmem>>, vector<16xf32>,
      %parallel_loop3A_119 = arith.constant dense<true> : vector<16xi1>
      %parallel_loop3A_120, %parallel_loop3A_121, %parallel_loop3A_122 = tpu.sort %parallel_loop3A_118, %parallel_loop3A_118 masked %parallel_loop3A_119 {descending = true} : (vector<16xf32>, vector<16xf32>, vector<16xi1>) -> (vector<16xi1>, vector<16xf32>, vector<16xf32>)
      %parallel_loop3A_123 = arith.minimumf %parallel_loop3A_39, %parallel_loop3A_121 : vector<16xf32>
      %parallel_loop3A_124 = arith.constant dense<true> : vector<16xi1>
      %parallel_loop3A_125, %parallel_loop3A_126, %parallel_loop3A_127 = tpu.sort %parallel_loop3A_123, %parallel_loop3A_123 masked %parallel_loop3A_124 : (vector<16xf32>, vector<16xf32>, vector<16xi1>) -> (vector<16xi1>, vector<16xf32>, vector<16xf32>)
      %parallel_loop3A_128 = arith.constant 3 : i32
      %parallel_loop3A_129 = arith.addi %parallel_loop3A_13, %parallel_loop3A_128 : i32
      %parallel_loop3A_130 = arith.index_cast %parallel_loop3A_129 : i32 to index
      %parallel_loop3A_131 = arith.constant 16 : index
      %parallel_loop3A_132 = tpu.vector_load %arg4[%parallel_loop3A_130, %parallel_loop3A_131] {strides = array<i32>} : memref<128x512xf32, #tpu.memory_space<vmem>>, vector<16xf32>,
      %parallel_loop3A_133 = arith.constant dense<true> : vector<16xi1>
      %parallel_loop3A_134, %parallel_loop3A_135, %parallel_loop3A_136 = tpu.sort %parallel_loop3A_132, %parallel_loop3A_132 masked %parallel_loop3A_133 {descending = true} : (vector<16xf32>, vector<16xf32>, vector<16xi1>) -> (vector<16xi1>, vector<16xf32>, vector<16xf32>)
      %parallel_loop3A_137 = arith.minimumf %parallel_loop3A_48, %parallel_loop3A_135 : vector<16xf32>
      %parallel_loop3A_138 = arith.constant dense<true> : vector<16xi1>
      %parallel_loop3A_139, %parallel_loop3A_140, %parallel_loop3A_141 = tpu.sort %parallel_loop3A_137, %parallel_loop3A_137 masked %parallel_loop3A_138 : (vector<16xf32>, vector<16xf32>, vector<16xi1>) -> (vector<16xi1>, vector<16xf32>, vector<16xf32>)
      %parallel_loop3A_142 = arith.constant 4 : i32
      %parallel_loop3A_143 = arith.addi %parallel_loop3A_13, %parallel_loop3A_142 : i32
      %parallel_loop3A_144 = arith.index_cast %parallel_loop3A_143 : i32 to index
      %parallel_loop3A_145 = arith.constant 16 : index
      %parallel_loop3A_146 = tpu.vector_load %arg4[%parallel_loop3A_144, %parallel_loop3A_145] {strides = array<i32>} : memref<128x512xf32, #tpu.memory_space<vmem>>, vector<16xf32>,
      %parallel_loop3A_147 = arith.constant dense<true> : vector<16xi1>
      %parallel_loop3A_148, %parallel_loop3A_149, %parallel_loop3A_150 = tpu.sort %parallel_loop3A_146, %parallel_loop3A_146 masked %parallel_loop3A_147 {descending = true} : (vector<16xf32>, vector<16xf32>, vector<16xi1>) -> (vector<16xi1>, vector<16xf32>, vector<16xf32>)
      %parallel_loop3A_151 = arith.minimumf %parallel_loop3A_57, %parallel_loop3A_149 : vector<16xf32>
      %parallel_loop3A_152 = arith.constant dense<true> : vector<16xi1>
      %parallel_loop3A_153, %parallel_loop3A_154, %parallel_loop3A_155 = tpu.sort %parallel_loop3A_151, %parallel_loop3A_151 masked %parallel_loop3A_152 : (vector<16xf32>, vector<16xf32>, vector<16xi1>) -> (vector<16xi1>, vector<16xf32>, vector<16xf32>)
      %parallel_loop3A_156 = arith.constant 5 : i32
      %parallel_loop3A_157 = arith.addi %parallel_loop3A_13, %parallel_loop3A_156 : i32
      %parallel_loop3A_158 = arith.index_cast %parallel_loop3A_157 : i32 to index
      %parallel_loop3A_159 = arith.constant 16 : index
      %parallel_loop3A_160 = tpu.vector_load %arg4[%parallel_loop3A_158, %parallel_loop3A_159] {strides = array<i32>} : memref<128x512xf32, #tpu.memory_space<vmem>>, vector<16xf32>,
      %parallel_loop3A_161 = arith.constant dense<true> : vector<16xi1>
      %parallel_loop3A_162, %parallel_loop3A_163, %parallel_loop3A_164 = tpu.sort %parallel_loop3A_160, %parallel_loop3A_160 masked %parallel_loop3A_161 {descending = true} : (vector<16xf32>, vector<16xf32>, vector<16xi1>) -> (vector<16xi1>, vector<16xf32>, vector<16xf32>)
      %parallel_loop3A_165 = arith.minimumf %parallel_loop3A_66, %parallel_loop3A_163 : vector<16xf32>
      %parallel_loop3A_166 = arith.constant dense<true> : vector<16xi1>
      %parallel_loop3A_167, %parallel_loop3A_168, %parallel_loop3A_169 = tpu.sort %parallel_loop3A_165, %parallel_loop3A_165 masked %parallel_loop3A_166 : (vector<16xf32>, vector<16xf32>, vector<16xi1>) -> (vector<16xi1>, vector<16xf32>, vector<16xf32>)
      %parallel_loop3A_170 = arith.constant 6 : i32
      %parallel_loop3A_171 = arith.addi %parallel_loop3A_13, %parallel_loop3A_170 : i32
      %parallel_loop3A_172 = arith.index_cast %parallel_loop3A_171 : i32 to index
      %parallel_loop3A_173 = arith.constant 16 : index
      %parallel_loop3A_174 = tpu.vector_load %arg4[%parallel_loop3A_172, %parallel_loop3A_173] {strides = array<i32>} : memref<128x512xf32, #tpu.memory_space<vmem>>, vector<16xf32>,
      %parallel_loop3A_175 = arith.constant dense<true> : vector<16xi1>
      %parallel_loop3A_176, %parallel_loop3A_177, %parallel_loop3A_178 = tpu.sort %parallel_loop3A_174, %parallel_loop3A_174 masked %parallel_loop3A_175 {descending = true} : (vector<16xf32>, vector<16xf32>, vector<16xi1>) -> (vector<16xi1>, vector<16xf32>, vector<16xf32>)
      %parallel_loop3A_179 = arith.minimumf %parallel_loop3A_75, %parallel_loop3A_177 : vector<16xf32>
      %parallel_loop3A_180 = arith.constant dense<true> : vector<16xi1>
      %parallel_loop3A_181, %parallel_loop3A_182, %parallel_loop3A_183 = tpu.sort %parallel_loop3A_179, %parallel_loop3A_179 masked %parallel_loop3A_180 : (vector<16xf32>, vector<16xf32>, vector<16xi1>) -> (vector<16xi1>, vector<16xf32>, vector<16xf32>)
      %parallel_loop3A_184 = arith.constant 7 : i32
      %parallel_loop3A_185 = arith.addi %parallel_loop3A_13, %parallel_loop3A_184 : i32
      %parallel_loop3A_186 = arith.index_cast %parallel_loop3A_185 : i32 to index
      %parallel_loop3A_187 = arith.constant 16 : index
      %parallel_loop3A_188 = tpu.vector_load %arg4[%parallel_loop3A_186, %parallel_loop3A_187] {strides = array<i32>} : memref<128x512xf32, #tpu.memory_space<vmem>>, vector<16xf32>,
      %parallel_loop3A_189 = arith.constant dense<true> : vector<16xi1>
      %parallel_loop3A_190, %parallel_loop3A_191, %parallel_loop3A_192 = tpu.sort %parallel_loop3A_188, %parallel_loop3A_188 masked %parallel_loop3A_189 {descending = true} : (vector<16xf32>, vector<16xf32>, vector<16xi1>) -> (vector<16xi1>, vector<16xf32>, vector<16xf32>)
      %parallel_loop3A_193 = arith.minimumf %parallel_loop3A_84, %parallel_loop3A_191 : vector<16xf32>
      %parallel_loop3A_194 = arith.constant dense<true> : vector<16xi1>
      %parallel_loop3A_195, %parallel_loop3A_196, %parallel_loop3A_197 = tpu.sort %parallel_loop3A_193, %parallel_loop3A_193 masked %parallel_loop3A_194 : (vector<16xf32>, vector<16xf32>, vector<16xi1>) -> (vector<16xi1>, vector<16xf32>, vector<16xf32>)
      %parallel_loop3A_198 = arith.constant 0 : i32
      %parallel_loop3A_199 = arith.addi %parallel_loop3A_13, %parallel_loop3A_198 : i32
      %parallel_loop3A_200 = arith.index_cast %parallel_loop3A_199 : i32 to index
      %parallel_loop3A_201 = arith.constant 32 : index
      %parallel_loop3A_202 = tpu.vector_load %arg4[%parallel_loop3A_200, %parallel_loop3A_201] {strides = array<i32>} : memref<128x512xf32, #tpu.memory_space<vmem>>, vector<16xf32>,
      %parallel_loop3A_203 = arith.constant dense<true> : vector<16xi1>
      %parallel_loop3A_204, %parallel_loop3A_205, %parallel_loop3A_206 = tpu.sort %parallel_loop3A_202, %parallel_loop3A_202 masked %parallel_loop3A_203 {descending = true} : (vector<16xf32>, vector<16xf32>, vector<16xi1>) -> (vector<16xi1>, vector<16xf32>, vector<16xf32>)
      %parallel_loop3A_207 = arith.minimumf %parallel_loop3A_98, %parallel_loop3A_205 : vector<16xf32>
      %parallel_loop3A_208 = arith.constant dense<true> : vector<16xi1>
      %parallel_loop3A_209, %parallel_loop3A_210, %parallel_loop3A_211 = tpu.sort %parallel_loop3A_207, %parallel_loop3A_207 masked %parallel_loop3A_208 : (vector<16xf32>, vector<16xf32>, vector<16xi1>) -> (vector<16xi1>, vector<16xf32>, vector<16xf32>)
      %parallel_loop3A_212 = arith.constant 1 : i32
      %parallel_loop3A_213 = arith.addi %parallel_loop3A_13, %parallel_loop3A_212 : i32
      %parallel_loop3A_214 = arith.index_cast %parallel_loop3A_213 : i32 to index
      %parallel_loop3A_215 = arith.constant 32 : index
      %parallel_loop3A_216 = tpu.vector_load %arg4[%parallel_loop3A_214, %parallel_loop3A_215] {strides = array<i32>} : memref<128x512xf32, #tpu.memory_space<vmem>>, vector<16xf32>,
      %parallel_loop3A_217 = arith.constant dense<true> : vector<16xi1>
      %parallel_loop3A_218, %parallel_loop3A_219, %parallel_loop3A_220 = tpu.sort %parallel_loop3A_216, %parallel_loop3A_216 masked %parallel_loop3A_217 {descending = true} : (vector<16xf32>, vector<16xf32>, vector<16xi1>) -> (vector<16xi1>, vector<16xf32>, vector<16xf32>)
      %parallel_loop3A_221 = arith.minimumf %parallel_loop3A_112, %parallel_loop3A_219 : vector<16xf32>
      %parallel_loop3A_222 = arith.constant dense<true> : vector<16xi1>
      %parallel_loop3A_223, %parallel_loop3A_224, %parallel_loop3A_225 = tpu.sort %parallel_loop3A_221, %parallel_loop3A_221 masked %parallel_loop3A_222 : (vector<16xf32>, vector<16xf32>, vector<16xi1>) -> (vector<16xi1>, vector<16xf32>, vector<16xf32>)
      %parallel_loop3A_226 = arith.constant 2 : i32
      %parallel_loop3A_227 = arith.addi %parallel_loop3A_13, %parallel_loop3A_226 : i32
      %parallel_loop3A_228 = arith.index_cast %parallel_loop3A_227 : i32 to index
      %parallel_loop3A_229 = arith.constant 32 : index
      %parallel_loop3A_230 = tpu.vector_load %arg4[%parallel_loop3A_228, %parallel_loop3A_229] {strides = array<i32>} : memref<128x512xf32, #tpu.memory_space<vmem>>, vector<16xf32>,
      %parallel_loop3A_231 = arith.constant dense<true> : vector<16xi1>
      %parallel_loop3A_232, %parallel_loop3A_233, %parallel_loop3A_234 = tpu.sort %parallel_loop3A_230, %parallel_loop3A_230 masked %parallel_loop3A_231 {descending = true} : (vector<16xf32>, vector<16xf32>, vector<16xi1>) -> (vector<16xi1>, vector<16xf32>, vector<16xf32>)
      %parallel_loop3A_235 = arith.minimumf %parallel_loop3A_126, %parallel_loop3A_233 : vector<16xf32>
      %parallel_loop3A_236 = arith.constant dense<true> : vector<16xi1>
      %parallel_loop3A_237, %parallel_loop3A_238, %parallel_loop3A_239 = tpu.sort %parallel_loop3A_235, %parallel_loop3A_235 masked %parallel_loop3A_236 : (vector<16xf32>, vector<16xf32>, vector<16xi1>) -> (vector<16xi1>, vector<16xf32>, vector<16xf32>)
      %parallel_loop3A_240 = arith.constant 3 : i32
      %parallel_loop3A_241 = arith.addi %parallel_loop3A_13, %parallel_loop3A_240 : i32
      %parallel_loop3A_242 = arith.index_cast %parallel_loop3A_241 : i32 to index
      %parallel_loop3A_243 = arith.constant 32 : index
      %parallel_loop3A_244 = tpu.vector_load %arg4[%parallel_loop3A_242, %parallel_loop3A_243] {strides = array<i32>} : memref<128x512xf32, #tpu.memory_space<vmem>>, vector<16xf32>,
      %parallel_loop3A_245 = arith.constant dense<true> : vector<16xi1>
      %parallel_loop3A_246, %parallel_loop3A_247, %parallel_loop3A_248 = tpu.sort %parallel_loop3A_244, %parallel_loop3A_244 masked %parallel_loop3A_245 {descending = true} : (vector<16xf32>, vector<16xf32>, vector<16xi1>) -> (vector<16xi1>, vector<16xf32>, vector<16xf32>)
      %parallel_loop3A_249 = arith.minimumf %parallel_loop3A_140, %parallel_loop3A_247 : vector<16xf32>
      %parallel_loop3A_250 = arith.constant dense<true> : vector<16xi1>
      %parallel_loop3A_251, %parallel_loop3A_252, %parallel_loop3A_253 = tpu.sort %parallel_loop3A_249, %parallel_loop3A_249 masked %parallel_loop3A_250 : (vector<16xf32>, vector<16xf32>, vector<16xi1>) -> (vector<16xi1>, vector<16xf32>, vector<16xf32>)
      %parallel_loop3A_254 = arith.constant 4 : i32
      %parallel_loop3A_255 = arith.addi %parallel_loop3A_13, %parallel_loop3A_254 : i32
      %parallel_loop3A_256 = arith.index_cast %parallel_loop3A_255 : i32 to index
      %parallel_loop3A_257 = arith.constant 32 : index
      %parallel_loop3A_258 = tpu.vector_load %arg4[%parallel_loop3A_256, %parallel_loop3A_257] {strides = array<i32>} : memref<128x512xf32, #tpu.memory_space<vmem>>, vector<16xf32>,
      %parallel_loop3A_259 = arith.constant dense<true> : vector<16xi1>
      %parallel_loop3A_260, %parallel_loop3A_261, %parallel_loop3A_262 = tpu.sort %parallel_loop3A_258, %parallel_loop3A_258 masked %parallel_loop3A_259 {descending = true} : (vector<16xf32>, vector<16xf32>, vector<16xi1>) -> (vector<16xi1>, vector<16xf32>, vector<16xf32>)
      %parallel_loop3A_263 = arith.minimumf %parallel_loop3A_154, %parallel_loop3A_261 : vector<16xf32>
      %parallel_loop3A_264 = arith.constant dense<true> : vector<16xi1>
      %parallel_loop3A_265, %parallel_loop3A_266, %parallel_loop3A_267 = tpu.sort %parallel_loop3A_263, %parallel_loop3A_263 masked %parallel_loop3A_264 : (vector<16xf32>, vector<16xf32>, vector<16xi1>) -> (vector<16xi1>, vector<16xf32>, vector<16xf32>)
      %parallel_loop3A_268 = arith.constant 5 : i32
      %parallel_loop3A_269 = arith.addi %parallel_loop3A_13, %parallel_loop3A_268 : i32
      %parallel_loop3A_270 = arith.index_cast %parallel_loop3A_269 : i32 to index
      %parallel_loop3A_271 = arith.constant 32 : index
      %parallel_loop3A_272 = tpu.vector_load %arg4[%parallel_loop3A_270, %parallel_loop3A_271] {strides = array<i32>} : memref<128x512xf32, #tpu.memory_space<vmem>>, vector<16xf32>,
      %parallel_loop3A_273 = arith.constant dense<true> : vector<16xi1>
      %parallel_loop3A_274, %parallel_loop3A_275, %parallel_loop3A_276 = tpu.sort %parallel_loop3A_272, %parallel_loop3A_272 masked %parallel_loop3A_273 {descending = true} : (vector<16xf32>, vector<16xf32>, vector<16xi1>) -> (vector<16xi1>, vector<16xf32>, vector<16xf32>)
      %parallel_loop3A_277 = arith.minimumf %parallel_loop3A_168, %parallel_loop3A_275 : vector<16xf32>
      %parallel_loop3A_278 = arith.constant dense<true> : vector<16xi1>
      %parallel_loop3A_279, %parallel_loop3A_280, %parallel_loop3A_281 = tpu.sort %parallel_loop3A_277, %parallel_loop3A_277 masked %parallel_loop3A_278 : (vector<16xf32>, vector<16xf32>, vector<16xi1>) -> (vector<16xi1>, vector<16xf32>, vector<16xf32>)
      %parallel_loop3A_282 = arith.constant 6 : i32
      %parallel_loop3A_283 = arith.addi %parallel_loop3A_13, %parallel_loop3A_282 : i32
      %parallel_loop3A_284 = arith.index_cast %parallel_loop3A_283 : i32 to index
      %parallel_loop3A_285 = arith.constant 32 : index
      %parallel_loop3A_286 = tpu.vector_load %arg4[%parallel_loop3A_284, %parallel_loop3A_285] {strides = array<i32>} : memref<128x512xf32, #tpu.memory_space<vmem>>, vector<16xf32>,
      %parallel_loop3A_287 = arith.constant dense<true> : vector<16xi1>
      %parallel_loop3A_288, %parallel_loop3A_289, %parallel_loop3A_290 = tpu.sort %parallel_loop3A_286, %parallel_loop3A_286 masked %parallel_loop3A_287 {descending = true} : (vector<16xf32>, vector<16xf32>, vector<16xi1>) -> (vector<16xi1>, vector<16xf32>, vector<16xf32>)
      %parallel_loop3A_291 = arith.minimumf %parallel_loop3A_182, %parallel_loop3A_289 : vector<16xf32>
      %parallel_loop3A_292 = arith.constant dense<true> : vector<16xi1>
      %parallel_loop3A_293, %parallel_loop3A_294, %parallel_loop3A_295 = tpu.sort %parallel_loop3A_291, %parallel_loop3A_291 masked %parallel_loop3A_292 : (vector<16xf32>, vector<16xf32>, vector<16xi1>) -> (vector<16xi1>, vector<16xf32>, vector<16xf32>)
      %parallel_loop3A_296 = arith.constant 7 : i32
      %parallel_loop3A_297 = arith.addi %parallel_loop3A_13, %parallel_loop3A_296 : i32
      %parallel_loop3A_298 = arith.index_cast %parallel_loop3A_297 : i32 to index
      %parallel_loop3A_299 = arith.constant 32 : index
      %parallel_loop3A_300 = tpu.vector_load %arg4[%parallel_loop3A_298, %parallel_loop3A_299] {strides = array<i32>} : memref<128x512xf32, #tpu.memory_space<vmem>>, vector<16xf32>,
      %parallel_loop3A_301 = arith.constant dense<true> : vector<16xi1>
      %parallel_loop3A_302, %parallel_loop3A_303, %parallel_loop3A_304 = tpu.sort %parallel_loop3A_300, %parallel_loop3A_300 masked %parallel_loop3A_301 {descending = true} : (vector<16xf32>, vector<16xf32>, vector<16xi1>) -> (vector<16xi1>, vector<16xf32>, vector<16xf32>)
      %parallel_loop3A_305 = arith.minimumf %parallel_loop3A_196, %parallel_loop3A_303 : vector<16xf32>
      %parallel_loop3A_306 = arith.constant dense<true> : vector<16xi1>
      %parallel_loop3A_307, %parallel_loop3A_308, %parallel_loop3A_309 = tpu.sort %parallel_loop3A_305, %parallel_loop3A_305 masked %parallel_loop3A_306 : (vector<16xf32>, vector<16xf32>, vector<16xi1>) -> (vector<16xi1>, vector<16xf32>, vector<16xf32>)
      %parallel_loop3A_310 = arith.constant 0 : i32
      %parallel_loop3A_311 = arith.addi %parallel_loop3A_13, %parallel_loop3A_310 : i32
      %parallel_loop3A_312 = arith.index_cast %parallel_loop3A_311 : i32 to index
      %parallel_loop3A_313 = arith.constant 48 : index
      %parallel_loop3A_314 = tpu.vector_load %arg4[%parallel_loop3A_312, %parallel_loop3A_313] {strides = array<i32>} : memref<128x512xf32, #tpu.memory_space<vmem>>, vector<16xf32>,
      %parallel_loop3A_315 = arith.constant dense<true> : vector<16xi1>
      %parallel_loop3A_316, %parallel_loop3A_317, %parallel_loop3A_318 = tpu.sort %parallel_loop3A_314, %parallel_loop3A_314 masked %parallel_loop3A_315 {descending = true} : (vector<16xf32>, vector<16xf32>, vector<16xi1>) -> (vector<16xi1>, vector<16xf32>, vector<16xf32>)
      %parallel_loop3A_319 = arith.minimumf %parallel_loop3A_210, %parallel_loop3A_317 : vector<16xf32>
      %parallel_loop3A_320 = arith.constant dense<true> : vector<16xi1>
      %parallel_loop3A_321, %parallel_loop3A_322, %parallel_loop3A_323 = tpu.sort %parallel_loop3A_319, %parallel_loop3A_319 masked %parallel_loop3A_320 : (vector<16xf32>, vector<16xf32>, vector<16xi1>) -> (vector<16xi1>, vector<16xf32>, vector<16xf32>)
      %parallel_loop3A_324 = arith.constant 1 : i32
      %parallel_loop3A_325 = arith.addi %parallel_loop3A_13, %parallel_loop3A_324 : i32
      %parallel_loop3A_326 = arith.index_cast %parallel_loop3A_325 : i32 to index
      %parallel_loop3A_327 = arith.constant 48 : index
      %parallel_loop3A_328 = tpu.vector_load %arg4[%parallel_loop3A_326, %parallel_loop3A_327] {strides = array<i32>} : memref<128x512xf32, #tpu.memory_space<vmem>>, vector<16xf32>,
      %parallel_loop3A_329 = arith.constant dense<true> : vector<16xi1>
      %parallel_loop3A_330, %parallel_loop3A_331, %parallel_loop3A_332 = tpu.sort %parallel_loop3A_328, %parallel_loop3A_328 masked %parallel_loop3A_329 {descending = true} : (vector<16xf32>, vector<16xf32>, vector<16xi1>) -> (vector<16xi1>, vector<16xf32>, vector<16xf32>)
      %parallel_loop3A_333 = arith.minimumf %parallel_loop3A_224, %parallel_loop3A_331 : vector<16xf32>
      %parallel_loop3A_334 = arith.constant dense<true> : vector<16xi1>
      %parallel_loop3A_335, %parallel_loop3A_336, %parallel_loop3A_337 = tpu.sort %parallel_loop3A_333, %parallel_loop3A_333 masked %parallel_loop3A_334 : (vector<16xf32>, vector<16xf32>, vector<16xi1>) -> (vector<16xi1>, vector<16xf32>, vector<16xf32>)
      %parallel_loop3A_338 = arith.constant 2 : i32
      %parallel_loop3A_339 = arith.addi %parallel_loop3A_13, %parallel_loop3A_338 : i32
      %parallel_loop3A_340 = arith.index_cast %parallel_loop3A_339 : i32 to index
      %parallel_loop3A_341 = arith.constant 48 : index
      %parallel_loop3A_342 = tpu.vector_load %arg4[%parallel_loop3A_340, %parallel_loop3A_341] {strides = array<i32>} : memref<128x512xf32, #tpu.memory_space<vmem>>, vector<16xf32>,
      %parallel_loop3A_343 = arith.constant dense<true> : vector<16xi1>
      %parallel_loop3A_344, %parallel_loop3A_345, %parallel_loop3A_346 = tpu.sort %parallel_loop3A_342, %parallel_loop3A_342 masked %parallel_loop3A_343 {descending = true} : (vector<16xf32>, vector<16xf32>, vector<16xi1>) -> (vector<16xi1>, vector<16xf32>, vector<16xf32>)
      %parallel_loop3A_347 = arith.minimumf %parallel_loop3A_238, %parallel_loop3A_345 : vector<16xf32>
      %parallel_loop3A_348 = arith.constant dense<true> : vector<16xi1>
      %parallel_loop3A_349, %parallel_loop3A_350, %parallel_loop3A_351 = tpu.sort %parallel_loop3A_347, %parallel_loop3A_347 masked %parallel_loop3A_348 : (vector<16xf32>, vector<16xf32>, vector<16xi1>) -> (vector<16xi1>, vector<16xf32>, vector<16xf32>)
      %parallel_loop3A_352 = arith.constant 3 : i32
      %parallel_loop3A_353 = arith.addi %parallel_loop3A_13, %parallel_loop3A_352 : i32
      %parallel_loop3A_354 = arith.index_cast %parallel_loop3A_353 : i32 to index
      %parallel_loop3A_355 = arith.constant 48 : index
      %parallel_loop3A_356 = tpu.vector_load %arg4[%parallel_loop3A_354, %parallel_loop3A_355] {strides = array<i32>} : memref<128x512xf32, #tpu.memory_space<vmem>>, vector<16xf32>,
      %parallel_loop3A_357 = arith.constant dense<true> : vector<16xi1>
      %parallel_loop3A_358, %parallel_loop3A_359, %parallel_loop3A_360 = tpu.sort %parallel_loop3A_356, %parallel_loop3A_356 masked %parallel_loop3A_357 {descending = true} : (vector<16xf32>, vector<16xf32>, vector<16xi1>) -> (vector<16xi1>, vector<16xf32>, vector<16xf32>)
      %parallel_loop3A_361 = arith.minimumf %parallel_loop3A_252, %parallel_loop3A_359 : vector<16xf32>
      %parallel_loop3A_362 = arith.constant dense<true> : vector<16xi1>
      %parallel_loop3A_363, %parallel_loop3A_364, %parallel_loop3A_365 = tpu.sort %parallel_loop3A_361, %parallel_loop3A_361 masked %parallel_loop3A_362 : (vector<16xf32>, vector<16xf32>, vector<16xi1>) -> (vector<16xi1>, vector<16xf32>, vector<16xf32>)
      %parallel_loop3A_366 = arith.constant 4 : i32
      %parallel_loop3A_367 = arith.addi %parallel_loop3A_13, %parallel_loop3A_366 : i32
      %parallel_loop3A_368 = arith.index_cast %parallel_loop3A_367 : i32 to index
      %parallel_loop3A_369 = arith.constant 48 : index
      %parallel_loop3A_370 = tpu.vector_load %arg4[%parallel_loop3A_368, %parallel_loop3A_369] {strides = array<i32>} : memref<128x512xf32, #tpu.memory_space<vmem>>, vector<16xf32>,
      %parallel_loop3A_371 = arith.constant dense<true> : vector<16xi1>
      %parallel_loop3A_372, %parallel_loop3A_373, %parallel_loop3A_374 = tpu.sort %parallel_loop3A_370, %parallel_loop3A_370 masked %parallel_loop3A_371 {descending = true} : (vector<16xf32>, vector<16xf32>, vector<16xi1>) -> (vector<16xi1>, vector<16xf32>, vector<16xf32>)
      %parallel_loop3A_375 = arith.minimumf %parallel_loop3A_266, %parallel_loop3A_373 : vector<16xf32>
      %parallel_loop3A_376 = arith.constant dense<true> : vector<16xi1>
      %parallel_loop3A_377, %parallel_loop3A_378, %parallel_loop3A_379 = tpu.sort %parallel_loop3A_375, %parallel_loop3A_375 masked %parallel_loop3A_376 : (vector<16xf32>, vector<16xf32>, vector<16xi1>) -> (vector<16xi1>, vector<16xf32>, vector<16xf32>)
      %parallel_loop3A_380 = arith.constant 5 : i32
      %parallel_loop3A_381 = arith.addi %parallel_loop3A_13, %parallel_loop3A_380 : i32
      %parallel_loop3A_382 = arith.index_cast %parallel_loop3A_381 : i32 to index
      %parallel_loop3A_383 = arith.constant 48 : index
      %parallel_loop3A_384 = tpu.vector_load %arg4[%parallel_loop3A_382, %parallel_loop3A_383] {strides = array<i32>} : memref<128x512xf32, #tpu.memory_space<vmem>>, vector<16xf32>,
      %parallel_loop3A_385 = arith.constant dense<true> : vector<16xi1>
      %parallel_loop3A_386, %parallel_loop3A_387, %parallel_loop3A_388 = tpu.sort %parallel_loop3A_384, %parallel_loop3A_384 masked %parallel_loop3A_385 {descending = true} : (vector<16xf32>, vector<16xf32>, vector<16xi1>) -> (vector<16xi1>, vector<16xf32>, vector<16xf32>)
      %parallel_loop3A_389 = arith.minimumf %parallel_loop3A_280, %parallel_loop3A_387 : vector<16xf32>
      %parallel_loop3A_390 = arith.constant dense<true> : vector<16xi1>
      %parallel_loop3A_391, %parallel_loop3A_392, %parallel_loop3A_393 = tpu.sort %parallel_loop3A_389, %parallel_loop3A_389 masked %parallel_loop3A_390 : (vector<16xf32>, vector<16xf32>, vector<16xi1>) -> (vector<16xi1>, vector<16xf32>, vector<16xf32>)
      %parallel_loop3A_394 = arith.constant 6 : i32
      %parallel_loop3A_395 = arith.addi %parallel_loop3A_13, %parallel_loop3A_394 : i32
      %parallel_loop3A_396 = arith.index_cast %parallel_loop3A_395 : i32 to index
      %parallel_loop3A_397 = arith.constant 48 : index
      %parallel_loop3A_398 = tpu.vector_load %arg4[%parallel_loop3A_396, %parallel_loop3A_397] {strides = array<i32>} : memref<128x512xf32, #tpu.memory_space<vmem>>, vector<16xf32>,
      %parallel_loop3A_399 = arith.constant dense<true> : vector<16xi1>
      %parallel_loop3A_400, %parallel_loop3A_401, %parallel_loop3A_402 = tpu.sort %parallel_loop3A_398, %parallel_loop3A_398 masked %parallel_loop3A_399 {descending = true} : (vector<16xf32>, vector<16xf32>, vector<16xi1>) -> (vector<16xi1>, vector<16xf32>, vector<16xf32>)
      %parallel_loop3A_403 = arith.minimumf %parallel_loop3A_294, %parallel_loop3A_401 : vector<16xf32>
      %parallel_loop3A_404 = arith.constant dense<true> : vector<16xi1>
      %parallel_loop3A_405, %parallel_loop3A_406, %parallel_loop3A_407 = tpu.sort %parallel_loop3A_403, %parallel_loop3A_403 masked %parallel_loop3A_404 : (vector<16xf32>, vector<16xf32>, vector<16xi1>) -> (vector<16xi1>, vector<16xf32>, vector<16xf32>)
      %parallel_loop3A_408 = arith.constant 7 : i32
      %parallel_loop3A_409 = arith.addi %parallel_loop3A_13, %parallel_loop3A_408 : i32
      %parallel_loop3A_410 = arith.index_cast %parallel_loop3A_409 : i32 to index
      %parallel_loop3A_411 = arith.constant 48 : index
      %parallel_loop3A_412 = tpu.vector_load %arg4[%parallel_loop3A_410, %parallel_loop3A_411] {strides = array<i32>} : memref<128x512xf32, #tpu.memory_space<vmem>>, vector<16xf32>,
      %parallel_loop3A_413 = arith.constant dense<true> : vector<16xi1>
      %parallel_loop3A_414, %parallel_loop3A_415, %parallel_loop3A_416 = tpu.sort %parallel_loop3A_412, %parallel_loop3A_412 masked %parallel_loop3A_413 {descending = true} : (vector<16xf32>, vector<16xf32>, vector<16xi1>) -> (vector<16xi1>, vector<16xf32>, vector<16xf32>)
      %parallel_loop3A_417 = arith.minimumf %parallel_loop3A_308, %parallel_loop3A_415 : vector<16xf32>
      %parallel_loop3A_418 = arith.constant dense<true> : vector<16xi1>
      %parallel_loop3A_419, %parallel_loop3A_420, %parallel_loop3A_421 = tpu.sort %parallel_loop3A_417, %parallel_loop3A_417 masked %parallel_loop3A_418 : (vector<16xf32>, vector<16xf32>, vector<16xi1>) -> (vector<16xi1>, vector<16xf32>, vector<16xf32>)
      %parallel_loop3A_422 = arith.constant 0 : i32
      %parallel_loop3A_423 = arith.addi %parallel_loop3A_13, %parallel_loop3A_422 : i32
      %parallel_loop3A_424 = arith.index_cast %parallel_loop3A_423 : i32 to index
      %parallel_loop3A_425 = arith.constant 64 : index
      %parallel_loop3A_426 = tpu.vector_load %arg4[%parallel_loop3A_424, %parallel_loop3A_425] {strides = array<i32>} : memref<128x512xf32, #tpu.memory_space<vmem>>, vector<16xf32>,
      %parallel_loop3A_427 = arith.constant dense<true> : vector<16xi1>
      %parallel_loop3A_428, %parallel_loop3A_429, %parallel_loop3A_430 = tpu.sort %parallel_loop3A_426, %parallel_loop3A_426 masked %parallel_loop3A_427 {descending = true} : (vector<16xf32>, vector<16xf32>, vector<16xi1>) -> (vector<16xi1>, vector<16xf32>, vector<16xf32>)
      %parallel_loop3A_431 = arith.minimumf %parallel_loop3A_322, %parallel_loop3A_429 : vector<16xf32>
      %parallel_loop3A_432 = arith.constant dense<true> : vector<16xi1>
      %parallel_loop3A_433, %parallel_loop3A_434, %parallel_loop3A_435 = tpu.sort %parallel_loop3A_431, %parallel_loop3A_431 masked %parallel_loop3A_432 : (vector<16xf32>, vector<16xf32>, vector<16xi1>) -> (vector<16xi1>, vector<16xf32>, vector<16xf32>)
      %parallel_loop3A_436 = arith.constant 1 : i32
      %parallel_loop3A_437 = arith.addi %parallel_loop3A_13, %parallel_loop3A_436 : i32
      %parallel_loop3A_438 = arith.index_cast %parallel_loop3A_437 : i32 to index
      %parallel_loop3A_439 = arith.constant 64 : index
      %parallel_loop3A_440 = tpu.vector_load %arg4[%parallel_loop3A_438, %parallel_loop3A_439] {strides = array<i32>} : memref<128x512xf32, #tpu.memory_space<vmem>>, vector<16xf32>,
      %parallel_loop3A_441 = arith.constant dense<true> : vector<16xi1>
      %parallel_loop3A_442, %parallel_loop3A_443, %parallel_loop3A_444 = tpu.sort %parallel_loop3A_440, %parallel_loop3A_440 masked %parallel_loop3A_441 {descending = true} : (vector<16xf32>, vector<16xf32>, vector<16xi1>) -> (vector<16xi1>, vector<16xf32>, vector<16xf32>)
      %parallel_loop3A_445 = arith.minimumf %parallel_loop3A_336, %parallel_loop3A_443 : vector<16xf32>
      %parallel_loop3A_446 = arith.constant dense<true> : vector<16xi1>
      %parallel_loop3A_447, %parallel_loop3A_448, %parallel_loop3A_449 = tpu.sort %parallel_loop3A_445, %parallel_loop3A_445 masked %parallel_loop3A_446 : (vector<16xf32>, vector<16xf32>, vector<16xi1>) -> (vector<16xi1>, vector<16xf32>, vector<16xf32>)
      %parallel_loop3A_450 = arith.constant 2 : i32
      %parallel_loop3A_451 = arith.addi %parallel_loop3A_13, %parallel_loop3A_450 : i32
      %parallel_loop3A_452 = arith.index_cast %parallel_loop3A_451 : i32 to index
      %parallel_loop3A_453 = arith.constant 64 : index
      %parallel_loop3A_454 = tpu.vector_load %arg4[%parallel_loop3A_452, %parallel_loop3A_453] {strides = array<i32>} : memref<128x512xf32, #tpu.memory_space<vmem>>, vector<16xf32>,
      %parallel_loop3A_455 = arith.constant dense<true> : vector<16xi1>
      %parallel_loop3A_456, %parallel_loop3A_457, %parallel_loop3A_458 = tpu.sort %parallel_loop3A_454, %parallel_loop3A_454 masked %parallel_loop3A_455 {descending = true} : (vector<16xf32>, vector<16xf32>, vector<16xi1>) -> (vector<16xi1>, vector<16xf32>, vector<16xf32>)
      %parallel_loop3A_459 = arith.minimumf %parallel_loop3A_350, %parallel_loop3A_457 : vector<16xf32>
      %parallel_loop3A_460 = arith.constant dense<true> : vector<16xi1>
      %parallel_loop3A_461, %parallel_loop3A_462, %parallel_loop3A_463 = tpu.sort %parallel_loop3A_459, %parallel_loop3A_459 masked %parallel_loop3A_460 : (vector<16xf32>, vector<16xf32>, vector<16xi1>) -> (vector<16xi1>, vector<16xf32>, vector<16xf32>)
      %parallel_loop3A_464 = arith.constant 3 : i32
      %parallel_loop3A_465 = arith.addi %parallel_loop3A_13, %parallel_loop3A_464 : i32
      %parallel_loop3A_466 = arith.index_cast %parallel_loop3A_465 : i32 to index
      %parallel_loop3A_467 = arith.constant 64 : index
      %parallel_loop3A_468 = tpu.vector_load %arg4[%parallel_loop3A_466, %parallel_loop3A_467] {strides = array<i32>} : memref<128x512xf32, #tpu.memory_space<vmem>>, vector<16xf32>,
      %parallel_loop3A_469 = arith.constant dense<true> : vector<16xi1>
      %parallel_loop3A_470, %parallel_loop3A_471, %parallel_loop3A_472 = tpu.sort %parallel_loop3A_468, %parallel_loop3A_468 masked %parallel_loop3A_469 {descending = true} : (vector<16xf32>, vector<16xf32>, vector<16xi1>) -> (vector<16xi1>, vector<16xf32>, vector<16xf32>)
      %parallel_loop3A_473 = arith.minimumf %parallel_loop3A_364, %parallel_loop3A_471 : vector<16xf32>
      %parallel_loop3A_474 = arith.constant dense<true> : vector<16xi1>
      %parallel_loop3A_475, %parallel_loop3A_476, %parallel_loop3A_477 = tpu.sort %parallel_loop3A_473, %parallel_loop3A_473 masked %parallel_loop3A_474 : (vector<16xf32>, vector<16xf32>, vector<16xi1>) -> (vector<16xi1>, vector<16xf32>, vector<16xf32>)
      %parallel_loop3A_478 = arith.constant 4 : i32
      %parallel_loop3A_479 = arith.addi %parallel_loop3A_13, %parallel_loop3A_478 : i32
      %parallel_loop3A_480 = arith.index_cast %parallel_loop3A_479 : i32 to index
      %parallel_loop3A_481 = arith.constant 64 : index
      %parallel_loop3A_482 = tpu.vector_load %arg4[%parallel_loop3A_480, %parallel_loop3A_481] {strides = array<i32>} : memref<128x512xf32, #tpu.memory_space<vmem>>, vector<16xf32>,
      %parallel_loop3A_483 = arith.constant dense<true> : vector<16xi1>
      %parallel_loop3A_484, %parallel_loop3A_485, %parallel_loop3A_486 = tpu.sort %parallel_loop3A_482, %parallel_loop3A_482 masked %parallel_loop3A_483 {descending = true} : (vector<16xf32>, vector<16xf32>, vector<16xi1>) -> (vector<16xi1>, vector<16xf32>, vector<16xf32>)
      %parallel_loop3A_487 = arith.minimumf %parallel_loop3A_378, %parallel_loop3A_485 : vector<16xf32>
      %parallel_loop3A_488 = arith.constant dense<true> : vector<16xi1>
      %parallel_loop3A_489, %parallel_loop3A_490, %parallel_loop3A_491 = tpu.sort %parallel_loop3A_487, %parallel_loop3A_487 masked %parallel_loop3A_488 : (vector<16xf32>, vector<16xf32>, vector<16xi1>) -> (vector<16xi1>, vector<16xf32>, vector<16xf32>)
      %parallel_loop3A_492 = arith.constant 5 : i32
      %parallel_loop3A_493 = arith.addi %parallel_loop3A_13, %parallel_loop3A_492 : i32
      %parallel_loop3A_494 = arith.index_cast %parallel_loop3A_493 : i32 to index
      %parallel_loop3A_495 = arith.constant 64 : index
      %parallel_loop3A_496 = tpu.vector_load %arg4[%parallel_loop3A_494, %parallel_loop3A_495] {strides = array<i32>} : memref<128x512xf32, #tpu.memory_space<vmem>>, vector<16xf32>,
      %parallel_loop3A_497 = arith.constant dense<true> : vector<16xi1>
      %parallel_loop3A_498, %parallel_loop3A_499, %parallel_loop3A_500 = tpu.sort %parallel_loop3A_496, %parallel_loop3A_496 masked %parallel_loop3A_497 {descending = true} : (vector<16xf32>, vector<16xf32>, vector<16xi1>) -> (vector<16xi1>, vector<16xf32>, vector<16xf32>)
      %parallel_loop3A_501 = arith.minimumf %parallel_loop3A_392, %parallel_loop3A_499 : vector<16xf32>
      %parallel_loop3A_502 = arith.constant dense<true> : vector<16xi1>
      %parallel_loop3A_503, %parallel_loop3A_504, %parallel_loop3A_505 = tpu.sort %parallel_loop3A_501, %parallel_loop3A_501 masked %parallel_loop3A_502 : (vector<16xf32>, vector<16xf32>, vector<16xi1>) -> (vector<16xi1>, vector<16xf32>, vector<16xf32>)
      %parallel_loop3A_506 = arith.constant 6 : i32
      %parallel_loop3A_507 = arith.addi %parallel_loop3A_13, %parallel_loop3A_506 : i32
      %parallel_loop3A_508 = arith.index_cast %parallel_loop3A_507 : i32 to index
      %parallel_loop3A_509 = arith.constant 64 : index
      %parallel_loop3A_510 = tpu.vector_load %arg4[%parallel_loop3A_508, %parallel_loop3A_509] {strides = array<i32>} : memref<128x512xf32, #tpu.memory_space<vmem>>, vector<16xf32>,
      %parallel_loop3A_511 = arith.constant dense<true> : vector<16xi1>
      %parallel_loop3A_512, %parallel_loop3A_513, %parallel_loop3A_514 = tpu.sort %parallel_loop3A_510, %parallel_loop3A_510 masked %parallel_loop3A_511 {descending = true} : (vector<16xf32>, vector<16xf32>, vector<16xi1>) -> (vector<16xi1>, vector<16xf32>, vector<16xf32>)
      %parallel_loop3A_515 = arith.minimumf %parallel_loop3A_406, %parallel_loop3A_513 : vector<16xf32>
      %parallel_loop3A_516 = arith.constant dense<true> : vector<16xi1>
      %parallel_loop3A_517, %parallel_loop3A_518, %parallel_loop3A_519 = tpu.sort %parallel_loop3A_515, %parallel_loop3A_515 masked %parallel_loop3A_516 : (vector<16xf32>, vector<16xf32>, vector<16xi1>) -> (vector<16xi1>, vector<16xf32>, vector<16xf32>)
      %parallel_loop3A_520 = arith.constant 7 : i32
      %parallel_loop3A_521 = arith.addi %parallel_loop3A_13, %parallel_loop3A_520 : i32
      %parallel_loop3A_522 = arith.index_cast %parallel_loop3A_521 : i32 to index
      %parallel_loop3A_523 = arith.constant 64 : index
      %parallel_loop3A_524 = tpu.vector_load %arg4[%parallel_loop3A_522, %parallel_loop3A_523] {strides = array<i32>} : memref<128x512xf32, #tpu.memory_space<vmem>>, vector<16xf32>,
      %parallel_loop3A_525 = arith.constant dense<true> : vector<16xi1>
      %parallel_loop3A_526, %parallel_loop3A_527, %parallel_loop3A_528 = tpu.sort %parallel_loop3A_524, %parallel_loop3A_524 masked %parallel_loop3A_525 {descending = true} : (vector<16xf32>, vector<16xf32>, vector<16xi1>) -> (vector<16xi1>, vector<16xf32>, vector<16xf32>)
      %parallel_loop3A_529 = arith.minimumf %parallel_loop3A_420, %parallel_loop3A_527 : vector<16xf32>
      %parallel_loop3A_530 = arith.constant dense<true> : vector<16xi1>
      %parallel_loop3A_531, %parallel_loop3A_532, %parallel_loop3A_533 = tpu.sort %parallel_loop3A_529, %parallel_loop3A_529 masked %parallel_loop3A_530 : (vector<16xf32>, vector<16xf32>, vector<16xi1>) -> (vector<16xi1>, vector<16xf32>, vector<16xf32>)
      %parallel_loop3A_534 = arith.constant 0 : i32
      %parallel_loop3A_535 = arith.addi %parallel_loop3A_13, %parallel_loop3A_534 : i32
      %parallel_loop3A_536 = arith.index_cast %parallel_loop3A_535 : i32 to index
      %parallel_loop3A_537 = arith.constant 80 : index
      %parallel_loop3A_538 = tpu.vector_load %arg4[%parallel_loop3A_536, %parallel_loop3A_537] {strides = array<i32>} : memref<128x512xf32, #tpu.memory_space<vmem>>, vector<16xf32>,
      %parallel_loop3A_539 = arith.constant dense<true> : vector<16xi1>
      %parallel_loop3A_540, %parallel_loop3A_541, %parallel_loop3A_542 = tpu.sort %parallel_loop3A_538, %parallel_loop3A_538 masked %parallel_loop3A_539 {descending = true} : (vector<16xf32>, vector<16xf32>, vector<16xi1>) -> (vector<16xi1>, vector<16xf32>, vector<16xf32>)
      %parallel_loop3A_543 = arith.minimumf %parallel_loop3A_434, %parallel_loop3A_541 : vector<16xf32>
      %parallel_loop3A_544 = arith.constant dense<true> : vector<16xi1>
      %parallel_loop3A_545, %parallel_loop3A_546, %parallel_loop3A_547 = tpu.sort %parallel_loop3A_543, %parallel_loop3A_543 masked %parallel_loop3A_544 : (vector<16xf32>, vector<16xf32>, vector<16xi1>) -> (vector<16xi1>, vector<16xf32>, vector<16xf32>)
      %parallel_loop3A_548 = arith.constant 1 : i32
      %parallel_loop3A_549 = arith.addi %parallel_loop3A_13, %parallel_loop3A_548 : i32
      %parallel_loop3A_550 = arith.index_cast %parallel_loop3A_549 : i32 to index
      %parallel_loop3A_551 = arith.constant 80 : index
      %parallel_loop3A_552 = tpu.vector_load %arg4[%parallel_loop3A_550, %parallel_loop3A_551] {strides = array<i32>} : memref<128x512xf32, #tpu.memory_space<vmem>>, vector<16xf32>,
      %parallel_loop3A_553 = arith.constant dense<true> : vector<16xi1>
      %parallel_loop3A_554, %parallel_loop3A_555, %parallel_loop3A_556 = tpu.sort %parallel_loop3A_552, %parallel_loop3A_552 masked %parallel_loop3A_553 {descending = true} : (vector<16xf32>, vector<16xf32>, vector<16xi1>) -> (vector<16xi1>, vector<16xf32>, vector<16xf32>)
      %parallel_loop3A_557 = arith.minimumf %parallel_loop3A_448, %parallel_loop3A_555 : vector<16xf32>
      %parallel_loop3A_558 = arith.constant dense<true> : vector<16xi1>
      %parallel_loop3A_559, %parallel_loop3A_560, %parallel_loop3A_561 = tpu.sort %parallel_loop3A_557, %parallel_loop3A_557 masked %parallel_loop3A_558 : (vector<16xf32>, vector<16xf32>, vector<16xi1>) -> (vector<16xi1>, vector<16xf32>, vector<16xf32>)
      %parallel_loop3A_562 = arith.constant 2 : i32
      %parallel_loop3A_563 = arith.addi %parallel_loop3A_13, %parallel_loop3A_562 : i32
      %parallel_loop3A_564 = arith.index_cast %parallel_loop3A_563 : i32 to index
      %parallel_loop3A_565 = arith.constant 80 : index
      %parallel_loop3A_566 = tpu.vector_load %arg4[%parallel_loop3A_564, %parallel_loop3A_565] {strides = array<i32>} : memref<128x512xf32, #tpu.memory_space<vmem>>, vector<16xf32>,
      %parallel_loop3A_567 = arith.constant dense<true> : vector<16xi1>
      %parallel_loop3A_568, %parallel_loop3A_569, %parallel_loop3A_570 = tpu.sort %parallel_loop3A_566, %parallel_loop3A_566 masked %parallel_loop3A_567 {descending = true} : (vector<16xf32>, vector<16xf32>, vector<16xi1>) -> (vector<16xi1>, vector<16xf32>, vector<16xf32>)
      %parallel_loop3A_571 = arith.minimumf %parallel_loop3A_462, %parallel_loop3A_569 : vector<16xf32>
      %parallel_loop3A_572 = arith.constant dense<true> : vector<16xi1>
      %parallel_loop3A_573, %parallel_loop3A_574, %parallel_loop3A_575 = tpu.sort %parallel_loop3A_571, %parallel_loop3A_571 masked %parallel_loop3A_572 : (vector<16xf32>, vector<16xf32>, vector<16xi1>) -> (vector<16xi1>, vector<16xf32>, vector<16xf32>)
      %parallel_loop3A_576 = arith.constant 3 : i32
      %parallel_loop3A_577 = arith.addi %parallel_loop3A_13, %parallel_loop3A_576 : i32
      %parallel_loop3A_578 = arith.index_cast %parallel_loop3A_577 : i32 to index
      %parallel_loop3A_579 = arith.constant 80 : index
      %parallel_loop3A_580 = tpu.vector_load %arg4[%parallel_loop3A_578, %parallel_loop3A_579] {strides = array<i32>} : memref<128x512xf32, #tpu.memory_space<vmem>>, vector<16xf32>,
      %parallel_loop3A_581 = arith.constant dense<true> : vector<16xi1>
      %parallel_loop3A_582, %parallel_loop3A_583, %parallel_loop3A_584 = tpu.sort %parallel_loop3A_580, %parallel_loop3A_580 masked %parallel_loop3A_581 {descending = true} : (vector<16xf32>, vector<16xf32>, vector<16xi1>) -> (vector<16xi1>, vector<16xf32>, vector<16xf32>)
      %parallel_loop3A_585 = arith.minimumf %parallel_loop3A_476, %parallel_loop3A_583 : vector<16xf32>
      %parallel_loop3A_586 = arith.constant dense<true> : vector<16xi1>
      %parallel_loop3A_587, %parallel_loop3A_588, %parallel_loop3A_589 = tpu.sort %parallel_loop3A_585, %parallel_loop3A_585 masked %parallel_loop3A_586 : (vector<16xf32>, vector<16xf32>, vector<16xi1>) -> (vector<16xi1>, vector<16xf32>, vector<16xf32>)
      %parallel_loop3A_590 = arith.constant 4 : i32
      %parallel_loop3A_591 = arith.addi %parallel_loop3A_13, %parallel_loop3A_590 : i32
      %parallel_loop3A_592 = arith.index_cast %parallel_loop3A_591 : i32 to index
      %parallel_loop3A_593 = arith.constant 80 : index
      %parallel_loop3A_594 = tpu.vector_load %arg4[%parallel_loop3A_592, %parallel_loop3A_593] {strides = array<i32>} : memref<128x512xf32, #tpu.memory_space<vmem>>, vector<16xf32>,
      %parallel_loop3A_595 = arith.constant dense<true> : vector<16xi1>
      %parallel_loop3A_596, %parallel_loop3A_597, %parallel_loop3A_598 = tpu.sort %parallel_loop3A_594, %parallel_loop3A_594 masked %parallel_loop3A_595 {descending = true} : (vector<16xf32>, vector<16xf32>, vector<16xi1>) -> (vector<16xi1>, vector<16xf32>, vector<16xf32>)
      %parallel_loop3A_599 = arith.minimumf %parallel_loop3A_490, %parallel_loop3A_597 : vector<16xf32>
      %parallel_loop3A_600 = arith.constant dense<true> : vector<16xi1>
      %parallel_loop3A_601, %parallel_loop3A_602, %parallel_loop3A_603 = tpu.sort %parallel_loop3A_599, %parallel_loop3A_599 masked %parallel_loop3A_600 : (vector<16xf32>, vector<16xf32>, vector<16xi1>) -> (vector<16xi1>, vector<16xf32>, vector<16xf32>)
      %parallel_loop3A_604 = arith.constant 5 : i32
      %parallel_loop3A_605 = arith.addi %parallel_loop3A_13, %parallel_loop3A_604 : i32
      %parallel_loop3A_606 = arith.index_cast %parallel_loop3A_605 : i32 to index
      %parallel_loop3A_607 = arith.constant 80 : index
      %parallel_loop3A_608 = tpu.vector_load %arg4[%parallel_loop3A_606, %parallel_loop3A_607] {strides = array<i32>} : memref<128x512xf32, #tpu.memory_space<vmem>>, vector<16xf32>,
      %parallel_loop3A_609 = arith.constant dense<true> : vector<16xi1>
      %parallel_loop3A_610, %parallel_loop3A_611, %parallel_loop3A_612 = tpu.sort %parallel_loop3A_608, %parallel_loop3A_608 masked %parallel_loop3A_609 {descending = true} : (vector<16xf32>, vector<16xf32>, vector<16xi1>) -> (vector<16xi1>, vector<16xf32>, vector<16xf32>)
      %parallel_loop3A_613 = arith.minimumf %parallel_loop3A_504, %parallel_loop3A_611 : vector<16xf32>
      %parallel_loop3A_614 = arith.constant dense<true> : vector<16xi1>
      %parallel_loop3A_615, %parallel_loop3A_616, %parallel_loop3A_617 = tpu.sort %parallel_loop3A_613, %parallel_loop3A_613 masked %parallel_loop3A_614 : (vector<16xf32>, vector<16xf32>, vector<16xi1>) -> (vector<16xi1>, vector<16xf32>, vector<16xf32>)
      %parallel_loop3A_618 = arith.constant 6 : i32
      %parallel_loop3A_619 = arith.addi %parallel_loop3A_13, %parallel_loop3A_618 : i32
      %parallel_loop3A_620 = arith.index_cast %parallel_loop3A_619 : i32 to index
      %parallel_loop3A_621 = arith.constant 80 : index
      %parallel_loop3A_622 = tpu.vector_load %arg4[%parallel_loop3A_620, %parallel_loop3A_621] {strides = array<i32>} : memref<128x512xf32, #tpu.memory_space<vmem>>, vector<16xf32>,
      %parallel_loop3A_623 = arith.constant dense<true> : vector<16xi1>
      %parallel_loop3A_624, %parallel_loop3A_625, %parallel_loop3A_626 = tpu.sort %parallel_loop3A_622, %parallel_loop3A_622 masked %parallel_loop3A_623 {descending = true} : (vector<16xf32>, vector<16xf32>, vector<16xi1>) -> (vector<16xi1>, vector<16xf32>, vector<16xf32>)
      %parallel_loop3A_627 = arith.minimumf %parallel_loop3A_518, %parallel_loop3A_625 : vector<16xf32>
      %parallel_loop3A_628 = arith.constant dense<true> : vector<16xi1>
      %parallel_loop3A_629, %parallel_loop3A_630, %parallel_loop3A_631 = tpu.sort %parallel_loop3A_627, %parallel_loop3A_627 masked %parallel_loop3A_628 : (vector<16xf32>, vector<16xf32>, vector<16xi1>) -> (vector<16xi1>, vector<16xf32>, vector<16xf32>)
      %parallel_loop3A_632 = arith.constant 7 : i32
      %parallel_loop3A_633 = arith.addi %parallel_loop3A_13, %parallel_loop3A_632 : i32
      %parallel_loop3A_634 = arith.index_cast %parallel_loop3A_633 : i32 to index
      %parallel_loop3A_635 = arith.constant 80 : index
      %parallel_loop3A_636 = tpu.vector_load %arg4[%parallel_loop3A_634, %parallel_loop3A_635] {strides = array<i32>} : memref<128x512xf32, #tpu.memory_space<vmem>>, vector<16xf32>,
      %parallel_loop3A_637 = arith.constant dense<true> : vector<16xi1>
      %parallel_loop3A_638, %parallel_loop3A_639, %parallel_loop3A_640 = tpu.sort %parallel_loop3A_636, %parallel_loop3A_636 masked %parallel_loop3A_637 {descending = true} : (vector<16xf32>, vector<16xf32>, vector<16xi1>) -> (vector<16xi1>, vector<16xf32>, vector<16xf32>)
      %parallel_loop3A_641 = arith.minimumf %parallel_loop3A_532, %parallel_loop3A_639 : vector<16xf32>
      %parallel_loop3A_642 = arith.constant dense<true> : vector<16xi1>
      %parallel_loop3A_643, %parallel_loop3A_644, %parallel_loop3A_645 = tpu.sort %parallel_loop3A_641, %parallel_loop3A_641 masked %parallel_loop3A_642 : (vector<16xf32>, vector<16xf32>, vector<16xi1>) -> (vector<16xi1>, vector<16xf32>, vector<16xf32>)
      %parallel_loop3A_646 = arith.constant 0 : i32
      %parallel_loop3A_647 = arith.addi %parallel_loop3A_13, %parallel_loop3A_646 : i32
      %parallel_loop3A_648 = arith.index_cast %parallel_loop3A_647 : i32 to index
      %parallel_loop3A_649 = arith.constant 96 : index
      %parallel_loop3A_650 = tpu.vector_load %arg4[%parallel_loop3A_648, %parallel_loop3A_649] {strides = array<i32>} : memref<128x512xf32, #tpu.memory_space<vmem>>, vector<16xf32>,
      %parallel_loop3A_651 = arith.constant dense<true> : vector<16xi1>
      %parallel_loop3A_652, %parallel_loop3A_653, %parallel_loop3A_654 = tpu.sort %parallel_loop3A_650, %parallel_loop3A_650 masked %parallel_loop3A_651 {descending = true} : (vector<16xf32>, vector<16xf32>, vector<16xi1>) -> (vector<16xi1>, vector<16xf32>, vector<16xf32>)
      %parallel_loop3A_655 = arith.minimumf %parallel_loop3A_546, %parallel_loop3A_653 : vector<16xf32>
      %parallel_loop3A_656 = arith.constant dense<true> : vector<16xi1>
      %parallel_loop3A_657, %parallel_loop3A_658, %parallel_loop3A_659 = tpu.sort %parallel_loop3A_655, %parallel_loop3A_655 masked %parallel_loop3A_656 : (vector<16xf32>, vector<16xf32>, vector<16xi1>) -> (vector<16xi1>, vector<16xf32>, vector<16xf32>)
      %parallel_loop3A_660 = arith.constant 1 : i32
      %parallel_loop3A_661 = arith.addi %parallel_loop3A_13, %parallel_loop3A_660 : i32
      %parallel_loop3A_662 = arith.index_cast %parallel_loop3A_661 : i32 to index
      %parallel_loop3A_663 = arith.constant 96 : index
      %parallel_loop3A_664 = tpu.vector_load %arg4[%parallel_loop3A_662, %parallel_loop3A_663] {strides = array<i32>} : memref<128x512xf32, #tpu.memory_space<vmem>>, vector<16xf32>,
      %parallel_loop3A_665 = arith.constant dense<true> : vector<16xi1>
      %parallel_loop3A_666, %parallel_loop3A_667, %parallel_loop3A_668 = tpu.sort %parallel_loop3A_664, %parallel_loop3A_664 masked %parallel_loop3A_665 {descending = true} : (vector<16xf32>, vector<16xf32>, vector<16xi1>) -> (vector<16xi1>, vector<16xf32>, vector<16xf32>)
      %parallel_loop3A_669 = arith.minimumf %parallel_loop3A_560, %parallel_loop3A_667 : vector<16xf32>
      %parallel_loop3A_670 = arith.constant dense<true> : vector<16xi1>
      %parallel_loop3A_671, %parallel_loop3A_672, %parallel_loop3A_673 = tpu.sort %parallel_loop3A_669, %parallel_loop3A_669 masked %parallel_loop3A_670 : (vector<16xf32>, vector<16xf32>, vector<16xi1>) -> (vector<16xi1>, vector<16xf32>, vector<16xf32>)
      %parallel_loop3A_674 = arith.constant 2 : i32
      %parallel_loop3A_675 = arith.addi %parallel_loop3A_13, %parallel_loop3A_674 : i32
      %parallel_loop3A_676 = arith.index_cast %parallel_loop3A_675 : i32 to index
      %parallel_loop3A_677 = arith.constant 96 : index
      %parallel_loop3A_678 = tpu.vector_load %arg4[%parallel_loop3A_676, %parallel_loop3A_677] {strides = array<i32>} : memref<128x512xf32, #tpu.memory_space<vmem>>, vector<16xf32>,
      %parallel_loop3A_679 = arith.constant dense<true> : vector<16xi1>
      %parallel_loop3A_680, %parallel_loop3A_681, %parallel_loop3A_682 = tpu.sort %parallel_loop3A_678, %parallel_loop3A_678 masked %parallel_loop3A_679 {descending = true} : (vector<16xf32>, vector<16xf32>, vector<16xi1>) -> (vector<16xi1>, vector<16xf32>, vector<16xf32>)
      %parallel_loop3A_683 = arith.minimumf %parallel_loop3A_574, %parallel_loop3A_681 : vector<16xf32>
      %parallel_loop3A_684 = arith.constant dense<true> : vector<16xi1>
      %parallel_loop3A_685, %parallel_loop3A_686, %parallel_loop3A_687 = tpu.sort %parallel_loop3A_683, %parallel_loop3A_683 masked %parallel_loop3A_684 : (vector<16xf32>, vector<16xf32>, vector<16xi1>) -> (vector<16xi1>, vector<16xf32>, vector<16xf32>)
      %parallel_loop3A_688 = arith.constant 3 : i32
      %parallel_loop3A_689 = arith.addi %parallel_loop3A_13, %parallel_loop3A_688 : i32
      %parallel_loop3A_690 = arith.index_cast %parallel_loop3A_689 : i32 to index
      %parallel_loop3A_691 = arith.constant 96 : index
      %parallel_loop3A_692 = tpu.vector_load %arg4[%parallel_loop3A_690, %parallel_loop3A_691] {strides = array<i32>} : memref<128x512xf32, #tpu.memory_space<vmem>>, vector<16xf32>,
      %parallel_loop3A_693 = arith.constant dense<true> : vector<16xi1>
      %parallel_loop3A_694, %parallel_loop3A_695, %parallel_loop3A_696 = tpu.sort %parallel_loop3A_692, %parallel_loop3A_692 masked %parallel_loop3A_693 {descending = true} : (vector<16xf32>, vector<16xf32>, vector<16xi1>) -> (vector<16xi1>, vector<16xf32>, vector<16xf32>)
      %parallel_loop3A_697 = arith.minimumf %parallel_loop3A_588, %parallel_loop3A_695 : vector<16xf32>
      %parallel_loop3A_698 = arith.constant dense<true> : vector<16xi1>
      %parallel_loop3A_699, %parallel_loop3A_700, %parallel_loop3A_701 = tpu.sort %parallel_loop3A_697, %parallel_loop3A_697 masked %parallel_loop3A_698 : (vector<16xf32>, vector<16xf32>, vector<16xi1>) -> (vector<16xi1>, vector<16xf32>, vector<16xf32>)
      %parallel_loop3A_702 = arith.constant 4 : i32
      %parallel_loop3A_703 = arith.addi %parallel_loop3A_13, %parallel_loop3A_702 : i32
      %parallel_loop3A_704 = arith.index_cast %parallel_loop3A_703 : i32 to index
      %parallel_loop3A_705 = arith.constant 96 : index
      %parallel_loop3A_706 = tpu.vector_load %arg4[%parallel_loop3A_704, %parallel_loop3A_705] {strides = array<i32>} : memref<128x512xf32, #tpu.memory_space<vmem>>, vector<16xf32>,
      %parallel_loop3A_707 = arith.constant dense<true> : vector<16xi1>
      %parallel_loop3A_708, %parallel_loop3A_709, %parallel_loop3A_710 = tpu.sort %parallel_loop3A_706, %parallel_loop3A_706 masked %parallel_loop3A_707 {descending = true} : (vector<16xf32>, vector<16xf32>, vector<16xi1>) -> (vector<16xi1>, vector<16xf32>, vector<16xf32>)
      %parallel_loop3A_711 = arith.minimumf %parallel_loop3A_602, %parallel_loop3A_709 : vector<16xf32>
      %parallel_loop3A_712 = arith.constant dense<true> : vector<16xi1>
      %parallel_loop3A_713, %parallel_loop3A_714, %parallel_loop3A_715 = tpu.sort %parallel_loop3A_711, %parallel_loop3A_711 masked %parallel_loop3A_712 : (vector<16xf32>, vector<16xf32>, vector<16xi1>) -> (vector<16xi1>, vector<16xf32>, vector<16xf32>)
      %parallel_loop3A_716 = arith.constant 5 : i32
      %parallel_loop3A_717 = arith.addi %parallel_loop3A_13, %parallel_loop3A_716 : i32
      %parallel_loop3A_718 = arith.index_cast %parallel_loop3A_717 : i32 to index
      %parallel_loop3A_719 = arith.constant 96 : index
      %parallel_loop3A_720 = tpu.vector_load %arg4[%parallel_loop3A_718, %parallel_loop3A_719] {strides = array<i32>} : memref<128x512xf32, #tpu.memory_space<vmem>>, vector<16xf32>,
      %parallel_loop3A_721 = arith.constant dense<true> : vector<16xi1>
      %parallel_loop3A_722, %parallel_loop3A_723, %parallel_loop3A_724 = tpu.sort %parallel_loop3A_720, %parallel_loop3A_720 masked %parallel_loop3A_721 {descending = true} : (vector<16xf32>, vector<16xf32>, vector<16xi1>) -> (vector<16xi1>, vector<16xf32>, vector<16xf32>)
      %parallel_loop3A_725 = arith.minimumf %parallel_loop3A_616, %parallel_loop3A_723 : vector<16xf32>
      %parallel_loop3A_726 = arith.constant dense<true> : vector<16xi1>
      %parallel_loop3A_727, %parallel_loop3A_728, %parallel_loop3A_729 = tpu.sort %parallel_loop3A_725, %parallel_loop3A_725 masked %parallel_loop3A_726 : (vector<16xf32>, vector<16xf32>, vector<16xi1>) -> (vector<16xi1>, vector<16xf32>, vector<16xf32>)
      %parallel_loop3A_730 = arith.constant 6 : i32
      %parallel_loop3A_731 = arith.addi %parallel_loop3A_13, %parallel_loop3A_730 : i32
      %parallel_loop3A_732 = arith.index_cast %parallel_loop3A_731 : i32 to index
      %parallel_loop3A_733 = arith.constant 96 : index
      %parallel_loop3A_734 = tpu.vector_load %arg4[%parallel_loop3A_732, %parallel_loop3A_733] {strides = array<i32>} : memref<128x512xf32, #tpu.memory_space<vmem>>, vector<16xf32>,
      %parallel_loop3A_735 = arith.constant dense<true> : vector<16xi1>
      %parallel_loop3A_736, %parallel_loop3A_737, %parallel_loop3A_738 = tpu.sort %parallel_loop3A_734, %parallel_loop3A_734 masked %parallel_loop3A_735 {descending = true} : (vector<16xf32>, vector<16xf32>, vector<16xi1>) -> (vector<16xi1>, vector<16xf32>, vector<16xf32>)
      %parallel_loop3A_739 = arith.minimumf %parallel_loop3A_630, %parallel_loop3A_737 : vector<16xf32>
      %parallel_loop3A_740 = arith.constant dense<true> : vector<16xi1>
      %parallel_loop3A_741, %parallel_loop3A_742, %parallel_loop3A_743 = tpu.sort %parallel_loop3A_739, %parallel_loop3A_739 masked %parallel_loop3A_740 : (vector<16xf32>, vector<16xf32>, vector<16xi1>) -> (vector<16xi1>, vector<16xf32>, vector<16xf32>)
      %parallel_loop3A_744 = arith.constant 7 : i32
      %parallel_loop3A_745 = arith.addi %parallel_loop3A_13, %parallel_loop3A_744 : i32
      %parallel_loop3A_746 = arith.index_cast %parallel_loop3A_745 : i32 to index
      %parallel_loop3A_747 = arith.constant 96 : index
      %parallel_loop3A_748 = tpu.vector_load %arg4[%parallel_loop3A_746, %parallel_loop3A_747] {strides = array<i32>} : memref<128x512xf32, #tpu.memory_space<vmem>>, vector<16xf32>,
      %parallel_loop3A_749 = arith.constant dense<true> : vector<16xi1>
      %parallel_loop3A_750, %parallel_loop3A_751, %parallel_loop3A_752 = tpu.sort %parallel_loop3A_748, %parallel_loop3A_748 masked %parallel_loop3A_749 {descending = true} : (vector<16xf32>, vector<16xf32>, vector<16xi1>) -> (vector<16xi1>, vector<16xf32>, vector<16xf32>)
      %parallel_loop3A_753 = arith.minimumf %parallel_loop3A_644, %parallel_loop3A_751 : vector<16xf32>
      %parallel_loop3A_754 = arith.constant dense<true> : vector<16xi1>
      %parallel_loop3A_755, %parallel_loop3A_756, %parallel_loop3A_757 = tpu.sort %parallel_loop3A_753, %parallel_loop3A_753 masked %parallel_loop3A_754 : (vector<16xf32>, vector<16xf32>, vector<16xi1>) -> (vector<16xi1>, vector<16xf32>, vector<16xf32>)
      %parallel_loop3A_758 = arith.constant 0 : i32
      %parallel_loop3A_759 = arith.addi %parallel_loop3A_13, %parallel_loop3A_758 : i32
      %parallel_loop3A_760 = arith.index_cast %parallel_loop3A_759 : i32 to index
      %parallel_loop3A_761 = arith.constant 112 : index
      %parallel_loop3A_762 = tpu.vector_load %arg4[%parallel_loop3A_760, %parallel_loop3A_761] {strides = array<i32>} : memref<128x512xf32, #tpu.memory_space<vmem>>, vector<16xf32>,
      %parallel_loop3A_763 = arith.constant dense<true> : vector<16xi1>
      %parallel_loop3A_764, %parallel_loop3A_765, %parallel_loop3A_766 = tpu.sort %parallel_loop3A_762, %parallel_loop3A_762 masked %parallel_loop3A_763 {descending = true} : (vector<16xf32>, vector<16xf32>, vector<16xi1>) -> (vector<16xi1>, vector<16xf32>, vector<16xf32>)
      %parallel_loop3A_767 = arith.minimumf %parallel_loop3A_658, %parallel_loop3A_765 : vector<16xf32>
      %parallel_loop3A_768 = arith.constant dense<true> : vector<16xi1>
      %parallel_loop3A_769, %parallel_loop3A_770, %parallel_loop3A_771 = tpu.sort %parallel_loop3A_767, %parallel_loop3A_767 masked %parallel_loop3A_768 : (vector<16xf32>, vector<16xf32>, vector<16xi1>) -> (vector<16xi1>, vector<16xf32>, vector<16xf32>)
      %parallel_loop3A_772 = arith.constant 1 : i32
      %parallel_loop3A_773 = arith.addi %parallel_loop3A_13, %parallel_loop3A_772 : i32
      %parallel_loop3A_774 = arith.index_cast %parallel_loop3A_773 : i32 to index
      %parallel_loop3A_775 = arith.constant 112 : index
      %parallel_loop3A_776 = tpu.vector_load %arg4[%parallel_loop3A_774, %parallel_loop3A_775] {strides = array<i32>} : memref<128x512xf32, #tpu.memory_space<vmem>>, vector<16xf32>,
      %parallel_loop3A_777 = arith.constant dense<true> : vector<16xi1>
      %parallel_loop3A_778, %parallel_loop3A_779, %parallel_loop3A_780 = tpu.sort %parallel_loop3A_776, %parallel_loop3A_776 masked %parallel_loop3A_777 {descending = true} : (vector<16xf32>, vector<16xf32>, vector<16xi1>) -> (vector<16xi1>, vector<16xf32>, vector<16xf32>)
      %parallel_loop3A_781 = arith.minimumf %parallel_loop3A_672, %parallel_loop3A_779 : vector<16xf32>
      %parallel_loop3A_782 = arith.constant dense<true> : vector<16xi1>
      %parallel_loop3A_783, %parallel_loop3A_784, %parallel_loop3A_785 = tpu.sort %parallel_loop3A_781, %parallel_loop3A_781 masked %parallel_loop3A_782 : (vector<16xf32>, vector<16xf32>, vector<16xi1>) -> (vector<16xi1>, vector<16xf32>, vector<16xf32>)
      %parallel_loop3A_786 = arith.constant 2 : i32
      %parallel_loop3A_787 = arith.addi %parallel_loop3A_13, %parallel_loop3A_786 : i32
      %parallel_loop3A_788 = arith.index_cast %parallel_loop3A_787 : i32 to index
      %parallel_loop3A_789 = arith.constant 112 : index
      %parallel_loop3A_790 = tpu.vector_load %arg4[%parallel_loop3A_788, %parallel_loop3A_789] {strides = array<i32>} : memref<128x512xf32, #tpu.memory_space<vmem>>, vector<16xf32>,
      %parallel_loop3A_791 = arith.constant dense<true> : vector<16xi1>
      %parallel_loop3A_792, %parallel_loop3A_793, %parallel_loop3A_794 = tpu.sort %parallel_loop3A_790, %parallel_loop3A_790 masked %parallel_loop3A_791 {descending = true} : (vector<16xf32>, vector<16xf32>, vector<16xi1>) -> (vector<16xi1>, vector<16xf32>, vector<16xf32>)
      %parallel_loop3A_795 = arith.minimumf %parallel_loop3A_686, %parallel_loop3A_793 : vector<16xf32>
      %parallel_loop3A_796 = arith.constant dense<true> : vector<16xi1>
      %parallel_loop3A_797, %parallel_loop3A_798, %parallel_loop3A_799 = tpu.sort %parallel_loop3A_795, %parallel_loop3A_795 masked %parallel_loop3A_796 : (vector<16xf32>, vector<16xf32>, vector<16xi1>) -> (vector<16xi1>, vector<16xf32>, vector<16xf32>)
      %parallel_loop3A_800 = arith.constant 3 : i32
      %parallel_loop3A_801 = arith.addi %parallel_loop3A_13, %parallel_loop3A_800 : i32
      %parallel_loop3A_802 = arith.index_cast %parallel_loop3A_801 : i32 to index
      %parallel_loop3A_803 = arith.constant 112 : index
      %parallel_loop3A_804 = tpu.vector_load %arg4[%parallel_loop3A_802, %parallel_loop3A_803] {strides = array<i32>} : memref<128x512xf32, #tpu.memory_space<vmem>>, vector<16xf32>,
      %parallel_loop3A_805 = arith.constant dense<true> : vector<16xi1>
      %parallel_loop3A_806, %parallel_loop3A_807, %parallel_loop3A_808 = tpu.sort %parallel_loop3A_804, %parallel_loop3A_804 masked %parallel_loop3A_805 {descending = true} : (vector<16xf32>, vector<16xf32>, vector<16xi1>) -> (vector<16xi1>, vector<16xf32>, vector<16xf32>)
      %parallel_loop3A_809 = arith.minimumf %parallel_loop3A_700, %parallel_loop3A_807 : vector<16xf32>
      %parallel_loop3A_810 = arith.constant dense<true> : vector<16xi1>
      %parallel_loop3A_811, %parallel_loop3A_812, %parallel_loop3A_813 = tpu.sort %parallel_loop3A_809, %parallel_loop3A_809 masked %parallel_loop3A_810 : (vector<16xf32>, vector<16xf32>, vector<16xi1>) -> (vector<16xi1>, vector<16xf32>, vector<16xf32>)
      %parallel_loop3A_814 = arith.constant 4 : i32
      %parallel_loop3A_815 = arith.addi %parallel_loop3A_13, %parallel_loop3A_814 : i32
      %parallel_loop3A_816 = arith.index_cast %parallel_loop3A_815 : i32 to index
      %parallel_loop3A_817 = arith.constant 112 : index
      %parallel_loop3A_818 = tpu.vector_load %arg4[%parallel_loop3A_816, %parallel_loop3A_817] {strides = array<i32>} : memref<128x512xf32, #tpu.memory_space<vmem>>, vector<16xf32>,
      %parallel_loop3A_819 = arith.constant dense<true> : vector<16xi1>
      %parallel_loop3A_820, %parallel_loop3A_821, %parallel_loop3A_822 = tpu.sort %parallel_loop3A_818, %parallel_loop3A_818 masked %parallel_loop3A_819 {descending = true} : (vector<16xf32>, vector<16xf32>, vector<16xi1>) -> (vector<16xi1>, vector<16xf32>, vector<16xf32>)
      %parallel_loop3A_823 = arith.minimumf %parallel_loop3A_714, %parallel_loop3A_821 : vector<16xf32>
      %parallel_loop3A_824 = arith.constant dense<true> : vector<16xi1>
      %parallel_loop3A_825, %parallel_loop3A_826, %parallel_loop3A_827 = tpu.sort %parallel_loop3A_823, %parallel_loop3A_823 masked %parallel_loop3A_824 : (vector<16xf32>, vector<16xf32>, vector<16xi1>) -> (vector<16xi1>, vector<16xf32>, vector<16xf32>)
      %parallel_loop3A_828 = arith.constant 5 : i32
      %parallel_loop3A_829 = arith.addi %parallel_loop3A_13, %parallel_loop3A_828 : i32
      %parallel_loop3A_830 = arith.index_cast %parallel_loop3A_829 : i32 to index
      %parallel_loop3A_831 = arith.constant 112 : index
      %parallel_loop3A_832 = tpu.vector_load %arg4[%parallel_loop3A_830, %parallel_loop3A_831] {strides = array<i32>} : memref<128x512xf32, #tpu.memory_space<vmem>>, vector<16xf32>,
      %parallel_loop3A_833 = arith.constant dense<true> : vector<16xi1>
      %parallel_loop3A_834, %parallel_loop3A_835, %parallel_loop3A_836 = tpu.sort %parallel_loop3A_832, %parallel_loop3A_832 masked %parallel_loop3A_833 {descending = true} : (vector<16xf32>, vector<16xf32>, vector<16xi1>) -> (vector<16xi1>, vector<16xf32>, vector<16xf32>)
      %parallel_loop3A_837 = arith.minimumf %parallel_loop3A_728, %parallel_loop3A_835 : vector<16xf32>
      %parallel_loop3A_838 = arith.constant dense<true> : vector<16xi1>
      %parallel_loop3A_839, %parallel_loop3A_840, %parallel_loop3A_841 = tpu.sort %parallel_loop3A_837, %parallel_loop3A_837 masked %parallel_loop3A_838 : (vector<16xf32>, vector<16xf32>, vector<16xi1>) -> (vector<16xi1>, vector<16xf32>, vector<16xf32>)
      %parallel_loop3A_842 = arith.constant 6 : i32
      %parallel_loop3A_843 = arith.addi %parallel_loop3A_13, %parallel_loop3A_842 : i32
      %parallel_loop3A_844 = arith.index_cast %parallel_loop3A_843 : i32 to index
      %parallel_loop3A_845 = arith.constant 112 : index
      %parallel_loop3A_846 = tpu.vector_load %arg4[%parallel_loop3A_844, %parallel_loop3A_845] {strides = array<i32>} : memref<128x512xf32, #tpu.memory_space<vmem>>, vector<16xf32>,
      %parallel_loop3A_847 = arith.constant dense<true> : vector<16xi1>
      %parallel_loop3A_848, %parallel_loop3A_849, %parallel_loop3A_850 = tpu.sort %parallel_loop3A_846, %parallel_loop3A_846 masked %parallel_loop3A_847 {descending = true} : (vector<16xf32>, vector<16xf32>, vector<16xi1>) -> (vector<16xi1>, vector<16xf32>, vector<16xf32>)
      %parallel_loop3A_851 = arith.minimumf %parallel_loop3A_742, %parallel_loop3A_849 : vector<16xf32>
      %parallel_loop3A_852 = arith.constant dense<true> : vector<16xi1>
      %parallel_loop3A_853, %parallel_loop3A_854, %parallel_loop3A_855 = tpu.sort %parallel_loop3A_851, %parallel_loop3A_851 masked %parallel_loop3A_852 : (vector<16xf32>, vector<16xf32>, vector<16xi1>) -> (vector<16xi1>, vector<16xf32>, vector<16xf32>)
      %parallel_loop3A_856 = arith.constant 7 : i32
      %parallel_loop3A_857 = arith.addi %parallel_loop3A_13, %parallel_loop3A_856 : i32
      %parallel_loop3A_858 = arith.index_cast %parallel_loop3A_857 : i32 to index
      %parallel_loop3A_859 = arith.constant 112 : index
      %parallel_loop3A_860 = tpu.vector_load %arg4[%parallel_loop3A_858, %parallel_loop3A_859] {strides = array<i32>} : memref<128x512xf32, #tpu.memory_space<vmem>>, vector<16xf32>,
      %parallel_loop3A_861 = arith.constant dense<true> : vector<16xi1>
      %parallel_loop3A_862, %parallel_loop3A_863, %parallel_loop3A_864 = tpu.sort %parallel_loop3A_860, %parallel_loop3A_860 masked %parallel_loop3A_861 {descending = true} : (vector<16xf32>, vector<16xf32>, vector<16xi1>) -> (vector<16xi1>, vector<16xf32>, vector<16xf32>)
      %parallel_loop3A_865 = arith.minimumf %parallel_loop3A_756, %parallel_loop3A_863 : vector<16xf32>
      %parallel_loop3A_866 = arith.constant dense<true> : vector<16xi1>
      %parallel_loop3A_867, %parallel_loop3A_868, %parallel_loop3A_869 = tpu.sort %parallel_loop3A_865, %parallel_loop3A_865 masked %parallel_loop3A_866 : (vector<16xf32>, vector<16xf32>, vector<16xi1>) -> (vector<16xi1>, vector<16xf32>, vector<16xf32>)
      %parallel_loop3A_870 = arith.constant 0 : i32
      %parallel_loop3A_871 = arith.addi %parallel_loop3A_13, %parallel_loop3A_870 : i32
      %parallel_loop3A_872 = arith.index_cast %parallel_loop3A_871 : i32 to index
      %parallel_loop3A_873 = arith.constant 128 : index
      %parallel_loop3A_874 = tpu.vector_load %arg4[%parallel_loop3A_872, %parallel_loop3A_873] {strides = array<i32>} : memref<128x512xf32, #tpu.memory_space<vmem>>, vector<16xf32>,
      %parallel_loop3A_875 = arith.constant dense<true> : vector<16xi1>
      %parallel_loop3A_876, %parallel_loop3A_877, %parallel_loop3A_878 = tpu.sort %parallel_loop3A_874, %parallel_loop3A_874 masked %parallel_loop3A_875 {descending = true} : (vector<16xf32>, vector<16xf32>, vector<16xi1>) -> (vector<16xi1>, vector<16xf32>, vector<16xf32>)
      %parallel_loop3A_879 = arith.minimumf %parallel_loop3A_770, %parallel_loop3A_877 : vector<16xf32>
      %parallel_loop3A_880 = arith.constant dense<true> : vector<16xi1>
      %parallel_loop3A_881, %parallel_loop3A_882, %parallel_loop3A_883 = tpu.sort %parallel_loop3A_879, %parallel_loop3A_879 masked %parallel_loop3A_880 : (vector<16xf32>, vector<16xf32>, vector<16xi1>) -> (vector<16xi1>, vector<16xf32>, vector<16xf32>)
      %parallel_loop3A_884 = arith.constant 1 : i32
      %parallel_loop3A_885 = arith.addi %parallel_loop3A_13, %parallel_loop3A_884 : i32
      %parallel_loop3A_886 = arith.index_cast %parallel_loop3A_885 : i32 to index
      %parallel_loop3A_887 = arith.constant 128 : index
      %parallel_loop3A_888 = tpu.vector_load %arg4[%parallel_loop3A_886, %parallel_loop3A_887] {strides = array<i32>} : memref<128x512xf32, #tpu.memory_space<vmem>>, vector<16xf32>,
      %parallel_loop3A_889 = arith.constant dense<true> : vector<16xi1>
      %parallel_loop3A_890, %parallel_loop3A_891, %parallel_loop3A_892 = tpu.sort %parallel_loop3A_888, %parallel_loop3A_888 masked %parallel_loop3A_889 {descending = true} : (vector<16xf32>, vector<16xf32>, vector<16xi1>) -> (vector<16xi1>, vector<16xf32>, vector<16xf32>)
      %parallel_loop3A_893 = arith.minimumf %parallel_loop3A_784, %parallel_loop3A_891 : vector<16xf32>
      %parallel_loop3A_894 = arith.constant dense<true> : vector<16xi1>
      %parallel_loop3A_895, %parallel_loop3A_896, %parallel_loop3A_897 = tpu.sort %parallel_loop3A_893, %parallel_loop3A_893 masked %parallel_loop3A_894 : (vector<16xf32>, vector<16xf32>, vector<16xi1>) -> (vector<16xi1>, vector<16xf32>, vector<16xf32>)
      %parallel_loop3A_898 = arith.constant 2 : i32
      %parallel_loop3A_899 = arith.addi %parallel_loop3A_13, %parallel_loop3A_898 : i32
      %parallel_loop3A_900 = arith.index_cast %parallel_loop3A_899 : i32 to index
      %parallel_loop3A_901 = arith.constant 128 : index
      %parallel_loop3A_902 = tpu.vector_load %arg4[%parallel_loop3A_900, %parallel_loop3A_901] {strides = array<i32>} : memref<128x512xf32, #tpu.memory_space<vmem>>, vector<16xf32>,
      %parallel_loop3A_903 = arith.constant dense<true> : vector<16xi1>
      %parallel_loop3A_904, %parallel_loop3A_905, %parallel_loop3A_906 = tpu.sort %parallel_loop3A_902, %parallel_loop3A_902 masked %parallel_loop3A_903 {descending = true} : (vector<16xf32>, vector<16xf32>, vector<16xi1>) -> (vector<16xi1>, vector<16xf32>, vector<16xf32>)
      %parallel_loop3A_907 = arith.minimumf %parallel_loop3A_798, %parallel_loop3A_905 : vector<16xf32>
      %parallel_loop3A_908 = arith.constant dense<true> : vector<16xi1>
      %parallel_loop3A_909, %parallel_loop3A_910, %parallel_loop3A_911 = tpu.sort %parallel_loop3A_907, %parallel_loop3A_907 masked %parallel_loop3A_908 : (vector<16xf32>, vector<16xf32>, vector<16xi1>) -> (vector<16xi1>, vector<16xf32>, vector<16xf32>)
      %parallel_loop3A_912 = arith.constant 3 : i32
      %parallel_loop3A_913 = arith.addi %parallel_loop3A_13, %parallel_loop3A_912 : i32
      %parallel_loop3A_914 = arith.index_cast %parallel_loop3A_913 : i32 to index
      %parallel_loop3A_915 = arith.constant 128 : index
      %parallel_loop3A_916 = tpu.vector_load %arg4[%parallel_loop3A_914, %parallel_loop3A_915] {strides = array<i32>} : memref<128x512xf32, #tpu.memory_space<vmem>>, vector<16xf32>,
      %parallel_loop3A_917 = arith.constant dense<true> : vector<16xi1>
      %parallel_loop3A_918, %parallel_loop3A_919, %parallel_loop3A_920 = tpu.sort %parallel_loop3A_916, %parallel_loop3A_916 masked %parallel_loop3A_917 {descending = true} : (vector<16xf32>, vector<16xf32>, vector<16xi1>) -> (vector<16xi1>, vector<16xf32>, vector<16xf32>)
      %parallel_loop3A_921 = arith.minimumf %parallel_loop3A_812, %parallel_loop3A_919 : vector<16xf32>
      %parallel_loop3A_922 = arith.constant dense<true> : vector<16xi1>
      %parallel_loop3A_923, %parallel_loop3A_924, %parallel_loop3A_925 = tpu.sort %parallel_loop3A_921, %parallel_loop3A_921 masked %parallel_loop3A_922 : (vector<16xf32>, vector<16xf32>, vector<16xi1>) -> (vector<16xi1>, vector<16xf32>, vector<16xf32>)
      %parallel_loop3A_926 = arith.constant 4 : i32
      %parallel_loop3A_927 = arith.addi %parallel_loop3A_13, %parallel_loop3A_926 : i32
      %parallel_loop3A_928 = arith.index_cast %parallel_loop3A_927 : i32 to index
      %parallel_loop3A_929 = arith.constant 128 : index
      %parallel_loop3A_930 = tpu.vector_load %arg4[%parallel_loop3A_928, %parallel_loop3A_929] {strides = array<i32>} : memref<128x512xf32, #tpu.memory_space<vmem>>, vector<16xf32>,
      %parallel_loop3A_931 = arith.constant dense<true> : vector<16xi1>
      %parallel_loop3A_932, %parallel_loop3A_933, %parallel_loop3A_934 = tpu.sort %parallel_loop3A_930, %parallel_loop3A_930 masked %parallel_loop3A_931 {descending = true} : (vector<16xf32>, vector<16xf32>, vector<16xi1>) -> (vector<16xi1>, vector<16xf32>, vector<16xf32>)
      %parallel_loop3A_935 = arith.minimumf %parallel_loop3A_826, %parallel_loop3A_933 : vector<16xf32>
      %parallel_loop3A_936 = arith.constant dense<true> : vector<16xi1>
      %parallel_loop3A_937, %parallel_loop3A_938, %parallel_loop3A_939 = tpu.sort %parallel_loop3A_935, %parallel_loop3A_935 masked %parallel_loop3A_936 : (vector<16xf32>, vector<16xf32>, vector<16xi1>) -> (vector<16xi1>, vector<16xf32>, vector<16xf32>)
      %parallel_loop3A_940 = arith.constant 5 : i32
      %parallel_loop3A_941 = arith.addi %parallel_loop3A_13, %parallel_loop3A_940 : i32
      %parallel_loop3A_942 = arith.index_cast %parallel_loop3A_941 : i32 to index
      %parallel_loop3A_943 = arith.constant 128 : index
      %parallel_loop3A_944 = tpu.vector_load %arg4[%parallel_loop3A_942, %parallel_loop3A_943] {strides = array<i32>} : memref<128x512xf32, #tpu.memory_space<vmem>>, vector<16xf32>,
      %parallel_loop3A_945 = arith.constant dense<true> : vector<16xi1>
      %parallel_loop3A_946, %parallel_loop3A_947, %parallel_loop3A_948 = tpu.sort %parallel_loop3A_944, %parallel_loop3A_944 masked %parallel_loop3A_945 {descending = true} : (vector<16xf32>, vector<16xf32>, vector<16xi1>) -> (vector<16xi1>, vector<16xf32>, vector<16xf32>)
      %parallel_loop3A_949 = arith.minimumf %parallel_loop3A_840, %parallel_loop3A_947 : vector<16xf32>
      %parallel_loop3A_950 = arith.constant dense<true> : vector<16xi1>
      %parallel_loop3A_951, %parallel_loop3A_952, %parallel_loop3A_953 = tpu.sort %parallel_loop3A_949, %parallel_loop3A_949 masked %parallel_loop3A_950 : (vector<16xf32>, vector<16xf32>, vector<16xi1>) -> (vector<16xi1>, vector<16xf32>, vector<16xf32>)
      %parallel_loop3A_954 = arith.constant 6 : i32
      %parallel_loop3A_955 = arith.addi %parallel_loop3A_13, %parallel_loop3A_954 : i32
      %parallel_loop3A_956 = arith.index_cast %parallel_loop3A_955 : i32 to index
      %parallel_loop3A_957 = arith.constant 128 : index
      %parallel_loop3A_958 = tpu.vector_load %arg4[%parallel_loop3A_956, %parallel_loop3A_957] {strides = array<i32>} : memref<128x512xf32, #tpu.memory_space<vmem>>, vector<16xf32>,
      %parallel_loop3A_959 = arith.constant dense<true> : vector<16xi1>
      %parallel_loop3A_960, %parallel_loop3A_961, %parallel_loop3A_962 = tpu.sort %parallel_loop3A_958, %parallel_loop3A_958 masked %parallel_loop3A_959 {descending = true} : (vector<16xf32>, vector<16xf32>, vector<16xi1>) -> (vector<16xi1>, vector<16xf32>, vector<16xf32>)
      %parallel_loop3A_963 = arith.minimumf %parallel_loop3A_854, %parallel_loop3A_961 : vector<16xf32>
      %parallel_loop3A_964 = arith.constant dense<true> : vector<16xi1>
      %parallel_loop3A_965, %parallel_loop3A_966, %parallel_loop3A_967 = tpu.sort %parallel_loop3A_963, %parallel_loop3A_963 masked %parallel_loop3A_964 : (vector<16xf32>, vector<16xf32>, vector<16xi1>) -> (vector<16xi1>, vector<16xf32>, vector<16xf32>)
      %parallel_loop3A_968 = arith.constant 7 : i32
      %parallel_loop3A_969 = arith.addi %parallel_loop3A_13, %parallel_loop3A_968 : i32
      %parallel_loop3A_970 = arith.index_cast %parallel_loop3A_969 : i32 to index
      %parallel_loop3A_971 = arith.constant 128 : index
      %parallel_loop3A_972 = tpu.vector_load %arg4[%parallel_loop3A_970, %parallel_loop3A_971] {strides = array<i32>} : memref<128x512xf32, #tpu.memory_space<vmem>>, vector<16xf32>,
      %parallel_loop3A_973 = arith.constant dense<true> : vector<16xi1>
      %parallel_loop3A_974, %parallel_loop3A_975, %parallel_loop3A_976 = tpu.sort %parallel_loop3A_972, %parallel_loop3A_972 masked %parallel_loop3A_973 {descending = true} : (vector<16xf32>, vector<16xf32>, vector<16xi1>) -> (vector<16xi1>, vector<16xf32>, vector<16xf32>)
      %parallel_loop3A_977 = arith.minimumf %parallel_loop3A_868, %parallel_loop3A_975 : vector<16xf32>
      %parallel_loop3A_978 = arith.constant dense<true> : vector<16xi1>
      %parallel_loop3A_979, %parallel_loop3A_980, %parallel_loop3A_981 = tpu.sort %parallel_loop3A_977, %parallel_loop3A_977 masked %parallel_loop3A_978 : (vector<16xf32>, vector<16xf32>, vector<16xi1>) -> (vector<16xi1>, vector<16xf32>, vector<16xf32>)
      %parallel_loop3A_982 = arith.constant 0 : i32
      %parallel_loop3A_983 = arith.addi %parallel_loop3A_13, %parallel_loop3A_982 : i32
      %parallel_loop3A_984 = arith.index_cast %parallel_loop3A_983 : i32 to index
      %parallel_loop3A_985 = arith.constant 144 : index
      %parallel_loop3A_986 = tpu.vector_load %arg4[%parallel_loop3A_984, %parallel_loop3A_985] {strides = array<i32>} : memref<128x512xf32, #tpu.memory_space<vmem>>, vector<16xf32>,
      %parallel_loop3A_987 = arith.constant dense<true> : vector<16xi1>
      %parallel_loop3A_988, %parallel_loop3A_989, %parallel_loop3A_990 = tpu.sort %parallel_loop3A_986, %parallel_loop3A_986 masked %parallel_loop3A_987 {descending = true} : (vector<16xf32>, vector<16xf32>, vector<16xi1>) -> (vector<16xi1>, vector<16xf32>, vector<16xf32>)
      %parallel_loop3A_991 = arith.minimumf %parallel_loop3A_882, %parallel_loop3A_989 : vector<16xf32>
      %parallel_loop3A_992 = arith.constant dense<true> : vector<16xi1>
      %parallel_loop3A_993, %parallel_loop3A_994, %parallel_loop3A_995 = tpu.sort %parallel_loop3A_991, %parallel_loop3A_991 masked %parallel_loop3A_992 : (vector<16xf32>, vector<16xf32>, vector<16xi1>) -> (vector<16xi1>, vector<16xf32>, vector<16xf32>)
      %parallel_loop3A_996 = arith.constant 1 : i32
      %parallel_loop3A_997 = arith.addi %parallel_loop3A_13, %parallel_loop3A_996 : i32
      %parallel_loop3A_998 = arith.index_cast %parallel_loop3A_997 : i32 to index
      %parallel_loop3A_999 = arith.constant 144 : index
      %parallel_loop3A_1000 = tpu.vector_load %arg4[%parallel_loop3A_998, %parallel_loop3A_999] {strides = array<i32>} : memref<128x512xf32, #tpu.memory_space<vmem>>, vector<16xf32>,
      %parallel_loop3A_1001 = arith.constant dense<true> : vector<16xi1>
      %parallel_loop3A_1002, %parallel_loop3A_1003, %parallel_loop3A_1004 = tpu.sort %parallel_loop3A_1000, %parallel_loop3A_1000 masked %parallel_loop3A_1001 {descending = true} : (vector<16xf32>, vector<16xf32>, vector<16xi1>) -> (vector<16xi1>, vector<16xf32>, vector<16xf32>)
      %parallel_loop3A_1005 = arith.minimumf %parallel_loop3A_896, %parallel_loop3A_1003 : vector<16xf32>
      %parallel_loop3A_1006 = arith.constant dense<true> : vector<16xi1>
      %parallel_loop3A_1007, %parallel_loop3A_1008, %parallel_loop3A_1009 = tpu.sort %parallel_loop3A_1005, %parallel_loop3A_1005 masked %parallel_loop3A_1006 : (vector<16xf32>, vector<16xf32>, vector<16xi1>) -> (vector<16xi1>, vector<16xf32>, vector<16xf32>)
      %parallel_loop3A_1010 = arith.constant 2 : i32
      %parallel_loop3A_1011 = arith.addi %parallel_loop3A_13, %parallel_loop3A_1010 : i32
      %parallel_loop3A_1012 = arith.index_cast %parallel_loop3A_1011 : i32 to index
      %parallel_loop3A_1013 = arith.constant 144 : index
      %parallel_loop3A_1014 = tpu.vector_load %arg4[%parallel_loop3A_1012, %parallel_loop3A_1013] {strides = array<i32>} : memref<128x512xf32, #tpu.memory_space<vmem>>, vector<16xf32>,
      %parallel_loop3A_1015 = arith.constant dense<true> : vector<16xi1>
      %parallel_loop3A_1016, %parallel_loop3A_1017, %parallel_loop3A_1018 = tpu.sort %parallel_loop3A_1014, %parallel_loop3A_1014 masked %parallel_loop3A_1015 {descending = true} : (vector<16xf32>, vector<16xf32>, vector<16xi1>) -> (vector<16xi1>, vector<16xf32>, vector<16xf32>)
      %parallel_loop3A_1019 = arith.minimumf %parallel_loop3A_910, %parallel_loop3A_1017 : vector<16xf32>
      %parallel_loop3A_1020 = arith.constant dense<true> : vector<16xi1>
      %parallel_loop3A_1021, %parallel_loop3A_1022, %parallel_loop3A_1023 = tpu.sort %parallel_loop3A_1019, %parallel_loop3A_1019 masked %parallel_loop3A_1020 : (vector<16xf32>, vector<16xf32>, vector<16xi1>) -> (vector<16xi1>, vector<16xf32>, vector<16xf32>)
      %parallel_loop3A_1024 = arith.constant 3 : i32
      %parallel_loop3A_1025 = arith.addi %parallel_loop3A_13, %parallel_loop3A_1024 : i32
      %parallel_loop3A_1026 = arith.index_cast %parallel_loop3A_1025 : i32 to index
      %parallel_loop3A_1027 = arith.constant 144 : index
      %parallel_loop3A_1028 = tpu.vector_load %arg4[%parallel_loop3A_1026, %parallel_loop3A_1027] {strides = array<i32>} : memref<128x512xf32, #tpu.memory_space<vmem>>, vector<16xf32>,
      %parallel_loop3A_1029 = arith.constant dense<true> : vector<16xi1>
      %parallel_loop3A_1030, %parallel_loop3A_1031, %parallel_loop3A_1032 = tpu.sort %parallel_loop3A_1028, %parallel_loop3A_1028 masked %parallel_loop3A_1029 {descending = true} : (vector<16xf32>, vector<16xf32>, vector<16xi1>) -> (vector<16xi1>, vector<16xf32>, vector<16xf32>)
      %parallel_loop3A_1033 = arith.minimumf %parallel_loop3A_924, %parallel_loop3A_1031 : vector<16xf32>
      %parallel_loop3A_1034 = arith.constant dense<true> : vector<16xi1>
      %parallel_loop3A_1035, %parallel_loop3A_1036, %parallel_loop3A_1037 = tpu.sort %parallel_loop3A_1033, %parallel_loop3A_1033 masked %parallel_loop3A_1034 : (vector<16xf32>, vector<16xf32>, vector<16xi1>) -> (vector<16xi1>, vector<16xf32>, vector<16xf32>)
      %parallel_loop3A_1038 = arith.constant 4 : i32
      %parallel_loop3A_1039 = arith.addi %parallel_loop3A_13, %parallel_loop3A_1038 : i32
      %parallel_loop3A_1040 = arith.index_cast %parallel_loop3A_1039 : i32 to index
      %parallel_loop3A_1041 = arith.constant 144 : index
      %parallel_loop3A_1042 = tpu.vector_load %arg4[%parallel_loop3A_1040, %parallel_loop3A_1041] {strides = array<i32>} : memref<128x512xf32, #tpu.memory_space<vmem>>, vector<16xf32>,
      %parallel_loop3A_1043 = arith.constant dense<true> : vector<16xi1>
      %parallel_loop3A_1044, %parallel_loop3A_1045, %parallel_loop3A_1046 = tpu.sort %parallel_loop3A_1042, %parallel_loop3A_1042 masked %parallel_loop3A_1043 {descending = true} : (vector<16xf32>, vector<16xf32>, vector<16xi1>) -> (vector<16xi1>, vector<16xf32>, vector<16xf32>)
      %parallel_loop3A_1047 = arith.minimumf %parallel_loop3A_938, %parallel_loop3A_1045 : vector<16xf32>
      %parallel_loop3A_1048 = arith.constant dense<true> : vector<16xi1>
      %parallel_loop3A_1049, %parallel_loop3A_1050, %parallel_loop3A_1051 = tpu.sort %parallel_loop3A_1047, %parallel_loop3A_1047 masked %parallel_loop3A_1048 : (vector<16xf32>, vector<16xf32>, vector<16xi1>) -> (vector<16xi1>, vector<16xf32>, vector<16xf32>)
      %parallel_loop3A_1052 = arith.constant 5 : i32
      %parallel_loop3A_1053 = arith.addi %parallel_loop3A_13, %parallel_loop3A_1052 : i32
      %parallel_loop3A_1054 = arith.index_cast %parallel_loop3A_1053 : i32 to index
      %parallel_loop3A_1055 = arith.constant 144 : index
      %parallel_loop3A_1056 = tpu.vector_load %arg4[%parallel_loop3A_1054, %parallel_loop3A_1055] {strides = array<i32>} : memref<128x512xf32, #tpu.memory_space<vmem>>, vector<16xf32>,
      %parallel_loop3A_1057 = arith.constant dense<true> : vector<16xi1>
      %parallel_loop3A_1058, %parallel_loop3A_1059, %parallel_loop3A_1060 = tpu.sort %parallel_loop3A_1056, %parallel_loop3A_1056 masked %parallel_loop3A_1057 {descending = true} : (vector<16xf32>, vector<16xf32>, vector<16xi1>) -> (vector<16xi1>, vector<16xf32>, vector<16xf32>)
      %parallel_loop3A_1061 = arith.minimumf %parallel_loop3A_952, %parallel_loop3A_1059 : vector<16xf32>
      %parallel_loop3A_1062 = arith.constant dense<true> : vector<16xi1>
      %parallel_loop3A_1063, %parallel_loop3A_1064, %parallel_loop3A_1065 = tpu.sort %parallel_loop3A_1061, %parallel_loop3A_1061 masked %parallel_loop3A_1062 : (vector<16xf32>, vector<16xf32>, vector<16xi1>) -> (vector<16xi1>, vector<16xf32>, vector<16xf32>)
      %parallel_loop3A_1066 = arith.constant 6 : i32
      %parallel_loop3A_1067 = arith.addi %parallel_loop3A_13, %parallel_loop3A_1066 : i32
      %parallel_loop3A_1068 = arith.index_cast %parallel_loop3A_1067 : i32 to index
      %parallel_loop3A_1069 = arith.constant 144 : index
      %parallel_loop3A_1070 = tpu.vector_load %arg4[%parallel_loop3A_1068, %parallel_loop3A_1069] {strides = array<i32>} : memref<128x512xf32, #tpu.memory_space<vmem>>, vector<16xf32>,
      %parallel_loop3A_1071 = arith.constant dense<true> : vector<16xi1>
      %parallel_loop3A_1072, %parallel_loop3A_1073, %parallel_loop3A_1074 = tpu.sort %parallel_loop3A_1070, %parallel_loop3A_1070 masked %parallel_loop3A_1071 {descending = true} : (vector<16xf32>, vector<16xf32>, vector<16xi1>) -> (vector<16xi1>, vector<16xf32>, vector<16xf32>)
      %parallel_loop3A_1075 = arith.minimumf %parallel_loop3A_966, %parallel_loop3A_1073 : vector<16xf32>
      %parallel_loop3A_1076 = arith.constant dense<true> : vector<16xi1>
      %parallel_loop3A_1077, %parallel_loop3A_1078, %parallel_loop3A_1079 = tpu.sort %parallel_loop3A_1075, %parallel_loop3A_1075 masked %parallel_loop3A_1076 : (vector<16xf32>, vector<16xf32>, vector<16xi1>) -> (vector<16xi1>, vector<16xf32>, vector<16xf32>)
      %parallel_loop3A_1080 = arith.constant 7 : i32
      %parallel_loop3A_1081 = arith.addi %parallel_loop3A_13, %parallel_loop3A_1080 : i32
      %parallel_loop3A_1082 = arith.index_cast %parallel_loop3A_1081 : i32 to index
      %parallel_loop3A_1083 = arith.constant 144 : index
      %parallel_loop3A_1084 = tpu.vector_load %arg4[%parallel_loop3A_1082, %parallel_loop3A_1083] {strides = array<i32>} : memref<128x512xf32, #tpu.memory_space<vmem>>, vector<16xf32>,
      %parallel_loop3A_1085 = arith.constant dense<true> : vector<16xi1>
      %parallel_loop3A_1086, %parallel_loop3A_1087, %parallel_loop3A_1088 = tpu.sort %parallel_loop3A_1084, %parallel_loop3A_1084 masked %parallel_loop3A_1085 {descending = true} : (vector<16xf32>, vector<16xf32>, vector<16xi1>) -> (vector<16xi1>, vector<16xf32>, vector<16xf32>)
      %parallel_loop3A_1089 = arith.minimumf %parallel_loop3A_980, %parallel_loop3A_1087 : vector<16xf32>
      %parallel_loop3A_1090 = arith.constant dense<true> : vector<16xi1>
      %parallel_loop3A_1091, %parallel_loop3A_1092, %parallel_loop3A_1093 = tpu.sort %parallel_loop3A_1089, %parallel_loop3A_1089 masked %parallel_loop3A_1090 : (vector<16xf32>, vector<16xf32>, vector<16xi1>) -> (vector<16xi1>, vector<16xf32>, vector<16xf32>)
      %parallel_loop3A_1094 = arith.constant 0 : i32
      %parallel_loop3A_1095 = arith.addi %parallel_loop3A_13, %parallel_loop3A_1094 : i32
      %parallel_loop3A_1096 = arith.index_cast %parallel_loop3A_1095 : i32 to index
      %parallel_loop3A_1097 = arith.constant 160 : index
      %parallel_loop3A_1098 = tpu.vector_load %arg4[%parallel_loop3A_1096, %parallel_loop3A_1097] {strides = array<i32>} : memref<128x512xf32, #tpu.memory_space<vmem>>, vector<16xf32>,
      %parallel_loop3A_1099 = arith.constant dense<true> : vector<16xi1>
      %parallel_loop3A_1100, %parallel_loop3A_1101, %parallel_loop3A_1102 = tpu.sort %parallel_loop3A_1098, %parallel_loop3A_1098 masked %parallel_loop3A_1099 {descending = true} : (vector<16xf32>, vector<16xf32>, vector<16xi1>) -> (vector<16xi1>, vector<16xf32>, vector<16xf32>)
      %parallel_loop3A_1103 = arith.minimumf %parallel_loop3A_994, %parallel_loop3A_1101 : vector<16xf32>
      %parallel_loop3A_1104 = arith.constant dense<true> : vector<16xi1>
      %parallel_loop3A_1105, %parallel_loop3A_1106, %parallel_loop3A_1107 = tpu.sort %parallel_loop3A_1103, %parallel_loop3A_1103 masked %parallel_loop3A_1104 : (vector<16xf32>, vector<16xf32>, vector<16xi1>) -> (vector<16xi1>, vector<16xf32>, vector<16xf32>)
      %parallel_loop3A_1108 = arith.constant 1 : i32
      %parallel_loop3A_1109 = arith.addi %parallel_loop3A_13, %parallel_loop3A_1108 : i32
      %parallel_loop3A_1110 = arith.index_cast %parallel_loop3A_1109 : i32 to index
      %parallel_loop3A_1111 = arith.constant 160 : index
      %parallel_loop3A_1112 = tpu.vector_load %arg4[%parallel_loop3A_1110, %parallel_loop3A_1111] {strides = array<i32>} : memref<128x512xf32, #tpu.memory_space<vmem>>, vector<16xf32>,
      %parallel_loop3A_1113 = arith.constant dense<true> : vector<16xi1>
      %parallel_loop3A_1114, %parallel_loop3A_1115, %parallel_loop3A_1116 = tpu.sort %parallel_loop3A_1112, %parallel_loop3A_1112 masked %parallel_loop3A_1113 {descending = true} : (vector<16xf32>, vector<16xf32>, vector<16xi1>) -> (vector<16xi1>, vector<16xf32>, vector<16xf32>)
      %parallel_loop3A_1117 = arith.minimumf %parallel_loop3A_1008, %parallel_loop3A_1115 : vector<16xf32>
      %parallel_loop3A_1118 = arith.constant dense<true> : vector<16xi1>
      %parallel_loop3A_1119, %parallel_loop3A_1120, %parallel_loop3A_1121 = tpu.sort %parallel_loop3A_1117, %parallel_loop3A_1117 masked %parallel_loop3A_1118 : (vector<16xf32>, vector<16xf32>, vector<16xi1>) -> (vector<16xi1>, vector<16xf32>, vector<16xf32>)
      %parallel_loop3A_1122 = arith.constant 2 : i32
      %parallel_loop3A_1123 = arith.addi %parallel_loop3A_13, %parallel_loop3A_1122 : i32
      %parallel_loop3A_1124 = arith.index_cast %parallel_loop3A_1123 : i32 to index
      %parallel_loop3A_1125 = arith.constant 160 : index
      %parallel_loop3A_1126 = tpu.vector_load %arg4[%parallel_loop3A_1124, %parallel_loop3A_1125] {strides = array<i32>} : memref<128x512xf32, #tpu.memory_space<vmem>>, vector<16xf32>,
      %parallel_loop3A_1127 = arith.constant dense<true> : vector<16xi1>
      %parallel_loop3A_1128, %parallel_loop3A_1129, %parallel_loop3A_1130 = tpu.sort %parallel_loop3A_1126, %parallel_loop3A_1126 masked %parallel_loop3A_1127 {descending = true} : (vector<16xf32>, vector<16xf32>, vector<16xi1>) -> (vector<16xi1>, vector<16xf32>, vector<16xf32>)
      %parallel_loop3A_1131 = arith.minimumf %parallel_loop3A_1022, %parallel_loop3A_1129 : vector<16xf32>
      %parallel_loop3A_1132 = arith.constant dense<true> : vector<16xi1>
      %parallel_loop3A_1133, %parallel_loop3A_1134, %parallel_loop3A_1135 = tpu.sort %parallel_loop3A_1131, %parallel_loop3A_1131 masked %parallel_loop3A_1132 : (vector<16xf32>, vector<16xf32>, vector<16xi1>) -> (vector<16xi1>, vector<16xf32>, vector<16xf32>)
      %parallel_loop3A_1136 = arith.constant 3 : i32
      %parallel_loop3A_1137 = arith.addi %parallel_loop3A_13, %parallel_loop3A_1136 : i32
      %parallel_loop3A_1138 = arith.index_cast %parallel_loop3A_1137 : i32 to index
      %parallel_loop3A_1139 = arith.constant 160 : index
      %parallel_loop3A_1140 = tpu.vector_load %arg4[%parallel_loop3A_1138, %parallel_loop3A_1139] {strides = array<i32>} : memref<128x512xf32, #tpu.memory_space<vmem>>, vector<16xf32>,
      %parallel_loop3A_1141 = arith.constant dense<true> : vector<16xi1>
      %parallel_loop3A_1142, %parallel_loop3A_1143, %parallel_loop3A_1144 = tpu.sort %parallel_loop3A_1140, %parallel_loop3A_1140 masked %parallel_loop3A_1141 {descending = true} : (vector<16xf32>, vector<16xf32>, vector<16xi1>) -> (vector<16xi1>, vector<16xf32>, vector<16xf32>)
      %parallel_loop3A_1145 = arith.minimumf %parallel_loop3A_1036, %parallel_loop3A_1143 : vector<16xf32>
      %parallel_loop3A_1146 = arith.constant dense<true> : vector<16xi1>
      %parallel_loop3A_1147, %parallel_loop3A_1148, %parallel_loop3A_1149 = tpu.sort %parallel_loop3A_1145, %parallel_loop3A_1145 masked %parallel_loop3A_1146 : (vector<16xf32>, vector<16xf32>, vector<16xi1>) -> (vector<16xi1>, vector<16xf32>, vector<16xf32>)
      %parallel_loop3A_1150 = arith.constant 4 : i32
      %parallel_loop3A_1151 = arith.addi %parallel_loop3A_13, %parallel_loop3A_1150 : i32
      %parallel_loop3A_1152 = arith.index_cast %parallel_loop3A_1151 : i32 to index
      %parallel_loop3A_1153 = arith.constant 160 : index
      %parallel_loop3A_1154 = tpu.vector_load %arg4[%parallel_loop3A_1152, %parallel_loop3A_1153] {strides = array<i32>} : memref<128x512xf32, #tpu.memory_space<vmem>>, vector<16xf32>,
      %parallel_loop3A_1155 = arith.constant dense<true> : vector<16xi1>
      %parallel_loop3A_1156, %parallel_loop3A_1157, %parallel_loop3A_1158 = tpu.sort %parallel_loop3A_1154, %parallel_loop3A_1154 masked %parallel_loop3A_1155 {descending = true} : (vector<16xf32>, vector<16xf32>, vector<16xi1>) -> (vector<16xi1>, vector<16xf32>, vector<16xf32>)
      %parallel_loop3A_1159 = arith.minimumf %parallel_loop3A_1050, %parallel_loop3A_1157 : vector<16xf32>
      %parallel_loop3A_1160 = arith.constant dense<true> : vector<16xi1>
      %parallel_loop3A_1161, %parallel_loop3A_1162, %parallel_loop3A_1163 = tpu.sort %parallel_loop3A_1159, %parallel_loop3A_1159 masked %parallel_loop3A_1160 : (vector<16xf32>, vector<16xf32>, vector<16xi1>) -> (vector<16xi1>, vector<16xf32>, vector<16xf32>)
      %parallel_loop3A_1164 = arith.constant 5 : i32
      %parallel_loop3A_1165 = arith.addi %parallel_loop3A_13, %parallel_loop3A_1164 : i32
      %parallel_loop3A_1166 = arith.index_cast %parallel_loop3A_1165 : i32 to index
      %parallel_loop3A_1167 = arith.constant 160 : index
      %parallel_loop3A_1168 = tpu.vector_load %arg4[%parallel_loop3A_1166, %parallel_loop3A_1167] {strides = array<i32>} : memref<128x512xf32, #tpu.memory_space<vmem>>, vector<16xf32>,
      %parallel_loop3A_1169 = arith.constant dense<true> : vector<16xi1>
      %parallel_loop3A_1170, %parallel_loop3A_1171, %parallel_loop3A_1172 = tpu.sort %parallel_loop3A_1168, %parallel_loop3A_1168 masked %parallel_loop3A_1169 {descending = true} : (vector<16xf32>, vector<16xf32>, vector<16xi1>) -> (vector<16xi1>, vector<16xf32>, vector<16xf32>)
      %parallel_loop3A_1173 = arith.minimumf %parallel_loop3A_1064, %parallel_loop3A_1171 : vector<16xf32>
      %parallel_loop3A_1174 = arith.constant dense<true> : vector<16xi1>
      %parallel_loop3A_1175, %parallel_loop3A_1176, %parallel_loop3A_1177 = tpu.sort %parallel_loop3A_1173, %parallel_loop3A_1173 masked %parallel_loop3A_1174 : (vector<16xf32>, vector<16xf32>, vector<16xi1>) -> (vector<16xi1>, vector<16xf32>, vector<16xf32>)
      %parallel_loop3A_1178 = arith.constant 6 : i32
      %parallel_loop3A_1179 = arith.addi %parallel_loop3A_13, %parallel_loop3A_1178 : i32
      %parallel_loop3A_1180 = arith.index_cast %parallel_loop3A_1179 : i32 to index
      %parallel_loop3A_1181 = arith.constant 160 : index
      %parallel_loop3A_1182 = tpu.vector_load %arg4[%parallel_loop3A_1180, %parallel_loop3A_1181] {strides = array<i32>} : memref<128x512xf32, #tpu.memory_space<vmem>>, vector<16xf32>,
      %parallel_loop3A_1183 = arith.constant dense<true> : vector<16xi1>
      %parallel_loop3A_1184, %parallel_loop3A_1185, %parallel_loop3A_1186 = tpu.sort %parallel_loop3A_1182, %parallel_loop3A_1182 masked %parallel_loop3A_1183 {descending = true} : (vector<16xf32>, vector<16xf32>, vector<16xi1>) -> (vector<16xi1>, vector<16xf32>, vector<16xf32>)
      %parallel_loop3A_1187 = arith.minimumf %parallel_loop3A_1078, %parallel_loop3A_1185 : vector<16xf32>
      %parallel_loop3A_1188 = arith.constant dense<true> : vector<16xi1>
      %parallel_loop3A_1189, %parallel_loop3A_1190, %parallel_loop3A_1191 = tpu.sort %parallel_loop3A_1187, %parallel_loop3A_1187 masked %parallel_loop3A_1188 : (vector<16xf32>, vector<16xf32>, vector<16xi1>) -> (vector<16xi1>, vector<16xf32>, vector<16xf32>)
      %parallel_loop3A_1192 = arith.constant 7 : i32
      %parallel_loop3A_1193 = arith.addi %parallel_loop3A_13, %parallel_loop3A_1192 : i32
      %parallel_loop3A_1194 = arith.index_cast %parallel_loop3A_1193 : i32 to index
      %parallel_loop3A_1195 = arith.constant 160 : index
      %parallel_loop3A_1196 = tpu.vector_load %arg4[%parallel_loop3A_1194, %parallel_loop3A_1195] {strides = array<i32>} : memref<128x512xf32, #tpu.memory_space<vmem>>, vector<16xf32>,
      %parallel_loop3A_1197 = arith.constant dense<true> : vector<16xi1>
      %parallel_loop3A_1198, %parallel_loop3A_1199, %parallel_loop3A_1200 = tpu.sort %parallel_loop3A_1196, %parallel_loop3A_1196 masked %parallel_loop3A_1197 {descending = true} : (vector<16xf32>, vector<16xf32>, vector<16xi1>) -> (vector<16xi1>, vector<16xf32>, vector<16xf32>)
      %parallel_loop3A_1201 = arith.minimumf %parallel_loop3A_1092, %parallel_loop3A_1199 : vector<16xf32>
      %parallel_loop3A_1202 = arith.constant dense<true> : vector<16xi1>
      %parallel_loop3A_1203, %parallel_loop3A_1204, %parallel_loop3A_1205 = tpu.sort %parallel_loop3A_1201, %parallel_loop3A_1201 masked %parallel_loop3A_1202 : (vector<16xf32>, vector<16xf32>, vector<16xi1>) -> (vector<16xi1>, vector<16xf32>, vector<16xf32>)
      %parallel_loop3A_1206 = arith.constant 0 : i32
      %parallel_loop3A_1207 = arith.addi %parallel_loop3A_13, %parallel_loop3A_1206 : i32
      %parallel_loop3A_1208 = arith.index_cast %parallel_loop3A_1207 : i32 to index
      %parallel_loop3A_1209 = arith.constant 176 : index
      %parallel_loop3A_1210 = tpu.vector_load %arg4[%parallel_loop3A_1208, %parallel_loop3A_1209] {strides = array<i32>} : memref<128x512xf32, #tpu.memory_space<vmem>>, vector<16xf32>,
      %parallel_loop3A_1211 = arith.constant dense<true> : vector<16xi1>
      %parallel_loop3A_1212, %parallel_loop3A_1213, %parallel_loop3A_1214 = tpu.sort %parallel_loop3A_1210, %parallel_loop3A_1210 masked %parallel_loop3A_1211 {descending = true} : (vector<16xf32>, vector<16xf32>, vector<16xi1>) -> (vector<16xi1>, vector<16xf32>, vector<16xf32>)
      %parallel_loop3A_1215 = arith.minimumf %parallel_loop3A_1106, %parallel_loop3A_1213 : vector<16xf32>
      %parallel_loop3A_1216 = arith.constant dense<true> : vector<16xi1>
      %parallel_loop3A_1217, %parallel_loop3A_1218, %parallel_loop3A_1219 = tpu.sort %parallel_loop3A_1215, %parallel_loop3A_1215 masked %parallel_loop3A_1216 : (vector<16xf32>, vector<16xf32>, vector<16xi1>) -> (vector<16xi1>, vector<16xf32>, vector<16xf32>)
      %parallel_loop3A_1220 = arith.constant 1 : i32
      %parallel_loop3A_1221 = arith.addi %parallel_loop3A_13, %parallel_loop3A_1220 : i32
      %parallel_loop3A_1222 = arith.index_cast %parallel_loop3A_1221 : i32 to index
      %parallel_loop3A_1223 = arith.constant 176 : index
      %parallel_loop3A_1224 = tpu.vector_load %arg4[%parallel_loop3A_1222, %parallel_loop3A_1223] {strides = array<i32>} : memref<128x512xf32, #tpu.memory_space<vmem>>, vector<16xf32>,
      %parallel_loop3A_1225 = arith.constant dense<true> : vector<16xi1>
      %parallel_loop3A_1226, %parallel_loop3A_1227, %parallel_loop3A_1228 = tpu.sort %parallel_loop3A_1224, %parallel_loop3A_1224 masked %parallel_loop3A_1225 {descending = true} : (vector<16xf32>, vector<16xf32>, vector<16xi1>) -> (vector<16xi1>, vector<16xf32>, vector<16xf32>)
      %parallel_loop3A_1229 = arith.minimumf %parallel_loop3A_1120, %parallel_loop3A_1227 : vector<16xf32>
      %parallel_loop3A_1230 = arith.constant dense<true> : vector<16xi1>
      %parallel_loop3A_1231, %parallel_loop3A_1232, %parallel_loop3A_1233 = tpu.sort %parallel_loop3A_1229, %parallel_loop3A_1229 masked %parallel_loop3A_1230 : (vector<16xf32>, vector<16xf32>, vector<16xi1>) -> (vector<16xi1>, vector<16xf32>, vector<16xf32>)
      %parallel_loop3A_1234 = arith.constant 2 : i32
      %parallel_loop3A_1235 = arith.addi %parallel_loop3A_13, %parallel_loop3A_1234 : i32
      %parallel_loop3A_1236 = arith.index_cast %parallel_loop3A_1235 : i32 to index
      %parallel_loop3A_1237 = arith.constant 176 : index
      %parallel_loop3A_1238 = tpu.vector_load %arg4[%parallel_loop3A_1236, %parallel_loop3A_1237] {strides = array<i32>} : memref<128x512xf32, #tpu.memory_space<vmem>>, vector<16xf32>,
      %parallel_loop3A_1239 = arith.constant dense<true> : vector<16xi1>
      %parallel_loop3A_1240, %parallel_loop3A_1241, %parallel_loop3A_1242 = tpu.sort %parallel_loop3A_1238, %parallel_loop3A_1238 masked %parallel_loop3A_1239 {descending = true} : (vector<16xf32>, vector<16xf32>, vector<16xi1>) -> (vector<16xi1>, vector<16xf32>, vector<16xf32>)
      %parallel_loop3A_1243 = arith.minimumf %parallel_loop3A_1134, %parallel_loop3A_1241 : vector<16xf32>
      %parallel_loop3A_1244 = arith.constant dense<true> : vector<16xi1>
      %parallel_loop3A_1245, %parallel_loop3A_1246, %parallel_loop3A_1247 = tpu.sort %parallel_loop3A_1243, %parallel_loop3A_1243 masked %parallel_loop3A_1244 : (vector<16xf32>, vector<16xf32>, vector<16xi1>) -> (vector<16xi1>, vector<16xf32>, vector<16xf32>)
      %parallel_loop3A_1248 = arith.constant 3 : i32
      %parallel_loop3A_1249 = arith.addi %parallel_loop3A_13, %parallel_loop3A_1248 : i32
      %parallel_loop3A_1250 = arith.index_cast %parallel_loop3A_1249 : i32 to index
      %parallel_loop3A_1251 = arith.constant 176 : index
      %parallel_loop3A_1252 = tpu.vector_load %arg4[%parallel_loop3A_1250, %parallel_loop3A_1251] {strides = array<i32>} : memref<128x512xf32, #tpu.memory_space<vmem>>, vector<16xf32>,
      %parallel_loop3A_1253 = arith.constant dense<true> : vector<16xi1>
      %parallel_loop3A_1254, %parallel_loop3A_1255, %parallel_loop3A_1256 = tpu.sort %parallel_loop3A_1252, %parallel_loop3A_1252 masked %parallel_loop3A_1253 {descending = true} : (vector<16xf32>, vector<16xf32>, vector<16xi1>) -> (vector<16xi1>, vector<16xf32>, vector<16xf32>)
      %parallel_loop3A_1257 = arith.minimumf %parallel_loop3A_1148, %parallel_loop3A_1255 : vector<16xf32>
      %parallel_loop3A_1258 = arith.constant dense<true> : vector<16xi1>
      %parallel_loop3A_1259, %parallel_loop3A_1260, %parallel_loop3A_1261 = tpu.sort %parallel_loop3A_1257, %parallel_loop3A_1257 masked %parallel_loop3A_1258 : (vector<16xf32>, vector<16xf32>, vector<16xi1>) -> (vector<16xi1>, vector<16xf32>, vector<16xf32>)
      %parallel_loop3A_1262 = arith.constant 4 : i32
      %parallel_loop3A_1263 = arith.addi %parallel_loop3A_13, %parallel_loop3A_1262 : i32
      %parallel_loop3A_1264 = arith.index_cast %parallel_loop3A_1263 : i32 to index
      %parallel_loop3A_1265 = arith.constant 176 : index
      %parallel_loop3A_1266 = tpu.vector_load %arg4[%parallel_loop3A_1264, %parallel_loop3A_1265] {strides = array<i32>} : memref<128x512xf32, #tpu.memory_space<vmem>>, vector<16xf32>,
      %parallel_loop3A_1267 = arith.constant dense<true> : vector<16xi1>
      %parallel_loop3A_1268, %parallel_loop3A_1269, %parallel_loop3A_1270 = tpu.sort %parallel_loop3A_1266, %parallel_loop3A_1266 masked %parallel_loop3A_1267 {descending = true} : (vector<16xf32>, vector<16xf32>, vector<16xi1>) -> (vector<16xi1>, vector<16xf32>, vector<16xf32>)
      %parallel_loop3A_1271 = arith.minimumf %parallel_loop3A_1162, %parallel_loop3A_1269 : vector<16xf32>
      %parallel_loop3A_1272 = arith.constant dense<true> : vector<16xi1>
      %parallel_loop3A_1273, %parallel_loop3A_1274, %parallel_loop3A_1275 = tpu.sort %parallel_loop3A_1271, %parallel_loop3A_1271 masked %parallel_loop3A_1272 : (vector<16xf32>, vector<16xf32>, vector<16xi1>) -> (vector<16xi1>, vector<16xf32>, vector<16xf32>)
      %parallel_loop3A_1276 = arith.constant 5 : i32
      %parallel_loop3A_1277 = arith.addi %parallel_loop3A_13, %parallel_loop3A_1276 : i32
      %parallel_loop3A_1278 = arith.index_cast %parallel_loop3A_1277 : i32 to index
      %parallel_loop3A_1279 = arith.constant 176 : index
      %parallel_loop3A_1280 = tpu.vector_load %arg4[%parallel_loop3A_1278, %parallel_loop3A_1279] {strides = array<i32>} : memref<128x512xf32, #tpu.memory_space<vmem>>, vector<16xf32>,
      %parallel_loop3A_1281 = arith.constant dense<true> : vector<16xi1>
      %parallel_loop3A_1282, %parallel_loop3A_1283, %parallel_loop3A_1284 = tpu.sort %parallel_loop3A_1280, %parallel_loop3A_1280 masked %parallel_loop3A_1281 {descending = true} : (vector<16xf32>, vector<16xf32>, vector<16xi1>) -> (vector<16xi1>, vector<16xf32>, vector<16xf32>)
      %parallel_loop3A_1285 = arith.minimumf %parallel_loop3A_1176, %parallel_loop3A_1283 : vector<16xf32>
      %parallel_loop3A_1286 = arith.constant dense<true> : vector<16xi1>
      %parallel_loop3A_1287, %parallel_loop3A_1288, %parallel_loop3A_1289 = tpu.sort %parallel_loop3A_1285, %parallel_loop3A_1285 masked %parallel_loop3A_1286 : (vector<16xf32>, vector<16xf32>, vector<16xi1>) -> (vector<16xi1>, vector<16xf32>, vector<16xf32>)
      %parallel_loop3A_1290 = arith.constant 6 : i32
      %parallel_loop3A_1291 = arith.addi %parallel_loop3A_13, %parallel_loop3A_1290 : i32
      %parallel_loop3A_1292 = arith.index_cast %parallel_loop3A_1291 : i32 to index
      %parallel_loop3A_1293 = arith.constant 176 : index
      %parallel_loop3A_1294 = tpu.vector_load %arg4[%parallel_loop3A_1292, %parallel_loop3A_1293] {strides = array<i32>} : memref<128x512xf32, #tpu.memory_space<vmem>>, vector<16xf32>,
      %parallel_loop3A_1295 = arith.constant dense<true> : vector<16xi1>
      %parallel_loop3A_1296, %parallel_loop3A_1297, %parallel_loop3A_1298 = tpu.sort %parallel_loop3A_1294, %parallel_loop3A_1294 masked %parallel_loop3A_1295 {descending = true} : (vector<16xf32>, vector<16xf32>, vector<16xi1>) -> (vector<16xi1>, vector<16xf32>, vector<16xf32>)
      %parallel_loop3A_1299 = arith.minimumf %parallel_loop3A_1190, %parallel_loop3A_1297 : vector<16xf32>
      %parallel_loop3A_1300 = arith.constant dense<true> : vector<16xi1>
      %parallel_loop3A_1301, %parallel_loop3A_1302, %parallel_loop3A_1303 = tpu.sort %parallel_loop3A_1299, %parallel_loop3A_1299 masked %parallel_loop3A_1300 : (vector<16xf32>, vector<16xf32>, vector<16xi1>) -> (vector<16xi1>, vector<16xf32>, vector<16xf32>)
      %parallel_loop3A_1304 = arith.constant 7 : i32
      %parallel_loop3A_1305 = arith.addi %parallel_loop3A_13, %parallel_loop3A_1304 : i32
      %parallel_loop3A_1306 = arith.index_cast %parallel_loop3A_1305 : i32 to index
      %parallel_loop3A_1307 = arith.constant 176 : index
      %parallel_loop3A_1308 = tpu.vector_load %arg4[%parallel_loop3A_1306, %parallel_loop3A_1307] {strides = array<i32>} : memref<128x512xf32, #tpu.memory_space<vmem>>, vector<16xf32>,
      %parallel_loop3A_1309 = arith.constant dense<true> : vector<16xi1>
      %parallel_loop3A_1310, %parallel_loop3A_1311, %parallel_loop3A_1312 = tpu.sort %parallel_loop3A_1308, %parallel_loop3A_1308 masked %parallel_loop3A_1309 {descending = true} : (vector<16xf32>, vector<16xf32>, vector<16xi1>) -> (vector<16xi1>, vector<16xf32>, vector<16xf32>)
      %parallel_loop3A_1313 = arith.minimumf %parallel_loop3A_1204, %parallel_loop3A_1311 : vector<16xf32>
      %parallel_loop3A_1314 = arith.constant dense<true> : vector<16xi1>
      %parallel_loop3A_1315, %parallel_loop3A_1316, %parallel_loop3A_1317 = tpu.sort %parallel_loop3A_1313, %parallel_loop3A_1313 masked %parallel_loop3A_1314 : (vector<16xf32>, vector<16xf32>, vector<16xi1>) -> (vector<16xi1>, vector<16xf32>, vector<16xf32>)
      %parallel_loop3A_1318 = arith.constant 0 : i32
      %parallel_loop3A_1319 = arith.addi %parallel_loop3A_13, %parallel_loop3A_1318 : i32
      %parallel_loop3A_1320 = arith.index_cast %parallel_loop3A_1319 : i32 to index
      %parallel_loop3A_1321 = arith.constant 192 : index
      %parallel_loop3A_1322 = tpu.vector_load %arg4[%parallel_loop3A_1320, %parallel_loop3A_1321] {strides = array<i32>} : memref<128x512xf32, #tpu.memory_space<vmem>>, vector<16xf32>,
      %parallel_loop3A_1323 = arith.constant dense<true> : vector<16xi1>
      %parallel_loop3A_1324, %parallel_loop3A_1325, %parallel_loop3A_1326 = tpu.sort %parallel_loop3A_1322, %parallel_loop3A_1322 masked %parallel_loop3A_1323 {descending = true} : (vector<16xf32>, vector<16xf32>, vector<16xi1>) -> (vector<16xi1>, vector<16xf32>, vector<16xf32>)
      %parallel_loop3A_1327 = arith.minimumf %parallel_loop3A_1218, %parallel_loop3A_1325 : vector<16xf32>
      %parallel_loop3A_1328 = arith.constant dense<true> : vector<16xi1>
      %parallel_loop3A_1329, %parallel_loop3A_1330, %parallel_loop3A_1331 = tpu.sort %parallel_loop3A_1327, %parallel_loop3A_1327 masked %parallel_loop3A_1328 : (vector<16xf32>, vector<16xf32>, vector<16xi1>) -> (vector<16xi1>, vector<16xf32>, vector<16xf32>)
      %parallel_loop3A_1332 = arith.constant 1 : i32
      %parallel_loop3A_1333 = arith.addi %parallel_loop3A_13, %parallel_loop3A_1332 : i32
      %parallel_loop3A_1334 = arith.index_cast %parallel_loop3A_1333 : i32 to index
      %parallel_loop3A_1335 = arith.constant 192 : index
      %parallel_loop3A_1336 = tpu.vector_load %arg4[%parallel_loop3A_1334, %parallel_loop3A_1335] {strides = array<i32>} : memref<128x512xf32, #tpu.memory_space<vmem>>, vector<16xf32>,
      %parallel_loop3A_1337 = arith.constant dense<true> : vector<16xi1>
      %parallel_loop3A_1338, %parallel_loop3A_1339, %parallel_loop3A_1340 = tpu.sort %parallel_loop3A_1336, %parallel_loop3A_1336 masked %parallel_loop3A_1337 {descending = true} : (vector<16xf32>, vector<16xf32>, vector<16xi1>) -> (vector<16xi1>, vector<16xf32>, vector<16xf32>)
      %parallel_loop3A_1341 = arith.minimumf %parallel_loop3A_1232, %parallel_loop3A_1339 : vector<16xf32>
      %parallel_loop3A_1342 = arith.constant dense<true> : vector<16xi1>
      %parallel_loop3A_1343, %parallel_loop3A_1344, %parallel_loop3A_1345 = tpu.sort %parallel_loop3A_1341, %parallel_loop3A_1341 masked %parallel_loop3A_1342 : (vector<16xf32>, vector<16xf32>, vector<16xi1>) -> (vector<16xi1>, vector<16xf32>, vector<16xf32>)
      %parallel_loop3A_1346 = arith.constant 2 : i32
      %parallel_loop3A_1347 = arith.addi %parallel_loop3A_13, %parallel_loop3A_1346 : i32
      %parallel_loop3A_1348 = arith.index_cast %parallel_loop3A_1347 : i32 to index
      %parallel_loop3A_1349 = arith.constant 192 : index
      %parallel_loop3A_1350 = tpu.vector_load %arg4[%parallel_loop3A_1348, %parallel_loop3A_1349] {strides = array<i32>} : memref<128x512xf32, #tpu.memory_space<vmem>>, vector<16xf32>,
      %parallel_loop3A_1351 = arith.constant dense<true> : vector<16xi1>
      %parallel_loop3A_1352, %parallel_loop3A_1353, %parallel_loop3A_1354 = tpu.sort %parallel_loop3A_1350, %parallel_loop3A_1350 masked %parallel_loop3A_1351 {descending = true} : (vector<16xf32>, vector<16xf32>, vector<16xi1>) -> (vector<16xi1>, vector<16xf32>, vector<16xf32>)
      %parallel_loop3A_1355 = arith.minimumf %parallel_loop3A_1246, %parallel_loop3A_1353 : vector<16xf32>
      %parallel_loop3A_1356 = arith.constant dense<true> : vector<16xi1>
      %parallel_loop3A_1357, %parallel_loop3A_1358, %parallel_loop3A_1359 = tpu.sort %parallel_loop3A_1355, %parallel_loop3A_1355 masked %parallel_loop3A_1356 : (vector<16xf32>, vector<16xf32>, vector<16xi1>) -> (vector<16xi1>, vector<16xf32>, vector<16xf32>)
      %parallel_loop3A_1360 = arith.constant 3 : i32
      %parallel_loop3A_1361 = arith.addi %parallel_loop3A_13, %parallel_loop3A_1360 : i32
      %parallel_loop3A_1362 = arith.index_cast %parallel_loop3A_1361 : i32 to index
      %parallel_loop3A_1363 = arith.constant 192 : index
      %parallel_loop3A_1364 = tpu.vector_load %arg4[%parallel_loop3A_1362, %parallel_loop3A_1363] {strides = array<i32>} : memref<128x512xf32, #tpu.memory_space<vmem>>, vector<16xf32>,
      %parallel_loop3A_1365 = arith.constant dense<true> : vector<16xi1>
      %parallel_loop3A_1366, %parallel_loop3A_1367, %parallel_loop3A_1368 = tpu.sort %parallel_loop3A_1364, %parallel_loop3A_1364 masked %parallel_loop3A_1365 {descending = true} : (vector<16xf32>, vector<16xf32>, vector<16xi1>) -> (vector<16xi1>, vector<16xf32>, vector<16xf32>)
      %parallel_loop3A_1369 = arith.minimumf %parallel_loop3A_1260, %parallel_loop3A_1367 : vector<16xf32>
      %parallel_loop3A_1370 = arith.constant dense<true> : vector<16xi1>
      %parallel_loop3A_1371, %parallel_loop3A_1372, %parallel_loop3A_1373 = tpu.sort %parallel_loop3A_1369, %parallel_loop3A_1369 masked %parallel_loop3A_1370 : (vector<16xf32>, vector<16xf32>, vector<16xi1>) -> (vector<16xi1>, vector<16xf32>, vector<16xf32>)
      %parallel_loop3A_1374 = arith.constant 4 : i32
      %parallel_loop3A_1375 = arith.addi %parallel_loop3A_13, %parallel_loop3A_1374 : i32
      %parallel_loop3A_1376 = arith.index_cast %parallel_loop3A_1375 : i32 to index
      %parallel_loop3A_1377 = arith.constant 192 : index
      %parallel_loop3A_1378 = tpu.vector_load %arg4[%parallel_loop3A_1376, %parallel_loop3A_1377] {strides = array<i32>} : memref<128x512xf32, #tpu.memory_space<vmem>>, vector<16xf32>,
      %parallel_loop3A_1379 = arith.constant dense<true> : vector<16xi1>
      %parallel_loop3A_1380, %parallel_loop3A_1381, %parallel_loop3A_1382 = tpu.sort %parallel_loop3A_1378, %parallel_loop3A_1378 masked %parallel_loop3A_1379 {descending = true} : (vector<16xf32>, vector<16xf32>, vector<16xi1>) -> (vector<16xi1>, vector<16xf32>, vector<16xf32>)
      %parallel_loop3A_1383 = arith.minimumf %parallel_loop3A_1274, %parallel_loop3A_1381 : vector<16xf32>
      %parallel_loop3A_1384 = arith.constant dense<true> : vector<16xi1>
      %parallel_loop3A_1385, %parallel_loop3A_1386, %parallel_loop3A_1387 = tpu.sort %parallel_loop3A_1383, %parallel_loop3A_1383 masked %parallel_loop3A_1384 : (vector<16xf32>, vector<16xf32>, vector<16xi1>) -> (vector<16xi1>, vector<16xf32>, vector<16xf32>)
      %parallel_loop3A_1388 = arith.constant 5 : i32
      %parallel_loop3A_1389 = arith.addi %parallel_loop3A_13, %parallel_loop3A_1388 : i32
      %parallel_loop3A_1390 = arith.index_cast %parallel_loop3A_1389 : i32 to index
      %parallel_loop3A_1391 = arith.constant 192 : index
      %parallel_loop3A_1392 = tpu.vector_load %arg4[%parallel_loop3A_1390, %parallel_loop3A_1391] {strides = array<i32>} : memref<128x512xf32, #tpu.memory_space<vmem>>, vector<16xf32>,
      %parallel_loop3A_1393 = arith.constant dense<true> : vector<16xi1>
      %parallel_loop3A_1394, %parallel_loop3A_1395, %parallel_loop3A_1396 = tpu.sort %parallel_loop3A_1392, %parallel_loop3A_1392 masked %parallel_loop3A_1393 {descending = true} : (vector<16xf32>, vector<16xf32>, vector<16xi1>) -> (vector<16xi1>, vector<16xf32>, vector<16xf32>)
      %parallel_loop3A_1397 = arith.minimumf %parallel_loop3A_1288, %parallel_loop3A_1395 : vector<16xf32>
      %parallel_loop3A_1398 = arith.constant dense<true> : vector<16xi1>
      %parallel_loop3A_1399, %parallel_loop3A_1400, %parallel_loop3A_1401 = tpu.sort %parallel_loop3A_1397, %parallel_loop3A_1397 masked %parallel_loop3A_1398 : (vector<16xf32>, vector<16xf32>, vector<16xi1>) -> (vector<16xi1>, vector<16xf32>, vector<16xf32>)
      %parallel_loop3A_1402 = arith.constant 6 : i32
      %parallel_loop3A_1403 = arith.addi %parallel_loop3A_13, %parallel_loop3A_1402 : i32
      %parallel_loop3A_1404 = arith.index_cast %parallel_loop3A_1403 : i32 to index
      %parallel_loop3A_1405 = arith.constant 192 : index
      %parallel_loop3A_1406 = tpu.vector_load %arg4[%parallel_loop3A_1404, %parallel_loop3A_1405] {strides = array<i32>} : memref<128x512xf32, #tpu.memory_space<vmem>>, vector<16xf32>,
      %parallel_loop3A_1407 = arith.constant dense<true> : vector<16xi1>
      %parallel_loop3A_1408, %parallel_loop3A_1409, %parallel_loop3A_1410 = tpu.sort %parallel_loop3A_1406, %parallel_loop3A_1406 masked %parallel_loop3A_1407 {descending = true} : (vector<16xf32>, vector<16xf32>, vector<16xi1>) -> (vector<16xi1>, vector<16xf32>, vector<16xf32>)
      %parallel_loop3A_1411 = arith.minimumf %parallel_loop3A_1302, %parallel_loop3A_1409 : vector<16xf32>
      %parallel_loop3A_1412 = arith.constant dense<true> : vector<16xi1>
      %parallel_loop3A_1413, %parallel_loop3A_1414, %parallel_loop3A_1415 = tpu.sort %parallel_loop3A_1411, %parallel_loop3A_1411 masked %parallel_loop3A_1412 : (vector<16xf32>, vector<16xf32>, vector<16xi1>) -> (vector<16xi1>, vector<16xf32>, vector<16xf32>)
      %parallel_loop3A_1416 = arith.constant 7 : i32
      %parallel_loop3A_1417 = arith.addi %parallel_loop3A_13, %parallel_loop3A_1416 : i32
      %parallel_loop3A_1418 = arith.index_cast %parallel_loop3A_1417 : i32 to index
      %parallel_loop3A_1419 = arith.constant 192 : index
      %parallel_loop3A_1420 = tpu.vector_load %arg4[%parallel_loop3A_1418, %parallel_loop3A_1419] {strides = array<i32>} : memref<128x512xf32, #tpu.memory_space<vmem>>, vector<16xf32>,
      %parallel_loop3A_1421 = arith.constant dense<true> : vector<16xi1>
      %parallel_loop3A_1422, %parallel_loop3A_1423, %parallel_loop3A_1424 = tpu.sort %parallel_loop3A_1420, %parallel_loop3A_1420 masked %parallel_loop3A_1421 {descending = true} : (vector<16xf32>, vector<16xf32>, vector<16xi1>) -> (vector<16xi1>, vector<16xf32>, vector<16xf32>)
      %parallel_loop3A_1425 = arith.minimumf %parallel_loop3A_1316, %parallel_loop3A_1423 : vector<16xf32>
      %parallel_loop3A_1426 = arith.constant dense<true> : vector<16xi1>
      %parallel_loop3A_1427, %parallel_loop3A_1428, %parallel_loop3A_1429 = tpu.sort %parallel_loop3A_1425, %parallel_loop3A_1425 masked %parallel_loop3A_1426 : (vector<16xf32>, vector<16xf32>, vector<16xi1>) -> (vector<16xi1>, vector<16xf32>, vector<16xf32>)
      %parallel_loop3A_1430 = arith.constant 0 : i32
      %parallel_loop3A_1431 = arith.addi %parallel_loop3A_13, %parallel_loop3A_1430 : i32
      %parallel_loop3A_1432 = arith.index_cast %parallel_loop3A_1431 : i32 to index
      %parallel_loop3A_1433 = arith.constant 208 : index
      %parallel_loop3A_1434 = tpu.vector_load %arg4[%parallel_loop3A_1432, %parallel_loop3A_1433] {strides = array<i32>} : memref<128x512xf32, #tpu.memory_space<vmem>>, vector<16xf32>,
      %parallel_loop3A_1435 = arith.constant dense<true> : vector<16xi1>
      %parallel_loop3A_1436, %parallel_loop3A_1437, %parallel_loop3A_1438 = tpu.sort %parallel_loop3A_1434, %parallel_loop3A_1434 masked %parallel_loop3A_1435 {descending = true} : (vector<16xf32>, vector<16xf32>, vector<16xi1>) -> (vector<16xi1>, vector<16xf32>, vector<16xf32>)
      %parallel_loop3A_1439 = arith.minimumf %parallel_loop3A_1330, %parallel_loop3A_1437 : vector<16xf32>
      %parallel_loop3A_1440 = arith.constant dense<true> : vector<16xi1>
      %parallel_loop3A_1441, %parallel_loop3A_1442, %parallel_loop3A_1443 = tpu.sort %parallel_loop3A_1439, %parallel_loop3A_1439 masked %parallel_loop3A_1440 : (vector<16xf32>, vector<16xf32>, vector<16xi1>) -> (vector<16xi1>, vector<16xf32>, vector<16xf32>)
      %parallel_loop3A_1444 = arith.constant 1 : i32
      %parallel_loop3A_1445 = arith.addi %parallel_loop3A_13, %parallel_loop3A_1444 : i32
      %parallel_loop3A_1446 = arith.index_cast %parallel_loop3A_1445 : i32 to index
      %parallel_loop3A_1447 = arith.constant 208 : index
      %parallel_loop3A_1448 = tpu.vector_load %arg4[%parallel_loop3A_1446, %parallel_loop3A_1447] {strides = array<i32>} : memref<128x512xf32, #tpu.memory_space<vmem>>, vector<16xf32>,
      %parallel_loop3A_1449 = arith.constant dense<true> : vector<16xi1>
      %parallel_loop3A_1450, %parallel_loop3A_1451, %parallel_loop3A_1452 = tpu.sort %parallel_loop3A_1448, %parallel_loop3A_1448 masked %parallel_loop3A_1449 {descending = true} : (vector<16xf32>, vector<16xf32>, vector<16xi1>) -> (vector<16xi1>, vector<16xf32>, vector<16xf32>)
      %parallel_loop3A_1453 = arith.minimumf %parallel_loop3A_1344, %parallel_loop3A_1451 : vector<16xf32>
      %parallel_loop3A_1454 = arith.constant dense<true> : vector<16xi1>
      %parallel_loop3A_1455, %parallel_loop3A_1456, %parallel_loop3A_1457 = tpu.sort %parallel_loop3A_1453, %parallel_loop3A_1453 masked %parallel_loop3A_1454 : (vector<16xf32>, vector<16xf32>, vector<16xi1>) -> (vector<16xi1>, vector<16xf32>, vector<16xf32>)
      %parallel_loop3A_1458 = arith.constant 2 : i32
      %parallel_loop3A_1459 = arith.addi %parallel_loop3A_13, %parallel_loop3A_1458 : i32
      %parallel_loop3A_1460 = arith.index_cast %parallel_loop3A_1459 : i32 to index
      %parallel_loop3A_1461 = arith.constant 208 : index
      %parallel_loop3A_1462 = tpu.vector_load %arg4[%parallel_loop3A_1460, %parallel_loop3A_1461] {strides = array<i32>} : memref<128x512xf32, #tpu.memory_space<vmem>>, vector<16xf32>,
      %parallel_loop3A_1463 = arith.constant dense<true> : vector<16xi1>
      %parallel_loop3A_1464, %parallel_loop3A_1465, %parallel_loop3A_1466 = tpu.sort %parallel_loop3A_1462, %parallel_loop3A_1462 masked %parallel_loop3A_1463 {descending = true} : (vector<16xf32>, vector<16xf32>, vector<16xi1>) -> (vector<16xi1>, vector<16xf32>, vector<16xf32>)
      %parallel_loop3A_1467 = arith.minimumf %parallel_loop3A_1358, %parallel_loop3A_1465 : vector<16xf32>
      %parallel_loop3A_1468 = arith.constant dense<true> : vector<16xi1>
      %parallel_loop3A_1469, %parallel_loop3A_1470, %parallel_loop3A_1471 = tpu.sort %parallel_loop3A_1467, %parallel_loop3A_1467 masked %parallel_loop3A_1468 : (vector<16xf32>, vector<16xf32>, vector<16xi1>) -> (vector<16xi1>, vector<16xf32>, vector<16xf32>)
      %parallel_loop3A_1472 = arith.constant 3 : i32
      %parallel_loop3A_1473 = arith.addi %parallel_loop3A_13, %parallel_loop3A_1472 : i32
      %parallel_loop3A_1474 = arith.index_cast %parallel_loop3A_1473 : i32 to index
      %parallel_loop3A_1475 = arith.constant 208 : index
      %parallel_loop3A_1476 = tpu.vector_load %arg4[%parallel_loop3A_1474, %parallel_loop3A_1475] {strides = array<i32>} : memref<128x512xf32, #tpu.memory_space<vmem>>, vector<16xf32>,
      %parallel_loop3A_1477 = arith.constant dense<true> : vector<16xi1>
      %parallel_loop3A_1478, %parallel_loop3A_1479, %parallel_loop3A_1480 = tpu.sort %parallel_loop3A_1476, %parallel_loop3A_1476 masked %parallel_loop3A_1477 {descending = true} : (vector<16xf32>, vector<16xf32>, vector<16xi1>) -> (vector<16xi1>, vector<16xf32>, vector<16xf32>)
      %parallel_loop3A_1481 = arith.minimumf %parallel_loop3A_1372, %parallel_loop3A_1479 : vector<16xf32>
      %parallel_loop3A_1482 = arith.constant dense<true> : vector<16xi1>
      %parallel_loop3A_1483, %parallel_loop3A_1484, %parallel_loop3A_1485 = tpu.sort %parallel_loop3A_1481, %parallel_loop3A_1481 masked %parallel_loop3A_1482 : (vector<16xf32>, vector<16xf32>, vector<16xi1>) -> (vector<16xi1>, vector<16xf32>, vector<16xf32>)
      %parallel_loop3A_1486 = arith.constant 4 : i32
      %parallel_loop3A_1487 = arith.addi %parallel_loop3A_13, %parallel_loop3A_1486 : i32
      %parallel_loop3A_1488 = arith.index_cast %parallel_loop3A_1487 : i32 to index
      %parallel_loop3A_1489 = arith.constant 208 : index
      %parallel_loop3A_1490 = tpu.vector_load %arg4[%parallel_loop3A_1488, %parallel_loop3A_1489] {strides = array<i32>} : memref<128x512xf32, #tpu.memory_space<vmem>>, vector<16xf32>,
      %parallel_loop3A_1491 = arith.constant dense<true> : vector<16xi1>
      %parallel_loop3A_1492, %parallel_loop3A_1493, %parallel_loop3A_1494 = tpu.sort %parallel_loop3A_1490, %parallel_loop3A_1490 masked %parallel_loop3A_1491 {descending = true} : (vector<16xf32>, vector<16xf32>, vector<16xi1>) -> (vector<16xi1>, vector<16xf32>, vector<16xf32>)
      %parallel_loop3A_1495 = arith.minimumf %parallel_loop3A_1386, %parallel_loop3A_1493 : vector<16xf32>
      %parallel_loop3A_1496 = arith.constant dense<true> : vector<16xi1>
      %parallel_loop3A_1497, %parallel_loop3A_1498, %parallel_loop3A_1499 = tpu.sort %parallel_loop3A_1495, %parallel_loop3A_1495 masked %parallel_loop3A_1496 : (vector<16xf32>, vector<16xf32>, vector<16xi1>) -> (vector<16xi1>, vector<16xf32>, vector<16xf32>)
      %parallel_loop3A_1500 = arith.constant 5 : i32
      %parallel_loop3A_1501 = arith.addi %parallel_loop3A_13, %parallel_loop3A_1500 : i32
      %parallel_loop3A_1502 = arith.index_cast %parallel_loop3A_1501 : i32 to index
      %parallel_loop3A_1503 = arith.constant 208 : index
      %parallel_loop3A_1504 = tpu.vector_load %arg4[%parallel_loop3A_1502, %parallel_loop3A_1503] {strides = array<i32>} : memref<128x512xf32, #tpu.memory_space<vmem>>, vector<16xf32>,
      %parallel_loop3A_1505 = arith.constant dense<true> : vector<16xi1>
      %parallel_loop3A_1506, %parallel_loop3A_1507, %parallel_loop3A_1508 = tpu.sort %parallel_loop3A_1504, %parallel_loop3A_1504 masked %parallel_loop3A_1505 {descending = true} : (vector<16xf32>, vector<16xf32>, vector<16xi1>) -> (vector<16xi1>, vector<16xf32>, vector<16xf32>)
      %parallel_loop3A_1509 = arith.minimumf %parallel_loop3A_1400, %parallel_loop3A_1507 : vector<16xf32>
      %parallel_loop3A_1510 = arith.constant dense<true> : vector<16xi1>
      %parallel_loop3A_1511, %parallel_loop3A_1512, %parallel_loop3A_1513 = tpu.sort %parallel_loop3A_1509, %parallel_loop3A_1509 masked %parallel_loop3A_1510 : (vector<16xf32>, vector<16xf32>, vector<16xi1>) -> (vector<16xi1>, vector<16xf32>, vector<16xf32>)
      %parallel_loop3A_1514 = arith.constant 6 : i32
      %parallel_loop3A_1515 = arith.addi %parallel_loop3A_13, %parallel_loop3A_1514 : i32
      %parallel_loop3A_1516 = arith.index_cast %parallel_loop3A_1515 : i32 to index
      %parallel_loop3A_1517 = arith.constant 208 : index
      %parallel_loop3A_1518 = tpu.vector_load %arg4[%parallel_loop3A_1516, %parallel_loop3A_1517] {strides = array<i32>} : memref<128x512xf32, #tpu.memory_space<vmem>>, vector<16xf32>,
      %parallel_loop3A_1519 = arith.constant dense<true> : vector<16xi1>
      %parallel_loop3A_1520, %parallel_loop3A_1521, %parallel_loop3A_1522 = tpu.sort %parallel_loop3A_1518, %parallel_loop3A_1518 masked %parallel_loop3A_1519 {descending = true} : (vector<16xf32>, vector<16xf32>, vector<16xi1>) -> (vector<16xi1>, vector<16xf32>, vector<16xf32>)
      %parallel_loop3A_1523 = arith.minimumf %parallel_loop3A_1414, %parallel_loop3A_1521 : vector<16xf32>
      %parallel_loop3A_1524 = arith.constant dense<true> : vector<16xi1>
      %parallel_loop3A_1525, %parallel_loop3A_1526, %parallel_loop3A_1527 = tpu.sort %parallel_loop3A_1523, %parallel_loop3A_1523 masked %parallel_loop3A_1524 : (vector<16xf32>, vector<16xf32>, vector<16xi1>) -> (vector<16xi1>, vector<16xf32>, vector<16xf32>)
      %parallel_loop3A_1528 = arith.constant 7 : i32
      %parallel_loop3A_1529 = arith.addi %parallel_loop3A_13, %parallel_loop3A_1528 : i32
      %parallel_loop3A_1530 = arith.index_cast %parallel_loop3A_1529 : i32 to index
      %parallel_loop3A_1531 = arith.constant 208 : index
      %parallel_loop3A_1532 = tpu.vector_load %arg4[%parallel_loop3A_1530, %parallel_loop3A_1531] {strides = array<i32>} : memref<128x512xf32, #tpu.memory_space<vmem>>, vector<16xf32>,
      %parallel_loop3A_1533 = arith.constant dense<true> : vector<16xi1>
      %parallel_loop3A_1534, %parallel_loop3A_1535, %parallel_loop3A_1536 = tpu.sort %parallel_loop3A_1532, %parallel_loop3A_1532 masked %parallel_loop3A_1533 {descending = true} : (vector<16xf32>, vector<16xf32>, vector<16xi1>) -> (vector<16xi1>, vector<16xf32>, vector<16xf32>)
      %parallel_loop3A_1537 = arith.minimumf %parallel_loop3A_1428, %parallel_loop3A_1535 : vector<16xf32>
      %parallel_loop3A_1538 = arith.constant dense<true> : vector<16xi1>
      %parallel_loop3A_1539, %parallel_loop3A_1540, %parallel_loop3A_1541 = tpu.sort %parallel_loop3A_1537, %parallel_loop3A_1537 masked %parallel_loop3A_1538 : (vector<16xf32>, vector<16xf32>, vector<16xi1>) -> (vector<16xi1>, vector<16xf32>, vector<16xf32>)
      %parallel_loop3A_1542 = arith.constant 0 : i32
      %parallel_loop3A_1543 = arith.addi %parallel_loop3A_13, %parallel_loop3A_1542 : i32
      %parallel_loop3A_1544 = arith.index_cast %parallel_loop3A_1543 : i32 to index
      %parallel_loop3A_1545 = arith.constant 224 : index
      %parallel_loop3A_1546 = tpu.vector_load %arg4[%parallel_loop3A_1544, %parallel_loop3A_1545] {strides = array<i32>} : memref<128x512xf32, #tpu.memory_space<vmem>>, vector<16xf32>,
      %parallel_loop3A_1547 = arith.constant dense<true> : vector<16xi1>
      %parallel_loop3A_1548, %parallel_loop3A_1549, %parallel_loop3A_1550 = tpu.sort %parallel_loop3A_1546, %parallel_loop3A_1546 masked %parallel_loop3A_1547 {descending = true} : (vector<16xf32>, vector<16xf32>, vector<16xi1>) -> (vector<16xi1>, vector<16xf32>, vector<16xf32>)
      %parallel_loop3A_1551 = arith.minimumf %parallel_loop3A_1442, %parallel_loop3A_1549 : vector<16xf32>
      %parallel_loop3A_1552 = arith.constant dense<true> : vector<16xi1>
      %parallel_loop3A_1553, %parallel_loop3A_1554, %parallel_loop3A_1555 = tpu.sort %parallel_loop3A_1551, %parallel_loop3A_1551 masked %parallel_loop3A_1552 : (vector<16xf32>, vector<16xf32>, vector<16xi1>) -> (vector<16xi1>, vector<16xf32>, vector<16xf32>)
      %parallel_loop3A_1556 = arith.constant 1 : i32
      %parallel_loop3A_1557 = arith.addi %parallel_loop3A_13, %parallel_loop3A_1556 : i32
      %parallel_loop3A_1558 = arith.index_cast %parallel_loop3A_1557 : i32 to index
      %parallel_loop3A_1559 = arith.constant 224 : index
      %parallel_loop3A_1560 = tpu.vector_load %arg4[%parallel_loop3A_1558, %parallel_loop3A_1559] {strides = array<i32>} : memref<128x512xf32, #tpu.memory_space<vmem>>, vector<16xf32>,
      %parallel_loop3A_1561 = arith.constant dense<true> : vector<16xi1>
      %parallel_loop3A_1562, %parallel_loop3A_1563, %parallel_loop3A_1564 = tpu.sort %parallel_loop3A_1560, %parallel_loop3A_1560 masked %parallel_loop3A_1561 {descending = true} : (vector<16xf32>, vector<16xf32>, vector<16xi1>) -> (vector<16xi1>, vector<16xf32>, vector<16xf32>)
      %parallel_loop3A_1565 = arith.minimumf %parallel_loop3A_1456, %parallel_loop3A_1563 : vector<16xf32>
      %parallel_loop3A_1566 = arith.constant dense<true> : vector<16xi1>
      %parallel_loop3A_1567, %parallel_loop3A_1568, %parallel_loop3A_1569 = tpu.sort %parallel_loop3A_1565, %parallel_loop3A_1565 masked %parallel_loop3A_1566 : (vector<16xf32>, vector<16xf32>, vector<16xi1>) -> (vector<16xi1>, vector<16xf32>, vector<16xf32>)
      %parallel_loop3A_1570 = arith.constant 2 : i32
      %parallel_loop3A_1571 = arith.addi %parallel_loop3A_13, %parallel_loop3A_1570 : i32
      %parallel_loop3A_1572 = arith.index_cast %parallel_loop3A_1571 : i32 to index
      %parallel_loop3A_1573 = arith.constant 224 : index
      %parallel_loop3A_1574 = tpu.vector_load %arg4[%parallel_loop3A_1572, %parallel_loop3A_1573] {strides = array<i32>} : memref<128x512xf32, #tpu.memory_space<vmem>>, vector<16xf32>,
      %parallel_loop3A_1575 = arith.constant dense<true> : vector<16xi1>
      %parallel_loop3A_1576, %parallel_loop3A_1577, %parallel_loop3A_1578 = tpu.sort %parallel_loop3A_1574, %parallel_loop3A_1574 masked %parallel_loop3A_1575 {descending = true} : (vector<16xf32>, vector<16xf32>, vector<16xi1>) -> (vector<16xi1>, vector<16xf32>, vector<16xf32>)
      %parallel_loop3A_1579 = arith.minimumf %parallel_loop3A_1470, %parallel_loop3A_1577 : vector<16xf32>
      %parallel_loop3A_1580 = arith.constant dense<true> : vector<16xi1>
      %parallel_loop3A_1581, %parallel_loop3A_1582, %parallel_loop3A_1583 = tpu.sort %parallel_loop3A_1579, %parallel_loop3A_1579 masked %parallel_loop3A_1580 : (vector<16xf32>, vector<16xf32>, vector<16xi1>) -> (vector<16xi1>, vector<16xf32>, vector<16xf32>)
      %parallel_loop3A_1584 = arith.constant 3 : i32
      %parallel_loop3A_1585 = arith.addi %parallel_loop3A_13, %parallel_loop3A_1584 : i32
      %parallel_loop3A_1586 = arith.index_cast %parallel_loop3A_1585 : i32 to index
      %parallel_loop3A_1587 = arith.constant 224 : index
      %parallel_loop3A_1588 = tpu.vector_load %arg4[%parallel_loop3A_1586, %parallel_loop3A_1587] {strides = array<i32>} : memref<128x512xf32, #tpu.memory_space<vmem>>, vector<16xf32>,
      %parallel_loop3A_1589 = arith.constant dense<true> : vector<16xi1>
      %parallel_loop3A_1590, %parallel_loop3A_1591, %parallel_loop3A_1592 = tpu.sort %parallel_loop3A_1588, %parallel_loop3A_1588 masked %parallel_loop3A_1589 {descending = true} : (vector<16xf32>, vector<16xf32>, vector<16xi1>) -> (vector<16xi1>, vector<16xf32>, vector<16xf32>)
      %parallel_loop3A_1593 = arith.minimumf %parallel_loop3A_1484, %parallel_loop3A_1591 : vector<16xf32>
      %parallel_loop3A_1594 = arith.constant dense<true> : vector<16xi1>
      %parallel_loop3A_1595, %parallel_loop3A_1596, %parallel_loop3A_1597 = tpu.sort %parallel_loop3A_1593, %parallel_loop3A_1593 masked %parallel_loop3A_1594 : (vector<16xf32>, vector<16xf32>, vector<16xi1>) -> (vector<16xi1>, vector<16xf32>, vector<16xf32>)
      %parallel_loop3A_1598 = arith.constant 4 : i32
      %parallel_loop3A_1599 = arith.addi %parallel_loop3A_13, %parallel_loop3A_1598 : i32
      %parallel_loop3A_1600 = arith.index_cast %parallel_loop3A_1599 : i32 to index
      %parallel_loop3A_1601 = arith.constant 224 : index
      %parallel_loop3A_1602 = tpu.vector_load %arg4[%parallel_loop3A_1600, %parallel_loop3A_1601] {strides = array<i32>} : memref<128x512xf32, #tpu.memory_space<vmem>>, vector<16xf32>,
      %parallel_loop3A_1603 = arith.constant dense<true> : vector<16xi1>
      %parallel_loop3A_1604, %parallel_loop3A_1605, %parallel_loop3A_1606 = tpu.sort %parallel_loop3A_1602, %parallel_loop3A_1602 masked %parallel_loop3A_1603 {descending = true} : (vector<16xf32>, vector<16xf32>, vector<16xi1>) -> (vector<16xi1>, vector<16xf32>, vector<16xf32>)
      %parallel_loop3A_1607 = arith.minimumf %parallel_loop3A_1498, %parallel_loop3A_1605 : vector<16xf32>
      %parallel_loop3A_1608 = arith.constant dense<true> : vector<16xi1>
      %parallel_loop3A_1609, %parallel_loop3A_1610, %parallel_loop3A_1611 = tpu.sort %parallel_loop3A_1607, %parallel_loop3A_1607 masked %parallel_loop3A_1608 : (vector<16xf32>, vector<16xf32>, vector<16xi1>) -> (vector<16xi1>, vector<16xf32>, vector<16xf32>)
      %parallel_loop3A_1612 = arith.constant 5 : i32
      %parallel_loop3A_1613 = arith.addi %parallel_loop3A_13, %parallel_loop3A_1612 : i32
      %parallel_loop3A_1614 = arith.index_cast %parallel_loop3A_1613 : i32 to index
      %parallel_loop3A_1615 = arith.constant 224 : index
      %parallel_loop3A_1616 = tpu.vector_load %arg4[%parallel_loop3A_1614, %parallel_loop3A_1615] {strides = array<i32>} : memref<128x512xf32, #tpu.memory_space<vmem>>, vector<16xf32>,
      %parallel_loop3A_1617 = arith.constant dense<true> : vector<16xi1>
      %parallel_loop3A_1618, %parallel_loop3A_1619, %parallel_loop3A_1620 = tpu.sort %parallel_loop3A_1616, %parallel_loop3A_1616 masked %parallel_loop3A_1617 {descending = true} : (vector<16xf32>, vector<16xf32>, vector<16xi1>) -> (vector<16xi1>, vector<16xf32>, vector<16xf32>)
      %parallel_loop3A_1621 = arith.minimumf %parallel_loop3A_1512, %parallel_loop3A_1619 : vector<16xf32>
      %parallel_loop3A_1622 = arith.constant dense<true> : vector<16xi1>
      %parallel_loop3A_1623, %parallel_loop3A_1624, %parallel_loop3A_1625 = tpu.sort %parallel_loop3A_1621, %parallel_loop3A_1621 masked %parallel_loop3A_1622 : (vector<16xf32>, vector<16xf32>, vector<16xi1>) -> (vector<16xi1>, vector<16xf32>, vector<16xf32>)
      %parallel_loop3A_1626 = arith.constant 6 : i32
      %parallel_loop3A_1627 = arith.addi %parallel_loop3A_13, %parallel_loop3A_1626 : i32
      %parallel_loop3A_1628 = arith.index_cast %parallel_loop3A_1627 : i32 to index
      %parallel_loop3A_1629 = arith.constant 224 : index
      %parallel_loop3A_1630 = tpu.vector_load %arg4[%parallel_loop3A_1628, %parallel_loop3A_1629] {strides = array<i32>} : memref<128x512xf32, #tpu.memory_space<vmem>>, vector<16xf32>,
      %parallel_loop3A_1631 = arith.constant dense<true> : vector<16xi1>
      %parallel_loop3A_1632, %parallel_loop3A_1633, %parallel_loop3A_1634 = tpu.sort %parallel_loop3A_1630, %parallel_loop3A_1630 masked %parallel_loop3A_1631 {descending = true} : (vector<16xf32>, vector<16xf32>, vector<16xi1>) -> (vector<16xi1>, vector<16xf32>, vector<16xf32>)
      %parallel_loop3A_1635 = arith.minimumf %parallel_loop3A_1526, %parallel_loop3A_1633 : vector<16xf32>
      %parallel_loop3A_1636 = arith.constant dense<true> : vector<16xi1>
      %parallel_loop3A_1637, %parallel_loop3A_1638, %parallel_loop3A_1639 = tpu.sort %parallel_loop3A_1635, %parallel_loop3A_1635 masked %parallel_loop3A_1636 : (vector<16xf32>, vector<16xf32>, vector<16xi1>) -> (vector<16xi1>, vector<16xf32>, vector<16xf32>)
      %parallel_loop3A_1640 = arith.constant 7 : i32
      %parallel_loop3A_1641 = arith.addi %parallel_loop3A_13, %parallel_loop3A_1640 : i32
      %parallel_loop3A_1642 = arith.index_cast %parallel_loop3A_1641 : i32 to index
      %parallel_loop3A_1643 = arith.constant 224 : index
      %parallel_loop3A_1644 = tpu.vector_load %arg4[%parallel_loop3A_1642, %parallel_loop3A_1643] {strides = array<i32>} : memref<128x512xf32, #tpu.memory_space<vmem>>, vector<16xf32>,
      %parallel_loop3A_1645 = arith.constant dense<true> : vector<16xi1>
      %parallel_loop3A_1646, %parallel_loop3A_1647, %parallel_loop3A_1648 = tpu.sort %parallel_loop3A_1644, %parallel_loop3A_1644 masked %parallel_loop3A_1645 {descending = true} : (vector<16xf32>, vector<16xf32>, vector<16xi1>) -> (vector<16xi1>, vector<16xf32>, vector<16xf32>)
      %parallel_loop3A_1649 = arith.minimumf %parallel_loop3A_1540, %parallel_loop3A_1647 : vector<16xf32>
      %parallel_loop3A_1650 = arith.constant dense<true> : vector<16xi1>
      %parallel_loop3A_1651, %parallel_loop3A_1652, %parallel_loop3A_1653 = tpu.sort %parallel_loop3A_1649, %parallel_loop3A_1649 masked %parallel_loop3A_1650 : (vector<16xf32>, vector<16xf32>, vector<16xi1>) -> (vector<16xi1>, vector<16xf32>, vector<16xf32>)
      %parallel_loop3A_1654 = arith.constant 0 : i32
      %parallel_loop3A_1655 = arith.addi %parallel_loop3A_13, %parallel_loop3A_1654 : i32
      %parallel_loop3A_1656 = arith.index_cast %parallel_loop3A_1655 : i32 to index
      %parallel_loop3A_1657 = arith.constant 240 : index
      %parallel_loop3A_1658 = tpu.vector_load %arg4[%parallel_loop3A_1656, %parallel_loop3A_1657] {strides = array<i32>} : memref<128x512xf32, #tpu.memory_space<vmem>>, vector<16xf32>,
      %parallel_loop3A_1659 = arith.constant dense<true> : vector<16xi1>
      %parallel_loop3A_1660, %parallel_loop3A_1661, %parallel_loop3A_1662 = tpu.sort %parallel_loop3A_1658, %parallel_loop3A_1658 masked %parallel_loop3A_1659 {descending = true} : (vector<16xf32>, vector<16xf32>, vector<16xi1>) -> (vector<16xi1>, vector<16xf32>, vector<16xf32>)
      %parallel_loop3A_1663 = arith.minimumf %parallel_loop3A_1554, %parallel_loop3A_1661 : vector<16xf32>
      %parallel_loop3A_1664 = arith.constant dense<true> : vector<16xi1>
      %parallel_loop3A_1665, %parallel_loop3A_1666, %parallel_loop3A_1667 = tpu.sort %parallel_loop3A_1663, %parallel_loop3A_1663 masked %parallel_loop3A_1664 : (vector<16xf32>, vector<16xf32>, vector<16xi1>) -> (vector<16xi1>, vector<16xf32>, vector<16xf32>)
      %parallel_loop3A_1668 = arith.constant 1 : i32
      %parallel_loop3A_1669 = arith.addi %parallel_loop3A_13, %parallel_loop3A_1668 : i32
      %parallel_loop3A_1670 = arith.index_cast %parallel_loop3A_1669 : i32 to index
      %parallel_loop3A_1671 = arith.constant 240 : index
      %parallel_loop3A_1672 = tpu.vector_load %arg4[%parallel_loop3A_1670, %parallel_loop3A_1671] {strides = array<i32>} : memref<128x512xf32, #tpu.memory_space<vmem>>, vector<16xf32>,
      %parallel_loop3A_1673 = arith.constant dense<true> : vector<16xi1>
      %parallel_loop3A_1674, %parallel_loop3A_1675, %parallel_loop3A_1676 = tpu.sort %parallel_loop3A_1672, %parallel_loop3A_1672 masked %parallel_loop3A_1673 {descending = true} : (vector<16xf32>, vector<16xf32>, vector<16xi1>) -> (vector<16xi1>, vector<16xf32>, vector<16xf32>)
      %parallel_loop3A_1677 = arith.minimumf %parallel_loop3A_1568, %parallel_loop3A_1675 : vector<16xf32>
      %parallel_loop3A_1678 = arith.constant dense<true> : vector<16xi1>
      %parallel_loop3A_1679, %parallel_loop3A_1680, %parallel_loop3A_1681 = tpu.sort %parallel_loop3A_1677, %parallel_loop3A_1677 masked %parallel_loop3A_1678 : (vector<16xf32>, vector<16xf32>, vector<16xi1>) -> (vector<16xi1>, vector<16xf32>, vector<16xf32>)
      %parallel_loop3A_1682 = arith.constant 2 : i32
      %parallel_loop3A_1683 = arith.addi %parallel_loop3A_13, %parallel_loop3A_1682 : i32
      %parallel_loop3A_1684 = arith.index_cast %parallel_loop3A_1683 : i32 to index
      %parallel_loop3A_1685 = arith.constant 240 : index
      %parallel_loop3A_1686 = tpu.vector_load %arg4[%parallel_loop3A_1684, %parallel_loop3A_1685] {strides = array<i32>} : memref<128x512xf32, #tpu.memory_space<vmem>>, vector<16xf32>,
      %parallel_loop3A_1687 = arith.constant dense<true> : vector<16xi1>
      %parallel_loop3A_1688, %parallel_loop3A_1689, %parallel_loop3A_1690 = tpu.sort %parallel_loop3A_1686, %parallel_loop3A_1686 masked %parallel_loop3A_1687 {descending = true} : (vector<16xf32>, vector<16xf32>, vector<16xi1>) -> (vector<16xi1>, vector<16xf32>, vector<16xf32>)
      %parallel_loop3A_1691 = arith.minimumf %parallel_loop3A_1582, %parallel_loop3A_1689 : vector<16xf32>
      %parallel_loop3A_1692 = arith.constant dense<true> : vector<16xi1>
      %parallel_loop3A_1693, %parallel_loop3A_1694, %parallel_loop3A_1695 = tpu.sort %parallel_loop3A_1691, %parallel_loop3A_1691 masked %parallel_loop3A_1692 : (vector<16xf32>, vector<16xf32>, vector<16xi1>) -> (vector<16xi1>, vector<16xf32>, vector<16xf32>)
      %parallel_loop3A_1696 = arith.constant 3 : i32
      %parallel_loop3A_1697 = arith.addi %parallel_loop3A_13, %parallel_loop3A_1696 : i32
      %parallel_loop3A_1698 = arith.index_cast %parallel_loop3A_1697 : i32 to index
      %parallel_loop3A_1699 = arith.constant 240 : index
      %parallel_loop3A_1700 = tpu.vector_load %arg4[%parallel_loop3A_1698, %parallel_loop3A_1699] {strides = array<i32>} : memref<128x512xf32, #tpu.memory_space<vmem>>, vector<16xf32>,
      %parallel_loop3A_1701 = arith.constant dense<true> : vector<16xi1>
      %parallel_loop3A_1702, %parallel_loop3A_1703, %parallel_loop3A_1704 = tpu.sort %parallel_loop3A_1700, %parallel_loop3A_1700 masked %parallel_loop3A_1701 {descending = true} : (vector<16xf32>, vector<16xf32>, vector<16xi1>) -> (vector<16xi1>, vector<16xf32>, vector<16xf32>)
      %parallel_loop3A_1705 = arith.minimumf %parallel_loop3A_1596, %parallel_loop3A_1703 : vector<16xf32>
      %parallel_loop3A_1706 = arith.constant dense<true> : vector<16xi1>
      %parallel_loop3A_1707, %parallel_loop3A_1708, %parallel_loop3A_1709 = tpu.sort %parallel_loop3A_1705, %parallel_loop3A_1705 masked %parallel_loop3A_1706 : (vector<16xf32>, vector<16xf32>, vector<16xi1>) -> (vector<16xi1>, vector<16xf32>, vector<16xf32>)
      %parallel_loop3A_1710 = arith.constant 4 : i32
      %parallel_loop3A_1711 = arith.addi %parallel_loop3A_13, %parallel_loop3A_1710 : i32
      %parallel_loop3A_1712 = arith.index_cast %parallel_loop3A_1711 : i32 to index
      %parallel_loop3A_1713 = arith.constant 240 : index
      %parallel_loop3A_1714 = tpu.vector_load %arg4[%parallel_loop3A_1712, %parallel_loop3A_1713] {strides = array<i32>} : memref<128x512xf32, #tpu.memory_space<vmem>>, vector<16xf32>,
      %parallel_loop3A_1715 = arith.constant dense<true> : vector<16xi1>
      %parallel_loop3A_1716, %parallel_loop3A_1717, %parallel_loop3A_1718 = tpu.sort %parallel_loop3A_1714, %parallel_loop3A_1714 masked %parallel_loop3A_1715 {descending = true} : (vector<16xf32>, vector<16xf32>, vector<16xi1>) -> (vector<16xi1>, vector<16xf32>, vector<16xf32>)
      %parallel_loop3A_1719 = arith.minimumf %parallel_loop3A_1610, %parallel_loop3A_1717 : vector<16xf32>
      %parallel_loop3A_1720 = arith.constant dense<true> : vector<16xi1>
      %parallel_loop3A_1721, %parallel_loop3A_1722, %parallel_loop3A_1723 = tpu.sort %parallel_loop3A_1719, %parallel_loop3A_1719 masked %parallel_loop3A_1720 : (vector<16xf32>, vector<16xf32>, vector<16xi1>) -> (vector<16xi1>, vector<16xf32>, vector<16xf32>)
      %parallel_loop3A_1724 = arith.constant 5 : i32
      %parallel_loop3A_1725 = arith.addi %parallel_loop3A_13, %parallel_loop3A_1724 : i32
      %parallel_loop3A_1726 = arith.index_cast %parallel_loop3A_1725 : i32 to index
      %parallel_loop3A_1727 = arith.constant 240 : index
      %parallel_loop3A_1728 = tpu.vector_load %arg4[%parallel_loop3A_1726, %parallel_loop3A_1727] {strides = array<i32>} : memref<128x512xf32, #tpu.memory_space<vmem>>, vector<16xf32>,
      %parallel_loop3A_1729 = arith.constant dense<true> : vector<16xi1>
      %parallel_loop3A_1730, %parallel_loop3A_1731, %parallel_loop3A_1732 = tpu.sort %parallel_loop3A_1728, %parallel_loop3A_1728 masked %parallel_loop3A_1729 {descending = true} : (vector<16xf32>, vector<16xf32>, vector<16xi1>) -> (vector<16xi1>, vector<16xf32>, vector<16xf32>)
      %parallel_loop3A_1733 = arith.minimumf %parallel_loop3A_1624, %parallel_loop3A_1731 : vector<16xf32>
      %parallel_loop3A_1734 = arith.constant dense<true> : vector<16xi1>
      %parallel_loop3A_1735, %parallel_loop3A_1736, %parallel_loop3A_1737 = tpu.sort %parallel_loop3A_1733, %parallel_loop3A_1733 masked %parallel_loop3A_1734 : (vector<16xf32>, vector<16xf32>, vector<16xi1>) -> (vector<16xi1>, vector<16xf32>, vector<16xf32>)
      %parallel_loop3A_1738 = arith.constant 6 : i32
      %parallel_loop3A_1739 = arith.addi %parallel_loop3A_13, %parallel_loop3A_1738 : i32
      %parallel_loop3A_1740 = arith.index_cast %parallel_loop3A_1739 : i32 to index
      %parallel_loop3A_1741 = arith.constant 240 : index
      %parallel_loop3A_1742 = tpu.vector_load %arg4[%parallel_loop3A_1740, %parallel_loop3A_1741] {strides = array<i32>} : memref<128x512xf32, #tpu.memory_space<vmem>>, vector<16xf32>,
      %parallel_loop3A_1743 = arith.constant dense<true> : vector<16xi1>
      %parallel_loop3A_1744, %parallel_loop3A_1745, %parallel_loop3A_1746 = tpu.sort %parallel_loop3A_1742, %parallel_loop3A_1742 masked %parallel_loop3A_1743 {descending = true} : (vector<16xf32>, vector<16xf32>, vector<16xi1>) -> (vector<16xi1>, vector<16xf32>, vector<16xf32>)
      %parallel_loop3A_1747 = arith.minimumf %parallel_loop3A_1638, %parallel_loop3A_1745 : vector<16xf32>
      %parallel_loop3A_1748 = arith.constant dense<true> : vector<16xi1>
      %parallel_loop3A_1749, %parallel_loop3A_1750, %parallel_loop3A_1751 = tpu.sort %parallel_loop3A_1747, %parallel_loop3A_1747 masked %parallel_loop3A_1748 : (vector<16xf32>, vector<16xf32>, vector<16xi1>) -> (vector<16xi1>, vector<16xf32>, vector<16xf32>)
      %parallel_loop3A_1752 = arith.constant 7 : i32
      %parallel_loop3A_1753 = arith.addi %parallel_loop3A_13, %parallel_loop3A_1752 : i32
      %parallel_loop3A_1754 = arith.index_cast %parallel_loop3A_1753 : i32 to index
      %parallel_loop3A_1755 = arith.constant 240 : index
      %parallel_loop3A_1756 = tpu.vector_load %arg4[%parallel_loop3A_1754, %parallel_loop3A_1755] {strides = array<i32>} : memref<128x512xf32, #tpu.memory_space<vmem>>, vector<16xf32>,
      %parallel_loop3A_1757 = arith.constant dense<true> : vector<16xi1>
      %parallel_loop3A_1758, %parallel_loop3A_1759, %parallel_loop3A_1760 = tpu.sort %parallel_loop3A_1756, %parallel_loop3A_1756 masked %parallel_loop3A_1757 {descending = true} : (vector<16xf32>, vector<16xf32>, vector<16xi1>) -> (vector<16xi1>, vector<16xf32>, vector<16xf32>)
      %parallel_loop3A_1761 = arith.minimumf %parallel_loop3A_1652, %parallel_loop3A_1759 : vector<16xf32>
      %parallel_loop3A_1762 = arith.constant dense<true> : vector<16xi1>
      %parallel_loop3A_1763, %parallel_loop3A_1764, %parallel_loop3A_1765 = tpu.sort %parallel_loop3A_1761, %parallel_loop3A_1761 masked %parallel_loop3A_1762 : (vector<16xf32>, vector<16xf32>, vector<16xi1>) -> (vector<16xi1>, vector<16xf32>, vector<16xf32>)
      %parallel_loop3A_1766 = arith.constant 0 : i32
      %parallel_loop3A_1767 = arith.addi %parallel_loop3A_13, %parallel_loop3A_1766 : i32
      %parallel_loop3A_1768 = arith.index_cast %parallel_loop3A_1767 : i32 to index
      %parallel_loop3A_1769 = arith.constant 256 : index
      %parallel_loop3A_1770 = tpu.vector_load %arg4[%parallel_loop3A_1768, %parallel_loop3A_1769] {strides = array<i32>} : memref<128x512xf32, #tpu.memory_space<vmem>>, vector<16xf32>,
      %parallel_loop3A_1771 = arith.constant dense<true> : vector<16xi1>
      %parallel_loop3A_1772, %parallel_loop3A_1773, %parallel_loop3A_1774 = tpu.sort %parallel_loop3A_1770, %parallel_loop3A_1770 masked %parallel_loop3A_1771 {descending = true} : (vector<16xf32>, vector<16xf32>, vector<16xi1>) -> (vector<16xi1>, vector<16xf32>, vector<16xf32>)
      %parallel_loop3A_1775 = arith.minimumf %parallel_loop3A_1666, %parallel_loop3A_1773 : vector<16xf32>
      %parallel_loop3A_1776 = arith.constant dense<true> : vector<16xi1>
      %parallel_loop3A_1777, %parallel_loop3A_1778, %parallel_loop3A_1779 = tpu.sort %parallel_loop3A_1775, %parallel_loop3A_1775 masked %parallel_loop3A_1776 : (vector<16xf32>, vector<16xf32>, vector<16xi1>) -> (vector<16xi1>, vector<16xf32>, vector<16xf32>)
      %parallel_loop3A_1780 = arith.constant 1 : i32
      %parallel_loop3A_1781 = arith.addi %parallel_loop3A_13, %parallel_loop3A_1780 : i32
      %parallel_loop3A_1782 = arith.index_cast %parallel_loop3A_1781 : i32 to index
      %parallel_loop3A_1783 = arith.constant 256 : index
      %parallel_loop3A_1784 = tpu.vector_load %arg4[%parallel_loop3A_1782, %parallel_loop3A_1783] {strides = array<i32>} : memref<128x512xf32, #tpu.memory_space<vmem>>, vector<16xf32>,
      %parallel_loop3A_1785 = arith.constant dense<true> : vector<16xi1>
      %parallel_loop3A_1786, %parallel_loop3A_1787, %parallel_loop3A_1788 = tpu.sort %parallel_loop3A_1784, %parallel_loop3A_1784 masked %parallel_loop3A_1785 {descending = true} : (vector<16xf32>, vector<16xf32>, vector<16xi1>) -> (vector<16xi1>, vector<16xf32>, vector<16xf32>)
      %parallel_loop3A_1789 = arith.minimumf %parallel_loop3A_1680, %parallel_loop3A_1787 : vector<16xf32>
      %parallel_loop3A_1790 = arith.constant dense<true> : vector<16xi1>
      %parallel_loop3A_1791, %parallel_loop3A_1792, %parallel_loop3A_1793 = tpu.sort %parallel_loop3A_1789, %parallel_loop3A_1789 masked %parallel_loop3A_1790 : (vector<16xf32>, vector<16xf32>, vector<16xi1>) -> (vector<16xi1>, vector<16xf32>, vector<16xf32>)
      %parallel_loop3A_1794 = arith.constant 2 : i32
      %parallel_loop3A_1795 = arith.addi %parallel_loop3A_13, %parallel_loop3A_1794 : i32
      %parallel_loop3A_1796 = arith.index_cast %parallel_loop3A_1795 : i32 to index
      %parallel_loop3A_1797 = arith.constant 256 : index
      %parallel_loop3A_1798 = tpu.vector_load %arg4[%parallel_loop3A_1796, %parallel_loop3A_1797] {strides = array<i32>} : memref<128x512xf32, #tpu.memory_space<vmem>>, vector<16xf32>,
      %parallel_loop3A_1799 = arith.constant dense<true> : vector<16xi1>
      %parallel_loop3A_1800, %parallel_loop3A_1801, %parallel_loop3A_1802 = tpu.sort %parallel_loop3A_1798, %parallel_loop3A_1798 masked %parallel_loop3A_1799 {descending = true} : (vector<16xf32>, vector<16xf32>, vector<16xi1>) -> (vector<16xi1>, vector<16xf32>, vector<16xf32>)
      %parallel_loop3A_1803 = arith.minimumf %parallel_loop3A_1694, %parallel_loop3A_1801 : vector<16xf32>
      %parallel_loop3A_1804 = arith.constant dense<true> : vector<16xi1>
      %parallel_loop3A_1805, %parallel_loop3A_1806, %parallel_loop3A_1807 = tpu.sort %parallel_loop3A_1803, %parallel_loop3A_1803 masked %parallel_loop3A_1804 : (vector<16xf32>, vector<16xf32>, vector<16xi1>) -> (vector<16xi1>, vector<16xf32>, vector<16xf32>)
      %parallel_loop3A_1808 = arith.constant 3 : i32
      %parallel_loop3A_1809 = arith.addi %parallel_loop3A_13, %parallel_loop3A_1808 : i32
      %parallel_loop3A_1810 = arith.index_cast %parallel_loop3A_1809 : i32 to index
      %parallel_loop3A_1811 = arith.constant 256 : index
      %parallel_loop3A_1812 = tpu.vector_load %arg4[%parallel_loop3A_1810, %parallel_loop3A_1811] {strides = array<i32>} : memref<128x512xf32, #tpu.memory_space<vmem>>, vector<16xf32>,
      %parallel_loop3A_1813 = arith.constant dense<true> : vector<16xi1>
      %parallel_loop3A_1814, %parallel_loop3A_1815, %parallel_loop3A_1816 = tpu.sort %parallel_loop3A_1812, %parallel_loop3A_1812 masked %parallel_loop3A_1813 {descending = true} : (vector<16xf32>, vector<16xf32>, vector<16xi1>) -> (vector<16xi1>, vector<16xf32>, vector<16xf32>)
      %parallel_loop3A_1817 = arith.minimumf %parallel_loop3A_1708, %parallel_loop3A_1815 : vector<16xf32>
      %parallel_loop3A_1818 = arith.constant dense<true> : vector<16xi1>
      %parallel_loop3A_1819, %parallel_loop3A_1820, %parallel_loop3A_1821 = tpu.sort %parallel_loop3A_1817, %parallel_loop3A_1817 masked %parallel_loop3A_1818 : (vector<16xf32>, vector<16xf32>, vector<16xi1>) -> (vector<16xi1>, vector<16xf32>, vector<16xf32>)
      %parallel_loop3A_1822 = arith.constant 4 : i32
      %parallel_loop3A_1823 = arith.addi %parallel_loop3A_13, %parallel_loop3A_1822 : i32
      %parallel_loop3A_1824 = arith.index_cast %parallel_loop3A_1823 : i32 to index
      %parallel_loop3A_1825 = arith.constant 256 : index
      %parallel_loop3A_1826 = tpu.vector_load %arg4[%parallel_loop3A_1824, %parallel_loop3A_1825] {strides = array<i32>} : memref<128x512xf32, #tpu.memory_space<vmem>>, vector<16xf32>,
      %parallel_loop3A_1827 = arith.constant dense<true> : vector<16xi1>
      %parallel_loop3A_1828, %parallel_loop3A_1829, %parallel_loop3A_1830 = tpu.sort %parallel_loop3A_1826, %parallel_loop3A_1826 masked %parallel_loop3A_1827 {descending = true} : (vector<16xf32>, vector<16xf32>, vector<16xi1>) -> (vector<16xi1>, vector<16xf32>, vector<16xf32>)
      %parallel_loop3A_1831 = arith.minimumf %parallel_loop3A_1722, %parallel_loop3A_1829 : vector<16xf32>
      %parallel_loop3A_1832 = arith.constant dense<true> : vector<16xi1>
      %parallel_loop3A_1833, %parallel_loop3A_1834, %parallel_loop3A_1835 = tpu.sort %parallel_loop3A_1831, %parallel_loop3A_1831 masked %parallel_loop3A_1832 : (vector<16xf32>, vector<16xf32>, vector<16xi1>) -> (vector<16xi1>, vector<16xf32>, vector<16xf32>)
      %parallel_loop3A_1836 = arith.constant 5 : i32
      %parallel_loop3A_1837 = arith.addi %parallel_loop3A_13, %parallel_loop3A_1836 : i32
      %parallel_loop3A_1838 = arith.index_cast %parallel_loop3A_1837 : i32 to index
      %parallel_loop3A_1839 = arith.constant 256 : index
      %parallel_loop3A_1840 = tpu.vector_load %arg4[%parallel_loop3A_1838, %parallel_loop3A_1839] {strides = array<i32>} : memref<128x512xf32, #tpu.memory_space<vmem>>, vector<16xf32>,
      %parallel_loop3A_1841 = arith.constant dense<true> : vector<16xi1>
      %parallel_loop3A_1842, %parallel_loop3A_1843, %parallel_loop3A_1844 = tpu.sort %parallel_loop3A_1840, %parallel_loop3A_1840 masked %parallel_loop3A_1841 {descending = true} : (vector<16xf32>, vector<16xf32>, vector<16xi1>) -> (vector<16xi1>, vector<16xf32>, vector<16xf32>)
      %parallel_loop3A_1845 = arith.minimumf %parallel_loop3A_1736, %parallel_loop3A_1843 : vector<16xf32>
      %parallel_loop3A_1846 = arith.constant dense<true> : vector<16xi1>
      %parallel_loop3A_1847, %parallel_loop3A_1848, %parallel_loop3A_1849 = tpu.sort %parallel_loop3A_1845, %parallel_loop3A_1845 masked %parallel_loop3A_1846 : (vector<16xf32>, vector<16xf32>, vector<16xi1>) -> (vector<16xi1>, vector<16xf32>, vector<16xf32>)
      %parallel_loop3A_1850 = arith.constant 6 : i32
      %parallel_loop3A_1851 = arith.addi %parallel_loop3A_13, %parallel_loop3A_1850 : i32
      %parallel_loop3A_1852 = arith.index_cast %parallel_loop3A_1851 : i32 to index
      %parallel_loop3A_1853 = arith.constant 256 : index
      %parallel_loop3A_1854 = tpu.vector_load %arg4[%parallel_loop3A_1852, %parallel_loop3A_1853] {strides = array<i32>} : memref<128x512xf32, #tpu.memory_space<vmem>>, vector<16xf32>,
      %parallel_loop3A_1855 = arith.constant dense<true> : vector<16xi1>
      %parallel_loop3A_1856, %parallel_loop3A_1857, %parallel_loop3A_1858 = tpu.sort %parallel_loop3A_1854, %parallel_loop3A_1854 masked %parallel_loop3A_1855 {descending = true} : (vector<16xf32>, vector<16xf32>, vector<16xi1>) -> (vector<16xi1>, vector<16xf32>, vector<16xf32>)
      %parallel_loop3A_1859 = arith.minimumf %parallel_loop3A_1750, %parallel_loop3A_1857 : vector<16xf32>
      %parallel_loop3A_1860 = arith.constant dense<true> : vector<16xi1>
      %parallel_loop3A_1861, %parallel_loop3A_1862, %parallel_loop3A_1863 = tpu.sort %parallel_loop3A_1859, %parallel_loop3A_1859 masked %parallel_loop3A_1860 : (vector<16xf32>, vector<16xf32>, vector<16xi1>) -> (vector<16xi1>, vector<16xf32>, vector<16xf32>)
      %parallel_loop3A_1864 = arith.constant 7 : i32
      %parallel_loop3A_1865 = arith.addi %parallel_loop3A_13, %parallel_loop3A_1864 : i32
      %parallel_loop3A_1866 = arith.index_cast %parallel_loop3A_1865 : i32 to index
      %parallel_loop3A_1867 = arith.constant 256 : index
      %parallel_loop3A_1868 = tpu.vector_load %arg4[%parallel_loop3A_1866, %parallel_loop3A_1867] {strides = array<i32>} : memref<128x512xf32, #tpu.memory_space<vmem>>, vector<16xf32>,
      %parallel_loop3A_1869 = arith.constant dense<true> : vector<16xi1>
      %parallel_loop3A_1870, %parallel_loop3A_1871, %parallel_loop3A_1872 = tpu.sort %parallel_loop3A_1868, %parallel_loop3A_1868 masked %parallel_loop3A_1869 {descending = true} : (vector<16xf32>, vector<16xf32>, vector<16xi1>) -> (vector<16xi1>, vector<16xf32>, vector<16xf32>)
      %parallel_loop3A_1873 = arith.minimumf %parallel_loop3A_1764, %parallel_loop3A_1871 : vector<16xf32>
      %parallel_loop3A_1874 = arith.constant dense<true> : vector<16xi1>
      %parallel_loop3A_1875, %parallel_loop3A_1876, %parallel_loop3A_1877 = tpu.sort %parallel_loop3A_1873, %parallel_loop3A_1873 masked %parallel_loop3A_1874 : (vector<16xf32>, vector<16xf32>, vector<16xi1>) -> (vector<16xi1>, vector<16xf32>, vector<16xf32>)
      %parallel_loop3A_1878 = arith.constant 0 : i32
      %parallel_loop3A_1879 = arith.addi %parallel_loop3A_13, %parallel_loop3A_1878 : i32
      %parallel_loop3A_1880 = arith.index_cast %parallel_loop3A_1879 : i32 to index
      %parallel_loop3A_1881 = arith.constant 272 : index
      %parallel_loop3A_1882 = tpu.vector_load %arg4[%parallel_loop3A_1880, %parallel_loop3A_1881] {strides = array<i32>} : memref<128x512xf32, #tpu.memory_space<vmem>>, vector<16xf32>,
      %parallel_loop3A_1883 = arith.constant dense<true> : vector<16xi1>
      %parallel_loop3A_1884, %parallel_loop3A_1885, %parallel_loop3A_1886 = tpu.sort %parallel_loop3A_1882, %parallel_loop3A_1882 masked %parallel_loop3A_1883 {descending = true} : (vector<16xf32>, vector<16xf32>, vector<16xi1>) -> (vector<16xi1>, vector<16xf32>, vector<16xf32>)
      %parallel_loop3A_1887 = arith.minimumf %parallel_loop3A_1778, %parallel_loop3A_1885 : vector<16xf32>
      %parallel_loop3A_1888 = arith.constant dense<true> : vector<16xi1>
      %parallel_loop3A_1889, %parallel_loop3A_1890, %parallel_loop3A_1891 = tpu.sort %parallel_loop3A_1887, %parallel_loop3A_1887 masked %parallel_loop3A_1888 : (vector<16xf32>, vector<16xf32>, vector<16xi1>) -> (vector<16xi1>, vector<16xf32>, vector<16xf32>)
      %parallel_loop3A_1892 = arith.constant 1 : i32
      %parallel_loop3A_1893 = arith.addi %parallel_loop3A_13, %parallel_loop3A_1892 : i32
      %parallel_loop3A_1894 = arith.index_cast %parallel_loop3A_1893 : i32 to index
      %parallel_loop3A_1895 = arith.constant 272 : index
      %parallel_loop3A_1896 = tpu.vector_load %arg4[%parallel_loop3A_1894, %parallel_loop3A_1895] {strides = array<i32>} : memref<128x512xf32, #tpu.memory_space<vmem>>, vector<16xf32>,
      %parallel_loop3A_1897 = arith.constant dense<true> : vector<16xi1>
      %parallel_loop3A_1898, %parallel_loop3A_1899, %parallel_loop3A_1900 = tpu.sort %parallel_loop3A_1896, %parallel_loop3A_1896 masked %parallel_loop3A_1897 {descending = true} : (vector<16xf32>, vector<16xf32>, vector<16xi1>) -> (vector<16xi1>, vector<16xf32>, vector<16xf32>)
      %parallel_loop3A_1901 = arith.minimumf %parallel_loop3A_1792, %parallel_loop3A_1899 : vector<16xf32>
      %parallel_loop3A_1902 = arith.constant dense<true> : vector<16xi1>
      %parallel_loop3A_1903, %parallel_loop3A_1904, %parallel_loop3A_1905 = tpu.sort %parallel_loop3A_1901, %parallel_loop3A_1901 masked %parallel_loop3A_1902 : (vector<16xf32>, vector<16xf32>, vector<16xi1>) -> (vector<16xi1>, vector<16xf32>, vector<16xf32>)
      %parallel_loop3A_1906 = arith.constant 2 : i32
      %parallel_loop3A_1907 = arith.addi %parallel_loop3A_13, %parallel_loop3A_1906 : i32
      %parallel_loop3A_1908 = arith.index_cast %parallel_loop3A_1907 : i32 to index
      %parallel_loop3A_1909 = arith.constant 272 : index
      %parallel_loop3A_1910 = tpu.vector_load %arg4[%parallel_loop3A_1908, %parallel_loop3A_1909] {strides = array<i32>} : memref<128x512xf32, #tpu.memory_space<vmem>>, vector<16xf32>,
      %parallel_loop3A_1911 = arith.constant dense<true> : vector<16xi1>
      %parallel_loop3A_1912, %parallel_loop3A_1913, %parallel_loop3A_1914 = tpu.sort %parallel_loop3A_1910, %parallel_loop3A_1910 masked %parallel_loop3A_1911 {descending = true} : (vector<16xf32>, vector<16xf32>, vector<16xi1>) -> (vector<16xi1>, vector<16xf32>, vector<16xf32>)
      %parallel_loop3A_1915 = arith.minimumf %parallel_loop3A_1806, %parallel_loop3A_1913 : vector<16xf32>
      %parallel_loop3A_1916 = arith.constant dense<true> : vector<16xi1>
      %parallel_loop3A_1917, %parallel_loop3A_1918, %parallel_loop3A_1919 = tpu.sort %parallel_loop3A_1915, %parallel_loop3A_1915 masked %parallel_loop3A_1916 : (vector<16xf32>, vector<16xf32>, vector<16xi1>) -> (vector<16xi1>, vector<16xf32>, vector<16xf32>)
      %parallel_loop3A_1920 = arith.constant 3 : i32
      %parallel_loop3A_1921 = arith.addi %parallel_loop3A_13, %parallel_loop3A_1920 : i32
      %parallel_loop3A_1922 = arith.index_cast %parallel_loop3A_1921 : i32 to index
      %parallel_loop3A_1923 = arith.constant 272 : index
      %parallel_loop3A_1924 = tpu.vector_load %arg4[%parallel_loop3A_1922, %parallel_loop3A_1923] {strides = array<i32>} : memref<128x512xf32, #tpu.memory_space<vmem>>, vector<16xf32>,
      %parallel_loop3A_1925 = arith.constant dense<true> : vector<16xi1>
      %parallel_loop3A_1926, %parallel_loop3A_1927, %parallel_loop3A_1928 = tpu.sort %parallel_loop3A_1924, %parallel_loop3A_1924 masked %parallel_loop3A_1925 {descending = true} : (vector<16xf32>, vector<16xf32>, vector<16xi1>) -> (vector<16xi1>, vector<16xf32>, vector<16xf32>)
      %parallel_loop3A_1929 = arith.minimumf %parallel_loop3A_1820, %parallel_loop3A_1927 : vector<16xf32>
      %parallel_loop3A_1930 = arith.constant dense<true> : vector<16xi1>
      %parallel_loop3A_1931, %parallel_loop3A_1932, %parallel_loop3A_1933 = tpu.sort %parallel_loop3A_1929, %parallel_loop3A_1929 masked %parallel_loop3A_1930 : (vector<16xf32>, vector<16xf32>, vector<16xi1>) -> (vector<16xi1>, vector<16xf32>, vector<16xf32>)
      %parallel_loop3A_1934 = arith.constant 4 : i32
      %parallel_loop3A_1935 = arith.addi %parallel_loop3A_13, %parallel_loop3A_1934 : i32
      %parallel_loop3A_1936 = arith.index_cast %parallel_loop3A_1935 : i32 to index
      %parallel_loop3A_1937 = arith.constant 272 : index
      %parallel_loop3A_1938 = tpu.vector_load %arg4[%parallel_loop3A_1936, %parallel_loop3A_1937] {strides = array<i32>} : memref<128x512xf32, #tpu.memory_space<vmem>>, vector<16xf32>,
      %parallel_loop3A_1939 = arith.constant dense<true> : vector<16xi1>
      %parallel_loop3A_1940, %parallel_loop3A_1941, %parallel_loop3A_1942 = tpu.sort %parallel_loop3A_1938, %parallel_loop3A_1938 masked %parallel_loop3A_1939 {descending = true} : (vector<16xf32>, vector<16xf32>, vector<16xi1>) -> (vector<16xi1>, vector<16xf32>, vector<16xf32>)
      %parallel_loop3A_1943 = arith.minimumf %parallel_loop3A_1834, %parallel_loop3A_1941 : vector<16xf32>
      %parallel_loop3A_1944 = arith.constant dense<true> : vector<16xi1>
      %parallel_loop3A_1945, %parallel_loop3A_1946, %parallel_loop3A_1947 = tpu.sort %parallel_loop3A_1943, %parallel_loop3A_1943 masked %parallel_loop3A_1944 : (vector<16xf32>, vector<16xf32>, vector<16xi1>) -> (vector<16xi1>, vector<16xf32>, vector<16xf32>)
      %parallel_loop3A_1948 = arith.constant 5 : i32
      %parallel_loop3A_1949 = arith.addi %parallel_loop3A_13, %parallel_loop3A_1948 : i32
      %parallel_loop3A_1950 = arith.index_cast %parallel_loop3A_1949 : i32 to index
      %parallel_loop3A_1951 = arith.constant 272 : index
      %parallel_loop3A_1952 = tpu.vector_load %arg4[%parallel_loop3A_1950, %parallel_loop3A_1951] {strides = array<i32>} : memref<128x512xf32, #tpu.memory_space<vmem>>, vector<16xf32>,
      %parallel_loop3A_1953 = arith.constant dense<true> : vector<16xi1>
      %parallel_loop3A_1954, %parallel_loop3A_1955, %parallel_loop3A_1956 = tpu.sort %parallel_loop3A_1952, %parallel_loop3A_1952 masked %parallel_loop3A_1953 {descending = true} : (vector<16xf32>, vector<16xf32>, vector<16xi1>) -> (vector<16xi1>, vector<16xf32>, vector<16xf32>)
      %parallel_loop3A_1957 = arith.minimumf %parallel_loop3A_1848, %parallel_loop3A_1955 : vector<16xf32>
      %parallel_loop3A_1958 = arith.constant dense<true> : vector<16xi1>
      %parallel_loop3A_1959, %parallel_loop3A_1960, %parallel_loop3A_1961 = tpu.sort %parallel_loop3A_1957, %parallel_loop3A_1957 masked %parallel_loop3A_1958 : (vector<16xf32>, vector<16xf32>, vector<16xi1>) -> (vector<16xi1>, vector<16xf32>, vector<16xf32>)
      %parallel_loop3A_1962 = arith.constant 6 : i32
      %parallel_loop3A_1963 = arith.addi %parallel_loop3A_13, %parallel_loop3A_1962 : i32
      %parallel_loop3A_1964 = arith.index_cast %parallel_loop3A_1963 : i32 to index
      %parallel_loop3A_1965 = arith.constant 272 : index
      %parallel_loop3A_1966 = tpu.vector_load %arg4[%parallel_loop3A_1964, %parallel_loop3A_1965] {strides = array<i32>} : memref<128x512xf32, #tpu.memory_space<vmem>>, vector<16xf32>,
      %parallel_loop3A_1967 = arith.constant dense<true> : vector<16xi1>
      %parallel_loop3A_1968, %parallel_loop3A_1969, %parallel_loop3A_1970 = tpu.sort %parallel_loop3A_1966, %parallel_loop3A_1966 masked %parallel_loop3A_1967 {descending = true} : (vector<16xf32>, vector<16xf32>, vector<16xi1>) -> (vector<16xi1>, vector<16xf32>, vector<16xf32>)
      %parallel_loop3A_1971 = arith.minimumf %parallel_loop3A_1862, %parallel_loop3A_1969 : vector<16xf32>
      %parallel_loop3A_1972 = arith.constant dense<true> : vector<16xi1>
      %parallel_loop3A_1973, %parallel_loop3A_1974, %parallel_loop3A_1975 = tpu.sort %parallel_loop3A_1971, %parallel_loop3A_1971 masked %parallel_loop3A_1972 : (vector<16xf32>, vector<16xf32>, vector<16xi1>) -> (vector<16xi1>, vector<16xf32>, vector<16xf32>)
      %parallel_loop3A_1976 = arith.constant 7 : i32
      %parallel_loop3A_1977 = arith.addi %parallel_loop3A_13, %parallel_loop3A_1976 : i32
      %parallel_loop3A_1978 = arith.index_cast %parallel_loop3A_1977 : i32 to index
      %parallel_loop3A_1979 = arith.constant 272 : index
      %parallel_loop3A_1980 = tpu.vector_load %arg4[%parallel_loop3A_1978, %parallel_loop3A_1979] {strides = array<i32>} : memref<128x512xf32, #tpu.memory_space<vmem>>, vector<16xf32>,
      %parallel_loop3A_1981 = arith.constant dense<true> : vector<16xi1>
      %parallel_loop3A_1982, %parallel_loop3A_1983, %parallel_loop3A_1984 = tpu.sort %parallel_loop3A_1980, %parallel_loop3A_1980 masked %parallel_loop3A_1981 {descending = true} : (vector<16xf32>, vector<16xf32>, vector<16xi1>) -> (vector<16xi1>, vector<16xf32>, vector<16xf32>)
      %parallel_loop3A_1985 = arith.minimumf %parallel_loop3A_1876, %parallel_loop3A_1983 : vector<16xf32>
      %parallel_loop3A_1986 = arith.constant dense<true> : vector<16xi1>
      %parallel_loop3A_1987, %parallel_loop3A_1988, %parallel_loop3A_1989 = tpu.sort %parallel_loop3A_1985, %parallel_loop3A_1985 masked %parallel_loop3A_1986 : (vector<16xf32>, vector<16xf32>, vector<16xi1>) -> (vector<16xi1>, vector<16xf32>, vector<16xf32>)
      %parallel_loop3A_1990 = arith.constant 0 : i32
      %parallel_loop3A_1991 = arith.addi %parallel_loop3A_13, %parallel_loop3A_1990 : i32
      %parallel_loop3A_1992 = arith.index_cast %parallel_loop3A_1991 : i32 to index
      %parallel_loop3A_1993 = arith.constant 288 : index
      %parallel_loop3A_1994 = tpu.vector_load %arg4[%parallel_loop3A_1992, %parallel_loop3A_1993] {strides = array<i32>} : memref<128x512xf32, #tpu.memory_space<vmem>>, vector<16xf32>,
      %parallel_loop3A_1995 = arith.constant dense<true> : vector<16xi1>
      %parallel_loop3A_1996, %parallel_loop3A_1997, %parallel_loop3A_1998 = tpu.sort %parallel_loop3A_1994, %parallel_loop3A_1994 masked %parallel_loop3A_1995 {descending = true} : (vector<16xf32>, vector<16xf32>, vector<16xi1>) -> (vector<16xi1>, vector<16xf32>, vector<16xf32>)
      %parallel_loop3A_1999 = arith.minimumf %parallel_loop3A_1890, %parallel_loop3A_1997 : vector<16xf32>
      %parallel_loop3A_2000 = arith.constant dense<true> : vector<16xi1>
      %parallel_loop3A_2001, %parallel_loop3A_2002, %parallel_loop3A_2003 = tpu.sort %parallel_loop3A_1999, %parallel_loop3A_1999 masked %parallel_loop3A_2000 : (vector<16xf32>, vector<16xf32>, vector<16xi1>) -> (vector<16xi1>, vector<16xf32>, vector<16xf32>)
      %parallel_loop3A_2004 = arith.constant 1 : i32
      %parallel_loop3A_2005 = arith.addi %parallel_loop3A_13, %parallel_loop3A_2004 : i32
      %parallel_loop3A_2006 = arith.index_cast %parallel_loop3A_2005 : i32 to index
      %parallel_loop3A_2007 = arith.constant 288 : index
      %parallel_loop3A_2008 = tpu.vector_load %arg4[%parallel_loop3A_2006, %parallel_loop3A_2007] {strides = array<i32>} : memref<128x512xf32, #tpu.memory_space<vmem>>, vector<16xf32>,
      %parallel_loop3A_2009 = arith.constant dense<true> : vector<16xi1>
      %parallel_loop3A_2010, %parallel_loop3A_2011, %parallel_loop3A_2012 = tpu.sort %parallel_loop3A_2008, %parallel_loop3A_2008 masked %parallel_loop3A_2009 {descending = true} : (vector<16xf32>, vector<16xf32>, vector<16xi1>) -> (vector<16xi1>, vector<16xf32>, vector<16xf32>)
      %parallel_loop3A_2013 = arith.minimumf %parallel_loop3A_1904, %parallel_loop3A_2011 : vector<16xf32>
      %parallel_loop3A_2014 = arith.constant dense<true> : vector<16xi1>
      %parallel_loop3A_2015, %parallel_loop3A_2016, %parallel_loop3A_2017 = tpu.sort %parallel_loop3A_2013, %parallel_loop3A_2013 masked %parallel_loop3A_2014 : (vector<16xf32>, vector<16xf32>, vector<16xi1>) -> (vector<16xi1>, vector<16xf32>, vector<16xf32>)
      %parallel_loop3A_2018 = arith.constant 2 : i32
      %parallel_loop3A_2019 = arith.addi %parallel_loop3A_13, %parallel_loop3A_2018 : i32
      %parallel_loop3A_2020 = arith.index_cast %parallel_loop3A_2019 : i32 to index
      %parallel_loop3A_2021 = arith.constant 288 : index
      %parallel_loop3A_2022 = tpu.vector_load %arg4[%parallel_loop3A_2020, %parallel_loop3A_2021] {strides = array<i32>} : memref<128x512xf32, #tpu.memory_space<vmem>>, vector<16xf32>,
      %parallel_loop3A_2023 = arith.constant dense<true> : vector<16xi1>
      %parallel_loop3A_2024, %parallel_loop3A_2025, %parallel_loop3A_2026 = tpu.sort %parallel_loop3A_2022, %parallel_loop3A_2022 masked %parallel_loop3A_2023 {descending = true} : (vector<16xf32>, vector<16xf32>, vector<16xi1>) -> (vector<16xi1>, vector<16xf32>, vector<16xf32>)
      %parallel_loop3A_2027 = arith.minimumf %parallel_loop3A_1918, %parallel_loop3A_2025 : vector<16xf32>
      %parallel_loop3A_2028 = arith.constant dense<true> : vector<16xi1>
      %parallel_loop3A_2029, %parallel_loop3A_2030, %parallel_loop3A_2031 = tpu.sort %parallel_loop3A_2027, %parallel_loop3A_2027 masked %parallel_loop3A_2028 : (vector<16xf32>, vector<16xf32>, vector<16xi1>) -> (vector<16xi1>, vector<16xf32>, vector<16xf32>)
      %parallel_loop3A_2032 = arith.constant 3 : i32
      %parallel_loop3A_2033 = arith.addi %parallel_loop3A_13, %parallel_loop3A_2032 : i32
      %parallel_loop3A_2034 = arith.index_cast %parallel_loop3A_2033 : i32 to index
      %parallel_loop3A_2035 = arith.constant 288 : index
      %parallel_loop3A_2036 = tpu.vector_load %arg4[%parallel_loop3A_2034, %parallel_loop3A_2035] {strides = array<i32>} : memref<128x512xf32, #tpu.memory_space<vmem>>, vector<16xf32>,
      %parallel_loop3A_2037 = arith.constant dense<true> : vector<16xi1>
      %parallel_loop3A_2038, %parallel_loop3A_2039, %parallel_loop3A_2040 = tpu.sort %parallel_loop3A_2036, %parallel_loop3A_2036 masked %parallel_loop3A_2037 {descending = true} : (vector<16xf32>, vector<16xf32>, vector<16xi1>) -> (vector<16xi1>, vector<16xf32>, vector<16xf32>)
      %parallel_loop3A_2041 = arith.minimumf %parallel_loop3A_1932, %parallel_loop3A_2039 : vector<16xf32>
      %parallel_loop3A_2042 = arith.constant dense<true> : vector<16xi1>
      %parallel_loop3A_2043, %parallel_loop3A_2044, %parallel_loop3A_2045 = tpu.sort %parallel_loop3A_2041, %parallel_loop3A_2041 masked %parallel_loop3A_2042 : (vector<16xf32>, vector<16xf32>, vector<16xi1>) -> (vector<16xi1>, vector<16xf32>, vector<16xf32>)
      %parallel_loop3A_2046 = arith.constant 4 : i32
      %parallel_loop3A_2047 = arith.addi %parallel_loop3A_13, %parallel_loop3A_2046 : i32
      %parallel_loop3A_2048 = arith.index_cast %parallel_loop3A_2047 : i32 to index
      %parallel_loop3A_2049 = arith.constant 288 : index
      %parallel_loop3A_2050 = tpu.vector_load %arg4[%parallel_loop3A_2048, %parallel_loop3A_2049] {strides = array<i32>} : memref<128x512xf32, #tpu.memory_space<vmem>>, vector<16xf32>,
      %parallel_loop3A_2051 = arith.constant dense<true> : vector<16xi1>
      %parallel_loop3A_2052, %parallel_loop3A_2053, %parallel_loop3A_2054 = tpu.sort %parallel_loop3A_2050, %parallel_loop3A_2050 masked %parallel_loop3A_2051 {descending = true} : (vector<16xf32>, vector<16xf32>, vector<16xi1>) -> (vector<16xi1>, vector<16xf32>, vector<16xf32>)
      %parallel_loop3A_2055 = arith.minimumf %parallel_loop3A_1946, %parallel_loop3A_2053 : vector<16xf32>
      %parallel_loop3A_2056 = arith.constant dense<true> : vector<16xi1>
      %parallel_loop3A_2057, %parallel_loop3A_2058, %parallel_loop3A_2059 = tpu.sort %parallel_loop3A_2055, %parallel_loop3A_2055 masked %parallel_loop3A_2056 : (vector<16xf32>, vector<16xf32>, vector<16xi1>) -> (vector<16xi1>, vector<16xf32>, vector<16xf32>)
      %parallel_loop3A_2060 = arith.constant 5 : i32
      %parallel_loop3A_2061 = arith.addi %parallel_loop3A_13, %parallel_loop3A_2060 : i32
      %parallel_loop3A_2062 = arith.index_cast %parallel_loop3A_2061 : i32 to index
      %parallel_loop3A_2063 = arith.constant 288 : index
      %parallel_loop3A_2064 = tpu.vector_load %arg4[%parallel_loop3A_2062, %parallel_loop3A_2063] {strides = array<i32>} : memref<128x512xf32, #tpu.memory_space<vmem>>, vector<16xf32>,
      %parallel_loop3A_2065 = arith.constant dense<true> : vector<16xi1>
      %parallel_loop3A_2066, %parallel_loop3A_2067, %parallel_loop3A_2068 = tpu.sort %parallel_loop3A_2064, %parallel_loop3A_2064 masked %parallel_loop3A_2065 {descending = true} : (vector<16xf32>, vector<16xf32>, vector<16xi1>) -> (vector<16xi1>, vector<16xf32>, vector<16xf32>)
      %parallel_loop3A_2069 = arith.minimumf %parallel_loop3A_1960, %parallel_loop3A_2067 : vector<16xf32>
      %parallel_loop3A_2070 = arith.constant dense<true> : vector<16xi1>
      %parallel_loop3A_2071, %parallel_loop3A_2072, %parallel_loop3A_2073 = tpu.sort %parallel_loop3A_2069, %parallel_loop3A_2069 masked %parallel_loop3A_2070 : (vector<16xf32>, vector<16xf32>, vector<16xi1>) -> (vector<16xi1>, vector<16xf32>, vector<16xf32>)
      %parallel_loop3A_2074 = arith.constant 6 : i32
      %parallel_loop3A_2075 = arith.addi %parallel_loop3A_13, %parallel_loop3A_2074 : i32
      %parallel_loop3A_2076 = arith.index_cast %parallel_loop3A_2075 : i32 to index
      %parallel_loop3A_2077 = arith.constant 288 : index
      %parallel_loop3A_2078 = tpu.vector_load %arg4[%parallel_loop3A_2076, %parallel_loop3A_2077] {strides = array<i32>} : memref<128x512xf32, #tpu.memory_space<vmem>>, vector<16xf32>,
      %parallel_loop3A_2079 = arith.constant dense<true> : vector<16xi1>
      %parallel_loop3A_2080, %parallel_loop3A_2081, %parallel_loop3A_2082 = tpu.sort %parallel_loop3A_2078, %parallel_loop3A_2078 masked %parallel_loop3A_2079 {descending = true} : (vector<16xf32>, vector<16xf32>, vector<16xi1>) -> (vector<16xi1>, vector<16xf32>, vector<16xf32>)
      %parallel_loop3A_2083 = arith.minimumf %parallel_loop3A_1974, %parallel_loop3A_2081 : vector<16xf32>
      %parallel_loop3A_2084 = arith.constant dense<true> : vector<16xi1>
      %parallel_loop3A_2085, %parallel_loop3A_2086, %parallel_loop3A_2087 = tpu.sort %parallel_loop3A_2083, %parallel_loop3A_2083 masked %parallel_loop3A_2084 : (vector<16xf32>, vector<16xf32>, vector<16xi1>) -> (vector<16xi1>, vector<16xf32>, vector<16xf32>)
      %parallel_loop3A_2088 = arith.constant 7 : i32
      %parallel_loop3A_2089 = arith.addi %parallel_loop3A_13, %parallel_loop3A_2088 : i32
      %parallel_loop3A_2090 = arith.index_cast %parallel_loop3A_2089 : i32 to index
      %parallel_loop3A_2091 = arith.constant 288 : index
      %parallel_loop3A_2092 = tpu.vector_load %arg4[%parallel_loop3A_2090, %parallel_loop3A_2091] {strides = array<i32>} : memref<128x512xf32, #tpu.memory_space<vmem>>, vector<16xf32>,
      %parallel_loop3A_2093 = arith.constant dense<true> : vector<16xi1>
      %parallel_loop3A_2094, %parallel_loop3A_2095, %parallel_loop3A_2096 = tpu.sort %parallel_loop3A_2092, %parallel_loop3A_2092 masked %parallel_loop3A_2093 {descending = true} : (vector<16xf32>, vector<16xf32>, vector<16xi1>) -> (vector<16xi1>, vector<16xf32>, vector<16xf32>)
      %parallel_loop3A_2097 = arith.minimumf %parallel_loop3A_1988, %parallel_loop3A_2095 : vector<16xf32>
      %parallel_loop3A_2098 = arith.constant dense<true> : vector<16xi1>
      %parallel_loop3A_2099, %parallel_loop3A_2100, %parallel_loop3A_2101 = tpu.sort %parallel_loop3A_2097, %parallel_loop3A_2097 masked %parallel_loop3A_2098 : (vector<16xf32>, vector<16xf32>, vector<16xi1>) -> (vector<16xi1>, vector<16xf32>, vector<16xf32>)
      %parallel_loop3A_2102 = arith.constant 0 : i32
      %parallel_loop3A_2103 = arith.addi %parallel_loop3A_13, %parallel_loop3A_2102 : i32
      %parallel_loop3A_2104 = arith.index_cast %parallel_loop3A_2103 : i32 to index
      %parallel_loop3A_2105 = arith.constant 304 : index
      %parallel_loop3A_2106 = tpu.vector_load %arg4[%parallel_loop3A_2104, %parallel_loop3A_2105] {strides = array<i32>} : memref<128x512xf32, #tpu.memory_space<vmem>>, vector<16xf32>,
      %parallel_loop3A_2107 = arith.constant dense<true> : vector<16xi1>
      %parallel_loop3A_2108, %parallel_loop3A_2109, %parallel_loop3A_2110 = tpu.sort %parallel_loop3A_2106, %parallel_loop3A_2106 masked %parallel_loop3A_2107 {descending = true} : (vector<16xf32>, vector<16xf32>, vector<16xi1>) -> (vector<16xi1>, vector<16xf32>, vector<16xf32>)
      %parallel_loop3A_2111 = arith.minimumf %parallel_loop3A_2002, %parallel_loop3A_2109 : vector<16xf32>
      %parallel_loop3A_2112 = arith.constant dense<true> : vector<16xi1>
      %parallel_loop3A_2113, %parallel_loop3A_2114, %parallel_loop3A_2115 = tpu.sort %parallel_loop3A_2111, %parallel_loop3A_2111 masked %parallel_loop3A_2112 : (vector<16xf32>, vector<16xf32>, vector<16xi1>) -> (vector<16xi1>, vector<16xf32>, vector<16xf32>)
      %parallel_loop3A_2116 = arith.constant 1 : i32
      %parallel_loop3A_2117 = arith.addi %parallel_loop3A_13, %parallel_loop3A_2116 : i32
      %parallel_loop3A_2118 = arith.index_cast %parallel_loop3A_2117 : i32 to index
      %parallel_loop3A_2119 = arith.constant 304 : index
      %parallel_loop3A_2120 = tpu.vector_load %arg4[%parallel_loop3A_2118, %parallel_loop3A_2119] {strides = array<i32>} : memref<128x512xf32, #tpu.memory_space<vmem>>, vector<16xf32>,
      %parallel_loop3A_2121 = arith.constant dense<true> : vector<16xi1>
      %parallel_loop3A_2122, %parallel_loop3A_2123, %parallel_loop3A_2124 = tpu.sort %parallel_loop3A_2120, %parallel_loop3A_2120 masked %parallel_loop3A_2121 {descending = true} : (vector<16xf32>, vector<16xf32>, vector<16xi1>) -> (vector<16xi1>, vector<16xf32>, vector<16xf32>)
      %parallel_loop3A_2125 = arith.minimumf %parallel_loop3A_2016, %parallel_loop3A_2123 : vector<16xf32>
      %parallel_loop3A_2126 = arith.constant dense<true> : vector<16xi1>
      %parallel_loop3A_2127, %parallel_loop3A_2128, %parallel_loop3A_2129 = tpu.sort %parallel_loop3A_2125, %parallel_loop3A_2125 masked %parallel_loop3A_2126 : (vector<16xf32>, vector<16xf32>, vector<16xi1>) -> (vector<16xi1>, vector<16xf32>, vector<16xf32>)
      %parallel_loop3A_2130 = arith.constant 2 : i32
      %parallel_loop3A_2131 = arith.addi %parallel_loop3A_13, %parallel_loop3A_2130 : i32
      %parallel_loop3A_2132 = arith.index_cast %parallel_loop3A_2131 : i32 to index
      %parallel_loop3A_2133 = arith.constant 304 : index
      %parallel_loop3A_2134 = tpu.vector_load %arg4[%parallel_loop3A_2132, %parallel_loop3A_2133] {strides = array<i32>} : memref<128x512xf32, #tpu.memory_space<vmem>>, vector<16xf32>,
      %parallel_loop3A_2135 = arith.constant dense<true> : vector<16xi1>
      %parallel_loop3A_2136, %parallel_loop3A_2137, %parallel_loop3A_2138 = tpu.sort %parallel_loop3A_2134, %parallel_loop3A_2134 masked %parallel_loop3A_2135 {descending = true} : (vector<16xf32>, vector<16xf32>, vector<16xi1>) -> (vector<16xi1>, vector<16xf32>, vector<16xf32>)
      %parallel_loop3A_2139 = arith.minimumf %parallel_loop3A_2030, %parallel_loop3A_2137 : vector<16xf32>
      %parallel_loop3A_2140 = arith.constant dense<true> : vector<16xi1>
      %parallel_loop3A_2141, %parallel_loop3A_2142, %parallel_loop3A_2143 = tpu.sort %parallel_loop3A_2139, %parallel_loop3A_2139 masked %parallel_loop3A_2140 : (vector<16xf32>, vector<16xf32>, vector<16xi1>) -> (vector<16xi1>, vector<16xf32>, vector<16xf32>)
      %parallel_loop3A_2144 = arith.constant 3 : i32
      %parallel_loop3A_2145 = arith.addi %parallel_loop3A_13, %parallel_loop3A_2144 : i32
      %parallel_loop3A_2146 = arith.index_cast %parallel_loop3A_2145 : i32 to index
      %parallel_loop3A_2147 = arith.constant 304 : index
      %parallel_loop3A_2148 = tpu.vector_load %arg4[%parallel_loop3A_2146, %parallel_loop3A_2147] {strides = array<i32>} : memref<128x512xf32, #tpu.memory_space<vmem>>, vector<16xf32>,
      %parallel_loop3A_2149 = arith.constant dense<true> : vector<16xi1>
      %parallel_loop3A_2150, %parallel_loop3A_2151, %parallel_loop3A_2152 = tpu.sort %parallel_loop3A_2148, %parallel_loop3A_2148 masked %parallel_loop3A_2149 {descending = true} : (vector<16xf32>, vector<16xf32>, vector<16xi1>) -> (vector<16xi1>, vector<16xf32>, vector<16xf32>)
      %parallel_loop3A_2153 = arith.minimumf %parallel_loop3A_2044, %parallel_loop3A_2151 : vector<16xf32>
      %parallel_loop3A_2154 = arith.constant dense<true> : vector<16xi1>
      %parallel_loop3A_2155, %parallel_loop3A_2156, %parallel_loop3A_2157 = tpu.sort %parallel_loop3A_2153, %parallel_loop3A_2153 masked %parallel_loop3A_2154 : (vector<16xf32>, vector<16xf32>, vector<16xi1>) -> (vector<16xi1>, vector<16xf32>, vector<16xf32>)
      %parallel_loop3A_2158 = arith.constant 4 : i32
      %parallel_loop3A_2159 = arith.addi %parallel_loop3A_13, %parallel_loop3A_2158 : i32
      %parallel_loop3A_2160 = arith.index_cast %parallel_loop3A_2159 : i32 to index
      %parallel_loop3A_2161 = arith.constant 304 : index
      %parallel_loop3A_2162 = tpu.vector_load %arg4[%parallel_loop3A_2160, %parallel_loop3A_2161] {strides = array<i32>} : memref<128x512xf32, #tpu.memory_space<vmem>>, vector<16xf32>,
      %parallel_loop3A_2163 = arith.constant dense<true> : vector<16xi1>
      %parallel_loop3A_2164, %parallel_loop3A_2165, %parallel_loop3A_2166 = tpu.sort %parallel_loop3A_2162, %parallel_loop3A_2162 masked %parallel_loop3A_2163 {descending = true} : (vector<16xf32>, vector<16xf32>, vector<16xi1>) -> (vector<16xi1>, vector<16xf32>, vector<16xf32>)
      %parallel_loop3A_2167 = arith.minimumf %parallel_loop3A_2058, %parallel_loop3A_2165 : vector<16xf32>
      %parallel_loop3A_2168 = arith.constant dense<true> : vector<16xi1>
      %parallel_loop3A_2169, %parallel_loop3A_2170, %parallel_loop3A_2171 = tpu.sort %parallel_loop3A_2167, %parallel_loop3A_2167 masked %parallel_loop3A_2168 : (vector<16xf32>, vector<16xf32>, vector<16xi1>) -> (vector<16xi1>, vector<16xf32>, vector<16xf32>)
      %parallel_loop3A_2172 = arith.constant 5 : i32
      %parallel_loop3A_2173 = arith.addi %parallel_loop3A_13, %parallel_loop3A_2172 : i32
      %parallel_loop3A_2174 = arith.index_cast %parallel_loop3A_2173 : i32 to index
      %parallel_loop3A_2175 = arith.constant 304 : index
      %parallel_loop3A_2176 = tpu.vector_load %arg4[%parallel_loop3A_2174, %parallel_loop3A_2175] {strides = array<i32>} : memref<128x512xf32, #tpu.memory_space<vmem>>, vector<16xf32>,
      %parallel_loop3A_2177 = arith.constant dense<true> : vector<16xi1>
      %parallel_loop3A_2178, %parallel_loop3A_2179, %parallel_loop3A_2180 = tpu.sort %parallel_loop3A_2176, %parallel_loop3A_2176 masked %parallel_loop3A_2177 {descending = true} : (vector<16xf32>, vector<16xf32>, vector<16xi1>) -> (vector<16xi1>, vector<16xf32>, vector<16xf32>)
      %parallel_loop3A_2181 = arith.minimumf %parallel_loop3A_2072, %parallel_loop3A_2179 : vector<16xf32>
      %parallel_loop3A_2182 = arith.constant dense<true> : vector<16xi1>
      %parallel_loop3A_2183, %parallel_loop3A_2184, %parallel_loop3A_2185 = tpu.sort %parallel_loop3A_2181, %parallel_loop3A_2181 masked %parallel_loop3A_2182 : (vector<16xf32>, vector<16xf32>, vector<16xi1>) -> (vector<16xi1>, vector<16xf32>, vector<16xf32>)
      %parallel_loop3A_2186 = arith.constant 6 : i32
      %parallel_loop3A_2187 = arith.addi %parallel_loop3A_13, %parallel_loop3A_2186 : i32
      %parallel_loop3A_2188 = arith.index_cast %parallel_loop3A_2187 : i32 to index
      %parallel_loop3A_2189 = arith.constant 304 : index
      %parallel_loop3A_2190 = tpu.vector_load %arg4[%parallel_loop3A_2188, %parallel_loop3A_2189] {strides = array<i32>} : memref<128x512xf32, #tpu.memory_space<vmem>>, vector<16xf32>,
      %parallel_loop3A_2191 = arith.constant dense<true> : vector<16xi1>
      %parallel_loop3A_2192, %parallel_loop3A_2193, %parallel_loop3A_2194 = tpu.sort %parallel_loop3A_2190, %parallel_loop3A_2190 masked %parallel_loop3A_2191 {descending = true} : (vector<16xf32>, vector<16xf32>, vector<16xi1>) -> (vector<16xi1>, vector<16xf32>, vector<16xf32>)
      %parallel_loop3A_2195 = arith.minimumf %parallel_loop3A_2086, %parallel_loop3A_2193 : vector<16xf32>
      %parallel_loop3A_2196 = arith.constant dense<true> : vector<16xi1>
      %parallel_loop3A_2197, %parallel_loop3A_2198, %parallel_loop3A_2199 = tpu.sort %parallel_loop3A_2195, %parallel_loop3A_2195 masked %parallel_loop3A_2196 : (vector<16xf32>, vector<16xf32>, vector<16xi1>) -> (vector<16xi1>, vector<16xf32>, vector<16xf32>)
      %parallel_loop3A_2200 = arith.constant 7 : i32
      %parallel_loop3A_2201 = arith.addi %parallel_loop3A_13, %parallel_loop3A_2200 : i32
      %parallel_loop3A_2202 = arith.index_cast %parallel_loop3A_2201 : i32 to index
      %parallel_loop3A_2203 = arith.constant 304 : index
      %parallel_loop3A_2204 = tpu.vector_load %arg4[%parallel_loop3A_2202, %parallel_loop3A_2203] {strides = array<i32>} : memref<128x512xf32, #tpu.memory_space<vmem>>, vector<16xf32>,
      %parallel_loop3A_2205 = arith.constant dense<true> : vector<16xi1>
      %parallel_loop3A_2206, %parallel_loop3A_2207, %parallel_loop3A_2208 = tpu.sort %parallel_loop3A_2204, %parallel_loop3A_2204 masked %parallel_loop3A_2205 {descending = true} : (vector<16xf32>, vector<16xf32>, vector<16xi1>) -> (vector<16xi1>, vector<16xf32>, vector<16xf32>)
      %parallel_loop3A_2209 = arith.minimumf %parallel_loop3A_2100, %parallel_loop3A_2207 : vector<16xf32>
      %parallel_loop3A_2210 = arith.constant dense<true> : vector<16xi1>
      %parallel_loop3A_2211, %parallel_loop3A_2212, %parallel_loop3A_2213 = tpu.sort %parallel_loop3A_2209, %parallel_loop3A_2209 masked %parallel_loop3A_2210 : (vector<16xf32>, vector<16xf32>, vector<16xi1>) -> (vector<16xi1>, vector<16xf32>, vector<16xf32>)
      %parallel_loop3A_2214 = arith.constant 0 : i32
      %parallel_loop3A_2215 = arith.addi %parallel_loop3A_13, %parallel_loop3A_2214 : i32
      %parallel_loop3A_2216 = arith.index_cast %parallel_loop3A_2215 : i32 to index
      %parallel_loop3A_2217 = arith.constant 320 : index
      %parallel_loop3A_2218 = tpu.vector_load %arg4[%parallel_loop3A_2216, %parallel_loop3A_2217] {strides = array<i32>} : memref<128x512xf32, #tpu.memory_space<vmem>>, vector<16xf32>,
      %parallel_loop3A_2219 = arith.constant dense<true> : vector<16xi1>
      %parallel_loop3A_2220, %parallel_loop3A_2221, %parallel_loop3A_2222 = tpu.sort %parallel_loop3A_2218, %parallel_loop3A_2218 masked %parallel_loop3A_2219 {descending = true} : (vector<16xf32>, vector<16xf32>, vector<16xi1>) -> (vector<16xi1>, vector<16xf32>, vector<16xf32>)
      %parallel_loop3A_2223 = arith.minimumf %parallel_loop3A_2114, %parallel_loop3A_2221 : vector<16xf32>
      %parallel_loop3A_2224 = arith.constant dense<true> : vector<16xi1>
      %parallel_loop3A_2225, %parallel_loop3A_2226, %parallel_loop3A_2227 = tpu.sort %parallel_loop3A_2223, %parallel_loop3A_2223 masked %parallel_loop3A_2224 : (vector<16xf32>, vector<16xf32>, vector<16xi1>) -> (vector<16xi1>, vector<16xf32>, vector<16xf32>)
      %parallel_loop3A_2228 = arith.constant 1 : i32
      %parallel_loop3A_2229 = arith.addi %parallel_loop3A_13, %parallel_loop3A_2228 : i32
      %parallel_loop3A_2230 = arith.index_cast %parallel_loop3A_2229 : i32 to index
      %parallel_loop3A_2231 = arith.constant 320 : index
      %parallel_loop3A_2232 = tpu.vector_load %arg4[%parallel_loop3A_2230, %parallel_loop3A_2231] {strides = array<i32>} : memref<128x512xf32, #tpu.memory_space<vmem>>, vector<16xf32>,
      %parallel_loop3A_2233 = arith.constant dense<true> : vector<16xi1>
      %parallel_loop3A_2234, %parallel_loop3A_2235, %parallel_loop3A_2236 = tpu.sort %parallel_loop3A_2232, %parallel_loop3A_2232 masked %parallel_loop3A_2233 {descending = true} : (vector<16xf32>, vector<16xf32>, vector<16xi1>) -> (vector<16xi1>, vector<16xf32>, vector<16xf32>)
      %parallel_loop3A_2237 = arith.minimumf %parallel_loop3A_2128, %parallel_loop3A_2235 : vector<16xf32>
      %parallel_loop3A_2238 = arith.constant dense<true> : vector<16xi1>
      %parallel_loop3A_2239, %parallel_loop3A_2240, %parallel_loop3A_2241 = tpu.sort %parallel_loop3A_2237, %parallel_loop3A_2237 masked %parallel_loop3A_2238 : (vector<16xf32>, vector<16xf32>, vector<16xi1>) -> (vector<16xi1>, vector<16xf32>, vector<16xf32>)
      %parallel_loop3A_2242 = arith.constant 2 : i32
      %parallel_loop3A_2243 = arith.addi %parallel_loop3A_13, %parallel_loop3A_2242 : i32
      %parallel_loop3A_2244 = arith.index_cast %parallel_loop3A_2243 : i32 to index
      %parallel_loop3A_2245 = arith.constant 320 : index
      %parallel_loop3A_2246 = tpu.vector_load %arg4[%parallel_loop3A_2244, %parallel_loop3A_2245] {strides = array<i32>} : memref<128x512xf32, #tpu.memory_space<vmem>>, vector<16xf32>,
      %parallel_loop3A_2247 = arith.constant dense<true> : vector<16xi1>
      %parallel_loop3A_2248, %parallel_loop3A_2249, %parallel_loop3A_2250 = tpu.sort %parallel_loop3A_2246, %parallel_loop3A_2246 masked %parallel_loop3A_2247 {descending = true} : (vector<16xf32>, vector<16xf32>, vector<16xi1>) -> (vector<16xi1>, vector<16xf32>, vector<16xf32>)
      %parallel_loop3A_2251 = arith.minimumf %parallel_loop3A_2142, %parallel_loop3A_2249 : vector<16xf32>
      %parallel_loop3A_2252 = arith.constant dense<true> : vector<16xi1>
      %parallel_loop3A_2253, %parallel_loop3A_2254, %parallel_loop3A_2255 = tpu.sort %parallel_loop3A_2251, %parallel_loop3A_2251 masked %parallel_loop3A_2252 : (vector<16xf32>, vector<16xf32>, vector<16xi1>) -> (vector<16xi1>, vector<16xf32>, vector<16xf32>)
      %parallel_loop3A_2256 = arith.constant 3 : i32
      %parallel_loop3A_2257 = arith.addi %parallel_loop3A_13, %parallel_loop3A_2256 : i32
      %parallel_loop3A_2258 = arith.index_cast %parallel_loop3A_2257 : i32 to index
      %parallel_loop3A_2259 = arith.constant 320 : index
      %parallel_loop3A_2260 = tpu.vector_load %arg4[%parallel_loop3A_2258, %parallel_loop3A_2259] {strides = array<i32>} : memref<128x512xf32, #tpu.memory_space<vmem>>, vector<16xf32>,
      %parallel_loop3A_2261 = arith.constant dense<true> : vector<16xi1>
      %parallel_loop3A_2262, %parallel_loop3A_2263, %parallel_loop3A_2264 = tpu.sort %parallel_loop3A_2260, %parallel_loop3A_2260 masked %parallel_loop3A_2261 {descending = true} : (vector<16xf32>, vector<16xf32>, vector<16xi1>) -> (vector<16xi1>, vector<16xf32>, vector<16xf32>)
      %parallel_loop3A_2265 = arith.minimumf %parallel_loop3A_2156, %parallel_loop3A_2263 : vector<16xf32>
      %parallel_loop3A_2266 = arith.constant dense<true> : vector<16xi1>
      %parallel_loop3A_2267, %parallel_loop3A_2268, %parallel_loop3A_2269 = tpu.sort %parallel_loop3A_2265, %parallel_loop3A_2265 masked %parallel_loop3A_2266 : (vector<16xf32>, vector<16xf32>, vector<16xi1>) -> (vector<16xi1>, vector<16xf32>, vector<16xf32>)
      %parallel_loop3A_2270 = arith.constant 4 : i32
      %parallel_loop3A_2271 = arith.addi %parallel_loop3A_13, %parallel_loop3A_2270 : i32
      %parallel_loop3A_2272 = arith.index_cast %parallel_loop3A_2271 : i32 to index
      %parallel_loop3A_2273 = arith.constant 320 : index
      %parallel_loop3A_2274 = tpu.vector_load %arg4[%parallel_loop3A_2272, %parallel_loop3A_2273] {strides = array<i32>} : memref<128x512xf32, #tpu.memory_space<vmem>>, vector<16xf32>,
      %parallel_loop3A_2275 = arith.constant dense<true> : vector<16xi1>
      %parallel_loop3A_2276, %parallel_loop3A_2277, %parallel_loop3A_2278 = tpu.sort %parallel_loop3A_2274, %parallel_loop3A_2274 masked %parallel_loop3A_2275 {descending = true} : (vector<16xf32>, vector<16xf32>, vector<16xi1>) -> (vector<16xi1>, vector<16xf32>, vector<16xf32>)
      %parallel_loop3A_2279 = arith.minimumf %parallel_loop3A_2170, %parallel_loop3A_2277 : vector<16xf32>
      %parallel_loop3A_2280 = arith.constant dense<true> : vector<16xi1>
      %parallel_loop3A_2281, %parallel_loop3A_2282, %parallel_loop3A_2283 = tpu.sort %parallel_loop3A_2279, %parallel_loop3A_2279 masked %parallel_loop3A_2280 : (vector<16xf32>, vector<16xf32>, vector<16xi1>) -> (vector<16xi1>, vector<16xf32>, vector<16xf32>)
      %parallel_loop3A_2284 = arith.constant 5 : i32
      %parallel_loop3A_2285 = arith.addi %parallel_loop3A_13, %parallel_loop3A_2284 : i32
      %parallel_loop3A_2286 = arith.index_cast %parallel_loop3A_2285 : i32 to index
      %parallel_loop3A_2287 = arith.constant 320 : index
      %parallel_loop3A_2288 = tpu.vector_load %arg4[%parallel_loop3A_2286, %parallel_loop3A_2287] {strides = array<i32>} : memref<128x512xf32, #tpu.memory_space<vmem>>, vector<16xf32>,
      %parallel_loop3A_2289 = arith.constant dense<true> : vector<16xi1>
      %parallel_loop3A_2290, %parallel_loop3A_2291, %parallel_loop3A_2292 = tpu.sort %parallel_loop3A_2288, %parallel_loop3A_2288 masked %parallel_loop3A_2289 {descending = true} : (vector<16xf32>, vector<16xf32>, vector<16xi1>) -> (vector<16xi1>, vector<16xf32>, vector<16xf32>)
      %parallel_loop3A_2293 = arith.minimumf %parallel_loop3A_2184, %parallel_loop3A_2291 : vector<16xf32>
      %parallel_loop3A_2294 = arith.constant dense<true> : vector<16xi1>
      %parallel_loop3A_2295, %parallel_loop3A_2296, %parallel_loop3A_2297 = tpu.sort %parallel_loop3A_2293, %parallel_loop3A_2293 masked %parallel_loop3A_2294 : (vector<16xf32>, vector<16xf32>, vector<16xi1>) -> (vector<16xi1>, vector<16xf32>, vector<16xf32>)
      %parallel_loop3A_2298 = arith.constant 6 : i32
      %parallel_loop3A_2299 = arith.addi %parallel_loop3A_13, %parallel_loop3A_2298 : i32
      %parallel_loop3A_2300 = arith.index_cast %parallel_loop3A_2299 : i32 to index
      %parallel_loop3A_2301 = arith.constant 320 : index
      %parallel_loop3A_2302 = tpu.vector_load %arg4[%parallel_loop3A_2300, %parallel_loop3A_2301] {strides = array<i32>} : memref<128x512xf32, #tpu.memory_space<vmem>>, vector<16xf32>,
      %parallel_loop3A_2303 = arith.constant dense<true> : vector<16xi1>
      %parallel_loop3A_2304, %parallel_loop3A_2305, %parallel_loop3A_2306 = tpu.sort %parallel_loop3A_2302, %parallel_loop3A_2302 masked %parallel_loop3A_2303 {descending = true} : (vector<16xf32>, vector<16xf32>, vector<16xi1>) -> (vector<16xi1>, vector<16xf32>, vector<16xf32>)
      %parallel_loop3A_2307 = arith.minimumf %parallel_loop3A_2198, %parallel_loop3A_2305 : vector<16xf32>
      %parallel_loop3A_2308 = arith.constant dense<true> : vector<16xi1>
      %parallel_loop3A_2309, %parallel_loop3A_2310, %parallel_loop3A_2311 = tpu.sort %parallel_loop3A_2307, %parallel_loop3A_2307 masked %parallel_loop3A_2308 : (vector<16xf32>, vector<16xf32>, vector<16xi1>) -> (vector<16xi1>, vector<16xf32>, vector<16xf32>)
      %parallel_loop3A_2312 = arith.constant 7 : i32
      %parallel_loop3A_2313 = arith.addi %parallel_loop3A_13, %parallel_loop3A_2312 : i32
      %parallel_loop3A_2314 = arith.index_cast %parallel_loop3A_2313 : i32 to index
      %parallel_loop3A_2315 = arith.constant 320 : index
      %parallel_loop3A_2316 = tpu.vector_load %arg4[%parallel_loop3A_2314, %parallel_loop3A_2315] {strides = array<i32>} : memref<128x512xf32, #tpu.memory_space<vmem>>, vector<16xf32>,
      %parallel_loop3A_2317 = arith.constant dense<true> : vector<16xi1>
      %parallel_loop3A_2318, %parallel_loop3A_2319, %parallel_loop3A_2320 = tpu.sort %parallel_loop3A_2316, %parallel_loop3A_2316 masked %parallel_loop3A_2317 {descending = true} : (vector<16xf32>, vector<16xf32>, vector<16xi1>) -> (vector<16xi1>, vector<16xf32>, vector<16xf32>)
      %parallel_loop3A_2321 = arith.minimumf %parallel_loop3A_2212, %parallel_loop3A_2319 : vector<16xf32>
      %parallel_loop3A_2322 = arith.constant dense<true> : vector<16xi1>
      %parallel_loop3A_2323, %parallel_loop3A_2324, %parallel_loop3A_2325 = tpu.sort %parallel_loop3A_2321, %parallel_loop3A_2321 masked %parallel_loop3A_2322 : (vector<16xf32>, vector<16xf32>, vector<16xi1>) -> (vector<16xi1>, vector<16xf32>, vector<16xf32>)
      %parallel_loop3A_2326 = arith.constant 0 : i32
      %parallel_loop3A_2327 = arith.addi %parallel_loop3A_13, %parallel_loop3A_2326 : i32
      %parallel_loop3A_2328 = arith.index_cast %parallel_loop3A_2327 : i32 to index
      %parallel_loop3A_2329 = arith.constant 336 : index
      %parallel_loop3A_2330 = tpu.vector_load %arg4[%parallel_loop3A_2328, %parallel_loop3A_2329] {strides = array<i32>} : memref<128x512xf32, #tpu.memory_space<vmem>>, vector<16xf32>,
      %parallel_loop3A_2331 = arith.constant dense<true> : vector<16xi1>
      %parallel_loop3A_2332, %parallel_loop3A_2333, %parallel_loop3A_2334 = tpu.sort %parallel_loop3A_2330, %parallel_loop3A_2330 masked %parallel_loop3A_2331 {descending = true} : (vector<16xf32>, vector<16xf32>, vector<16xi1>) -> (vector<16xi1>, vector<16xf32>, vector<16xf32>)
      %parallel_loop3A_2335 = arith.minimumf %parallel_loop3A_2226, %parallel_loop3A_2333 : vector<16xf32>
      %parallel_loop3A_2336 = arith.constant dense<true> : vector<16xi1>
      %parallel_loop3A_2337, %parallel_loop3A_2338, %parallel_loop3A_2339 = tpu.sort %parallel_loop3A_2335, %parallel_loop3A_2335 masked %parallel_loop3A_2336 : (vector<16xf32>, vector<16xf32>, vector<16xi1>) -> (vector<16xi1>, vector<16xf32>, vector<16xf32>)
      %parallel_loop3A_2340 = arith.constant 1 : i32
      %parallel_loop3A_2341 = arith.addi %parallel_loop3A_13, %parallel_loop3A_2340 : i32
      %parallel_loop3A_2342 = arith.index_cast %parallel_loop3A_2341 : i32 to index
      %parallel_loop3A_2343 = arith.constant 336 : index
      %parallel_loop3A_2344 = tpu.vector_load %arg4[%parallel_loop3A_2342, %parallel_loop3A_2343] {strides = array<i32>} : memref<128x512xf32, #tpu.memory_space<vmem>>, vector<16xf32>,
      %parallel_loop3A_2345 = arith.constant dense<true> : vector<16xi1>
      %parallel_loop3A_2346, %parallel_loop3A_2347, %parallel_loop3A_2348 = tpu.sort %parallel_loop3A_2344, %parallel_loop3A_2344 masked %parallel_loop3A_2345 {descending = true} : (vector<16xf32>, vector<16xf32>, vector<16xi1>) -> (vector<16xi1>, vector<16xf32>, vector<16xf32>)
      %parallel_loop3A_2349 = arith.minimumf %parallel_loop3A_2240, %parallel_loop3A_2347 : vector<16xf32>
      %parallel_loop3A_2350 = arith.constant dense<true> : vector<16xi1>
      %parallel_loop3A_2351, %parallel_loop3A_2352, %parallel_loop3A_2353 = tpu.sort %parallel_loop3A_2349, %parallel_loop3A_2349 masked %parallel_loop3A_2350 : (vector<16xf32>, vector<16xf32>, vector<16xi1>) -> (vector<16xi1>, vector<16xf32>, vector<16xf32>)
      %parallel_loop3A_2354 = arith.constant 2 : i32
      %parallel_loop3A_2355 = arith.addi %parallel_loop3A_13, %parallel_loop3A_2354 : i32
      %parallel_loop3A_2356 = arith.index_cast %parallel_loop3A_2355 : i32 to index
      %parallel_loop3A_2357 = arith.constant 336 : index
      %parallel_loop3A_2358 = tpu.vector_load %arg4[%parallel_loop3A_2356, %parallel_loop3A_2357] {strides = array<i32>} : memref<128x512xf32, #tpu.memory_space<vmem>>, vector<16xf32>,
      %parallel_loop3A_2359 = arith.constant dense<true> : vector<16xi1>
      %parallel_loop3A_2360, %parallel_loop3A_2361, %parallel_loop3A_2362 = tpu.sort %parallel_loop3A_2358, %parallel_loop3A_2358 masked %parallel_loop3A_2359 {descending = true} : (vector<16xf32>, vector<16xf32>, vector<16xi1>) -> (vector<16xi1>, vector<16xf32>, vector<16xf32>)
      %parallel_loop3A_2363 = arith.minimumf %parallel_loop3A_2254, %parallel_loop3A_2361 : vector<16xf32>
      %parallel_loop3A_2364 = arith.constant dense<true> : vector<16xi1>
      %parallel_loop3A_2365, %parallel_loop3A_2366, %parallel_loop3A_2367 = tpu.sort %parallel_loop3A_2363, %parallel_loop3A_2363 masked %parallel_loop3A_2364 : (vector<16xf32>, vector<16xf32>, vector<16xi1>) -> (vector<16xi1>, vector<16xf32>, vector<16xf32>)
      %parallel_loop3A_2368 = arith.constant 3 : i32
      %parallel_loop3A_2369 = arith.addi %parallel_loop3A_13, %parallel_loop3A_2368 : i32
      %parallel_loop3A_2370 = arith.index_cast %parallel_loop3A_2369 : i32 to index
      %parallel_loop3A_2371 = arith.constant 336 : index
      %parallel_loop3A_2372 = tpu.vector_load %arg4[%parallel_loop3A_2370, %parallel_loop3A_2371] {strides = array<i32>} : memref<128x512xf32, #tpu.memory_space<vmem>>, vector<16xf32>,
      %parallel_loop3A_2373 = arith.constant dense<true> : vector<16xi1>
      %parallel_loop3A_2374, %parallel_loop3A_2375, %parallel_loop3A_2376 = tpu.sort %parallel_loop3A_2372, %parallel_loop3A_2372 masked %parallel_loop3A_2373 {descending = true} : (vector<16xf32>, vector<16xf32>, vector<16xi1>) -> (vector<16xi1>, vector<16xf32>, vector<16xf32>)
      %parallel_loop3A_2377 = arith.minimumf %parallel_loop3A_2268, %parallel_loop3A_2375 : vector<16xf32>
      %parallel_loop3A_2378 = arith.constant dense<true> : vector<16xi1>
      %parallel_loop3A_2379, %parallel_loop3A_2380, %parallel_loop3A_2381 = tpu.sort %parallel_loop3A_2377, %parallel_loop3A_2377 masked %parallel_loop3A_2378 : (vector<16xf32>, vector<16xf32>, vector<16xi1>) -> (vector<16xi1>, vector<16xf32>, vector<16xf32>)
      %parallel_loop3A_2382 = arith.constant 4 : i32
      %parallel_loop3A_2383 = arith.addi %parallel_loop3A_13, %parallel_loop3A_2382 : i32
      %parallel_loop3A_2384 = arith.index_cast %parallel_loop3A_2383 : i32 to index
      %parallel_loop3A_2385 = arith.constant 336 : index
      %parallel_loop3A_2386 = tpu.vector_load %arg4[%parallel_loop3A_2384, %parallel_loop3A_2385] {strides = array<i32>} : memref<128x512xf32, #tpu.memory_space<vmem>>, vector<16xf32>,
      %parallel_loop3A_2387 = arith.constant dense<true> : vector<16xi1>
      %parallel_loop3A_2388, %parallel_loop3A_2389, %parallel_loop3A_2390 = tpu.sort %parallel_loop3A_2386, %parallel_loop3A_2386 masked %parallel_loop3A_2387 {descending = true} : (vector<16xf32>, vector<16xf32>, vector<16xi1>) -> (vector<16xi1>, vector<16xf32>, vector<16xf32>)
      %parallel_loop3A_2391 = arith.minimumf %parallel_loop3A_2282, %parallel_loop3A_2389 : vector<16xf32>
      %parallel_loop3A_2392 = arith.constant dense<true> : vector<16xi1>
      %parallel_loop3A_2393, %parallel_loop3A_2394, %parallel_loop3A_2395 = tpu.sort %parallel_loop3A_2391, %parallel_loop3A_2391 masked %parallel_loop3A_2392 : (vector<16xf32>, vector<16xf32>, vector<16xi1>) -> (vector<16xi1>, vector<16xf32>, vector<16xf32>)
      %parallel_loop3A_2396 = arith.constant 5 : i32
      %parallel_loop3A_2397 = arith.addi %parallel_loop3A_13, %parallel_loop3A_2396 : i32
      %parallel_loop3A_2398 = arith.index_cast %parallel_loop3A_2397 : i32 to index
      %parallel_loop3A_2399 = arith.constant 336 : index
      %parallel_loop3A_2400 = tpu.vector_load %arg4[%parallel_loop3A_2398, %parallel_loop3A_2399] {strides = array<i32>} : memref<128x512xf32, #tpu.memory_space<vmem>>, vector<16xf32>,
      %parallel_loop3A_2401 = arith.constant dense<true> : vector<16xi1>
      %parallel_loop3A_2402, %parallel_loop3A_2403, %parallel_loop3A_2404 = tpu.sort %parallel_loop3A_2400, %parallel_loop3A_2400 masked %parallel_loop3A_2401 {descending = true} : (vector<16xf32>, vector<16xf32>, vector<16xi1>) -> (vector<16xi1>, vector<16xf32>, vector<16xf32>)
      %parallel_loop3A_2405 = arith.minimumf %parallel_loop3A_2296, %parallel_loop3A_2403 : vector<16xf32>
      %parallel_loop3A_2406 = arith.constant dense<true> : vector<16xi1>
      %parallel_loop3A_2407, %parallel_loop3A_2408, %parallel_loop3A_2409 = tpu.sort %parallel_loop3A_2405, %parallel_loop3A_2405 masked %parallel_loop3A_2406 : (vector<16xf32>, vector<16xf32>, vector<16xi1>) -> (vector<16xi1>, vector<16xf32>, vector<16xf32>)
      %parallel_loop3A_2410 = arith.constant 6 : i32
      %parallel_loop3A_2411 = arith.addi %parallel_loop3A_13, %parallel_loop3A_2410 : i32
      %parallel_loop3A_2412 = arith.index_cast %parallel_loop3A_2411 : i32 to index
      %parallel_loop3A_2413 = arith.constant 336 : index
      %parallel_loop3A_2414 = tpu.vector_load %arg4[%parallel_loop3A_2412, %parallel_loop3A_2413] {strides = array<i32>} : memref<128x512xf32, #tpu.memory_space<vmem>>, vector<16xf32>,
      %parallel_loop3A_2415 = arith.constant dense<true> : vector<16xi1>
      %parallel_loop3A_2416, %parallel_loop3A_2417, %parallel_loop3A_2418 = tpu.sort %parallel_loop3A_2414, %parallel_loop3A_2414 masked %parallel_loop3A_2415 {descending = true} : (vector<16xf32>, vector<16xf32>, vector<16xi1>) -> (vector<16xi1>, vector<16xf32>, vector<16xf32>)
      %parallel_loop3A_2419 = arith.minimumf %parallel_loop3A_2310, %parallel_loop3A_2417 : vector<16xf32>
      %parallel_loop3A_2420 = arith.constant dense<true> : vector<16xi1>
      %parallel_loop3A_2421, %parallel_loop3A_2422, %parallel_loop3A_2423 = tpu.sort %parallel_loop3A_2419, %parallel_loop3A_2419 masked %parallel_loop3A_2420 : (vector<16xf32>, vector<16xf32>, vector<16xi1>) -> (vector<16xi1>, vector<16xf32>, vector<16xf32>)
      %parallel_loop3A_2424 = arith.constant 7 : i32
      %parallel_loop3A_2425 = arith.addi %parallel_loop3A_13, %parallel_loop3A_2424 : i32
      %parallel_loop3A_2426 = arith.index_cast %parallel_loop3A_2425 : i32 to index
      %parallel_loop3A_2427 = arith.constant 336 : index
      %parallel_loop3A_2428 = tpu.vector_load %arg4[%parallel_loop3A_2426, %parallel_loop3A_2427] {strides = array<i32>} : memref<128x512xf32, #tpu.memory_space<vmem>>, vector<16xf32>,
      %parallel_loop3A_2429 = arith.constant dense<true> : vector<16xi1>
      %parallel_loop3A_2430, %parallel_loop3A_2431, %parallel_loop3A_2432 = tpu.sort %parallel_loop3A_2428, %parallel_loop3A_2428 masked %parallel_loop3A_2429 {descending = true} : (vector<16xf32>, vector<16xf32>, vector<16xi1>) -> (vector<16xi1>, vector<16xf32>, vector<16xf32>)
      %parallel_loop3A_2433 = arith.minimumf %parallel_loop3A_2324, %parallel_loop3A_2431 : vector<16xf32>
      %parallel_loop3A_2434 = arith.constant dense<true> : vector<16xi1>
      %parallel_loop3A_2435, %parallel_loop3A_2436, %parallel_loop3A_2437 = tpu.sort %parallel_loop3A_2433, %parallel_loop3A_2433 masked %parallel_loop3A_2434 : (vector<16xf32>, vector<16xf32>, vector<16xi1>) -> (vector<16xi1>, vector<16xf32>, vector<16xf32>)
      %parallel_loop3A_2438 = arith.constant 0 : i32
      %parallel_loop3A_2439 = arith.addi %parallel_loop3A_13, %parallel_loop3A_2438 : i32
      %parallel_loop3A_2440 = arith.index_cast %parallel_loop3A_2439 : i32 to index
      %parallel_loop3A_2441 = arith.constant 352 : index
      %parallel_loop3A_2442 = tpu.vector_load %arg4[%parallel_loop3A_2440, %parallel_loop3A_2441] {strides = array<i32>} : memref<128x512xf32, #tpu.memory_space<vmem>>, vector<16xf32>,
      %parallel_loop3A_2443 = arith.constant dense<true> : vector<16xi1>
      %parallel_loop3A_2444, %parallel_loop3A_2445, %parallel_loop3A_2446 = tpu.sort %parallel_loop3A_2442, %parallel_loop3A_2442 masked %parallel_loop3A_2443 {descending = true} : (vector<16xf32>, vector<16xf32>, vector<16xi1>) -> (vector<16xi1>, vector<16xf32>, vector<16xf32>)
      %parallel_loop3A_2447 = arith.minimumf %parallel_loop3A_2338, %parallel_loop3A_2445 : vector<16xf32>
      %parallel_loop3A_2448 = arith.constant dense<true> : vector<16xi1>
      %parallel_loop3A_2449, %parallel_loop3A_2450, %parallel_loop3A_2451 = tpu.sort %parallel_loop3A_2447, %parallel_loop3A_2447 masked %parallel_loop3A_2448 : (vector<16xf32>, vector<16xf32>, vector<16xi1>) -> (vector<16xi1>, vector<16xf32>, vector<16xf32>)
      %parallel_loop3A_2452 = arith.constant 1 : i32
      %parallel_loop3A_2453 = arith.addi %parallel_loop3A_13, %parallel_loop3A_2452 : i32
      %parallel_loop3A_2454 = arith.index_cast %parallel_loop3A_2453 : i32 to index
      %parallel_loop3A_2455 = arith.constant 352 : index
      %parallel_loop3A_2456 = tpu.vector_load %arg4[%parallel_loop3A_2454, %parallel_loop3A_2455] {strides = array<i32>} : memref<128x512xf32, #tpu.memory_space<vmem>>, vector<16xf32>,
      %parallel_loop3A_2457 = arith.constant dense<true> : vector<16xi1>
      %parallel_loop3A_2458, %parallel_loop3A_2459, %parallel_loop3A_2460 = tpu.sort %parallel_loop3A_2456, %parallel_loop3A_2456 masked %parallel_loop3A_2457 {descending = true} : (vector<16xf32>, vector<16xf32>, vector<16xi1>) -> (vector<16xi1>, vector<16xf32>, vector<16xf32>)
      %parallel_loop3A_2461 = arith.minimumf %parallel_loop3A_2352, %parallel_loop3A_2459 : vector<16xf32>
      %parallel_loop3A_2462 = arith.constant dense<true> : vector<16xi1>
      %parallel_loop3A_2463, %parallel_loop3A_2464, %parallel_loop3A_2465 = tpu.sort %parallel_loop3A_2461, %parallel_loop3A_2461 masked %parallel_loop3A_2462 : (vector<16xf32>, vector<16xf32>, vector<16xi1>) -> (vector<16xi1>, vector<16xf32>, vector<16xf32>)
      %parallel_loop3A_2466 = arith.constant 2 : i32
      %parallel_loop3A_2467 = arith.addi %parallel_loop3A_13, %parallel_loop3A_2466 : i32
      %parallel_loop3A_2468 = arith.index_cast %parallel_loop3A_2467 : i32 to index
      %parallel_loop3A_2469 = arith.constant 352 : index
      %parallel_loop3A_2470 = tpu.vector_load %arg4[%parallel_loop3A_2468, %parallel_loop3A_2469] {strides = array<i32>} : memref<128x512xf32, #tpu.memory_space<vmem>>, vector<16xf32>,
      %parallel_loop3A_2471 = arith.constant dense<true> : vector<16xi1>
      %parallel_loop3A_2472, %parallel_loop3A_2473, %parallel_loop3A_2474 = tpu.sort %parallel_loop3A_2470, %parallel_loop3A_2470 masked %parallel_loop3A_2471 {descending = true} : (vector<16xf32>, vector<16xf32>, vector<16xi1>) -> (vector<16xi1>, vector<16xf32>, vector<16xf32>)
      %parallel_loop3A_2475 = arith.minimumf %parallel_loop3A_2366, %parallel_loop3A_2473 : vector<16xf32>
      %parallel_loop3A_2476 = arith.constant dense<true> : vector<16xi1>
      %parallel_loop3A_2477, %parallel_loop3A_2478, %parallel_loop3A_2479 = tpu.sort %parallel_loop3A_2475, %parallel_loop3A_2475 masked %parallel_loop3A_2476 : (vector<16xf32>, vector<16xf32>, vector<16xi1>) -> (vector<16xi1>, vector<16xf32>, vector<16xf32>)
      %parallel_loop3A_2480 = arith.constant 3 : i32
      %parallel_loop3A_2481 = arith.addi %parallel_loop3A_13, %parallel_loop3A_2480 : i32
      %parallel_loop3A_2482 = arith.index_cast %parallel_loop3A_2481 : i32 to index
      %parallel_loop3A_2483 = arith.constant 352 : index
      %parallel_loop3A_2484 = tpu.vector_load %arg4[%parallel_loop3A_2482, %parallel_loop3A_2483] {strides = array<i32>} : memref<128x512xf32, #tpu.memory_space<vmem>>, vector<16xf32>,
      %parallel_loop3A_2485 = arith.constant dense<true> : vector<16xi1>
      %parallel_loop3A_2486, %parallel_loop3A_2487, %parallel_loop3A_2488 = tpu.sort %parallel_loop3A_2484, %parallel_loop3A_2484 masked %parallel_loop3A_2485 {descending = true} : (vector<16xf32>, vector<16xf32>, vector<16xi1>) -> (vector<16xi1>, vector<16xf32>, vector<16xf32>)
      %parallel_loop3A_2489 = arith.minimumf %parallel_loop3A_2380, %parallel_loop3A_2487 : vector<16xf32>
      %parallel_loop3A_2490 = arith.constant dense<true> : vector<16xi1>
      %parallel_loop3A_2491, %parallel_loop3A_2492, %parallel_loop3A_2493 = tpu.sort %parallel_loop3A_2489, %parallel_loop3A_2489 masked %parallel_loop3A_2490 : (vector<16xf32>, vector<16xf32>, vector<16xi1>) -> (vector<16xi1>, vector<16xf32>, vector<16xf32>)
      %parallel_loop3A_2494 = arith.constant 4 : i32
      %parallel_loop3A_2495 = arith.addi %parallel_loop3A_13, %parallel_loop3A_2494 : i32
      %parallel_loop3A_2496 = arith.index_cast %parallel_loop3A_2495 : i32 to index
      %parallel_loop3A_2497 = arith.constant 352 : index
      %parallel_loop3A_2498 = tpu.vector_load %arg4[%parallel_loop3A_2496, %parallel_loop3A_2497] {strides = array<i32>} : memref<128x512xf32, #tpu.memory_space<vmem>>, vector<16xf32>,
      %parallel_loop3A_2499 = arith.constant dense<true> : vector<16xi1>
      %parallel_loop3A_2500, %parallel_loop3A_2501, %parallel_loop3A_2502 = tpu.sort %parallel_loop3A_2498, %parallel_loop3A_2498 masked %parallel_loop3A_2499 {descending = true} : (vector<16xf32>, vector<16xf32>, vector<16xi1>) -> (vector<16xi1>, vector<16xf32>, vector<16xf32>)
      %parallel_loop3A_2503 = arith.minimumf %parallel_loop3A_2394, %parallel_loop3A_2501 : vector<16xf32>
      %parallel_loop3A_2504 = arith.constant dense<true> : vector<16xi1>
      %parallel_loop3A_2505, %parallel_loop3A_2506, %parallel_loop3A_2507 = tpu.sort %parallel_loop3A_2503, %parallel_loop3A_2503 masked %parallel_loop3A_2504 : (vector<16xf32>, vector<16xf32>, vector<16xi1>) -> (vector<16xi1>, vector<16xf32>, vector<16xf32>)
      %parallel_loop3A_2508 = arith.constant 5 : i32
      %parallel_loop3A_2509 = arith.addi %parallel_loop3A_13, %parallel_loop3A_2508 : i32
      %parallel_loop3A_2510 = arith.index_cast %parallel_loop3A_2509 : i32 to index
      %parallel_loop3A_2511 = arith.constant 352 : index
      %parallel_loop3A_2512 = tpu.vector_load %arg4[%parallel_loop3A_2510, %parallel_loop3A_2511] {strides = array<i32>} : memref<128x512xf32, #tpu.memory_space<vmem>>, vector<16xf32>,
      %parallel_loop3A_2513 = arith.constant dense<true> : vector<16xi1>
      %parallel_loop3A_2514, %parallel_loop3A_2515, %parallel_loop3A_2516 = tpu.sort %parallel_loop3A_2512, %parallel_loop3A_2512 masked %parallel_loop3A_2513 {descending = true} : (vector<16xf32>, vector<16xf32>, vector<16xi1>) -> (vector<16xi1>, vector<16xf32>, vector<16xf32>)
      %parallel_loop3A_2517 = arith.minimumf %parallel_loop3A_2408, %parallel_loop3A_2515 : vector<16xf32>
      %parallel_loop3A_2518 = arith.constant dense<true> : vector<16xi1>
      %parallel_loop3A_2519, %parallel_loop3A_2520, %parallel_loop3A_2521 = tpu.sort %parallel_loop3A_2517, %parallel_loop3A_2517 masked %parallel_loop3A_2518 : (vector<16xf32>, vector<16xf32>, vector<16xi1>) -> (vector<16xi1>, vector<16xf32>, vector<16xf32>)
      %parallel_loop3A_2522 = arith.constant 6 : i32
      %parallel_loop3A_2523 = arith.addi %parallel_loop3A_13, %parallel_loop3A_2522 : i32
      %parallel_loop3A_2524 = arith.index_cast %parallel_loop3A_2523 : i32 to index
      %parallel_loop3A_2525 = arith.constant 352 : index
      %parallel_loop3A_2526 = tpu.vector_load %arg4[%parallel_loop3A_2524, %parallel_loop3A_2525] {strides = array<i32>} : memref<128x512xf32, #tpu.memory_space<vmem>>, vector<16xf32>,
      %parallel_loop3A_2527 = arith.constant dense<true> : vector<16xi1>
      %parallel_loop3A_2528, %parallel_loop3A_2529, %parallel_loop3A_2530 = tpu.sort %parallel_loop3A_2526, %parallel_loop3A_2526 masked %parallel_loop3A_2527 {descending = true} : (vector<16xf32>, vector<16xf32>, vector<16xi1>) -> (vector<16xi1>, vector<16xf32>, vector<16xf32>)
      %parallel_loop3A_2531 = arith.minimumf %parallel_loop3A_2422, %parallel_loop3A_2529 : vector<16xf32>
      %parallel_loop3A_2532 = arith.constant dense<true> : vector<16xi1>
      %parallel_loop3A_2533, %parallel_loop3A_2534, %parallel_loop3A_2535 = tpu.sort %parallel_loop3A_2531, %parallel_loop3A_2531 masked %parallel_loop3A_2532 : (vector<16xf32>, vector<16xf32>, vector<16xi1>) -> (vector<16xi1>, vector<16xf32>, vector<16xf32>)
      %parallel_loop3A_2536 = arith.constant 7 : i32
      %parallel_loop3A_2537 = arith.addi %parallel_loop3A_13, %parallel_loop3A_2536 : i32
      %parallel_loop3A_2538 = arith.index_cast %parallel_loop3A_2537 : i32 to index
      %parallel_loop3A_2539 = arith.constant 352 : index
      %parallel_loop3A_2540 = tpu.vector_load %arg4[%parallel_loop3A_2538, %parallel_loop3A_2539] {strides = array<i32>} : memref<128x512xf32, #tpu.memory_space<vmem>>, vector<16xf32>,
      %parallel_loop3A_2541 = arith.constant dense<true> : vector<16xi1>
      %parallel_loop3A_2542, %parallel_loop3A_2543, %parallel_loop3A_2544 = tpu.sort %parallel_loop3A_2540, %parallel_loop3A_2540 masked %parallel_loop3A_2541 {descending = true} : (vector<16xf32>, vector<16xf32>, vector<16xi1>) -> (vector<16xi1>, vector<16xf32>, vector<16xf32>)
      %parallel_loop3A_2545 = arith.minimumf %parallel_loop3A_2436, %parallel_loop3A_2543 : vector<16xf32>
      %parallel_loop3A_2546 = arith.constant dense<true> : vector<16xi1>
      %parallel_loop3A_2547, %parallel_loop3A_2548, %parallel_loop3A_2549 = tpu.sort %parallel_loop3A_2545, %parallel_loop3A_2545 masked %parallel_loop3A_2546 : (vector<16xf32>, vector<16xf32>, vector<16xi1>) -> (vector<16xi1>, vector<16xf32>, vector<16xf32>)
      %parallel_loop3A_2550 = arith.constant 0 : i32
      %parallel_loop3A_2551 = arith.addi %parallel_loop3A_13, %parallel_loop3A_2550 : i32
      %parallel_loop3A_2552 = arith.index_cast %parallel_loop3A_2551 : i32 to index
      %parallel_loop3A_2553 = arith.constant 368 : index
      %parallel_loop3A_2554 = tpu.vector_load %arg4[%parallel_loop3A_2552, %parallel_loop3A_2553] {strides = array<i32>} : memref<128x512xf32, #tpu.memory_space<vmem>>, vector<16xf32>,
      %parallel_loop3A_2555 = arith.constant dense<true> : vector<16xi1>
      %parallel_loop3A_2556, %parallel_loop3A_2557, %parallel_loop3A_2558 = tpu.sort %parallel_loop3A_2554, %parallel_loop3A_2554 masked %parallel_loop3A_2555 {descending = true} : (vector<16xf32>, vector<16xf32>, vector<16xi1>) -> (vector<16xi1>, vector<16xf32>, vector<16xf32>)
      %parallel_loop3A_2559 = arith.minimumf %parallel_loop3A_2450, %parallel_loop3A_2557 : vector<16xf32>
      %parallel_loop3A_2560 = arith.constant dense<true> : vector<16xi1>
      %parallel_loop3A_2561, %parallel_loop3A_2562, %parallel_loop3A_2563 = tpu.sort %parallel_loop3A_2559, %parallel_loop3A_2559 masked %parallel_loop3A_2560 : (vector<16xf32>, vector<16xf32>, vector<16xi1>) -> (vector<16xi1>, vector<16xf32>, vector<16xf32>)
      %parallel_loop3A_2564 = arith.constant 1 : i32
      %parallel_loop3A_2565 = arith.addi %parallel_loop3A_13, %parallel_loop3A_2564 : i32
      %parallel_loop3A_2566 = arith.index_cast %parallel_loop3A_2565 : i32 to index
      %parallel_loop3A_2567 = arith.constant 368 : index
      %parallel_loop3A_2568 = tpu.vector_load %arg4[%parallel_loop3A_2566, %parallel_loop3A_2567] {strides = array<i32>} : memref<128x512xf32, #tpu.memory_space<vmem>>, vector<16xf32>,
      %parallel_loop3A_2569 = arith.constant dense<true> : vector<16xi1>
      %parallel_loop3A_2570, %parallel_loop3A_2571, %parallel_loop3A_2572 = tpu.sort %parallel_loop3A_2568, %parallel_loop3A_2568 masked %parallel_loop3A_2569 {descending = true} : (vector<16xf32>, vector<16xf32>, vector<16xi1>) -> (vector<16xi1>, vector<16xf32>, vector<16xf32>)
      %parallel_loop3A_2573 = arith.minimumf %parallel_loop3A_2464, %parallel_loop3A_2571 : vector<16xf32>
      %parallel_loop3A_2574 = arith.constant dense<true> : vector<16xi1>
      %parallel_loop3A_2575, %parallel_loop3A_2576, %parallel_loop3A_2577 = tpu.sort %parallel_loop3A_2573, %parallel_loop3A_2573 masked %parallel_loop3A_2574 : (vector<16xf32>, vector<16xf32>, vector<16xi1>) -> (vector<16xi1>, vector<16xf32>, vector<16xf32>)
      %parallel_loop3A_2578 = arith.constant 2 : i32
      %parallel_loop3A_2579 = arith.addi %parallel_loop3A_13, %parallel_loop3A_2578 : i32
      %parallel_loop3A_2580 = arith.index_cast %parallel_loop3A_2579 : i32 to index
      %parallel_loop3A_2581 = arith.constant 368 : index
      %parallel_loop3A_2582 = tpu.vector_load %arg4[%parallel_loop3A_2580, %parallel_loop3A_2581] {strides = array<i32>} : memref<128x512xf32, #tpu.memory_space<vmem>>, vector<16xf32>,
      %parallel_loop3A_2583 = arith.constant dense<true> : vector<16xi1>
      %parallel_loop3A_2584, %parallel_loop3A_2585, %parallel_loop3A_2586 = tpu.sort %parallel_loop3A_2582, %parallel_loop3A_2582 masked %parallel_loop3A_2583 {descending = true} : (vector<16xf32>, vector<16xf32>, vector<16xi1>) -> (vector<16xi1>, vector<16xf32>, vector<16xf32>)
      %parallel_loop3A_2587 = arith.minimumf %parallel_loop3A_2478, %parallel_loop3A_2585 : vector<16xf32>
      %parallel_loop3A_2588 = arith.constant dense<true> : vector<16xi1>
      %parallel_loop3A_2589, %parallel_loop3A_2590, %parallel_loop3A_2591 = tpu.sort %parallel_loop3A_2587, %parallel_loop3A_2587 masked %parallel_loop3A_2588 : (vector<16xf32>, vector<16xf32>, vector<16xi1>) -> (vector<16xi1>, vector<16xf32>, vector<16xf32>)
      %parallel_loop3A_2592 = arith.constant 3 : i32
      %parallel_loop3A_2593 = arith.addi %parallel_loop3A_13, %parallel_loop3A_2592 : i32
      %parallel_loop3A_2594 = arith.index_cast %parallel_loop3A_2593 : i32 to index
      %parallel_loop3A_2595 = arith.constant 368 : index
      %parallel_loop3A_2596 = tpu.vector_load %arg4[%parallel_loop3A_2594, %parallel_loop3A_2595] {strides = array<i32>} : memref<128x512xf32, #tpu.memory_space<vmem>>, vector<16xf32>,
      %parallel_loop3A_2597 = arith.constant dense<true> : vector<16xi1>
      %parallel_loop3A_2598, %parallel_loop3A_2599, %parallel_loop3A_2600 = tpu.sort %parallel_loop3A_2596, %parallel_loop3A_2596 masked %parallel_loop3A_2597 {descending = true} : (vector<16xf32>, vector<16xf32>, vector<16xi1>) -> (vector<16xi1>, vector<16xf32>, vector<16xf32>)
      %parallel_loop3A_2601 = arith.minimumf %parallel_loop3A_2492, %parallel_loop3A_2599 : vector<16xf32>
      %parallel_loop3A_2602 = arith.constant dense<true> : vector<16xi1>
      %parallel_loop3A_2603, %parallel_loop3A_2604, %parallel_loop3A_2605 = tpu.sort %parallel_loop3A_2601, %parallel_loop3A_2601 masked %parallel_loop3A_2602 : (vector<16xf32>, vector<16xf32>, vector<16xi1>) -> (vector<16xi1>, vector<16xf32>, vector<16xf32>)
      %parallel_loop3A_2606 = arith.constant 4 : i32
      %parallel_loop3A_2607 = arith.addi %parallel_loop3A_13, %parallel_loop3A_2606 : i32
      %parallel_loop3A_2608 = arith.index_cast %parallel_loop3A_2607 : i32 to index
      %parallel_loop3A_2609 = arith.constant 368 : index
      %parallel_loop3A_2610 = tpu.vector_load %arg4[%parallel_loop3A_2608, %parallel_loop3A_2609] {strides = array<i32>} : memref<128x512xf32, #tpu.memory_space<vmem>>, vector<16xf32>,
      %parallel_loop3A_2611 = arith.constant dense<true> : vector<16xi1>
      %parallel_loop3A_2612, %parallel_loop3A_2613, %parallel_loop3A_2614 = tpu.sort %parallel_loop3A_2610, %parallel_loop3A_2610 masked %parallel_loop3A_2611 {descending = true} : (vector<16xf32>, vector<16xf32>, vector<16xi1>) -> (vector<16xi1>, vector<16xf32>, vector<16xf32>)
      %parallel_loop3A_2615 = arith.minimumf %parallel_loop3A_2506, %parallel_loop3A_2613 : vector<16xf32>
      %parallel_loop3A_2616 = arith.constant dense<true> : vector<16xi1>
      %parallel_loop3A_2617, %parallel_loop3A_2618, %parallel_loop3A_2619 = tpu.sort %parallel_loop3A_2615, %parallel_loop3A_2615 masked %parallel_loop3A_2616 : (vector<16xf32>, vector<16xf32>, vector<16xi1>) -> (vector<16xi1>, vector<16xf32>, vector<16xf32>)
      %parallel_loop3A_2620 = arith.constant 5 : i32
      %parallel_loop3A_2621 = arith.addi %parallel_loop3A_13, %parallel_loop3A_2620 : i32
      %parallel_loop3A_2622 = arith.index_cast %parallel_loop3A_2621 : i32 to index
      %parallel_loop3A_2623 = arith.constant 368 : index
      %parallel_loop3A_2624 = tpu.vector_load %arg4[%parallel_loop3A_2622, %parallel_loop3A_2623] {strides = array<i32>} : memref<128x512xf32, #tpu.memory_space<vmem>>, vector<16xf32>,
      %parallel_loop3A_2625 = arith.constant dense<true> : vector<16xi1>
      %parallel_loop3A_2626, %parallel_loop3A_2627, %parallel_loop3A_2628 = tpu.sort %parallel_loop3A_2624, %parallel_loop3A_2624 masked %parallel_loop3A_2625 {descending = true} : (vector<16xf32>, vector<16xf32>, vector<16xi1>) -> (vector<16xi1>, vector<16xf32>, vector<16xf32>)
      %parallel_loop3A_2629 = arith.minimumf %parallel_loop3A_2520, %parallel_loop3A_2627 : vector<16xf32>
      %parallel_loop3A_2630 = arith.constant dense<true> : vector<16xi1>
      %parallel_loop3A_2631, %parallel_loop3A_2632, %parallel_loop3A_2633 = tpu.sort %parallel_loop3A_2629, %parallel_loop3A_2629 masked %parallel_loop3A_2630 : (vector<16xf32>, vector<16xf32>, vector<16xi1>) -> (vector<16xi1>, vector<16xf32>, vector<16xf32>)
      %parallel_loop3A_2634 = arith.constant 6 : i32
      %parallel_loop3A_2635 = arith.addi %parallel_loop3A_13, %parallel_loop3A_2634 : i32
      %parallel_loop3A_2636 = arith.index_cast %parallel_loop3A_2635 : i32 to index
      %parallel_loop3A_2637 = arith.constant 368 : index
      %parallel_loop3A_2638 = tpu.vector_load %arg4[%parallel_loop3A_2636, %parallel_loop3A_2637] {strides = array<i32>} : memref<128x512xf32, #tpu.memory_space<vmem>>, vector<16xf32>,
      %parallel_loop3A_2639 = arith.constant dense<true> : vector<16xi1>
      %parallel_loop3A_2640, %parallel_loop3A_2641, %parallel_loop3A_2642 = tpu.sort %parallel_loop3A_2638, %parallel_loop3A_2638 masked %parallel_loop3A_2639 {descending = true} : (vector<16xf32>, vector<16xf32>, vector<16xi1>) -> (vector<16xi1>, vector<16xf32>, vector<16xf32>)
      %parallel_loop3A_2643 = arith.minimumf %parallel_loop3A_2534, %parallel_loop3A_2641 : vector<16xf32>
      %parallel_loop3A_2644 = arith.constant dense<true> : vector<16xi1>
      %parallel_loop3A_2645, %parallel_loop3A_2646, %parallel_loop3A_2647 = tpu.sort %parallel_loop3A_2643, %parallel_loop3A_2643 masked %parallel_loop3A_2644 : (vector<16xf32>, vector<16xf32>, vector<16xi1>) -> (vector<16xi1>, vector<16xf32>, vector<16xf32>)
      %parallel_loop3A_2648 = arith.constant 7 : i32
      %parallel_loop3A_2649 = arith.addi %parallel_loop3A_13, %parallel_loop3A_2648 : i32
      %parallel_loop3A_2650 = arith.index_cast %parallel_loop3A_2649 : i32 to index
      %parallel_loop3A_2651 = arith.constant 368 : index
      %parallel_loop3A_2652 = tpu.vector_load %arg4[%parallel_loop3A_2650, %parallel_loop3A_2651] {strides = array<i32>} : memref<128x512xf32, #tpu.memory_space<vmem>>, vector<16xf32>,
      %parallel_loop3A_2653 = arith.constant dense<true> : vector<16xi1>
      %parallel_loop3A_2654, %parallel_loop3A_2655, %parallel_loop3A_2656 = tpu.sort %parallel_loop3A_2652, %parallel_loop3A_2652 masked %parallel_loop3A_2653 {descending = true} : (vector<16xf32>, vector<16xf32>, vector<16xi1>) -> (vector<16xi1>, vector<16xf32>, vector<16xf32>)
      %parallel_loop3A_2657 = arith.minimumf %parallel_loop3A_2548, %parallel_loop3A_2655 : vector<16xf32>
      %parallel_loop3A_2658 = arith.constant dense<true> : vector<16xi1>
      %parallel_loop3A_2659, %parallel_loop3A_2660, %parallel_loop3A_2661 = tpu.sort %parallel_loop3A_2657, %parallel_loop3A_2657 masked %parallel_loop3A_2658 : (vector<16xf32>, vector<16xf32>, vector<16xi1>) -> (vector<16xi1>, vector<16xf32>, vector<16xf32>)
      %parallel_loop3A_2662 = arith.constant 0 : i32
      %parallel_loop3A_2663 = arith.addi %parallel_loop3A_13, %parallel_loop3A_2662 : i32
      %parallel_loop3A_2664 = arith.index_cast %parallel_loop3A_2663 : i32 to index
      %parallel_loop3A_2665 = arith.constant 384 : index
      %parallel_loop3A_2666 = tpu.vector_load %arg4[%parallel_loop3A_2664, %parallel_loop3A_2665] {strides = array<i32>} : memref<128x512xf32, #tpu.memory_space<vmem>>, vector<16xf32>,
      %parallel_loop3A_2667 = arith.constant dense<true> : vector<16xi1>
      %parallel_loop3A_2668, %parallel_loop3A_2669, %parallel_loop3A_2670 = tpu.sort %parallel_loop3A_2666, %parallel_loop3A_2666 masked %parallel_loop3A_2667 {descending = true} : (vector<16xf32>, vector<16xf32>, vector<16xi1>) -> (vector<16xi1>, vector<16xf32>, vector<16xf32>)
      %parallel_loop3A_2671 = arith.minimumf %parallel_loop3A_2562, %parallel_loop3A_2669 : vector<16xf32>
      %parallel_loop3A_2672 = arith.constant dense<true> : vector<16xi1>
      %parallel_loop3A_2673, %parallel_loop3A_2674, %parallel_loop3A_2675 = tpu.sort %parallel_loop3A_2671, %parallel_loop3A_2671 masked %parallel_loop3A_2672 : (vector<16xf32>, vector<16xf32>, vector<16xi1>) -> (vector<16xi1>, vector<16xf32>, vector<16xf32>)
      %parallel_loop3A_2676 = arith.constant 1 : i32
      %parallel_loop3A_2677 = arith.addi %parallel_loop3A_13, %parallel_loop3A_2676 : i32
      %parallel_loop3A_2678 = arith.index_cast %parallel_loop3A_2677 : i32 to index
      %parallel_loop3A_2679 = arith.constant 384 : index
      %parallel_loop3A_2680 = tpu.vector_load %arg4[%parallel_loop3A_2678, %parallel_loop3A_2679] {strides = array<i32>} : memref<128x512xf32, #tpu.memory_space<vmem>>, vector<16xf32>,
      %parallel_loop3A_2681 = arith.constant dense<true> : vector<16xi1>
      %parallel_loop3A_2682, %parallel_loop3A_2683, %parallel_loop3A_2684 = tpu.sort %parallel_loop3A_2680, %parallel_loop3A_2680 masked %parallel_loop3A_2681 {descending = true} : (vector<16xf32>, vector<16xf32>, vector<16xi1>) -> (vector<16xi1>, vector<16xf32>, vector<16xf32>)
      %parallel_loop3A_2685 = arith.minimumf %parallel_loop3A_2576, %parallel_loop3A_2683 : vector<16xf32>
      %parallel_loop3A_2686 = arith.constant dense<true> : vector<16xi1>
      %parallel_loop3A_2687, %parallel_loop3A_2688, %parallel_loop3A_2689 = tpu.sort %parallel_loop3A_2685, %parallel_loop3A_2685 masked %parallel_loop3A_2686 : (vector<16xf32>, vector<16xf32>, vector<16xi1>) -> (vector<16xi1>, vector<16xf32>, vector<16xf32>)
      %parallel_loop3A_2690 = arith.constant 2 : i32
      %parallel_loop3A_2691 = arith.addi %parallel_loop3A_13, %parallel_loop3A_2690 : i32
      %parallel_loop3A_2692 = arith.index_cast %parallel_loop3A_2691 : i32 to index
      %parallel_loop3A_2693 = arith.constant 384 : index
      %parallel_loop3A_2694 = tpu.vector_load %arg4[%parallel_loop3A_2692, %parallel_loop3A_2693] {strides = array<i32>} : memref<128x512xf32, #tpu.memory_space<vmem>>, vector<16xf32>,
      %parallel_loop3A_2695 = arith.constant dense<true> : vector<16xi1>
      %parallel_loop3A_2696, %parallel_loop3A_2697, %parallel_loop3A_2698 = tpu.sort %parallel_loop3A_2694, %parallel_loop3A_2694 masked %parallel_loop3A_2695 {descending = true} : (vector<16xf32>, vector<16xf32>, vector<16xi1>) -> (vector<16xi1>, vector<16xf32>, vector<16xf32>)
      %parallel_loop3A_2699 = arith.minimumf %parallel_loop3A_2590, %parallel_loop3A_2697 : vector<16xf32>
      %parallel_loop3A_2700 = arith.constant dense<true> : vector<16xi1>
      %parallel_loop3A_2701, %parallel_loop3A_2702, %parallel_loop3A_2703 = tpu.sort %parallel_loop3A_2699, %parallel_loop3A_2699 masked %parallel_loop3A_2700 : (vector<16xf32>, vector<16xf32>, vector<16xi1>) -> (vector<16xi1>, vector<16xf32>, vector<16xf32>)
      %parallel_loop3A_2704 = arith.constant 3 : i32
      %parallel_loop3A_2705 = arith.addi %parallel_loop3A_13, %parallel_loop3A_2704 : i32
      %parallel_loop3A_2706 = arith.index_cast %parallel_loop3A_2705 : i32 to index
      %parallel_loop3A_2707 = arith.constant 384 : index
      %parallel_loop3A_2708 = tpu.vector_load %arg4[%parallel_loop3A_2706, %parallel_loop3A_2707] {strides = array<i32>} : memref<128x512xf32, #tpu.memory_space<vmem>>, vector<16xf32>,
      %parallel_loop3A_2709 = arith.constant dense<true> : vector<16xi1>
      %parallel_loop3A_2710, %parallel_loop3A_2711, %parallel_loop3A_2712 = tpu.sort %parallel_loop3A_2708, %parallel_loop3A_2708 masked %parallel_loop3A_2709 {descending = true} : (vector<16xf32>, vector<16xf32>, vector<16xi1>) -> (vector<16xi1>, vector<16xf32>, vector<16xf32>)
      %parallel_loop3A_2713 = arith.minimumf %parallel_loop3A_2604, %parallel_loop3A_2711 : vector<16xf32>
      %parallel_loop3A_2714 = arith.constant dense<true> : vector<16xi1>
      %parallel_loop3A_2715, %parallel_loop3A_2716, %parallel_loop3A_2717 = tpu.sort %parallel_loop3A_2713, %parallel_loop3A_2713 masked %parallel_loop3A_2714 : (vector<16xf32>, vector<16xf32>, vector<16xi1>) -> (vector<16xi1>, vector<16xf32>, vector<16xf32>)
      %parallel_loop3A_2718 = arith.constant 4 : i32
      %parallel_loop3A_2719 = arith.addi %parallel_loop3A_13, %parallel_loop3A_2718 : i32
      %parallel_loop3A_2720 = arith.index_cast %parallel_loop3A_2719 : i32 to index
      %parallel_loop3A_2721 = arith.constant 384 : index
      %parallel_loop3A_2722 = tpu.vector_load %arg4[%parallel_loop3A_2720, %parallel_loop3A_2721] {strides = array<i32>} : memref<128x512xf32, #tpu.memory_space<vmem>>, vector<16xf32>,
      %parallel_loop3A_2723 = arith.constant dense<true> : vector<16xi1>
      %parallel_loop3A_2724, %parallel_loop3A_2725, %parallel_loop3A_2726 = tpu.sort %parallel_loop3A_2722, %parallel_loop3A_2722 masked %parallel_loop3A_2723 {descending = true} : (vector<16xf32>, vector<16xf32>, vector<16xi1>) -> (vector<16xi1>, vector<16xf32>, vector<16xf32>)
      %parallel_loop3A_2727 = arith.minimumf %parallel_loop3A_2618, %parallel_loop3A_2725 : vector<16xf32>
      %parallel_loop3A_2728 = arith.constant dense<true> : vector<16xi1>
      %parallel_loop3A_2729, %parallel_loop3A_2730, %parallel_loop3A_2731 = tpu.sort %parallel_loop3A_2727, %parallel_loop3A_2727 masked %parallel_loop3A_2728 : (vector<16xf32>, vector<16xf32>, vector<16xi1>) -> (vector<16xi1>, vector<16xf32>, vector<16xf32>)
      %parallel_loop3A_2732 = arith.constant 5 : i32
      %parallel_loop3A_2733 = arith.addi %parallel_loop3A_13, %parallel_loop3A_2732 : i32
      %parallel_loop3A_2734 = arith.index_cast %parallel_loop3A_2733 : i32 to index
      %parallel_loop3A_2735 = arith.constant 384 : index
      %parallel_loop3A_2736 = tpu.vector_load %arg4[%parallel_loop3A_2734, %parallel_loop3A_2735] {strides = array<i32>} : memref<128x512xf32, #tpu.memory_space<vmem>>, vector<16xf32>,
      %parallel_loop3A_2737 = arith.constant dense<true> : vector<16xi1>
      %parallel_loop3A_2738, %parallel_loop3A_2739, %parallel_loop3A_2740 = tpu.sort %parallel_loop3A_2736, %parallel_loop3A_2736 masked %parallel_loop3A_2737 {descending = true} : (vector<16xf32>, vector<16xf32>, vector<16xi1>) -> (vector<16xi1>, vector<16xf32>, vector<16xf32>)
      %parallel_loop3A_2741 = arith.minimumf %parallel_loop3A_2632, %parallel_loop3A_2739 : vector<16xf32>
      %parallel_loop3A_2742 = arith.constant dense<true> : vector<16xi1>
      %parallel_loop3A_2743, %parallel_loop3A_2744, %parallel_loop3A_2745 = tpu.sort %parallel_loop3A_2741, %parallel_loop3A_2741 masked %parallel_loop3A_2742 : (vector<16xf32>, vector<16xf32>, vector<16xi1>) -> (vector<16xi1>, vector<16xf32>, vector<16xf32>)
      %parallel_loop3A_2746 = arith.constant 6 : i32
      %parallel_loop3A_2747 = arith.addi %parallel_loop3A_13, %parallel_loop3A_2746 : i32
      %parallel_loop3A_2748 = arith.index_cast %parallel_loop3A_2747 : i32 to index
      %parallel_loop3A_2749 = arith.constant 384 : index
      %parallel_loop3A_2750 = tpu.vector_load %arg4[%parallel_loop3A_2748, %parallel_loop3A_2749] {strides = array<i32>} : memref<128x512xf32, #tpu.memory_space<vmem>>, vector<16xf32>,
      %parallel_loop3A_2751 = arith.constant dense<true> : vector<16xi1>
      %parallel_loop3A_2752, %parallel_loop3A_2753, %parallel_loop3A_2754 = tpu.sort %parallel_loop3A_2750, %parallel_loop3A_2750 masked %parallel_loop3A_2751 {descending = true} : (vector<16xf32>, vector<16xf32>, vector<16xi1>) -> (vector<16xi1>, vector<16xf32>, vector<16xf32>)
      %parallel_loop3A_2755 = arith.minimumf %parallel_loop3A_2646, %parallel_loop3A_2753 : vector<16xf32>
      %parallel_loop3A_2756 = arith.constant dense<true> : vector<16xi1>
      %parallel_loop3A_2757, %parallel_loop3A_2758, %parallel_loop3A_2759 = tpu.sort %parallel_loop3A_2755, %parallel_loop3A_2755 masked %parallel_loop3A_2756 : (vector<16xf32>, vector<16xf32>, vector<16xi1>) -> (vector<16xi1>, vector<16xf32>, vector<16xf32>)
      %parallel_loop3A_2760 = arith.constant 7 : i32
      %parallel_loop3A_2761 = arith.addi %parallel_loop3A_13, %parallel_loop3A_2760 : i32
      %parallel_loop3A_2762 = arith.index_cast %parallel_loop3A_2761 : i32 to index
      %parallel_loop3A_2763 = arith.constant 384 : index
      %parallel_loop3A_2764 = tpu.vector_load %arg4[%parallel_loop3A_2762, %parallel_loop3A_2763] {strides = array<i32>} : memref<128x512xf32, #tpu.memory_space<vmem>>, vector<16xf32>,
      %parallel_loop3A_2765 = arith.constant dense<true> : vector<16xi1>
      %parallel_loop3A_2766, %parallel_loop3A_2767, %parallel_loop3A_2768 = tpu.sort %parallel_loop3A_2764, %parallel_loop3A_2764 masked %parallel_loop3A_2765 {descending = true} : (vector<16xf32>, vector<16xf32>, vector<16xi1>) -> (vector<16xi1>, vector<16xf32>, vector<16xf32>)
      %parallel_loop3A_2769 = arith.minimumf %parallel_loop3A_2660, %parallel_loop3A_2767 : vector<16xf32>
      %parallel_loop3A_2770 = arith.constant dense<true> : vector<16xi1>
      %parallel_loop3A_2771, %parallel_loop3A_2772, %parallel_loop3A_2773 = tpu.sort %parallel_loop3A_2769, %parallel_loop3A_2769 masked %parallel_loop3A_2770 : (vector<16xf32>, vector<16xf32>, vector<16xi1>) -> (vector<16xi1>, vector<16xf32>, vector<16xf32>)
      %parallel_loop3A_2774 = arith.constant 0 : i32
      %parallel_loop3A_2775 = arith.addi %parallel_loop3A_13, %parallel_loop3A_2774 : i32
      %parallel_loop3A_2776 = arith.index_cast %parallel_loop3A_2775 : i32 to index
      %parallel_loop3A_2777 = arith.constant 400 : index
      %parallel_loop3A_2778 = tpu.vector_load %arg4[%parallel_loop3A_2776, %parallel_loop3A_2777] {strides = array<i32>} : memref<128x512xf32, #tpu.memory_space<vmem>>, vector<16xf32>,
      %parallel_loop3A_2779 = arith.constant dense<true> : vector<16xi1>
      %parallel_loop3A_2780, %parallel_loop3A_2781, %parallel_loop3A_2782 = tpu.sort %parallel_loop3A_2778, %parallel_loop3A_2778 masked %parallel_loop3A_2779 {descending = true} : (vector<16xf32>, vector<16xf32>, vector<16xi1>) -> (vector<16xi1>, vector<16xf32>, vector<16xf32>)
      %parallel_loop3A_2783 = arith.minimumf %parallel_loop3A_2674, %parallel_loop3A_2781 : vector<16xf32>
      %parallel_loop3A_2784 = arith.constant dense<true> : vector<16xi1>
      %parallel_loop3A_2785, %parallel_loop3A_2786, %parallel_loop3A_2787 = tpu.sort %parallel_loop3A_2783, %parallel_loop3A_2783 masked %parallel_loop3A_2784 : (vector<16xf32>, vector<16xf32>, vector<16xi1>) -> (vector<16xi1>, vector<16xf32>, vector<16xf32>)
      %parallel_loop3A_2788 = arith.constant 1 : i32
      %parallel_loop3A_2789 = arith.addi %parallel_loop3A_13, %parallel_loop3A_2788 : i32
      %parallel_loop3A_2790 = arith.index_cast %parallel_loop3A_2789 : i32 to index
      %parallel_loop3A_2791 = arith.constant 400 : index
      %parallel_loop3A_2792 = tpu.vector_load %arg4[%parallel_loop3A_2790, %parallel_loop3A_2791] {strides = array<i32>} : memref<128x512xf32, #tpu.memory_space<vmem>>, vector<16xf32>,
      %parallel_loop3A_2793 = arith.constant dense<true> : vector<16xi1>
      %parallel_loop3A_2794, %parallel_loop3A_2795, %parallel_loop3A_2796 = tpu.sort %parallel_loop3A_2792, %parallel_loop3A_2792 masked %parallel_loop3A_2793 {descending = true} : (vector<16xf32>, vector<16xf32>, vector<16xi1>) -> (vector<16xi1>, vector<16xf32>, vector<16xf32>)
      %parallel_loop3A_2797 = arith.minimumf %parallel_loop3A_2688, %parallel_loop3A_2795 : vector<16xf32>
      %parallel_loop3A_2798 = arith.constant dense<true> : vector<16xi1>
      %parallel_loop3A_2799, %parallel_loop3A_2800, %parallel_loop3A_2801 = tpu.sort %parallel_loop3A_2797, %parallel_loop3A_2797 masked %parallel_loop3A_2798 : (vector<16xf32>, vector<16xf32>, vector<16xi1>) -> (vector<16xi1>, vector<16xf32>, vector<16xf32>)
      %parallel_loop3A_2802 = arith.constant 2 : i32
      %parallel_loop3A_2803 = arith.addi %parallel_loop3A_13, %parallel_loop3A_2802 : i32
      %parallel_loop3A_2804 = arith.index_cast %parallel_loop3A_2803 : i32 to index
      %parallel_loop3A_2805 = arith.constant 400 : index
      %parallel_loop3A_2806 = tpu.vector_load %arg4[%parallel_loop3A_2804, %parallel_loop3A_2805] {strides = array<i32>} : memref<128x512xf32, #tpu.memory_space<vmem>>, vector<16xf32>,
      %parallel_loop3A_2807 = arith.constant dense<true> : vector<16xi1>
      %parallel_loop3A_2808, %parallel_loop3A_2809, %parallel_loop3A_2810 = tpu.sort %parallel_loop3A_2806, %parallel_loop3A_2806 masked %parallel_loop3A_2807 {descending = true} : (vector<16xf32>, vector<16xf32>, vector<16xi1>) -> (vector<16xi1>, vector<16xf32>, vector<16xf32>)
      %parallel_loop3A_2811 = arith.minimumf %parallel_loop3A_2702, %parallel_loop3A_2809 : vector<16xf32>
      %parallel_loop3A_2812 = arith.constant dense<true> : vector<16xi1>
      %parallel_loop3A_2813, %parallel_loop3A_2814, %parallel_loop3A_2815 = tpu.sort %parallel_loop3A_2811, %parallel_loop3A_2811 masked %parallel_loop3A_2812 : (vector<16xf32>, vector<16xf32>, vector<16xi1>) -> (vector<16xi1>, vector<16xf32>, vector<16xf32>)
      %parallel_loop3A_2816 = arith.constant 3 : i32
      %parallel_loop3A_2817 = arith.addi %parallel_loop3A_13, %parallel_loop3A_2816 : i32
      %parallel_loop3A_2818 = arith.index_cast %parallel_loop3A_2817 : i32 to index
      %parallel_loop3A_2819 = arith.constant 400 : index
      %parallel_loop3A_2820 = tpu.vector_load %arg4[%parallel_loop3A_2818, %parallel_loop3A_2819] {strides = array<i32>} : memref<128x512xf32, #tpu.memory_space<vmem>>, vector<16xf32>,
      %parallel_loop3A_2821 = arith.constant dense<true> : vector<16xi1>
      %parallel_loop3A_2822, %parallel_loop3A_2823, %parallel_loop3A_2824 = tpu.sort %parallel_loop3A_2820, %parallel_loop3A_2820 masked %parallel_loop3A_2821 {descending = true} : (vector<16xf32>, vector<16xf32>, vector<16xi1>) -> (vector<16xi1>, vector<16xf32>, vector<16xf32>)
      %parallel_loop3A_2825 = arith.minimumf %parallel_loop3A_2716, %parallel_loop3A_2823 : vector<16xf32>
      %parallel_loop3A_2826 = arith.constant dense<true> : vector<16xi1>
      %parallel_loop3A_2827, %parallel_loop3A_2828, %parallel_loop3A_2829 = tpu.sort %parallel_loop3A_2825, %parallel_loop3A_2825 masked %parallel_loop3A_2826 : (vector<16xf32>, vector<16xf32>, vector<16xi1>) -> (vector<16xi1>, vector<16xf32>, vector<16xf32>)
      %parallel_loop3A_2830 = arith.constant 4 : i32
      %parallel_loop3A_2831 = arith.addi %parallel_loop3A_13, %parallel_loop3A_2830 : i32
      %parallel_loop3A_2832 = arith.index_cast %parallel_loop3A_2831 : i32 to index
      %parallel_loop3A_2833 = arith.constant 400 : index
      %parallel_loop3A_2834 = tpu.vector_load %arg4[%parallel_loop3A_2832, %parallel_loop3A_2833] {strides = array<i32>} : memref<128x512xf32, #tpu.memory_space<vmem>>, vector<16xf32>,
      %parallel_loop3A_2835 = arith.constant dense<true> : vector<16xi1>
      %parallel_loop3A_2836, %parallel_loop3A_2837, %parallel_loop3A_2838 = tpu.sort %parallel_loop3A_2834, %parallel_loop3A_2834 masked %parallel_loop3A_2835 {descending = true} : (vector<16xf32>, vector<16xf32>, vector<16xi1>) -> (vector<16xi1>, vector<16xf32>, vector<16xf32>)
      %parallel_loop3A_2839 = arith.minimumf %parallel_loop3A_2730, %parallel_loop3A_2837 : vector<16xf32>
      %parallel_loop3A_2840 = arith.constant dense<true> : vector<16xi1>
      %parallel_loop3A_2841, %parallel_loop3A_2842, %parallel_loop3A_2843 = tpu.sort %parallel_loop3A_2839, %parallel_loop3A_2839 masked %parallel_loop3A_2840 : (vector<16xf32>, vector<16xf32>, vector<16xi1>) -> (vector<16xi1>, vector<16xf32>, vector<16xf32>)
      %parallel_loop3A_2844 = arith.constant 5 : i32
      %parallel_loop3A_2845 = arith.addi %parallel_loop3A_13, %parallel_loop3A_2844 : i32
      %parallel_loop3A_2846 = arith.index_cast %parallel_loop3A_2845 : i32 to index
      %parallel_loop3A_2847 = arith.constant 400 : index
      %parallel_loop3A_2848 = tpu.vector_load %arg4[%parallel_loop3A_2846, %parallel_loop3A_2847] {strides = array<i32>} : memref<128x512xf32, #tpu.memory_space<vmem>>, vector<16xf32>,
      %parallel_loop3A_2849 = arith.constant dense<true> : vector<16xi1>
      %parallel_loop3A_2850, %parallel_loop3A_2851, %parallel_loop3A_2852 = tpu.sort %parallel_loop3A_2848, %parallel_loop3A_2848 masked %parallel_loop3A_2849 {descending = true} : (vector<16xf32>, vector<16xf32>, vector<16xi1>) -> (vector<16xi1>, vector<16xf32>, vector<16xf32>)
      %parallel_loop3A_2853 = arith.minimumf %parallel_loop3A_2744, %parallel_loop3A_2851 : vector<16xf32>
      %parallel_loop3A_2854 = arith.constant dense<true> : vector<16xi1>
      %parallel_loop3A_2855, %parallel_loop3A_2856, %parallel_loop3A_2857 = tpu.sort %parallel_loop3A_2853, %parallel_loop3A_2853 masked %parallel_loop3A_2854 : (vector<16xf32>, vector<16xf32>, vector<16xi1>) -> (vector<16xi1>, vector<16xf32>, vector<16xf32>)
      %parallel_loop3A_2858 = arith.constant 6 : i32
      %parallel_loop3A_2859 = arith.addi %parallel_loop3A_13, %parallel_loop3A_2858 : i32
      %parallel_loop3A_2860 = arith.index_cast %parallel_loop3A_2859 : i32 to index
      %parallel_loop3A_2861 = arith.constant 400 : index
      %parallel_loop3A_2862 = tpu.vector_load %arg4[%parallel_loop3A_2860, %parallel_loop3A_2861] {strides = array<i32>} : memref<128x512xf32, #tpu.memory_space<vmem>>, vector<16xf32>,
      %parallel_loop3A_2863 = arith.constant dense<true> : vector<16xi1>
      %parallel_loop3A_2864, %parallel_loop3A_2865, %parallel_loop3A_2866 = tpu.sort %parallel_loop3A_2862, %parallel_loop3A_2862 masked %parallel_loop3A_2863 {descending = true} : (vector<16xf32>, vector<16xf32>, vector<16xi1>) -> (vector<16xi1>, vector<16xf32>, vector<16xf32>)
      %parallel_loop3A_2867 = arith.minimumf %parallel_loop3A_2758, %parallel_loop3A_2865 : vector<16xf32>
      %parallel_loop3A_2868 = arith.constant dense<true> : vector<16xi1>
      %parallel_loop3A_2869, %parallel_loop3A_2870, %parallel_loop3A_2871 = tpu.sort %parallel_loop3A_2867, %parallel_loop3A_2867 masked %parallel_loop3A_2868 : (vector<16xf32>, vector<16xf32>, vector<16xi1>) -> (vector<16xi1>, vector<16xf32>, vector<16xf32>)
      %parallel_loop3A_2872 = arith.constant 7 : i32
      %parallel_loop3A_2873 = arith.addi %parallel_loop3A_13, %parallel_loop3A_2872 : i32
      %parallel_loop3A_2874 = arith.index_cast %parallel_loop3A_2873 : i32 to index
      %parallel_loop3A_2875 = arith.constant 400 : index
      %parallel_loop3A_2876 = tpu.vector_load %arg4[%parallel_loop3A_2874, %parallel_loop3A_2875] {strides = array<i32>} : memref<128x512xf32, #tpu.memory_space<vmem>>, vector<16xf32>,
      %parallel_loop3A_2877 = arith.constant dense<true> : vector<16xi1>
      %parallel_loop3A_2878, %parallel_loop3A_2879, %parallel_loop3A_2880 = tpu.sort %parallel_loop3A_2876, %parallel_loop3A_2876 masked %parallel_loop3A_2877 {descending = true} : (vector<16xf32>, vector<16xf32>, vector<16xi1>) -> (vector<16xi1>, vector<16xf32>, vector<16xf32>)
      %parallel_loop3A_2881 = arith.minimumf %parallel_loop3A_2772, %parallel_loop3A_2879 : vector<16xf32>
      %parallel_loop3A_2882 = arith.constant dense<true> : vector<16xi1>
      %parallel_loop3A_2883, %parallel_loop3A_2884, %parallel_loop3A_2885 = tpu.sort %parallel_loop3A_2881, %parallel_loop3A_2881 masked %parallel_loop3A_2882 : (vector<16xf32>, vector<16xf32>, vector<16xi1>) -> (vector<16xi1>, vector<16xf32>, vector<16xf32>)
      %parallel_loop3A_2886 = arith.constant 0 : i32
      %parallel_loop3A_2887 = arith.addi %parallel_loop3A_13, %parallel_loop3A_2886 : i32
      %parallel_loop3A_2888 = arith.index_cast %parallel_loop3A_2887 : i32 to index
      %parallel_loop3A_2889 = arith.constant 416 : index
      %parallel_loop3A_2890 = tpu.vector_load %arg4[%parallel_loop3A_2888, %parallel_loop3A_2889] {strides = array<i32>} : memref<128x512xf32, #tpu.memory_space<vmem>>, vector<16xf32>,
      %parallel_loop3A_2891 = arith.constant dense<true> : vector<16xi1>
      %parallel_loop3A_2892, %parallel_loop3A_2893, %parallel_loop3A_2894 = tpu.sort %parallel_loop3A_2890, %parallel_loop3A_2890 masked %parallel_loop3A_2891 {descending = true} : (vector<16xf32>, vector<16xf32>, vector<16xi1>) -> (vector<16xi1>, vector<16xf32>, vector<16xf32>)
      %parallel_loop3A_2895 = arith.minimumf %parallel_loop3A_2786, %parallel_loop3A_2893 : vector<16xf32>
      %parallel_loop3A_2896 = arith.constant dense<true> : vector<16xi1>
      %parallel_loop3A_2897, %parallel_loop3A_2898, %parallel_loop3A_2899 = tpu.sort %parallel_loop3A_2895, %parallel_loop3A_2895 masked %parallel_loop3A_2896 : (vector<16xf32>, vector<16xf32>, vector<16xi1>) -> (vector<16xi1>, vector<16xf32>, vector<16xf32>)
      %parallel_loop3A_2900 = arith.constant 1 : i32
      %parallel_loop3A_2901 = arith.addi %parallel_loop3A_13, %parallel_loop3A_2900 : i32
      %parallel_loop3A_2902 = arith.index_cast %parallel_loop3A_2901 : i32 to index
      %parallel_loop3A_2903 = arith.constant 416 : index
      %parallel_loop3A_2904 = tpu.vector_load %arg4[%parallel_loop3A_2902, %parallel_loop3A_2903] {strides = array<i32>} : memref<128x512xf32, #tpu.memory_space<vmem>>, vector<16xf32>,
      %parallel_loop3A_2905 = arith.constant dense<true> : vector<16xi1>
      %parallel_loop3A_2906, %parallel_loop3A_2907, %parallel_loop3A_2908 = tpu.sort %parallel_loop3A_2904, %parallel_loop3A_2904 masked %parallel_loop3A_2905 {descending = true} : (vector<16xf32>, vector<16xf32>, vector<16xi1>) -> (vector<16xi1>, vector<16xf32>, vector<16xf32>)
      %parallel_loop3A_2909 = arith.minimumf %parallel_loop3A_2800, %parallel_loop3A_2907 : vector<16xf32>
      %parallel_loop3A_2910 = arith.constant dense<true> : vector<16xi1>
      %parallel_loop3A_2911, %parallel_loop3A_2912, %parallel_loop3A_2913 = tpu.sort %parallel_loop3A_2909, %parallel_loop3A_2909 masked %parallel_loop3A_2910 : (vector<16xf32>, vector<16xf32>, vector<16xi1>) -> (vector<16xi1>, vector<16xf32>, vector<16xf32>)
      %parallel_loop3A_2914 = arith.constant 2 : i32
      %parallel_loop3A_2915 = arith.addi %parallel_loop3A_13, %parallel_loop3A_2914 : i32
      %parallel_loop3A_2916 = arith.index_cast %parallel_loop3A_2915 : i32 to index
      %parallel_loop3A_2917 = arith.constant 416 : index
      %parallel_loop3A_2918 = tpu.vector_load %arg4[%parallel_loop3A_2916, %parallel_loop3A_2917] {strides = array<i32>} : memref<128x512xf32, #tpu.memory_space<vmem>>, vector<16xf32>,
      %parallel_loop3A_2919 = arith.constant dense<true> : vector<16xi1>
      %parallel_loop3A_2920, %parallel_loop3A_2921, %parallel_loop3A_2922 = tpu.sort %parallel_loop3A_2918, %parallel_loop3A_2918 masked %parallel_loop3A_2919 {descending = true} : (vector<16xf32>, vector<16xf32>, vector<16xi1>) -> (vector<16xi1>, vector<16xf32>, vector<16xf32>)
      %parallel_loop3A_2923 = arith.minimumf %parallel_loop3A_2814, %parallel_loop3A_2921 : vector<16xf32>
      %parallel_loop3A_2924 = arith.constant dense<true> : vector<16xi1>
      %parallel_loop3A_2925, %parallel_loop3A_2926, %parallel_loop3A_2927 = tpu.sort %parallel_loop3A_2923, %parallel_loop3A_2923 masked %parallel_loop3A_2924 : (vector<16xf32>, vector<16xf32>, vector<16xi1>) -> (vector<16xi1>, vector<16xf32>, vector<16xf32>)
      %parallel_loop3A_2928 = arith.constant 3 : i32
      %parallel_loop3A_2929 = arith.addi %parallel_loop3A_13, %parallel_loop3A_2928 : i32
      %parallel_loop3A_2930 = arith.index_cast %parallel_loop3A_2929 : i32 to index
      %parallel_loop3A_2931 = arith.constant 416 : index
      %parallel_loop3A_2932 = tpu.vector_load %arg4[%parallel_loop3A_2930, %parallel_loop3A_2931] {strides = array<i32>} : memref<128x512xf32, #tpu.memory_space<vmem>>, vector<16xf32>,
      %parallel_loop3A_2933 = arith.constant dense<true> : vector<16xi1>
      %parallel_loop3A_2934, %parallel_loop3A_2935, %parallel_loop3A_2936 = tpu.sort %parallel_loop3A_2932, %parallel_loop3A_2932 masked %parallel_loop3A_2933 {descending = true} : (vector<16xf32>, vector<16xf32>, vector<16xi1>) -> (vector<16xi1>, vector<16xf32>, vector<16xf32>)
      %parallel_loop3A_2937 = arith.minimumf %parallel_loop3A_2828, %parallel_loop3A_2935 : vector<16xf32>
      %parallel_loop3A_2938 = arith.constant dense<true> : vector<16xi1>
      %parallel_loop3A_2939, %parallel_loop3A_2940, %parallel_loop3A_2941 = tpu.sort %parallel_loop3A_2937, %parallel_loop3A_2937 masked %parallel_loop3A_2938 : (vector<16xf32>, vector<16xf32>, vector<16xi1>) -> (vector<16xi1>, vector<16xf32>, vector<16xf32>)
      %parallel_loop3A_2942 = arith.constant 4 : i32
      %parallel_loop3A_2943 = arith.addi %parallel_loop3A_13, %parallel_loop3A_2942 : i32
      %parallel_loop3A_2944 = arith.index_cast %parallel_loop3A_2943 : i32 to index
      %parallel_loop3A_2945 = arith.constant 416 : index
      %parallel_loop3A_2946 = tpu.vector_load %arg4[%parallel_loop3A_2944, %parallel_loop3A_2945] {strides = array<i32>} : memref<128x512xf32, #tpu.memory_space<vmem>>, vector<16xf32>,
      %parallel_loop3A_2947 = arith.constant dense<true> : vector<16xi1>
      %parallel_loop3A_2948, %parallel_loop3A_2949, %parallel_loop3A_2950 = tpu.sort %parallel_loop3A_2946, %parallel_loop3A_2946 masked %parallel_loop3A_2947 {descending = true} : (vector<16xf32>, vector<16xf32>, vector<16xi1>) -> (vector<16xi1>, vector<16xf32>, vector<16xf32>)
      %parallel_loop3A_2951 = arith.minimumf %parallel_loop3A_2842, %parallel_loop3A_2949 : vector<16xf32>
      %parallel_loop3A_2952 = arith.constant dense<true> : vector<16xi1>
      %parallel_loop3A_2953, %parallel_loop3A_2954, %parallel_loop3A_2955 = tpu.sort %parallel_loop3A_2951, %parallel_loop3A_2951 masked %parallel_loop3A_2952 : (vector<16xf32>, vector<16xf32>, vector<16xi1>) -> (vector<16xi1>, vector<16xf32>, vector<16xf32>)
      %parallel_loop3A_2956 = arith.constant 5 : i32
      %parallel_loop3A_2957 = arith.addi %parallel_loop3A_13, %parallel_loop3A_2956 : i32
      %parallel_loop3A_2958 = arith.index_cast %parallel_loop3A_2957 : i32 to index
      %parallel_loop3A_2959 = arith.constant 416 : index
      %parallel_loop3A_2960 = tpu.vector_load %arg4[%parallel_loop3A_2958, %parallel_loop3A_2959] {strides = array<i32>} : memref<128x512xf32, #tpu.memory_space<vmem>>, vector<16xf32>,
      %parallel_loop3A_2961 = arith.constant dense<true> : vector<16xi1>
      %parallel_loop3A_2962, %parallel_loop3A_2963, %parallel_loop3A_2964 = tpu.sort %parallel_loop3A_2960, %parallel_loop3A_2960 masked %parallel_loop3A_2961 {descending = true} : (vector<16xf32>, vector<16xf32>, vector<16xi1>) -> (vector<16xi1>, vector<16xf32>, vector<16xf32>)
      %parallel_loop3A_2965 = arith.minimumf %parallel_loop3A_2856, %parallel_loop3A_2963 : vector<16xf32>
      %parallel_loop3A_2966 = arith.constant dense<true> : vector<16xi1>
      %parallel_loop3A_2967, %parallel_loop3A_2968, %parallel_loop3A_2969 = tpu.sort %parallel_loop3A_2965, %parallel_loop3A_2965 masked %parallel_loop3A_2966 : (vector<16xf32>, vector<16xf32>, vector<16xi1>) -> (vector<16xi1>, vector<16xf32>, vector<16xf32>)
      %parallel_loop3A_2970 = arith.constant 6 : i32
      %parallel_loop3A_2971 = arith.addi %parallel_loop3A_13, %parallel_loop3A_2970 : i32
      %parallel_loop3A_2972 = arith.index_cast %parallel_loop3A_2971 : i32 to index
      %parallel_loop3A_2973 = arith.constant 416 : index
      %parallel_loop3A_2974 = tpu.vector_load %arg4[%parallel_loop3A_2972, %parallel_loop3A_2973] {strides = array<i32>} : memref<128x512xf32, #tpu.memory_space<vmem>>, vector<16xf32>,
      %parallel_loop3A_2975 = arith.constant dense<true> : vector<16xi1>
      %parallel_loop3A_2976, %parallel_loop3A_2977, %parallel_loop3A_2978 = tpu.sort %parallel_loop3A_2974, %parallel_loop3A_2974 masked %parallel_loop3A_2975 {descending = true} : (vector<16xf32>, vector<16xf32>, vector<16xi1>) -> (vector<16xi1>, vector<16xf32>, vector<16xf32>)
      %parallel_loop3A_2979 = arith.minimumf %parallel_loop3A_2870, %parallel_loop3A_2977 : vector<16xf32>
      %parallel_loop3A_2980 = arith.constant dense<true> : vector<16xi1>
      %parallel_loop3A_2981, %parallel_loop3A_2982, %parallel_loop3A_2983 = tpu.sort %parallel_loop3A_2979, %parallel_loop3A_2979 masked %parallel_loop3A_2980 : (vector<16xf32>, vector<16xf32>, vector<16xi1>) -> (vector<16xi1>, vector<16xf32>, vector<16xf32>)
      %parallel_loop3A_2984 = arith.constant 7 : i32
      %parallel_loop3A_2985 = arith.addi %parallel_loop3A_13, %parallel_loop3A_2984 : i32
      %parallel_loop3A_2986 = arith.index_cast %parallel_loop3A_2985 : i32 to index
      %parallel_loop3A_2987 = arith.constant 416 : index
      %parallel_loop3A_2988 = tpu.vector_load %arg4[%parallel_loop3A_2986, %parallel_loop3A_2987] {strides = array<i32>} : memref<128x512xf32, #tpu.memory_space<vmem>>, vector<16xf32>,
      %parallel_loop3A_2989 = arith.constant dense<true> : vector<16xi1>
      %parallel_loop3A_2990, %parallel_loop3A_2991, %parallel_loop3A_2992 = tpu.sort %parallel_loop3A_2988, %parallel_loop3A_2988 masked %parallel_loop3A_2989 {descending = true} : (vector<16xf32>, vector<16xf32>, vector<16xi1>) -> (vector<16xi1>, vector<16xf32>, vector<16xf32>)
      %parallel_loop3A_2993 = arith.minimumf %parallel_loop3A_2884, %parallel_loop3A_2991 : vector<16xf32>
      %parallel_loop3A_2994 = arith.constant dense<true> : vector<16xi1>
      %parallel_loop3A_2995, %parallel_loop3A_2996, %parallel_loop3A_2997 = tpu.sort %parallel_loop3A_2993, %parallel_loop3A_2993 masked %parallel_loop3A_2994 : (vector<16xf32>, vector<16xf32>, vector<16xi1>) -> (vector<16xi1>, vector<16xf32>, vector<16xf32>)
      %parallel_loop3A_2998 = arith.constant 0 : i32
      %parallel_loop3A_2999 = arith.addi %parallel_loop3A_13, %parallel_loop3A_2998 : i32
      %parallel_loop3A_3000 = arith.index_cast %parallel_loop3A_2999 : i32 to index
      %parallel_loop3A_3001 = arith.constant 432 : index
      %parallel_loop3A_3002 = tpu.vector_load %arg4[%parallel_loop3A_3000, %parallel_loop3A_3001] {strides = array<i32>} : memref<128x512xf32, #tpu.memory_space<vmem>>, vector<16xf32>,
      %parallel_loop3A_3003 = arith.constant dense<true> : vector<16xi1>
      %parallel_loop3A_3004, %parallel_loop3A_3005, %parallel_loop3A_3006 = tpu.sort %parallel_loop3A_3002, %parallel_loop3A_3002 masked %parallel_loop3A_3003 {descending = true} : (vector<16xf32>, vector<16xf32>, vector<16xi1>) -> (vector<16xi1>, vector<16xf32>, vector<16xf32>)
      %parallel_loop3A_3007 = arith.minimumf %parallel_loop3A_2898, %parallel_loop3A_3005 : vector<16xf32>
      %parallel_loop3A_3008 = arith.constant dense<true> : vector<16xi1>
      %parallel_loop3A_3009, %parallel_loop3A_3010, %parallel_loop3A_3011 = tpu.sort %parallel_loop3A_3007, %parallel_loop3A_3007 masked %parallel_loop3A_3008 : (vector<16xf32>, vector<16xf32>, vector<16xi1>) -> (vector<16xi1>, vector<16xf32>, vector<16xf32>)
      %parallel_loop3A_3012 = arith.constant 1 : i32
      %parallel_loop3A_3013 = arith.addi %parallel_loop3A_13, %parallel_loop3A_3012 : i32
      %parallel_loop3A_3014 = arith.index_cast %parallel_loop3A_3013 : i32 to index
      %parallel_loop3A_3015 = arith.constant 432 : index
      %parallel_loop3A_3016 = tpu.vector_load %arg4[%parallel_loop3A_3014, %parallel_loop3A_3015] {strides = array<i32>} : memref<128x512xf32, #tpu.memory_space<vmem>>, vector<16xf32>,
      %parallel_loop3A_3017 = arith.constant dense<true> : vector<16xi1>
      %parallel_loop3A_3018, %parallel_loop3A_3019, %parallel_loop3A_3020 = tpu.sort %parallel_loop3A_3016, %parallel_loop3A_3016 masked %parallel_loop3A_3017 {descending = true} : (vector<16xf32>, vector<16xf32>, vector<16xi1>) -> (vector<16xi1>, vector<16xf32>, vector<16xf32>)
      %parallel_loop3A_3021 = arith.minimumf %parallel_loop3A_2912, %parallel_loop3A_3019 : vector<16xf32>
      %parallel_loop3A_3022 = arith.constant dense<true> : vector<16xi1>
      %parallel_loop3A_3023, %parallel_loop3A_3024, %parallel_loop3A_3025 = tpu.sort %parallel_loop3A_3021, %parallel_loop3A_3021 masked %parallel_loop3A_3022 : (vector<16xf32>, vector<16xf32>, vector<16xi1>) -> (vector<16xi1>, vector<16xf32>, vector<16xf32>)
      %parallel_loop3A_3026 = arith.constant 2 : i32
      %parallel_loop3A_3027 = arith.addi %parallel_loop3A_13, %parallel_loop3A_3026 : i32
      %parallel_loop3A_3028 = arith.index_cast %parallel_loop3A_3027 : i32 to index
      %parallel_loop3A_3029 = arith.constant 432 : index
      %parallel_loop3A_3030 = tpu.vector_load %arg4[%parallel_loop3A_3028, %parallel_loop3A_3029] {strides = array<i32>} : memref<128x512xf32, #tpu.memory_space<vmem>>, vector<16xf32>,
      %parallel_loop3A_3031 = arith.constant dense<true> : vector<16xi1>
      %parallel_loop3A_3032, %parallel_loop3A_3033, %parallel_loop3A_3034 = tpu.sort %parallel_loop3A_3030, %parallel_loop3A_3030 masked %parallel_loop3A_3031 {descending = true} : (vector<16xf32>, vector<16xf32>, vector<16xi1>) -> (vector<16xi1>, vector<16xf32>, vector<16xf32>)
      %parallel_loop3A_3035 = arith.minimumf %parallel_loop3A_2926, %parallel_loop3A_3033 : vector<16xf32>
      %parallel_loop3A_3036 = arith.constant dense<true> : vector<16xi1>
      %parallel_loop3A_3037, %parallel_loop3A_3038, %parallel_loop3A_3039 = tpu.sort %parallel_loop3A_3035, %parallel_loop3A_3035 masked %parallel_loop3A_3036 : (vector<16xf32>, vector<16xf32>, vector<16xi1>) -> (vector<16xi1>, vector<16xf32>, vector<16xf32>)
      %parallel_loop3A_3040 = arith.constant 3 : i32
      %parallel_loop3A_3041 = arith.addi %parallel_loop3A_13, %parallel_loop3A_3040 : i32
      %parallel_loop3A_3042 = arith.index_cast %parallel_loop3A_3041 : i32 to index
      %parallel_loop3A_3043 = arith.constant 432 : index
      %parallel_loop3A_3044 = tpu.vector_load %arg4[%parallel_loop3A_3042, %parallel_loop3A_3043] {strides = array<i32>} : memref<128x512xf32, #tpu.memory_space<vmem>>, vector<16xf32>,
      %parallel_loop3A_3045 = arith.constant dense<true> : vector<16xi1>
      %parallel_loop3A_3046, %parallel_loop3A_3047, %parallel_loop3A_3048 = tpu.sort %parallel_loop3A_3044, %parallel_loop3A_3044 masked %parallel_loop3A_3045 {descending = true} : (vector<16xf32>, vector<16xf32>, vector<16xi1>) -> (vector<16xi1>, vector<16xf32>, vector<16xf32>)
      %parallel_loop3A_3049 = arith.minimumf %parallel_loop3A_2940, %parallel_loop3A_3047 : vector<16xf32>
      %parallel_loop3A_3050 = arith.constant dense<true> : vector<16xi1>
      %parallel_loop3A_3051, %parallel_loop3A_3052, %parallel_loop3A_3053 = tpu.sort %parallel_loop3A_3049, %parallel_loop3A_3049 masked %parallel_loop3A_3050 : (vector<16xf32>, vector<16xf32>, vector<16xi1>) -> (vector<16xi1>, vector<16xf32>, vector<16xf32>)
      %parallel_loop3A_3054 = arith.constant 4 : i32
      %parallel_loop3A_3055 = arith.addi %parallel_loop3A_13, %parallel_loop3A_3054 : i32
      %parallel_loop3A_3056 = arith.index_cast %parallel_loop3A_3055 : i32 to index
      %parallel_loop3A_3057 = arith.constant 432 : index
      %parallel_loop3A_3058 = tpu.vector_load %arg4[%parallel_loop3A_3056, %parallel_loop3A_3057] {strides = array<i32>} : memref<128x512xf32, #tpu.memory_space<vmem>>, vector<16xf32>,
      %parallel_loop3A_3059 = arith.constant dense<true> : vector<16xi1>
      %parallel_loop3A_3060, %parallel_loop3A_3061, %parallel_loop3A_3062 = tpu.sort %parallel_loop3A_3058, %parallel_loop3A_3058 masked %parallel_loop3A_3059 {descending = true} : (vector<16xf32>, vector<16xf32>, vector<16xi1>) -> (vector<16xi1>, vector<16xf32>, vector<16xf32>)
      %parallel_loop3A_3063 = arith.minimumf %parallel_loop3A_2954, %parallel_loop3A_3061 : vector<16xf32>
      %parallel_loop3A_3064 = arith.constant dense<true> : vector<16xi1>
      %parallel_loop3A_3065, %parallel_loop3A_3066, %parallel_loop3A_3067 = tpu.sort %parallel_loop3A_3063, %parallel_loop3A_3063 masked %parallel_loop3A_3064 : (vector<16xf32>, vector<16xf32>, vector<16xi1>) -> (vector<16xi1>, vector<16xf32>, vector<16xf32>)
      %parallel_loop3A_3068 = arith.constant 5 : i32
      %parallel_loop3A_3069 = arith.addi %parallel_loop3A_13, %parallel_loop3A_3068 : i32
      %parallel_loop3A_3070 = arith.index_cast %parallel_loop3A_3069 : i32 to index
      %parallel_loop3A_3071 = arith.constant 432 : index
      %parallel_loop3A_3072 = tpu.vector_load %arg4[%parallel_loop3A_3070, %parallel_loop3A_3071] {strides = array<i32>} : memref<128x512xf32, #tpu.memory_space<vmem>>, vector<16xf32>,
      %parallel_loop3A_3073 = arith.constant dense<true> : vector<16xi1>
      %parallel_loop3A_3074, %parallel_loop3A_3075, %parallel_loop3A_3076 = tpu.sort %parallel_loop3A_3072, %parallel_loop3A_3072 masked %parallel_loop3A_3073 {descending = true} : (vector<16xf32>, vector<16xf32>, vector<16xi1>) -> (vector<16xi1>, vector<16xf32>, vector<16xf32>)
      %parallel_loop3A_3077 = arith.minimumf %parallel_loop3A_2968, %parallel_loop3A_3075 : vector<16xf32>
      %parallel_loop3A_3078 = arith.constant dense<true> : vector<16xi1>
      %parallel_loop3A_3079, %parallel_loop3A_3080, %parallel_loop3A_3081 = tpu.sort %parallel_loop3A_3077, %parallel_loop3A_3077 masked %parallel_loop3A_3078 : (vector<16xf32>, vector<16xf32>, vector<16xi1>) -> (vector<16xi1>, vector<16xf32>, vector<16xf32>)
      %parallel_loop3A_3082 = arith.constant 6 : i32
      %parallel_loop3A_3083 = arith.addi %parallel_loop3A_13, %parallel_loop3A_3082 : i32
      %parallel_loop3A_3084 = arith.index_cast %parallel_loop3A_3083 : i32 to index
      %parallel_loop3A_3085 = arith.constant 432 : index
      %parallel_loop3A_3086 = tpu.vector_load %arg4[%parallel_loop3A_3084, %parallel_loop3A_3085] {strides = array<i32>} : memref<128x512xf32, #tpu.memory_space<vmem>>, vector<16xf32>,
      %parallel_loop3A_3087 = arith.constant dense<true> : vector<16xi1>
      %parallel_loop3A_3088, %parallel_loop3A_3089, %parallel_loop3A_3090 = tpu.sort %parallel_loop3A_3086, %parallel_loop3A_3086 masked %parallel_loop3A_3087 {descending = true} : (vector<16xf32>, vector<16xf32>, vector<16xi1>) -> (vector<16xi1>, vector<16xf32>, vector<16xf32>)
      %parallel_loop3A_3091 = arith.minimumf %parallel_loop3A_2982, %parallel_loop3A_3089 : vector<16xf32>
      %parallel_loop3A_3092 = arith.constant dense<true> : vector<16xi1>
      %parallel_loop3A_3093, %parallel_loop3A_3094, %parallel_loop3A_3095 = tpu.sort %parallel_loop3A_3091, %parallel_loop3A_3091 masked %parallel_loop3A_3092 : (vector<16xf32>, vector<16xf32>, vector<16xi1>) -> (vector<16xi1>, vector<16xf32>, vector<16xf32>)
      %parallel_loop3A_3096 = arith.constant 7 : i32
      %parallel_loop3A_3097 = arith.addi %parallel_loop3A_13, %parallel_loop3A_3096 : i32
      %parallel_loop3A_3098 = arith.index_cast %parallel_loop3A_3097 : i32 to index
      %parallel_loop3A_3099 = arith.constant 432 : index
      %parallel_loop3A_3100 = tpu.vector_load %arg4[%parallel_loop3A_3098, %parallel_loop3A_3099] {strides = array<i32>} : memref<128x512xf32, #tpu.memory_space<vmem>>, vector<16xf32>,
      %parallel_loop3A_3101 = arith.constant dense<true> : vector<16xi1>
      %parallel_loop3A_3102, %parallel_loop3A_3103, %parallel_loop3A_3104 = tpu.sort %parallel_loop3A_3100, %parallel_loop3A_3100 masked %parallel_loop3A_3101 {descending = true} : (vector<16xf32>, vector<16xf32>, vector<16xi1>) -> (vector<16xi1>, vector<16xf32>, vector<16xf32>)
      %parallel_loop3A_3105 = arith.minimumf %parallel_loop3A_2996, %parallel_loop3A_3103 : vector<16xf32>
      %parallel_loop3A_3106 = arith.constant dense<true> : vector<16xi1>
      %parallel_loop3A_3107, %parallel_loop3A_3108, %parallel_loop3A_3109 = tpu.sort %parallel_loop3A_3105, %parallel_loop3A_3105 masked %parallel_loop3A_3106 : (vector<16xf32>, vector<16xf32>, vector<16xi1>) -> (vector<16xi1>, vector<16xf32>, vector<16xf32>)
      %parallel_loop3A_3110 = arith.constant 0 : i32
      %parallel_loop3A_3111 = arith.addi %parallel_loop3A_13, %parallel_loop3A_3110 : i32
      %parallel_loop3A_3112 = arith.index_cast %parallel_loop3A_3111 : i32 to index
      %parallel_loop3A_3113 = arith.constant 448 : index
      %parallel_loop3A_3114 = tpu.vector_load %arg4[%parallel_loop3A_3112, %parallel_loop3A_3113] {strides = array<i32>} : memref<128x512xf32, #tpu.memory_space<vmem>>, vector<16xf32>,
      %parallel_loop3A_3115 = arith.constant dense<true> : vector<16xi1>
      %parallel_loop3A_3116, %parallel_loop3A_3117, %parallel_loop3A_3118 = tpu.sort %parallel_loop3A_3114, %parallel_loop3A_3114 masked %parallel_loop3A_3115 {descending = true} : (vector<16xf32>, vector<16xf32>, vector<16xi1>) -> (vector<16xi1>, vector<16xf32>, vector<16xf32>)
      %parallel_loop3A_3119 = arith.minimumf %parallel_loop3A_3010, %parallel_loop3A_3117 : vector<16xf32>
      %parallel_loop3A_3120 = arith.constant dense<true> : vector<16xi1>
      %parallel_loop3A_3121, %parallel_loop3A_3122, %parallel_loop3A_3123 = tpu.sort %parallel_loop3A_3119, %parallel_loop3A_3119 masked %parallel_loop3A_3120 : (vector<16xf32>, vector<16xf32>, vector<16xi1>) -> (vector<16xi1>, vector<16xf32>, vector<16xf32>)
      %parallel_loop3A_3124 = arith.constant 1 : i32
      %parallel_loop3A_3125 = arith.addi %parallel_loop3A_13, %parallel_loop3A_3124 : i32
      %parallel_loop3A_3126 = arith.index_cast %parallel_loop3A_3125 : i32 to index
      %parallel_loop3A_3127 = arith.constant 448 : index
      %parallel_loop3A_3128 = tpu.vector_load %arg4[%parallel_loop3A_3126, %parallel_loop3A_3127] {strides = array<i32>} : memref<128x512xf32, #tpu.memory_space<vmem>>, vector<16xf32>,
      %parallel_loop3A_3129 = arith.constant dense<true> : vector<16xi1>
      %parallel_loop3A_3130, %parallel_loop3A_3131, %parallel_loop3A_3132 = tpu.sort %parallel_loop3A_3128, %parallel_loop3A_3128 masked %parallel_loop3A_3129 {descending = true} : (vector<16xf32>, vector<16xf32>, vector<16xi1>) -> (vector<16xi1>, vector<16xf32>, vector<16xf32>)
      %parallel_loop3A_3133 = arith.minimumf %parallel_loop3A_3024, %parallel_loop3A_3131 : vector<16xf32>
      %parallel_loop3A_3134 = arith.constant dense<true> : vector<16xi1>
      %parallel_loop3A_3135, %parallel_loop3A_3136, %parallel_loop3A_3137 = tpu.sort %parallel_loop3A_3133, %parallel_loop3A_3133 masked %parallel_loop3A_3134 : (vector<16xf32>, vector<16xf32>, vector<16xi1>) -> (vector<16xi1>, vector<16xf32>, vector<16xf32>)
      %parallel_loop3A_3138 = arith.constant 2 : i32
      %parallel_loop3A_3139 = arith.addi %parallel_loop3A_13, %parallel_loop3A_3138 : i32
      %parallel_loop3A_3140 = arith.index_cast %parallel_loop3A_3139 : i32 to index
      %parallel_loop3A_3141 = arith.constant 448 : index
      %parallel_loop3A_3142 = tpu.vector_load %arg4[%parallel_loop3A_3140, %parallel_loop3A_3141] {strides = array<i32>} : memref<128x512xf32, #tpu.memory_space<vmem>>, vector<16xf32>,
      %parallel_loop3A_3143 = arith.constant dense<true> : vector<16xi1>
      %parallel_loop3A_3144, %parallel_loop3A_3145, %parallel_loop3A_3146 = tpu.sort %parallel_loop3A_3142, %parallel_loop3A_3142 masked %parallel_loop3A_3143 {descending = true} : (vector<16xf32>, vector<16xf32>, vector<16xi1>) -> (vector<16xi1>, vector<16xf32>, vector<16xf32>)
      %parallel_loop3A_3147 = arith.minimumf %parallel_loop3A_3038, %parallel_loop3A_3145 : vector<16xf32>
      %parallel_loop3A_3148 = arith.constant dense<true> : vector<16xi1>
      %parallel_loop3A_3149, %parallel_loop3A_3150, %parallel_loop3A_3151 = tpu.sort %parallel_loop3A_3147, %parallel_loop3A_3147 masked %parallel_loop3A_3148 : (vector<16xf32>, vector<16xf32>, vector<16xi1>) -> (vector<16xi1>, vector<16xf32>, vector<16xf32>)
      %parallel_loop3A_3152 = arith.constant 3 : i32
      %parallel_loop3A_3153 = arith.addi %parallel_loop3A_13, %parallel_loop3A_3152 : i32
      %parallel_loop3A_3154 = arith.index_cast %parallel_loop3A_3153 : i32 to index
      %parallel_loop3A_3155 = arith.constant 448 : index
      %parallel_loop3A_3156 = tpu.vector_load %arg4[%parallel_loop3A_3154, %parallel_loop3A_3155] {strides = array<i32>} : memref<128x512xf32, #tpu.memory_space<vmem>>, vector<16xf32>,
      %parallel_loop3A_3157 = arith.constant dense<true> : vector<16xi1>
      %parallel_loop3A_3158, %parallel_loop3A_3159, %parallel_loop3A_3160 = tpu.sort %parallel_loop3A_3156, %parallel_loop3A_3156 masked %parallel_loop3A_3157 {descending = true} : (vector<16xf32>, vector<16xf32>, vector<16xi1>) -> (vector<16xi1>, vector<16xf32>, vector<16xf32>)
      %parallel_loop3A_3161 = arith.minimumf %parallel_loop3A_3052, %parallel_loop3A_3159 : vector<16xf32>
      %parallel_loop3A_3162 = arith.constant dense<true> : vector<16xi1>
      %parallel_loop3A_3163, %parallel_loop3A_3164, %parallel_loop3A_3165 = tpu.sort %parallel_loop3A_3161, %parallel_loop3A_3161 masked %parallel_loop3A_3162 : (vector<16xf32>, vector<16xf32>, vector<16xi1>) -> (vector<16xi1>, vector<16xf32>, vector<16xf32>)
      %parallel_loop3A_3166 = arith.constant 4 : i32
      %parallel_loop3A_3167 = arith.addi %parallel_loop3A_13, %parallel_loop3A_3166 : i32
      %parallel_loop3A_3168 = arith.index_cast %parallel_loop3A_3167 : i32 to index
      %parallel_loop3A_3169 = arith.constant 448 : index
      %parallel_loop3A_3170 = tpu.vector_load %arg4[%parallel_loop3A_3168, %parallel_loop3A_3169] {strides = array<i32>} : memref<128x512xf32, #tpu.memory_space<vmem>>, vector<16xf32>,
      %parallel_loop3A_3171 = arith.constant dense<true> : vector<16xi1>
      %parallel_loop3A_3172, %parallel_loop3A_3173, %parallel_loop3A_3174 = tpu.sort %parallel_loop3A_3170, %parallel_loop3A_3170 masked %parallel_loop3A_3171 {descending = true} : (vector<16xf32>, vector<16xf32>, vector<16xi1>) -> (vector<16xi1>, vector<16xf32>, vector<16xf32>)
      %parallel_loop3A_3175 = arith.minimumf %parallel_loop3A_3066, %parallel_loop3A_3173 : vector<16xf32>
      %parallel_loop3A_3176 = arith.constant dense<true> : vector<16xi1>
      %parallel_loop3A_3177, %parallel_loop3A_3178, %parallel_loop3A_3179 = tpu.sort %parallel_loop3A_3175, %parallel_loop3A_3175 masked %parallel_loop3A_3176 : (vector<16xf32>, vector<16xf32>, vector<16xi1>) -> (vector<16xi1>, vector<16xf32>, vector<16xf32>)
      %parallel_loop3A_3180 = arith.constant 5 : i32
      %parallel_loop3A_3181 = arith.addi %parallel_loop3A_13, %parallel_loop3A_3180 : i32
      %parallel_loop3A_3182 = arith.index_cast %parallel_loop3A_3181 : i32 to index
      %parallel_loop3A_3183 = arith.constant 448 : index
      %parallel_loop3A_3184 = tpu.vector_load %arg4[%parallel_loop3A_3182, %parallel_loop3A_3183] {strides = array<i32>} : memref<128x512xf32, #tpu.memory_space<vmem>>, vector<16xf32>,
      %parallel_loop3A_3185 = arith.constant dense<true> : vector<16xi1>
      %parallel_loop3A_3186, %parallel_loop3A_3187, %parallel_loop3A_3188 = tpu.sort %parallel_loop3A_3184, %parallel_loop3A_3184 masked %parallel_loop3A_3185 {descending = true} : (vector<16xf32>, vector<16xf32>, vector<16xi1>) -> (vector<16xi1>, vector<16xf32>, vector<16xf32>)
      %parallel_loop3A_3189 = arith.minimumf %parallel_loop3A_3080, %parallel_loop3A_3187 : vector<16xf32>
      %parallel_loop3A_3190 = arith.constant dense<true> : vector<16xi1>
      %parallel_loop3A_3191, %parallel_loop3A_3192, %parallel_loop3A_3193 = tpu.sort %parallel_loop3A_3189, %parallel_loop3A_3189 masked %parallel_loop3A_3190 : (vector<16xf32>, vector<16xf32>, vector<16xi1>) -> (vector<16xi1>, vector<16xf32>, vector<16xf32>)
      %parallel_loop3A_3194 = arith.constant 6 : i32
      %parallel_loop3A_3195 = arith.addi %parallel_loop3A_13, %parallel_loop3A_3194 : i32
      %parallel_loop3A_3196 = arith.index_cast %parallel_loop3A_3195 : i32 to index
      %parallel_loop3A_3197 = arith.constant 448 : index
      %parallel_loop3A_3198 = tpu.vector_load %arg4[%parallel_loop3A_3196, %parallel_loop3A_3197] {strides = array<i32>} : memref<128x512xf32, #tpu.memory_space<vmem>>, vector<16xf32>,
      %parallel_loop3A_3199 = arith.constant dense<true> : vector<16xi1>
      %parallel_loop3A_3200, %parallel_loop3A_3201, %parallel_loop3A_3202 = tpu.sort %parallel_loop3A_3198, %parallel_loop3A_3198 masked %parallel_loop3A_3199 {descending = true} : (vector<16xf32>, vector<16xf32>, vector<16xi1>) -> (vector<16xi1>, vector<16xf32>, vector<16xf32>)
      %parallel_loop3A_3203 = arith.minimumf %parallel_loop3A_3094, %parallel_loop3A_3201 : vector<16xf32>
      %parallel_loop3A_3204 = arith.constant dense<true> : vector<16xi1>
      %parallel_loop3A_3205, %parallel_loop3A_3206, %parallel_loop3A_3207 = tpu.sort %parallel_loop3A_3203, %parallel_loop3A_3203 masked %parallel_loop3A_3204 : (vector<16xf32>, vector<16xf32>, vector<16xi1>) -> (vector<16xi1>, vector<16xf32>, vector<16xf32>)
      %parallel_loop3A_3208 = arith.constant 7 : i32
      %parallel_loop3A_3209 = arith.addi %parallel_loop3A_13, %parallel_loop3A_3208 : i32
      %parallel_loop3A_3210 = arith.index_cast %parallel_loop3A_3209 : i32 to index
      %parallel_loop3A_3211 = arith.constant 448 : index
      %parallel_loop3A_3212 = tpu.vector_load %arg4[%parallel_loop3A_3210, %parallel_loop3A_3211] {strides = array<i32>} : memref<128x512xf32, #tpu.memory_space<vmem>>, vector<16xf32>,
      %parallel_loop3A_3213 = arith.constant dense<true> : vector<16xi1>
      %parallel_loop3A_3214, %parallel_loop3A_3215, %parallel_loop3A_3216 = tpu.sort %parallel_loop3A_3212, %parallel_loop3A_3212 masked %parallel_loop3A_3213 {descending = true} : (vector<16xf32>, vector<16xf32>, vector<16xi1>) -> (vector<16xi1>, vector<16xf32>, vector<16xf32>)
      %parallel_loop3A_3217 = arith.minimumf %parallel_loop3A_3108, %parallel_loop3A_3215 : vector<16xf32>
      %parallel_loop3A_3218 = arith.constant dense<true> : vector<16xi1>
      %parallel_loop3A_3219, %parallel_loop3A_3220, %parallel_loop3A_3221 = tpu.sort %parallel_loop3A_3217, %parallel_loop3A_3217 masked %parallel_loop3A_3218 : (vector<16xf32>, vector<16xf32>, vector<16xi1>) -> (vector<16xi1>, vector<16xf32>, vector<16xf32>)
      %parallel_loop3A_3222 = arith.constant 0 : i32
      %parallel_loop3A_3223 = arith.addi %parallel_loop3A_13, %parallel_loop3A_3222 : i32
      %parallel_loop3A_3224 = arith.index_cast %parallel_loop3A_3223 : i32 to index
      %parallel_loop3A_3225 = arith.constant 464 : index
      %parallel_loop3A_3226 = tpu.vector_load %arg4[%parallel_loop3A_3224, %parallel_loop3A_3225] {strides = array<i32>} : memref<128x512xf32, #tpu.memory_space<vmem>>, vector<16xf32>,
      %parallel_loop3A_3227 = arith.constant dense<true> : vector<16xi1>
      %parallel_loop3A_3228, %parallel_loop3A_3229, %parallel_loop3A_3230 = tpu.sort %parallel_loop3A_3226, %parallel_loop3A_3226 masked %parallel_loop3A_3227 {descending = true} : (vector<16xf32>, vector<16xf32>, vector<16xi1>) -> (vector<16xi1>, vector<16xf32>, vector<16xf32>)
      %parallel_loop3A_3231 = arith.minimumf %parallel_loop3A_3122, %parallel_loop3A_3229 : vector<16xf32>
      %parallel_loop3A_3232 = arith.constant dense<true> : vector<16xi1>
      %parallel_loop3A_3233, %parallel_loop3A_3234, %parallel_loop3A_3235 = tpu.sort %parallel_loop3A_3231, %parallel_loop3A_3231 masked %parallel_loop3A_3232 : (vector<16xf32>, vector<16xf32>, vector<16xi1>) -> (vector<16xi1>, vector<16xf32>, vector<16xf32>)
      %parallel_loop3A_3236 = arith.constant 1 : i32
      %parallel_loop3A_3237 = arith.addi %parallel_loop3A_13, %parallel_loop3A_3236 : i32
      %parallel_loop3A_3238 = arith.index_cast %parallel_loop3A_3237 : i32 to index
      %parallel_loop3A_3239 = arith.constant 464 : index
      %parallel_loop3A_3240 = tpu.vector_load %arg4[%parallel_loop3A_3238, %parallel_loop3A_3239] {strides = array<i32>} : memref<128x512xf32, #tpu.memory_space<vmem>>, vector<16xf32>,
      %parallel_loop3A_3241 = arith.constant dense<true> : vector<16xi1>
      %parallel_loop3A_3242, %parallel_loop3A_3243, %parallel_loop3A_3244 = tpu.sort %parallel_loop3A_3240, %parallel_loop3A_3240 masked %parallel_loop3A_3241 {descending = true} : (vector<16xf32>, vector<16xf32>, vector<16xi1>) -> (vector<16xi1>, vector<16xf32>, vector<16xf32>)
      %parallel_loop3A_3245 = arith.minimumf %parallel_loop3A_3136, %parallel_loop3A_3243 : vector<16xf32>
      %parallel_loop3A_3246 = arith.constant dense<true> : vector<16xi1>
      %parallel_loop3A_3247, %parallel_loop3A_3248, %parallel_loop3A_3249 = tpu.sort %parallel_loop3A_3245, %parallel_loop3A_3245 masked %parallel_loop3A_3246 : (vector<16xf32>, vector<16xf32>, vector<16xi1>) -> (vector<16xi1>, vector<16xf32>, vector<16xf32>)
      %parallel_loop3A_3250 = arith.constant 2 : i32
      %parallel_loop3A_3251 = arith.addi %parallel_loop3A_13, %parallel_loop3A_3250 : i32
      %parallel_loop3A_3252 = arith.index_cast %parallel_loop3A_3251 : i32 to index
      %parallel_loop3A_3253 = arith.constant 464 : index
      %parallel_loop3A_3254 = tpu.vector_load %arg4[%parallel_loop3A_3252, %parallel_loop3A_3253] {strides = array<i32>} : memref<128x512xf32, #tpu.memory_space<vmem>>, vector<16xf32>,
      %parallel_loop3A_3255 = arith.constant dense<true> : vector<16xi1>
      %parallel_loop3A_3256, %parallel_loop3A_3257, %parallel_loop3A_3258 = tpu.sort %parallel_loop3A_3254, %parallel_loop3A_3254 masked %parallel_loop3A_3255 {descending = true} : (vector<16xf32>, vector<16xf32>, vector<16xi1>) -> (vector<16xi1>, vector<16xf32>, vector<16xf32>)
      %parallel_loop3A_3259 = arith.minimumf %parallel_loop3A_3150, %parallel_loop3A_3257 : vector<16xf32>
      %parallel_loop3A_3260 = arith.constant dense<true> : vector<16xi1>
      %parallel_loop3A_3261, %parallel_loop3A_3262, %parallel_loop3A_3263 = tpu.sort %parallel_loop3A_3259, %parallel_loop3A_3259 masked %parallel_loop3A_3260 : (vector<16xf32>, vector<16xf32>, vector<16xi1>) -> (vector<16xi1>, vector<16xf32>, vector<16xf32>)
      %parallel_loop3A_3264 = arith.constant 3 : i32
      %parallel_loop3A_3265 = arith.addi %parallel_loop3A_13, %parallel_loop3A_3264 : i32
      %parallel_loop3A_3266 = arith.index_cast %parallel_loop3A_3265 : i32 to index
      %parallel_loop3A_3267 = arith.constant 464 : index
      %parallel_loop3A_3268 = tpu.vector_load %arg4[%parallel_loop3A_3266, %parallel_loop3A_3267] {strides = array<i32>} : memref<128x512xf32, #tpu.memory_space<vmem>>, vector<16xf32>,
      %parallel_loop3A_3269 = arith.constant dense<true> : vector<16xi1>
      %parallel_loop3A_3270, %parallel_loop3A_3271, %parallel_loop3A_3272 = tpu.sort %parallel_loop3A_3268, %parallel_loop3A_3268 masked %parallel_loop3A_3269 {descending = true} : (vector<16xf32>, vector<16xf32>, vector<16xi1>) -> (vector<16xi1>, vector<16xf32>, vector<16xf32>)
      %parallel_loop3A_3273 = arith.minimumf %parallel_loop3A_3164, %parallel_loop3A_3271 : vector<16xf32>
      %parallel_loop3A_3274 = arith.constant dense<true> : vector<16xi1>
      %parallel_loop3A_3275, %parallel_loop3A_3276, %parallel_loop3A_3277 = tpu.sort %parallel_loop3A_3273, %parallel_loop3A_3273 masked %parallel_loop3A_3274 : (vector<16xf32>, vector<16xf32>, vector<16xi1>) -> (vector<16xi1>, vector<16xf32>, vector<16xf32>)
      %parallel_loop3A_3278 = arith.constant 4 : i32
      %parallel_loop3A_3279 = arith.addi %parallel_loop3A_13, %parallel_loop3A_3278 : i32
      %parallel_loop3A_3280 = arith.index_cast %parallel_loop3A_3279 : i32 to index
      %parallel_loop3A_3281 = arith.constant 464 : index
      %parallel_loop3A_3282 = tpu.vector_load %arg4[%parallel_loop3A_3280, %parallel_loop3A_3281] {strides = array<i32>} : memref<128x512xf32, #tpu.memory_space<vmem>>, vector<16xf32>,
      %parallel_loop3A_3283 = arith.constant dense<true> : vector<16xi1>
      %parallel_loop3A_3284, %parallel_loop3A_3285, %parallel_loop3A_3286 = tpu.sort %parallel_loop3A_3282, %parallel_loop3A_3282 masked %parallel_loop3A_3283 {descending = true} : (vector<16xf32>, vector<16xf32>, vector<16xi1>) -> (vector<16xi1>, vector<16xf32>, vector<16xf32>)
      %parallel_loop3A_3287 = arith.minimumf %parallel_loop3A_3178, %parallel_loop3A_3285 : vector<16xf32>
      %parallel_loop3A_3288 = arith.constant dense<true> : vector<16xi1>
      %parallel_loop3A_3289, %parallel_loop3A_3290, %parallel_loop3A_3291 = tpu.sort %parallel_loop3A_3287, %parallel_loop3A_3287 masked %parallel_loop3A_3288 : (vector<16xf32>, vector<16xf32>, vector<16xi1>) -> (vector<16xi1>, vector<16xf32>, vector<16xf32>)
      %parallel_loop3A_3292 = arith.constant 5 : i32
      %parallel_loop3A_3293 = arith.addi %parallel_loop3A_13, %parallel_loop3A_3292 : i32
      %parallel_loop3A_3294 = arith.index_cast %parallel_loop3A_3293 : i32 to index
      %parallel_loop3A_3295 = arith.constant 464 : index
      %parallel_loop3A_3296 = tpu.vector_load %arg4[%parallel_loop3A_3294, %parallel_loop3A_3295] {strides = array<i32>} : memref<128x512xf32, #tpu.memory_space<vmem>>, vector<16xf32>,
      %parallel_loop3A_3297 = arith.constant dense<true> : vector<16xi1>
      %parallel_loop3A_3298, %parallel_loop3A_3299, %parallel_loop3A_3300 = tpu.sort %parallel_loop3A_3296, %parallel_loop3A_3296 masked %parallel_loop3A_3297 {descending = true} : (vector<16xf32>, vector<16xf32>, vector<16xi1>) -> (vector<16xi1>, vector<16xf32>, vector<16xf32>)
      %parallel_loop3A_3301 = arith.minimumf %parallel_loop3A_3192, %parallel_loop3A_3299 : vector<16xf32>
      %parallel_loop3A_3302 = arith.constant dense<true> : vector<16xi1>
      %parallel_loop3A_3303, %parallel_loop3A_3304, %parallel_loop3A_3305 = tpu.sort %parallel_loop3A_3301, %parallel_loop3A_3301 masked %parallel_loop3A_3302 : (vector<16xf32>, vector<16xf32>, vector<16xi1>) -> (vector<16xi1>, vector<16xf32>, vector<16xf32>)
      %parallel_loop3A_3306 = arith.constant 6 : i32
      %parallel_loop3A_3307 = arith.addi %parallel_loop3A_13, %parallel_loop3A_3306 : i32
      %parallel_loop3A_3308 = arith.index_cast %parallel_loop3A_3307 : i32 to index
      %parallel_loop3A_3309 = arith.constant 464 : index
      %parallel_loop3A_3310 = tpu.vector_load %arg4[%parallel_loop3A_3308, %parallel_loop3A_3309] {strides = array<i32>} : memref<128x512xf32, #tpu.memory_space<vmem>>, vector<16xf32>,
      %parallel_loop3A_3311 = arith.constant dense<true> : vector<16xi1>
      %parallel_loop3A_3312, %parallel_loop3A_3313, %parallel_loop3A_3314 = tpu.sort %parallel_loop3A_3310, %parallel_loop3A_3310 masked %parallel_loop3A_3311 {descending = true} : (vector<16xf32>, vector<16xf32>, vector<16xi1>) -> (vector<16xi1>, vector<16xf32>, vector<16xf32>)
      %parallel_loop3A_3315 = arith.minimumf %parallel_loop3A_3206, %parallel_loop3A_3313 : vector<16xf32>
      %parallel_loop3A_3316 = arith.constant dense<true> : vector<16xi1>
      %parallel_loop3A_3317, %parallel_loop3A_3318, %parallel_loop3A_3319 = tpu.sort %parallel_loop3A_3315, %parallel_loop3A_3315 masked %parallel_loop3A_3316 : (vector<16xf32>, vector<16xf32>, vector<16xi1>) -> (vector<16xi1>, vector<16xf32>, vector<16xf32>)
      %parallel_loop3A_3320 = arith.constant 7 : i32
      %parallel_loop3A_3321 = arith.addi %parallel_loop3A_13, %parallel_loop3A_3320 : i32
      %parallel_loop3A_3322 = arith.index_cast %parallel_loop3A_3321 : i32 to index
      %parallel_loop3A_3323 = arith.constant 464 : index
      %parallel_loop3A_3324 = tpu.vector_load %arg4[%parallel_loop3A_3322, %parallel_loop3A_3323] {strides = array<i32>} : memref<128x512xf32, #tpu.memory_space<vmem>>, vector<16xf32>,
      %parallel_loop3A_3325 = arith.constant dense<true> : vector<16xi1>
      %parallel_loop3A_3326, %parallel_loop3A_3327, %parallel_loop3A_3328 = tpu.sort %parallel_loop3A_3324, %parallel_loop3A_3324 masked %parallel_loop3A_3325 {descending = true} : (vector<16xf32>, vector<16xf32>, vector<16xi1>) -> (vector<16xi1>, vector<16xf32>, vector<16xf32>)
      %parallel_loop3A_3329 = arith.minimumf %parallel_loop3A_3220, %parallel_loop3A_3327 : vector<16xf32>
      %parallel_loop3A_3330 = arith.constant dense<true> : vector<16xi1>
      %parallel_loop3A_3331, %parallel_loop3A_3332, %parallel_loop3A_3333 = tpu.sort %parallel_loop3A_3329, %parallel_loop3A_3329 masked %parallel_loop3A_3330 : (vector<16xf32>, vector<16xf32>, vector<16xi1>) -> (vector<16xi1>, vector<16xf32>, vector<16xf32>)
      %parallel_loop3A_3334 = arith.constant 0 : i32
      %parallel_loop3A_3335 = arith.addi %parallel_loop3A_13, %parallel_loop3A_3334 : i32
      %parallel_loop3A_3336 = arith.index_cast %parallel_loop3A_3335 : i32 to index
      %parallel_loop3A_3337 = arith.constant 480 : index
      %parallel_loop3A_3338 = tpu.vector_load %arg4[%parallel_loop3A_3336, %parallel_loop3A_3337] {strides = array<i32>} : memref<128x512xf32, #tpu.memory_space<vmem>>, vector<16xf32>,
      %parallel_loop3A_3339 = arith.constant dense<true> : vector<16xi1>
      %parallel_loop3A_3340, %parallel_loop3A_3341, %parallel_loop3A_3342 = tpu.sort %parallel_loop3A_3338, %parallel_loop3A_3338 masked %parallel_loop3A_3339 {descending = true} : (vector<16xf32>, vector<16xf32>, vector<16xi1>) -> (vector<16xi1>, vector<16xf32>, vector<16xf32>)
      %parallel_loop3A_3343 = arith.minimumf %parallel_loop3A_3234, %parallel_loop3A_3341 : vector<16xf32>
      %parallel_loop3A_3344 = arith.constant dense<true> : vector<16xi1>
      %parallel_loop3A_3345, %parallel_loop3A_3346, %parallel_loop3A_3347 = tpu.sort %parallel_loop3A_3343, %parallel_loop3A_3343 masked %parallel_loop3A_3344 : (vector<16xf32>, vector<16xf32>, vector<16xi1>) -> (vector<16xi1>, vector<16xf32>, vector<16xf32>)
      %parallel_loop3A_3348 = arith.constant 1 : i32
      %parallel_loop3A_3349 = arith.addi %parallel_loop3A_13, %parallel_loop3A_3348 : i32
      %parallel_loop3A_3350 = arith.index_cast %parallel_loop3A_3349 : i32 to index
      %parallel_loop3A_3351 = arith.constant 480 : index
      %parallel_loop3A_3352 = tpu.vector_load %arg4[%parallel_loop3A_3350, %parallel_loop3A_3351] {strides = array<i32>} : memref<128x512xf32, #tpu.memory_space<vmem>>, vector<16xf32>,
      %parallel_loop3A_3353 = arith.constant dense<true> : vector<16xi1>
      %parallel_loop3A_3354, %parallel_loop3A_3355, %parallel_loop3A_3356 = tpu.sort %parallel_loop3A_3352, %parallel_loop3A_3352 masked %parallel_loop3A_3353 {descending = true} : (vector<16xf32>, vector<16xf32>, vector<16xi1>) -> (vector<16xi1>, vector<16xf32>, vector<16xf32>)
      %parallel_loop3A_3357 = arith.minimumf %parallel_loop3A_3248, %parallel_loop3A_3355 : vector<16xf32>
      %parallel_loop3A_3358 = arith.constant dense<true> : vector<16xi1>
      %parallel_loop3A_3359, %parallel_loop3A_3360, %parallel_loop3A_3361 = tpu.sort %parallel_loop3A_3357, %parallel_loop3A_3357 masked %parallel_loop3A_3358 : (vector<16xf32>, vector<16xf32>, vector<16xi1>) -> (vector<16xi1>, vector<16xf32>, vector<16xf32>)
      %parallel_loop3A_3362 = arith.constant 2 : i32
      %parallel_loop3A_3363 = arith.addi %parallel_loop3A_13, %parallel_loop3A_3362 : i32
      %parallel_loop3A_3364 = arith.index_cast %parallel_loop3A_3363 : i32 to index
      %parallel_loop3A_3365 = arith.constant 480 : index
      %parallel_loop3A_3366 = tpu.vector_load %arg4[%parallel_loop3A_3364, %parallel_loop3A_3365] {strides = array<i32>} : memref<128x512xf32, #tpu.memory_space<vmem>>, vector<16xf32>,
      %parallel_loop3A_3367 = arith.constant dense<true> : vector<16xi1>
      %parallel_loop3A_3368, %parallel_loop3A_3369, %parallel_loop3A_3370 = tpu.sort %parallel_loop3A_3366, %parallel_loop3A_3366 masked %parallel_loop3A_3367 {descending = true} : (vector<16xf32>, vector<16xf32>, vector<16xi1>) -> (vector<16xi1>, vector<16xf32>, vector<16xf32>)
      %parallel_loop3A_3371 = arith.minimumf %parallel_loop3A_3262, %parallel_loop3A_3369 : vector<16xf32>
      %parallel_loop3A_3372 = arith.constant dense<true> : vector<16xi1>
      %parallel_loop3A_3373, %parallel_loop3A_3374, %parallel_loop3A_3375 = tpu.sort %parallel_loop3A_3371, %parallel_loop3A_3371 masked %parallel_loop3A_3372 : (vector<16xf32>, vector<16xf32>, vector<16xi1>) -> (vector<16xi1>, vector<16xf32>, vector<16xf32>)
      %parallel_loop3A_3376 = arith.constant 3 : i32
      %parallel_loop3A_3377 = arith.addi %parallel_loop3A_13, %parallel_loop3A_3376 : i32
      %parallel_loop3A_3378 = arith.index_cast %parallel_loop3A_3377 : i32 to index
      %parallel_loop3A_3379 = arith.constant 480 : index
      %parallel_loop3A_3380 = tpu.vector_load %arg4[%parallel_loop3A_3378, %parallel_loop3A_3379] {strides = array<i32>} : memref<128x512xf32, #tpu.memory_space<vmem>>, vector<16xf32>,
      %parallel_loop3A_3381 = arith.constant dense<true> : vector<16xi1>
      %parallel_loop3A_3382, %parallel_loop3A_3383, %parallel_loop3A_3384 = tpu.sort %parallel_loop3A_3380, %parallel_loop3A_3380 masked %parallel_loop3A_3381 {descending = true} : (vector<16xf32>, vector<16xf32>, vector<16xi1>) -> (vector<16xi1>, vector<16xf32>, vector<16xf32>)
      %parallel_loop3A_3385 = arith.minimumf %parallel_loop3A_3276, %parallel_loop3A_3383 : vector<16xf32>
      %parallel_loop3A_3386 = arith.constant dense<true> : vector<16xi1>
      %parallel_loop3A_3387, %parallel_loop3A_3388, %parallel_loop3A_3389 = tpu.sort %parallel_loop3A_3385, %parallel_loop3A_3385 masked %parallel_loop3A_3386 : (vector<16xf32>, vector<16xf32>, vector<16xi1>) -> (vector<16xi1>, vector<16xf32>, vector<16xf32>)
      %parallel_loop3A_3390 = arith.constant 4 : i32
      %parallel_loop3A_3391 = arith.addi %parallel_loop3A_13, %parallel_loop3A_3390 : i32
      %parallel_loop3A_3392 = arith.index_cast %parallel_loop3A_3391 : i32 to index
      %parallel_loop3A_3393 = arith.constant 480 : index
      %parallel_loop3A_3394 = tpu.vector_load %arg4[%parallel_loop3A_3392, %parallel_loop3A_3393] {strides = array<i32>} : memref<128x512xf32, #tpu.memory_space<vmem>>, vector<16xf32>,
      %parallel_loop3A_3395 = arith.constant dense<true> : vector<16xi1>
      %parallel_loop3A_3396, %parallel_loop3A_3397, %parallel_loop3A_3398 = tpu.sort %parallel_loop3A_3394, %parallel_loop3A_3394 masked %parallel_loop3A_3395 {descending = true} : (vector<16xf32>, vector<16xf32>, vector<16xi1>) -> (vector<16xi1>, vector<16xf32>, vector<16xf32>)
      %parallel_loop3A_3399 = arith.minimumf %parallel_loop3A_3290, %parallel_loop3A_3397 : vector<16xf32>
      %parallel_loop3A_3400 = arith.constant dense<true> : vector<16xi1>
      %parallel_loop3A_3401, %parallel_loop3A_3402, %parallel_loop3A_3403 = tpu.sort %parallel_loop3A_3399, %parallel_loop3A_3399 masked %parallel_loop3A_3400 : (vector<16xf32>, vector<16xf32>, vector<16xi1>) -> (vector<16xi1>, vector<16xf32>, vector<16xf32>)
      %parallel_loop3A_3404 = arith.constant 5 : i32
      %parallel_loop3A_3405 = arith.addi %parallel_loop3A_13, %parallel_loop3A_3404 : i32
      %parallel_loop3A_3406 = arith.index_cast %parallel_loop3A_3405 : i32 to index
      %parallel_loop3A_3407 = arith.constant 480 : index
      %parallel_loop3A_3408 = tpu.vector_load %arg4[%parallel_loop3A_3406, %parallel_loop3A_3407] {strides = array<i32>} : memref<128x512xf32, #tpu.memory_space<vmem>>, vector<16xf32>,
      %parallel_loop3A_3409 = arith.constant dense<true> : vector<16xi1>
      %parallel_loop3A_3410, %parallel_loop3A_3411, %parallel_loop3A_3412 = tpu.sort %parallel_loop3A_3408, %parallel_loop3A_3408 masked %parallel_loop3A_3409 {descending = true} : (vector<16xf32>, vector<16xf32>, vector<16xi1>) -> (vector<16xi1>, vector<16xf32>, vector<16xf32>)
      %parallel_loop3A_3413 = arith.minimumf %parallel_loop3A_3304, %parallel_loop3A_3411 : vector<16xf32>
      %parallel_loop3A_3414 = arith.constant dense<true> : vector<16xi1>
      %parallel_loop3A_3415, %parallel_loop3A_3416, %parallel_loop3A_3417 = tpu.sort %parallel_loop3A_3413, %parallel_loop3A_3413 masked %parallel_loop3A_3414 : (vector<16xf32>, vector<16xf32>, vector<16xi1>) -> (vector<16xi1>, vector<16xf32>, vector<16xf32>)
      %parallel_loop3A_3418 = arith.constant 6 : i32
      %parallel_loop3A_3419 = arith.addi %parallel_loop3A_13, %parallel_loop3A_3418 : i32
      %parallel_loop3A_3420 = arith.index_cast %parallel_loop3A_3419 : i32 to index
      %parallel_loop3A_3421 = arith.constant 480 : index
      %parallel_loop3A_3422 = tpu.vector_load %arg4[%parallel_loop3A_3420, %parallel_loop3A_3421] {strides = array<i32>} : memref<128x512xf32, #tpu.memory_space<vmem>>, vector<16xf32>,
      %parallel_loop3A_3423 = arith.constant dense<true> : vector<16xi1>
      %parallel_loop3A_3424, %parallel_loop3A_3425, %parallel_loop3A_3426 = tpu.sort %parallel_loop3A_3422, %parallel_loop3A_3422 masked %parallel_loop3A_3423 {descending = true} : (vector<16xf32>, vector<16xf32>, vector<16xi1>) -> (vector<16xi1>, vector<16xf32>, vector<16xf32>)
      %parallel_loop3A_3427 = arith.minimumf %parallel_loop3A_3318, %parallel_loop3A_3425 : vector<16xf32>
      %parallel_loop3A_3428 = arith.constant dense<true> : vector<16xi1>
      %parallel_loop3A_3429, %parallel_loop3A_3430, %parallel_loop3A_3431 = tpu.sort %parallel_loop3A_3427, %parallel_loop3A_3427 masked %parallel_loop3A_3428 : (vector<16xf32>, vector<16xf32>, vector<16xi1>) -> (vector<16xi1>, vector<16xf32>, vector<16xf32>)
      %parallel_loop3A_3432 = arith.constant 7 : i32
      %parallel_loop3A_3433 = arith.addi %parallel_loop3A_13, %parallel_loop3A_3432 : i32
      %parallel_loop3A_3434 = arith.index_cast %parallel_loop3A_3433 : i32 to index
      %parallel_loop3A_3435 = arith.constant 480 : index
      %parallel_loop3A_3436 = tpu.vector_load %arg4[%parallel_loop3A_3434, %parallel_loop3A_3435] {strides = array<i32>} : memref<128x512xf32, #tpu.memory_space<vmem>>, vector<16xf32>,
      %parallel_loop3A_3437 = arith.constant dense<true> : vector<16xi1>
      %parallel_loop3A_3438, %parallel_loop3A_3439, %parallel_loop3A_3440 = tpu.sort %parallel_loop3A_3436, %parallel_loop3A_3436 masked %parallel_loop3A_3437 {descending = true} : (vector<16xf32>, vector<16xf32>, vector<16xi1>) -> (vector<16xi1>, vector<16xf32>, vector<16xf32>)
      %parallel_loop3A_3441 = arith.minimumf %parallel_loop3A_3332, %parallel_loop3A_3439 : vector<16xf32>
      %parallel_loop3A_3442 = arith.constant dense<true> : vector<16xi1>
      %parallel_loop3A_3443, %parallel_loop3A_3444, %parallel_loop3A_3445 = tpu.sort %parallel_loop3A_3441, %parallel_loop3A_3441 masked %parallel_loop3A_3442 : (vector<16xf32>, vector<16xf32>, vector<16xi1>) -> (vector<16xi1>, vector<16xf32>, vector<16xf32>)
      %parallel_loop3A_3446 = arith.constant 0 : i32
      %parallel_loop3A_3447 = arith.addi %parallel_loop3A_13, %parallel_loop3A_3446 : i32
      %parallel_loop3A_3448 = arith.index_cast %parallel_loop3A_3447 : i32 to index
      %parallel_loop3A_3449 = arith.constant 496 : index
      %parallel_loop3A_3450 = tpu.vector_load %arg4[%parallel_loop3A_3448, %parallel_loop3A_3449] {strides = array<i32>} : memref<128x512xf32, #tpu.memory_space<vmem>>, vector<16xf32>,
      %parallel_loop3A_3451 = arith.constant dense<true> : vector<16xi1>
      %parallel_loop3A_3452, %parallel_loop3A_3453, %parallel_loop3A_3454 = tpu.sort %parallel_loop3A_3450, %parallel_loop3A_3450 masked %parallel_loop3A_3451 {descending = true} : (vector<16xf32>, vector<16xf32>, vector<16xi1>) -> (vector<16xi1>, vector<16xf32>, vector<16xf32>)
      %parallel_loop3A_3455 = arith.minimumf %parallel_loop3A_3346, %parallel_loop3A_3453 : vector<16xf32>
      %parallel_loop3A_3456 = arith.constant 1 : i32
      %parallel_loop3A_3457 = arith.addi %parallel_loop3A_13, %parallel_loop3A_3456 : i32
      %parallel_loop3A_3458 = arith.index_cast %parallel_loop3A_3457 : i32 to index
      %parallel_loop3A_3459 = arith.constant 496 : index
      %parallel_loop3A_3460 = tpu.vector_load %arg4[%parallel_loop3A_3458, %parallel_loop3A_3459] {strides = array<i32>} : memref<128x512xf32, #tpu.memory_space<vmem>>, vector<16xf32>,
      %parallel_loop3A_3461 = arith.constant dense<true> : vector<16xi1>
      %parallel_loop3A_3462, %parallel_loop3A_3463, %parallel_loop3A_3464 = tpu.sort %parallel_loop3A_3460, %parallel_loop3A_3460 masked %parallel_loop3A_3461 {descending = true} : (vector<16xf32>, vector<16xf32>, vector<16xi1>) -> (vector<16xi1>, vector<16xf32>, vector<16xf32>)
      %parallel_loop3A_3465 = arith.minimumf %parallel_loop3A_3360, %parallel_loop3A_3463 : vector<16xf32>
      %parallel_loop3A_3466 = arith.constant 2 : i32
      %parallel_loop3A_3467 = arith.addi %parallel_loop3A_13, %parallel_loop3A_3466 : i32
      %parallel_loop3A_3468 = arith.index_cast %parallel_loop3A_3467 : i32 to index
      %parallel_loop3A_3469 = arith.constant 496 : index
      %parallel_loop3A_3470 = tpu.vector_load %arg4[%parallel_loop3A_3468, %parallel_loop3A_3469] {strides = array<i32>} : memref<128x512xf32, #tpu.memory_space<vmem>>, vector<16xf32>,
      %parallel_loop3A_3471 = arith.constant dense<true> : vector<16xi1>
      %parallel_loop3A_3472, %parallel_loop3A_3473, %parallel_loop3A_3474 = tpu.sort %parallel_loop3A_3470, %parallel_loop3A_3470 masked %parallel_loop3A_3471 {descending = true} : (vector<16xf32>, vector<16xf32>, vector<16xi1>) -> (vector<16xi1>, vector<16xf32>, vector<16xf32>)
      %parallel_loop3A_3475 = arith.minimumf %parallel_loop3A_3374, %parallel_loop3A_3473 : vector<16xf32>
      %parallel_loop3A_3476 = arith.constant 3 : i32
      %parallel_loop3A_3477 = arith.addi %parallel_loop3A_13, %parallel_loop3A_3476 : i32
      %parallel_loop3A_3478 = arith.index_cast %parallel_loop3A_3477 : i32 to index
      %parallel_loop3A_3479 = arith.constant 496 : index
      %parallel_loop3A_3480 = tpu.vector_load %arg4[%parallel_loop3A_3478, %parallel_loop3A_3479] {strides = array<i32>} : memref<128x512xf32, #tpu.memory_space<vmem>>, vector<16xf32>,
      %parallel_loop3A_3481 = arith.constant dense<true> : vector<16xi1>
      %parallel_loop3A_3482, %parallel_loop3A_3483, %parallel_loop3A_3484 = tpu.sort %parallel_loop3A_3480, %parallel_loop3A_3480 masked %parallel_loop3A_3481 {descending = true} : (vector<16xf32>, vector<16xf32>, vector<16xi1>) -> (vector<16xi1>, vector<16xf32>, vector<16xf32>)
      %parallel_loop3A_3485 = arith.minimumf %parallel_loop3A_3388, %parallel_loop3A_3483 : vector<16xf32>
      %parallel_loop3A_3486 = arith.constant 4 : i32
      %parallel_loop3A_3487 = arith.addi %parallel_loop3A_13, %parallel_loop3A_3486 : i32
      %parallel_loop3A_3488 = arith.index_cast %parallel_loop3A_3487 : i32 to index
      %parallel_loop3A_3489 = arith.constant 496 : index
      %parallel_loop3A_3490 = tpu.vector_load %arg4[%parallel_loop3A_3488, %parallel_loop3A_3489] {strides = array<i32>} : memref<128x512xf32, #tpu.memory_space<vmem>>, vector<16xf32>,
      %parallel_loop3A_3491 = arith.constant dense<true> : vector<16xi1>
      %parallel_loop3A_3492, %parallel_loop3A_3493, %parallel_loop3A_3494 = tpu.sort %parallel_loop3A_3490, %parallel_loop3A_3490 masked %parallel_loop3A_3491 {descending = true} : (vector<16xf32>, vector<16xf32>, vector<16xi1>) -> (vector<16xi1>, vector<16xf32>, vector<16xf32>)
      %parallel_loop3A_3495 = arith.minimumf %parallel_loop3A_3402, %parallel_loop3A_3493 : vector<16xf32>
      %parallel_loop3A_3496 = arith.constant 5 : i32
      %parallel_loop3A_3497 = arith.addi %parallel_loop3A_13, %parallel_loop3A_3496 : i32
      %parallel_loop3A_3498 = arith.index_cast %parallel_loop3A_3497 : i32 to index
      %parallel_loop3A_3499 = arith.constant 496 : index
      %parallel_loop3A_3500 = tpu.vector_load %arg4[%parallel_loop3A_3498, %parallel_loop3A_3499] {strides = array<i32>} : memref<128x512xf32, #tpu.memory_space<vmem>>, vector<16xf32>,
      %parallel_loop3A_3501 = arith.constant dense<true> : vector<16xi1>
      %parallel_loop3A_3502, %parallel_loop3A_3503, %parallel_loop3A_3504 = tpu.sort %parallel_loop3A_3500, %parallel_loop3A_3500 masked %parallel_loop3A_3501 {descending = true} : (vector<16xf32>, vector<16xf32>, vector<16xi1>) -> (vector<16xi1>, vector<16xf32>, vector<16xf32>)
      %parallel_loop3A_3505 = arith.minimumf %parallel_loop3A_3416, %parallel_loop3A_3503 : vector<16xf32>
      %parallel_loop3A_3506 = arith.constant 6 : i32
      %parallel_loop3A_3507 = arith.addi %parallel_loop3A_13, %parallel_loop3A_3506 : i32
      %parallel_loop3A_3508 = arith.index_cast %parallel_loop3A_3507 : i32 to index
      %parallel_loop3A_3509 = arith.constant 496 : index
      %parallel_loop3A_3510 = tpu.vector_load %arg4[%parallel_loop3A_3508, %parallel_loop3A_3509] {strides = array<i32>} : memref<128x512xf32, #tpu.memory_space<vmem>>, vector<16xf32>,
      %parallel_loop3A_3511 = arith.constant dense<true> : vector<16xi1>
      %parallel_loop3A_3512, %parallel_loop3A_3513, %parallel_loop3A_3514 = tpu.sort %parallel_loop3A_3510, %parallel_loop3A_3510 masked %parallel_loop3A_3511 {descending = true} : (vector<16xf32>, vector<16xf32>, vector<16xi1>) -> (vector<16xi1>, vector<16xf32>, vector<16xf32>)
      %parallel_loop3A_3515 = arith.minimumf %parallel_loop3A_3430, %parallel_loop3A_3513 : vector<16xf32>
      %parallel_loop3A_3516 = arith.constant 7 : i32
      %parallel_loop3A_3517 = arith.addi %parallel_loop3A_13, %parallel_loop3A_3516 : i32
      %parallel_loop3A_3518 = arith.index_cast %parallel_loop3A_3517 : i32 to index
      %parallel_loop3A_3519 = arith.constant 496 : index
      %parallel_loop3A_3520 = tpu.vector_load %arg4[%parallel_loop3A_3518, %parallel_loop3A_3519] {strides = array<i32>} : memref<128x512xf32, #tpu.memory_space<vmem>>, vector<16xf32>,
      %parallel_loop3A_3521 = arith.constant dense<true> : vector<16xi1>
      %parallel_loop3A_3522, %parallel_loop3A_3523, %parallel_loop3A_3524 = tpu.sort %parallel_loop3A_3520, %parallel_loop3A_3520 masked %parallel_loop3A_3521 {descending = true} : (vector<16xf32>, vector<16xf32>, vector<16xi1>) -> (vector<16xi1>, vector<16xf32>, vector<16xf32>)
      %parallel_loop3A_3525 = arith.minimumf %parallel_loop3A_3444, %parallel_loop3A_3523 : vector<16xf32>
      %parallel_loop3A_3526 = arith.constant 0 : i32
      %parallel_loop3A_3527 = arith.addi %parallel_loop3A_13, %parallel_loop3A_3526 : i32
      %parallel_loop3A_3528 = arith.index_cast %parallel_loop3A_3527 : i32 to index
      %parallel_loop3A_3529 = arith.constant 0 : index
      %parallel_loop3A_3530 = tpu.vector_load %arg5[%parallel_loop3A_3528, %parallel_loop3A_3529] {strides = array<i32>} : memref<128x16xf32, #tpu.memory_space<vmem>>, vector<16xf32>,
      tpu.vector_store %arg5[%parallel_loop3A_3528, %parallel_loop3A_3529], %parallel_loop3A_3455 {strides = array<i32>} : memref<128x16xf32, #tpu.memory_space<vmem>>, vector<16xf32>,
      %parallel_loop3A_3531 = arith.constant 1 : i32
      %parallel_loop3A_3532 = arith.addi %parallel_loop3A_13, %parallel_loop3A_3531 : i32
      %parallel_loop3A_3533 = arith.index_cast %parallel_loop3A_3532 : i32 to index
      %parallel_loop3A_3534 = arith.constant 0 : index
      %parallel_loop3A_3535 = tpu.vector_load %arg5[%parallel_loop3A_3533, %parallel_loop3A_3534] {strides = array<i32>} : memref<128x16xf32, #tpu.memory_space<vmem>>, vector<16xf32>,
      tpu.vector_store %arg5[%parallel_loop3A_3533, %parallel_loop3A_3534], %parallel_loop3A_3465 {strides = array<i32>} : memref<128x16xf32, #tpu.memory_space<vmem>>, vector<16xf32>,
      %parallel_loop3A_3536 = arith.constant 2 : i32
      %parallel_loop3A_3537 = arith.addi %parallel_loop3A_13, %parallel_loop3A_3536 : i32
      %parallel_loop3A_3538 = arith.index_cast %parallel_loop3A_3537 : i32 to index
      %parallel_loop3A_3539 = arith.constant 0 : index
      %parallel_loop3A_3540 = tpu.vector_load %arg5[%parallel_loop3A_3538, %parallel_loop3A_3539] {strides = array<i32>} : memref<128x16xf32, #tpu.memory_space<vmem>>, vector<16xf32>,
      tpu.vector_store %arg5[%parallel_loop3A_3538, %parallel_loop3A_3539], %parallel_loop3A_3475 {strides = array<i32>} : memref<128x16xf32, #tpu.memory_space<vmem>>, vector<16xf32>,
      %parallel_loop3A_3541 = arith.constant 3 : i32
      %parallel_loop3A_3542 = arith.addi %parallel_loop3A_13, %parallel_loop3A_3541 : i32
      %parallel_loop3A_3543 = arith.index_cast %parallel_loop3A_3542 : i32 to index
      %parallel_loop3A_3544 = arith.constant 0 : index
      %parallel_loop3A_3545 = tpu.vector_load %arg5[%parallel_loop3A_3543, %parallel_loop3A_3544] {strides = array<i32>} : memref<128x16xf32, #tpu.memory_space<vmem>>, vector<16xf32>,
      tpu.vector_store %arg5[%parallel_loop3A_3543, %parallel_loop3A_3544], %parallel_loop3A_3485 {strides = array<i32>} : memref<128x16xf32, #tpu.memory_space<vmem>>, vector<16xf32>,
      %parallel_loop3A_3546 = arith.constant 4 : i32
      %parallel_loop3A_3547 = arith.addi %parallel_loop3A_13, %parallel_loop3A_3546 : i32
      %parallel_loop3A_3548 = arith.index_cast %parallel_loop3A_3547 : i32 to index
      %parallel_loop3A_3549 = arith.constant 0 : index
      %parallel_loop3A_3550 = tpu.vector_load %arg5[%parallel_loop3A_3548, %parallel_loop3A_3549] {strides = array<i32>} : memref<128x16xf32, #tpu.memory_space<vmem>>, vector<16xf32>,
      tpu.vector_store %arg5[%parallel_loop3A_3548, %parallel_loop3A_3549], %parallel_loop3A_3495 {strides = array<i32>} : memref<128x16xf32, #tpu.memory_space<vmem>>, vector<16xf32>,
      %parallel_loop3A_3551 = arith.constant 5 : i32
      %parallel_loop3A_3552 = arith.addi %parallel_loop3A_13, %parallel_loop3A_3551 : i32
      %parallel_loop3A_3553 = arith.index_cast %parallel_loop3A_3552 : i32 to index
      %parallel_loop3A_3554 = arith.constant 0 : index
      %parallel_loop3A_3555 = tpu.vector_load %arg5[%parallel_loop3A_3553, %parallel_loop3A_3554] {strides = array<i32>} : memref<128x16xf32, #tpu.memory_space<vmem>>, vector<16xf32>,
      tpu.vector_store %arg5[%parallel_loop3A_3553, %parallel_loop3A_3554], %parallel_loop3A_3505 {strides = array<i32>} : memref<128x16xf32, #tpu.memory_space<vmem>>, vector<16xf32>,
      %parallel_loop3A_3556 = arith.constant 6 : i32
      %parallel_loop3A_3557 = arith.addi %parallel_loop3A_13, %parallel_loop3A_3556 : i32
      %parallel_loop3A_3558 = arith.index_cast %parallel_loop3A_3557 : i32 to index
      %parallel_loop3A_3559 = arith.constant 0 : index
      %parallel_loop3A_3560 = tpu.vector_load %arg5[%parallel_loop3A_3558, %parallel_loop3A_3559] {strides = array<i32>} : memref<128x16xf32, #tpu.memory_space<vmem>>, vector<16xf32>,
      tpu.vector_store %arg5[%parallel_loop3A_3558, %parallel_loop3A_3559], %parallel_loop3A_3515 {strides = array<i32>} : memref<128x16xf32, #tpu.memory_space<vmem>>, vector<16xf32>,
      %parallel_loop3A_3561 = arith.constant 7 : i32
      %parallel_loop3A_3562 = arith.addi %parallel_loop3A_13, %parallel_loop3A_3561 : i32
      %parallel_loop3A_3563 = arith.index_cast %parallel_loop3A_3562 : i32 to index
      %parallel_loop3A_3564 = arith.constant 0 : index
      %parallel_loop3A_3565 = tpu.vector_load %arg5[%parallel_loop3A_3563, %parallel_loop3A_3564] {strides = array<i32>} : memref<128x16xf32, #tpu.memory_space<vmem>>, vector<16xf32>,
      tpu.vector_store %arg5[%parallel_loop3A_3563, %parallel_loop3A_3564], %parallel_loop3A_3525 {strides = array<i32>} : memref<128x16xf32, #tpu.memory_space<vmem>>, vector<16xf32>,
    } {sc.loop_unroll_factor = 1 : i64, sc.parallel_access}
    "tpu.region"() ({
      %run_scoped3A = tpu.sem_alloc : memref<!tpu.dma_semaphore, #tpu.memory_space<semaphore_mem>>
      %dma_start3A_11 = arith.constant 0 : i32
      %dma_start3A_12 = tpu.memref_slice %arg3[%mul3A_2, %dma_start3A_11] : memref<4096x16xf32, #tpu.memory_space<hbm>> -> memref<128x16xf32, #tpu.memory_space<hbm>>
      %dma_start3A_13 = arith.constant 0 : i32
      %dma_start3A_14 = tpu.memref_slice %arg3[%mul3A_2, %dma_start3A_13] : memref<4096x16xf32, #tpu.memory_space<hbm>> -> memref<128x16xf32, #tpu.memory_space<hbm>>
      tpu.enqueue_dma source(%arg5 : memref<128x16xf32, #tpu.memory_space<vmem>>) target(%dma_start3A_14 : memref<128x16xf32, #tpu.memory_space<hbm>>) target_semaphore(%run_scoped3A : memref<!tpu.dma_semaphore, #tpu.memory_space<semaphore_mem>>)
      %dma_wait3A_15 = arith.constant 0 : i32
      %dma_wait3A_16 = tpu.memref_slice %arg3[%mul3A_2, %dma_wait3A_15] : memref<4096x16xf32, #tpu.memory_space<hbm>> -> memref<128x16xf32, #tpu.memory_space<hbm>>
      %dma_wait3A_17 = arith.constant 0 : i32
      %dma_wait3A_18 = tpu.memref_slice %arg3[%mul3A_2, %dma_wait3A_17] : memref<4096x16xf32, #tpu.memory_space<hbm>> -> memref<128x16xf32, #tpu.memory_space<hbm>>
      tpu.wait_dma2 semaphore(%run_scoped3A : memref<!tpu.dma_semaphore, #tpu.memory_space<semaphore_mem>>) src(%arg5 : memref<128x16xf32, #tpu.memory_space<vmem>>) dst(%dma_wait3A_18 : memref<128x16xf32, #tpu.memory_space<hbm>>)
      tpu.yield
    }) : () -> ()
    return
  }
}

module attributes {stable_mosaic.version = 14 : i64} {
  func.func @_tc_b_body(%arg0: i32, %arg1: memref<512x256xf32, #tpu.memory_space<vmem>>, %arg2: memref<512x512xf32, #tpu.memory_space<vmem>>, %arg3: memref<512x256xf32, #tpu.memory_space<vmem>>, %arg4: memref<512x128xf32, #tpu.memory_space<vmem>>, %arg5: memref<512x16xf32, #tpu.memory_space<vmem>>, %arg6: memref<512x128xf32, #tpu.memory_space<vmem>>, %arg7: memref<1x1x128xf32, #tpu.memory_space<vmem>>) attributes {dimension_semantics = [#tpu.dimension_semantics<arbitrary>], iteration_bounds = array<i64: 8>, scalar_prefetch = 0 : i64, scratch_operands = 0 : i64, tpu.core_type = #tpu.core_type<tc>, window_params = [{transform_indices = @transform_0, window_bounds = array<i64: 512, 256>}, {transform_indices = @transform_1, window_bounds = array<i64: 512, 512>}, {pipeline_mode = #tpu.pipeline_mode<synchronous>, transform_indices = @transform_2, window_bounds = array<i64: 512, 256>}, {transform_indices = @transform_3, window_bounds = array<i64: 512, 128>}, {transform_indices = @transform_4, window_bounds = array<i64: 512, 16>}, {transform_indices = @transform_5, window_bounds = array<i64: 512, 128>}, {transform_indices = @transform_6, window_bounds = array<i64: 1, 1, 128>}]} {
    %get3A = arith.constant 0 : index
    %get3A_0 = arith.constant 0 : index
    %get3A_1 = vector.load %arg1[%get3A, %get3A_0] : memref<512x256xf32, #tpu.memory_space<vmem>>, vector<512x256xf32>
    %get3A_2 = arith.constant 0 : index
    %get3A_3 = arith.constant 0 : index
    %get3A_4 = vector.load %arg2[%get3A_2, %get3A_3] : memref<512x512xf32, #tpu.memory_space<vmem>>, vector<512x512xf32>
    %get3A_5 = arith.constant 0 : index
    %get3A_6 = arith.constant 0 : index
    %get3A_7 = vector.load %arg3[%get3A_5, %get3A_6] : memref<512x256xf32, #tpu.memory_space<vmem>>, vector<512x256xf32>
    %get3A_8 = arith.constant 0 : index
    %get3A_9 = arith.constant 0 : index
    %get3A_10 = vector.load %arg4[%get3A_8, %get3A_9] : memref<512x128xf32, #tpu.memory_space<vmem>>, vector<512x1xf32>
    %get3A_11 = arith.constant 0 : index
    %get3A_12 = arith.constant 0 : index
    %get3A_13 = vector.load %arg6[%get3A_11, %get3A_12] : memref<512x128xf32, #tpu.memory_space<vmem>>, vector<512x1xf32>
    %get3A_14 = arith.constant 0 : index
    %get3A_15 = arith.constant 1 : index
    %get3A_16 = vector.load %arg6[%get3A_14, %get3A_15] : memref<512x128xf32, #tpu.memory_space<vmem>>, vector<512x1xf32>
    %get3A_17 = arith.constant 0 : index
    %get3A_18 = arith.constant 0 : index
    %get3A_19 = vector.load %arg5[%get3A_17, %get3A_18] : memref<512x16xf32, #tpu.memory_space<vmem>>, vector<512x16xf32>
    %reduce_max3A = arith.constant dense<0xFF800000> : vector<512xf32>
    %reduce_max3A_20 = vector.multi_reduction <maximumf>, %get3A_19, %reduce_max3A [1] : vector<512x16xf32> to vector<512xf32>
    %broadcast_in_dim3A = vector.shape_cast %reduce_max3A_20 : vector<512xf32> to vector<512x1xf32>
    %lt3A = vector.broadcast %broadcast_in_dim3A : vector<512x1xf32> to vector<512x512xf32>
    %lt3A_21 = arith.cmpf olt, %get3A_4, %lt3A : vector<512x512xf32>
    %convert_element_type3A = arith.extui %lt3A_21 : vector<512x512xi1> to vector<512x512xi32>
    %convert_element_type3A_22 = arith.sitofp %convert_element_type3A : vector<512x512xi32> to vector<512x512xf32>
    %reduce_sum3A = arith.constant dense<0.000000e+00> : vector<512xf32>
    %reduce_sum3A_23 = vector.multi_reduction <add>, %convert_element_type3A_22, %reduce_sum3A [1] : vector<512x512xf32> to vector<512xf32>
    %broadcast_in_dim3A_24 = vector.shape_cast %reduce_sum3A_23 : vector<512xf32> to vector<512x1xf32>
    %eq3A = vector.broadcast %broadcast_in_dim3A : vector<512x1xf32> to vector<512x512xf32>
    %eq3A_25 = arith.cmpf oeq, %get3A_4, %eq3A : vector<512x512xf32>
    %iota3A = tpu.iota {dimensions = array<i32: 0>} : vector<512x512xi32>
    %iota3A_26 = tpu.iota {dimensions = array<i32: 1>} : vector<512x512xi32>
    %le3A = arith.cmpi sle, %iota3A, %iota3A_26 : vector<512x512xi32>
    %convert_element_type3A_27 = arith.extui %le3A : vector<512x512xi1> to vector<512x512xi32>
    %convert_element_type3A_28 = arith.sitofp %convert_element_type3A_27 : vector<512x512xi32> to vector<512x512xf32>
    %convert_element_type3A_29 = arith.truncf %convert_element_type3A_28 : vector<512x512xf32> to vector<512x512xbf16>
    %convert_element_type3A_30 = arith.extui %eq3A_25 : vector<512x512xi1> to vector<512x512xi32>
    %convert_element_type3A_31 = arith.sitofp %convert_element_type3A_30 : vector<512x512xi32> to vector<512x512xf32>
    %convert_element_type3A_32 = arith.truncf %convert_element_type3A_31 : vector<512x512xf32> to vector<512x512xbf16>
    %dot_general3A = arith.constant dense<0.000000e+00> : vector<512x512xf32>
    %dot_general3A_33 = tpu.matmul %convert_element_type3A_32, %convert_element_type3A_29, %dot_general3A {dimension_numbers = #tpu.dot_dimension_numbers<[1], [0], [0], [1], [0, 0, 1, 1], [], []>, transpose_lhs_hint = false} : vector<512x512xbf16>, vector<512x512xbf16>, vector<512x512xf32> -> vector<512x512xf32>
    %sub3A = arith.constant 1.600000e+01 : f32
    %sub3A_34 = vector.broadcast %sub3A : f32 to vector<512x1xf32>
    %sub3A_35 = arith.subf %sub3A_34, %broadcast_in_dim3A_24 : vector<512x1xf32>
    %le3A_36 = vector.broadcast %sub3A_35 : vector<512x1xf32> to vector<512x512xf32>
    %le3A_37 = arith.cmpf ole, %dot_general3A_33, %le3A_36 : vector<512x512xf32>
    %and3A = arith.andi %eq3A_25, %le3A_37 : vector<512x512xi1>
    %or3A = arith.ori %lt3A_21, %and3A : vector<512x512xi1>
    %jit3A = arith.constant 0.000000e+00 : f32
    %broadcast_in_dim3A_38 = vector.broadcast %jit3A : f32 to vector<512x512xf32>
    %select_n3A = arith.select %or3A, %get3A_4, %broadcast_in_dim3A_38 : vector<512x512xi1>, vector<512x512xf32>
    %reduce_sum3A_39 = arith.constant dense<0.000000e+00> : vector<512xf32>
    %reduce_sum3A_40 = vector.multi_reduction <add>, %select_n3A, %reduce_sum3A_39 [1] : vector<512x512xf32> to vector<512xf32>
    %broadcast_in_dim3A_41 = vector.shape_cast %reduce_sum3A_40 : vector<512xf32> to vector<512x1xf32>
    %add3A = arith.constant 1.000000e-10 : f32
    %add3A_42 = vector.broadcast %add3A : f32 to vector<512x1xf32>
    %add3A_43 = arith.addf %broadcast_in_dim3A_41, %add3A_42 : vector<512x1xf32>
    %div3A = vector.broadcast %add3A_43 : vector<512x1xf32> to vector<512x512xf32>
    %div3A_44 = arith.divf %get3A_4, %div3A : vector<512x512xf32>
    %sub3A_45 = arith.constant 1.000000e+00 : f32
    %sub3A_46 = vector.broadcast %sub3A_45 : f32 to vector<512x512xf32>
    %sub3A_47 = arith.subf %sub3A_46, %div3A_44 : vector<512x512xf32>
    %integer_pow3A = arith.mulf %sub3A_47, %sub3A_47 : vector<512x512xf32>
    %mul3A = arith.mulf %get3A_7, %get3A_7 : vector<512x256xf32>
    %reduce_sum3A_48 = arith.constant dense<0.000000e+00> : vector<512xf32>
    %reduce_sum3A_49 = vector.multi_reduction <add>, %mul3A, %reduce_sum3A_48 [1] : vector<512x256xf32> to vector<512xf32>
    %transpose3A = tpu.transpose %get3A_7, [1, 0] : vector<512x256xf32> -> vector<256x512xf32>
    %dot_general3A_50 = arith.constant dense<0.000000e+00> : vector<512x512xf32>
    %dot_general3A_51 = tpu.matmul %get3A_1, %transpose3A, %dot_general3A_50 {dimension_numbers = #tpu.dot_dimension_numbers<[1], [0], [0], [1], [0, 0, 1, 1], [], []>, transpose_lhs_hint = false} : vector<512x256xf32>, vector<256x512xf32>, vector<512x512xf32> -> vector<512x512xf32>
    %mul3A_52 = arith.constant 2.000000e+00 : f32
    %mul3A_53 = vector.broadcast %mul3A_52 : f32 to vector<512x512xf32>
    %mul3A_54 = arith.mulf %mul3A_53, %dot_general3A_51 : vector<512x512xf32>
    %sub3A_55 = vector.broadcast %get3A_16 : vector<512x1xf32> to vector<512x512xf32>
    %sub3A_56 = arith.subf %sub3A_55, %mul3A_54 : vector<512x512xf32>
    %broadcast_in_dim3A_57 = vector.shape_cast %reduce_sum3A_49 : vector<512xf32> to vector<1x512xf32>
    %add3A_58 = vector.broadcast %broadcast_in_dim3A_57 : vector<1x512xf32> to vector<512x512xf32>
    %add3A_59 = arith.addf %sub3A_56, %add3A_58 : vector<512x512xf32>
    %max3A = arith.constant 0.000000e+00 : f32
    %max3A_60 = vector.broadcast %max3A : f32 to vector<512x512xf32>
    %max3A_61 = arith.maximumf %add3A_59, %max3A_60 : vector<512x512xf32>
    %add3A_62 = arith.constant 9.99999993E-9 : f32
    %add3A_63 = vector.broadcast %add3A_62 : f32 to vector<512x512xf32>
    %add3A_64 = arith.addf %max3A_61, %add3A_63 : vector<512x512xf32>
    %sqrt3A = math.sqrt %add3A_64 : vector<512x512xf32>
    %add3A_65 = vector.broadcast %get3A_13 : vector<512x1xf32> to vector<512x512xf32>
    %add3A_66 = arith.addf %integer_pow3A, %add3A_65 : vector<512x512xf32>
    %sub3A_67 = arith.subf %add3A_66, %sqrt3A : vector<512x512xf32>
    %max3A_68 = arith.constant 0.000000e+00 : f32
    %max3A_69 = vector.broadcast %max3A_68 : f32 to vector<512x512xf32>
    %max3A_70 = arith.maximumf %sub3A_67, %max3A_69 : vector<512x512xf32>
    %jit3A_71 = arith.constant 0.000000e+00 : f32
    %broadcast_in_dim3A_72 = vector.broadcast %jit3A_71 : f32 to vector<512x512xf32>
    %select_n3A_73 = arith.select %or3A, %max3A_70, %broadcast_in_dim3A_72 : vector<512x512xi1>, vector<512x512xf32>
    %reduce_sum3A_74 = arith.constant dense<0.000000e+00> : vector<512xf32>
    %reduce_sum3A_75 = vector.multi_reduction <add>, %select_n3A_73, %reduce_sum3A_74 [1] : vector<512x512xf32> to vector<512xf32>
    %broadcast_in_dim3A_76 = vector.shape_cast %reduce_sum3A_75 : vector<512xf32> to vector<512x1xf32>
    %iota3A_77 = tpu.iota {dimensions = array<i32: 2>} : vector<1x1x128xi32>
    %mul3A_78 = arith.mulf %broadcast_in_dim3A_76, %get3A_10 : vector<512x1xf32>
    %reduce_sum3A_79 = vector.shape_cast %mul3A_78 : vector<512x1xf32> to vector<1x512x1xf32>
    %reduce_sum3A_80 = arith.constant dense<0.000000e+00> : vector<1xf32>
    %reduce_sum3A_81 = vector.multi_reduction <add>, %reduce_sum3A_79, %reduce_sum3A_80 [1, 2] : vector<1x512x1xf32> to vector<1xf32>
    %reduce_sum3A_82 = vector.shape_cast %reduce_sum3A_81 : vector<1xf32> to vector<1x1x1xf32>
    %reduce_sum3A_83 = vector.extract %reduce_sum3A_82[0, 0, 0] : f32 from vector<1x1x1xf32>
    %eq3A_84 = arith.constant 1 : i32
    %eq3A_85 = vector.broadcast %eq3A_84 : i32 to vector<1x1x128xi32>
    %eq3A_86 = arith.cmpi eq, %iota3A_77, %eq3A_85 : vector<1x1x128xi32>
    %convert_element_type3A_87 = arith.extui %eq3A_86 : vector<1x1x128xi1> to vector<1x1x128xi32>
    %convert_element_type3A_88 = arith.sitofp %convert_element_type3A_87 : vector<1x1x128xi32> to vector<1x1x128xf32>
    %mul3A_89 = vector.broadcast %reduce_sum3A_83 : f32 to vector<1x1x128xf32>
    %mul3A_90 = arith.mulf %mul3A_89, %convert_element_type3A_88 : vector<1x1x128xf32>
    %swap3A = arith.constant 0 : index
    %swap3A_91 = arith.constant 0 : index
    %swap3A_92 = arith.constant 0 : index
    %swap3A_93 = vector.load %arg7[%swap3A, %swap3A_91, %swap3A_92] : memref<1x1x128xf32, #tpu.memory_space<vmem>>, vector<1x1x128xf32>
    tpu.vector_store %arg7[%swap3A, %swap3A_91, %swap3A_92], %mul3A_90 {strides = array<i32>} : memref<1x1x128xf32, #tpu.memory_space<vmem>>, vector<1x1x128xf32>,
    return
  }
  func.func @transform_0(%arg0: i32) -> (i32, i32) {
    %c0_i32 = arith.constant 0 : i32
    %c0_i32_0 = arith.constant 0 : i32
    return %arg0, %c0_i32 : i32, i32
  }
  func.func @transform_1(%arg0: i32) -> (i32, i32) {
    %c0_i32 = arith.constant 0 : i32
    %c0_i32_0 = arith.constant 0 : i32
    return %arg0, %c0_i32 : i32, i32
  }
  func.func @transform_2(%arg0: i32) -> (i32, i32) {
    %c0_i32 = arith.constant 0 : i32
    %c0_i32_0 = arith.constant 0 : i32
    %c0_i32_1 = arith.constant 0 : i32
    return %c0_i32, %c0_i32_0 : i32, i32
  }
  func.func @transform_3(%arg0: i32) -> (i32, i32) {
    %c0_i32 = arith.constant 0 : i32
    %c0_i32_0 = arith.constant 0 : i32
    return %arg0, %c0_i32 : i32, i32
  }
  func.func @transform_4(%arg0: i32) -> (i32, i32) {
    %c0_i32 = arith.constant 0 : i32
    %c0_i32_0 = arith.constant 0 : i32
    return %arg0, %c0_i32 : i32, i32
  }
  func.func @transform_5(%arg0: i32) -> (i32, i32) {
    %c0_i32 = arith.constant 0 : i32
    %c0_i32_0 = arith.constant 0 : i32
    return %arg0, %c0_i32 : i32, i32
  }
  func.func @transform_6(%arg0: i32) -> (i32, i32, i32) {
    %c0_i32 = arith.constant 0 : i32
    %c0_i32_0 = arith.constant 0 : i32
    %c0_i32_1 = arith.constant 0 : i32
    return %arg0, %c0_i32, %c0_i32_0 : i32, i32, i32
  }
}

module attributes {stable_mosaic.version = 14 : i64} {
  func.func @_tc_a_body(%arg0: i32, %arg1: memref<512x256xf32, #tpu.memory_space<vmem>>, %arg2: memref<512x256xf32, #tpu.memory_space<vmem>>, %arg3: memref<512x256xf32, #tpu.memory_space<vmem>>, %arg4: memref<64x256xf32, #tpu.memory_space<vmem>>, %arg5: memref<512x128xf32, #tpu.memory_space<vmem>>, %arg6: memref<512x128xf32, #tpu.memory_space<vmem>>, %arg7: memref<1x1x128xf32, #tpu.memory_space<vmem>>) attributes {dimension_semantics = [#tpu.dimension_semantics<arbitrary>], iteration_bounds = array<i64: 8>, scalar_prefetch = 0 : i64, scratch_operands = 0 : i64, tpu.core_type = #tpu.core_type<tc>, window_params = [{transform_indices = @transform_0, window_bounds = array<i64: 512, 256>}, {transform_indices = @transform_1, window_bounds = array<i64: 512, 256>}, {pipeline_mode = #tpu.pipeline_mode<synchronous>, transform_indices = @transform_2, window_bounds = array<i64: 512, 256>}, {pipeline_mode = #tpu.pipeline_mode<synchronous>, transform_indices = @transform_3, window_bounds = array<i64: 64, 256>}, {transform_indices = @transform_4, window_bounds = array<i64: 512, 128>}, {transform_indices = @transform_5, window_bounds = array<i64: 512, 128>}, {transform_indices = @transform_6, window_bounds = array<i64: 1, 1, 128>}]} {
    %get3A = arith.constant 0 : index
    %get3A_0 = arith.constant 0 : index
    %get3A_1 = vector.load %arg1[%get3A, %get3A_0] : memref<512x256xf32, #tpu.memory_space<vmem>>, vector<512x256xf32>
    %get3A_2 = arith.constant 0 : index
    %get3A_3 = arith.constant 0 : index
    %get3A_4 = vector.load %arg2[%get3A_2, %get3A_3] : memref<512x256xf32, #tpu.memory_space<vmem>>, vector<512x256xf32>
    %get3A_5 = arith.constant 0 : index
    %get3A_6 = arith.constant 0 : index
    %get3A_7 = vector.load %arg3[%get3A_5, %get3A_6] : memref<512x256xf32, #tpu.memory_space<vmem>>, vector<512x256xf32>
    %get3A_8 = arith.constant 0 : index
    %get3A_9 = arith.constant 0 : index
    %get3A_10 = vector.load %arg4[%get3A_8, %get3A_9] : memref<64x256xf32, #tpu.memory_space<vmem>>, vector<64x256xf32>
    %get3A_11 = arith.constant 0 : index
    %get3A_12 = arith.constant 0 : index
    %get3A_13 = vector.load %arg5[%get3A_11, %get3A_12] : memref<512x128xf32, #tpu.memory_space<vmem>>, vector<512x1xf32>
    %sub3A = arith.subf %get3A_4, %get3A_1 : vector<512x256xf32>
    %integer_pow3A = arith.mulf %sub3A, %sub3A : vector<512x256xf32>
    %reduce_sum3A = arith.constant dense<0.000000e+00> : vector<512xf32>
    %reduce_sum3A_14 = vector.multi_reduction <add>, %integer_pow3A, %reduce_sum3A [1] : vector<512x256xf32> to vector<512xf32>
    %broadcast_in_dim3A = vector.shape_cast %reduce_sum3A_14 : vector<512xf32> to vector<512x1xf32>
    %add3A = arith.constant 9.99999993E-9 : f32
    %add3A_15 = vector.broadcast %add3A : f32 to vector<512x1xf32>
    %add3A_16 = arith.addf %broadcast_in_dim3A, %add3A_15 : vector<512x1xf32>
    %sqrt3A = math.sqrt %add3A_16 : vector<512x1xf32>
    %mul3A = arith.mulf %get3A_4, %get3A_4 : vector<512x256xf32>
    %reduce_sum3A_17 = arith.constant dense<0.000000e+00> : vector<512xf32>
    %reduce_sum3A_18 = vector.multi_reduction <add>, %mul3A, %reduce_sum3A_17 [1] : vector<512x256xf32> to vector<512xf32>
    %broadcast_in_dim3A_19 = vector.shape_cast %reduce_sum3A_18 : vector<512xf32> to vector<512x1xf32>
    %mul3A_20 = arith.mulf %get3A_10, %get3A_10 : vector<64x256xf32>
    %reduce_sum3A_21 = arith.constant dense<0.000000e+00> : vector<64xf32>
    %reduce_sum3A_22 = vector.multi_reduction <add>, %mul3A_20, %reduce_sum3A_21 [1] : vector<64x256xf32> to vector<64xf32>
    %transpose3A = tpu.transpose %get3A_10, [1, 0] : vector<64x256xf32> -> vector<256x64xf32>
    %dot_general3A = arith.constant dense<0.000000e+00> : vector<512x64xf32>
    %dot_general3A_23 = tpu.matmul %get3A_4, %transpose3A, %dot_general3A {dimension_numbers = #tpu.dot_dimension_numbers<[1], [0], [0], [1], [0, 0, 1, 1], [], []>, transpose_lhs_hint = false} : vector<512x256xf32>, vector<256x64xf32>, vector<512x64xf32> -> vector<512x64xf32>
    %mul3A_24 = arith.constant 2.000000e+00 : f32
    %mul3A_25 = vector.broadcast %mul3A_24 : f32 to vector<512x64xf32>
    %mul3A_26 = arith.mulf %mul3A_25, %dot_general3A_23 : vector<512x64xf32>
    %sub3A_27 = vector.broadcast %broadcast_in_dim3A_19 : vector<512x1xf32> to vector<512x64xf32>
    %sub3A_28 = arith.subf %sub3A_27, %mul3A_26 : vector<512x64xf32>
    %broadcast_in_dim3A_29 = vector.shape_cast %reduce_sum3A_22 : vector<64xf32> to vector<1x64xf32>
    %add3A_30 = vector.broadcast %broadcast_in_dim3A_29 : vector<1x64xf32> to vector<512x64xf32>
    %add3A_31 = arith.addf %sub3A_28, %add3A_30 : vector<512x64xf32>
    %max3A = arith.constant 0.000000e+00 : f32
    %max3A_32 = vector.broadcast %max3A : f32 to vector<512x64xf32>
    %max3A_33 = arith.maximumf %add3A_31, %max3A_32 : vector<512x64xf32>
    %add3A_34 = arith.constant 9.99999993E-9 : f32
    %add3A_35 = vector.broadcast %add3A_34 : f32 to vector<512x64xf32>
    %add3A_36 = arith.addf %max3A_33, %add3A_35 : vector<512x64xf32>
    %sqrt3A_37 = math.sqrt %add3A_36 : vector<512x64xf32>
    %add3A_38 = arith.constant 1.000000e+00 : f32
    %add3A_39 = vector.broadcast %add3A_38 : f32 to vector<512x1xf32>
    %add3A_40 = arith.addf %add3A_39, %sqrt3A : vector<512x1xf32>
    %sub3A_41 = vector.broadcast %add3A_40 : vector<512x1xf32> to vector<512x64xf32>
    %sub3A_42 = arith.subf %sub3A_41, %sqrt3A_37 : vector<512x64xf32>
    %max3A_43 = arith.constant 0.000000e+00 : f32
    %max3A_44 = vector.broadcast %max3A_43 : f32 to vector<512x64xf32>
    %max3A_45 = arith.maximumf %sub3A_42, %max3A_44 : vector<512x64xf32>
    %reduce_sum3A_46 = arith.constant dense<0.000000e+00> : vector<512xf32>
    %reduce_sum3A_47 = vector.multi_reduction <add>, %max3A_45, %reduce_sum3A_46 [1] : vector<512x64xf32> to vector<512xf32>
    %broadcast_in_dim3A_48 = vector.shape_cast %reduce_sum3A_47 : vector<512xf32> to vector<512x1xf32>
    %div3A = arith.constant 6.400000e+01 : f32
    %div3A_49 = vector.broadcast %div3A : f32 to vector<512x1xf32>
    %div3A_50 = arith.divf %broadcast_in_dim3A_48, %div3A_49 : vector<512x1xf32>
    %iota3A = tpu.iota {dimensions = array<i32: 1>} : vector<512x128xi32>
    %eq3A = arith.constant 0 : i32
    %eq3A_51 = vector.broadcast %eq3A : i32 to vector<512x128xi32>
    %eq3A_52 = arith.cmpi eq, %iota3A, %eq3A_51 : vector<512x128xi32>
    %convert_element_type3A = arith.extui %eq3A_52 : vector<512x128xi1> to vector<512x128xi32>
    %convert_element_type3A_53 = arith.sitofp %convert_element_type3A : vector<512x128xi32> to vector<512x128xf32>
    %mul3A_54 = vector.broadcast %sqrt3A : vector<512x1xf32> to vector<512x128xf32>
    %mul3A_55 = arith.mulf %mul3A_54, %convert_element_type3A_53 : vector<512x128xf32>
    %eq3A_56 = arith.constant 1 : i32
    %eq3A_57 = vector.broadcast %eq3A_56 : i32 to vector<512x128xi32>
    %eq3A_58 = arith.cmpi eq, %iota3A, %eq3A_57 : vector<512x128xi32>
    %convert_element_type3A_59 = arith.extui %eq3A_58 : vector<512x128xi1> to vector<512x128xi32>
    %convert_element_type3A_60 = arith.sitofp %convert_element_type3A_59 : vector<512x128xi32> to vector<512x128xf32>
    %mul3A_61 = vector.broadcast %broadcast_in_dim3A_19 : vector<512x1xf32> to vector<512x128xf32>
    %mul3A_62 = arith.mulf %mul3A_61, %convert_element_type3A_60 : vector<512x128xf32>
    %add3A_63 = arith.addf %mul3A_55, %mul3A_62 : vector<512x128xf32>
    %swap3A = arith.constant 0 : index
    %swap3A_64 = arith.constant 0 : index
    %swap3A_65 = vector.load %arg6[%swap3A, %swap3A_64] : memref<512x128xf32, #tpu.memory_space<vmem>>, vector<512x128xf32>
    tpu.vector_store %arg6[%swap3A, %swap3A_64], %add3A_63 {strides = array<i32>} : memref<512x128xf32, #tpu.memory_space<vmem>>, vector<512x128xf32>,
    %mul3A_66 = arith.mulf %div3A_50, %get3A_13 : vector<512x1xf32>
    %reduce_sum3A_67 = vector.shape_cast %mul3A_66 : vector<512x1xf32> to vector<1x512x1xf32>
    %reduce_sum3A_68 = arith.constant dense<0.000000e+00> : vector<1xf32>
    %reduce_sum3A_69 = vector.multi_reduction <add>, %reduce_sum3A_67, %reduce_sum3A_68 [1, 2] : vector<1x512x1xf32> to vector<1xf32>
    %reduce_sum3A_70 = vector.shape_cast %reduce_sum3A_69 : vector<1xf32> to vector<1x1x1xf32>
    %reduce_sum3A_71 = vector.extract %reduce_sum3A_70[0, 0, 0] : f32 from vector<1x1x1xf32>
    %reduce_sum3A_72 = vector.shape_cast %get3A_13 : vector<512x1xf32> to vector<1x512x1xf32>
    %reduce_sum3A_73 = arith.constant dense<0.000000e+00> : vector<1xf32>
    %reduce_sum3A_74 = vector.multi_reduction <add>, %reduce_sum3A_72, %reduce_sum3A_73 [1, 2] : vector<1x512x1xf32> to vector<1xf32>
    %reduce_sum3A_75 = vector.shape_cast %reduce_sum3A_74 : vector<1xf32> to vector<1x1x1xf32>
    %reduce_sum3A_76 = vector.extract %reduce_sum3A_75[0, 0, 0] : f32 from vector<1x1x1xf32>
    %iota3A_77 = tpu.iota {dimensions = array<i32: 2>} : vector<1x1x128xi32>
    %eq3A_78 = arith.constant 0 : i32
    %eq3A_79 = vector.broadcast %eq3A_78 : i32 to vector<1x1x128xi32>
    %eq3A_80 = arith.cmpi eq, %iota3A_77, %eq3A_79 : vector<1x1x128xi32>
    %convert_element_type3A_81 = arith.extui %eq3A_80 : vector<1x1x128xi1> to vector<1x1x128xi32>
    %convert_element_type3A_82 = arith.sitofp %convert_element_type3A_81 : vector<1x1x128xi32> to vector<1x1x128xf32>
    %mul3A_83 = vector.broadcast %reduce_sum3A_71 : f32 to vector<1x1x128xf32>
    %mul3A_84 = arith.mulf %mul3A_83, %convert_element_type3A_82 : vector<1x1x128xf32>
    %eq3A_85 = arith.constant 2 : i32
    %eq3A_86 = vector.broadcast %eq3A_85 : i32 to vector<1x1x128xi32>
    %eq3A_87 = arith.cmpi eq, %iota3A_77, %eq3A_86 : vector<1x1x128xi32>
    %convert_element_type3A_88 = arith.extui %eq3A_87 : vector<1x1x128xi1> to vector<1x1x128xi32>
    %convert_element_type3A_89 = arith.sitofp %convert_element_type3A_88 : vector<1x1x128xi32> to vector<1x1x128xf32>
    %mul3A_90 = vector.broadcast %reduce_sum3A_76 : f32 to vector<1x1x128xf32>
    %mul3A_91 = arith.mulf %mul3A_90, %convert_element_type3A_89 : vector<1x1x128xf32>
    %add3A_92 = arith.addf %mul3A_84, %mul3A_91 : vector<1x1x128xf32>
    %swap3A_93 = arith.constant 0 : index
    %swap3A_94 = arith.constant 0 : index
    %swap3A_95 = arith.constant 0 : index
    %swap3A_96 = vector.load %arg7[%swap3A_93, %swap3A_94, %swap3A_95] : memref<1x1x128xf32, #tpu.memory_space<vmem>>, vector<1x1x128xf32>
    tpu.vector_store %arg7[%swap3A_93, %swap3A_94, %swap3A_95], %add3A_92 {strides = array<i32>} : memref<1x1x128xf32, #tpu.memory_space<vmem>>, vector<1x1x128xf32>,
    %eq3A_97 = arith.constant 0 : i32
    %eq3A_98 = arith.cmpi eq, %arg0, %eq3A_97 : i32
    %convert_element_type3A_99 = arith.extui %eq3A_98 : i1 to i32
    %cond3A = arith.constant 0 : i32
    %cond3A_100 = arith.cmpi ne, %convert_element_type3A_99, %cond3A : i32
    scf.if %cond3A_100 {
      %transpose3A_101 = tpu.transpose %get3A_7, [1, 0] : vector<512x256xf32> -> vector<256x512xf32>
      %dot_general3A_102 = arith.constant dense<0.000000e+00> : vector<512x512xf32>
      %dot_general3A_103 = tpu.matmul %get3A_7, %transpose3A_101, %dot_general3A_102 {dimension_numbers = #tpu.dot_dimension_numbers<[1], [0], [0], [1], [0, 0, 1, 1], [], []>, transpose_lhs_hint = false} : vector<512x256xf32>, vector<256x512xf32>, vector<512x512xf32> -> vector<512x512xf32>
      %iota3A_104 = tpu.iota {dimensions = array<i32: 0>} : vector<512x512xi32>
      %iota3A_105 = tpu.iota {dimensions = array<i32: 1>} : vector<512x512xi32>
      %eq3A_106 = arith.cmpi eq, %iota3A_104, %iota3A_105 : vector<512x512xi32>
      %convert_element_type3A_107 = arith.extui %eq3A_106 : vector<512x512xi1> to vector<512x512xi32>
      %convert_element_type3A_108 = arith.sitofp %convert_element_type3A_107 : vector<512x512xi32> to vector<512x512xf32>
      %sub3A_109 = arith.subf %dot_general3A_103, %convert_element_type3A_108 : vector<512x512xf32>
      %abs3A = math.absf %sub3A_109 : vector<512x512xf32>
      %reduce_sum3A_110 = vector.shape_cast %abs3A : vector<512x512xf32> to vector<1x512x512xf32>
      %reduce_sum3A_111 = arith.constant dense<0.000000e+00> : vector<1xf32>
      %reduce_sum3A_112 = vector.multi_reduction <add>, %reduce_sum3A_110, %reduce_sum3A_111 [1, 2] : vector<1x512x512xf32> to vector<1xf32>
      %reduce_sum3A_113 = vector.shape_cast %reduce_sum3A_112 : vector<1xf32> to vector<1x1x1xf32>
      %reduce_sum3A_114 = vector.extract %reduce_sum3A_113[0, 0, 0] : f32 from vector<1x1x1xf32>
      %eq3A_115 = arith.constant 3 : i32
      %eq3A_116 = vector.broadcast %eq3A_115 : i32 to vector<1x1x128xi32>
      %eq3A_117 = arith.cmpi eq, %iota3A_77, %eq3A_116 : vector<1x1x128xi32>
      %convert_element_type3A_118 = arith.extui %eq3A_117 : vector<1x1x128xi1> to vector<1x1x128xi32>
      %convert_element_type3A_119 = arith.sitofp %convert_element_type3A_118 : vector<1x1x128xi32> to vector<1x1x128xf32>
      %mul3A_120 = vector.broadcast %reduce_sum3A_114 : f32 to vector<1x1x128xf32>
      %mul3A_121 = arith.mulf %mul3A_120, %convert_element_type3A_119 : vector<1x1x128xf32>
      %add3A_122 = arith.addf %add3A_92, %mul3A_121 : vector<1x1x128xf32>
      %swap3A_123 = arith.constant 0 : index
      %swap3A_124 = arith.constant 0 : index
      %swap3A_125 = arith.constant 0 : index
      %swap3A_126 = vector.load %arg7[%swap3A_123, %swap3A_124, %swap3A_125] : memref<1x1x128xf32, #tpu.memory_space<vmem>>, vector<1x1x128xf32>
      tpu.vector_store %arg7[%swap3A_123, %swap3A_124, %swap3A_125], %add3A_122 {strides = array<i32>} : memref<1x1x128xf32, #tpu.memory_space<vmem>>, vector<1x1x128xf32>,
    } else {
    }
    return
  }
  func.func @transform_0(%arg0: i32) -> (i32, i32) {
    %c0_i32 = arith.constant 0 : i32
    %c0_i32_0 = arith.constant 0 : i32
    return %arg0, %c0_i32 : i32, i32
  }
  func.func @transform_1(%arg0: i32) -> (i32, i32) {
    %c0_i32 = arith.constant 0 : i32
    %c0_i32_0 = arith.constant 0 : i32
    return %arg0, %c0_i32 : i32, i32
  }
  func.func @transform_2(%arg0: i32) -> (i32, i32) {
    %c0_i32 = arith.constant 0 : i32
    %c0_i32_0 = arith.constant 0 : i32
    %c0_i32_1 = arith.constant 0 : i32
    return %c0_i32, %c0_i32_0 : i32, i32
  }
  func.func @transform_3(%arg0: i32) -> (i32, i32) {
    %c0_i32 = arith.constant 0 : i32
    %c0_i32_0 = arith.constant 0 : i32
    %c0_i32_1 = arith.constant 0 : i32
    return %c0_i32, %c0_i32_0 : i32, i32
  }
  func.func @transform_4(%arg0: i32) -> (i32, i32) {
    %c0_i32 = arith.constant 0 : i32
    %c0_i32_0 = arith.constant 0 : i32
    return %arg0, %c0_i32 : i32, i32
  }
  func.func @transform_5(%arg0: i32) -> (i32, i32) {
    %c0_i32 = arith.constant 0 : i32
    %c0_i32_0 = arith.constant 0 : i32
    return %arg0, %c0_i32 : i32, i32
  }
  func.func @transform_6(%arg0: i32) -> (i32, i32, i32) {
    %c0_i32 = arith.constant 0 : i32
    %c0_i32_0 = arith.constant 0 : i32
    %c0_i32_1 = arith.constant 0 : i32
    return %arg0, %c0_i32, %c0_i32_0 : i32, i32, i32
  }
}

</mosaic_0001>

<sc_bundles>
// kernel: kernel.5.cloned.1.call-start
scs
__scs_entry_jumppad:
0x0: {  	(pc) =	sbr.rel $0x88, $3  }
0x1: {  	(tag) =	ssettag $0x0;
	lr =	simm.s32 $0x1  }
0x2: {  	[smem:$0x3F9B] =	sst lr;
	_ =	strace $0xD0000000  }
0x3: {  	_ = 	snop  }
0x4: {  	_ = 	snop  }
0x5: {  	_ = 	snop  }
0x6: {  	_ = 	snop  }
0x7: {  	_ = 	snop  }
__scs_overlays_trampoline_lowered:
0x8: {  	[smem:$0x3FAA] =	sst s0  }
0x9: {  	[smem:$0x3FAB] =	sst s1  }
0xa: {  	[smem:$0x3FAC] =	sst s2  }
0xb: {  	[smem:$0x3FAD] =	sst s3  }
0xc: {  	[smem:$0x3FAE] =	sst s4  }
0xd: {  	[smem:$0x3FAF] =	sst s5  }
0xe: {  	[smem:$0x3FB0] =	sst s6  }
0xf: {  	[smem:$0x3FB1] =	sst s7  }
0x10: {  	[smem:$0x3FB2] =	sst s8  }
0x11: {  	[smem:$0x3FB3] =	sst s9;
	s0 =	simm.s32 @!p0 $0x0  }
0x12: {  	s1 =	sld [smem:$0x3F99];
	s0 =	simm.s32 @p0 $0x1  }
0x13: {  	[smem:$0x3FB4] =	sst s0;
	s0 =	simm.s32 @!p1 $0x0  }
0x14: {  	s2 =	sld [smem:$0x3F98];
	s0 =	simm.s32 @p1 $0x1  }
0x15: {  	[smem:$0x3FB5] =	sst s0;
	s0 =	simm.s32 @!p2 $0x0  }
0x16: {  	s3 =	sld [smem:$0x3FDB];
	s0 =	simm.s32 @p2 $0x1  }
0x17: {  	s4 =	simm.s32 $0x1BF5;
	[smem:$0x3FB7] =	sst s0  }
0x18: {  	s0 =	sld [smem:$0x3F9A];
	_ =	swait.ge [sflag:s4], $0x0  }
0x19: {  	s7 =	sld [smem:$0x3F9B]  }
0x1a: {  	s8 =	sadd.s32 $0xFFFFE003, lr  }
0x1b: {  	s9 =	sadd.s32 $0xFFFFFEF7, lr;
	s5 =	simm.s32 $0xFFFFFFFF;
	p2 =	slt.u32 s8, $0xFFFFF086  }
0x1c: {  	p1 =	slt.u32 s9, $0xF7A;
	s5 =	simm.s32 @!p2 $0x0  }
0x1d: {  	s5 =	simm.s32 @p1 $0x1;
	p0 =	seq.s32 s7, s2  }
0x1e: {  	s7 =	smul.u32 @!p0 $0xF7A, s2;
	p2 =	seq.s32 @!p0 s5, $0x0  }
0x1f: {  	s9 =	smul.u32 $0xF7A, s1;
	s8 =	simm.s32 @!p0 $0x1BF5;
	p2 =	por !p2, p0  }
0x20: {  	[sflag:s8] =	ssyncset.s32 @!p0 $0xFFFFF086;
	s6 =	sadd.s32 @!p0 s3, s7;
	s7 =	simm.s32 @!p0 $0x108  }
0x21: {  	s3 =	sadd.s32 s3, s9;
	s6 =	sadd.s32 @!p0 $0x88, s6;
	s7 =	simm.s32 @p2 $0x1082  }
0x22: {  	[simem:s7], [sflag:s8] =	dma.local @!p0 [hbm:s6], $0xF7A  }
0x23: {  	s9 =	sor.u32 $0xD0000000, s2;
	s6 =	simm.s32 $0x108;
	_ =	swait.ge @!p0 [sflag:s8], $0x0  }
0x24: {  	s3 =	sadd.s32 $0x88, s3;
	s6 =	simm.s32 @!p1 $0x1082;
	[sflag:s4] =	ssyncset.s32 $0xFFFFF086  }
0x25: {  	[simem:s6], [sflag:s4] =	dma.local [hbm:s3], $0xF7A  }
0x26: {  	[smem:$0x3F9B] =	sst s1;
	(tag) =	ssettag s2;
	_ =	strace s9  }
0x27: {  	s1 =	sld [smem:$0x3FAB]  }
0x28: {  	s2 =	sld [smem:$0x3FAC]  }
0x29: {  	s4 =	sld [smem:$0x3FAE]  }
0x2a: {  	p0 =	seq.s32 s5, $0x0;
	s5 =	sld [smem:$0x3FAF]  }
0x2b: {  	s6 =	sld [smem:$0x3FB0]  }
0x2c: {  	s7 =	sld [smem:$0x3FB1]  }
0x2d: {  	s3 =	simm.s32 $0x108;
	s8 =	sld [smem:$0x3FB2]  }
0x2e: {  	s3 =	simm.s32 @!p0 $0x1082;
	s9 =	sld [smem:$0x3FB3]  }
0x2f: {  	lr =	sadd.s32 s0, s3;
	s0 =	sld [smem:$0x3FAA]  }
0x30: {  	s3 =	sld [smem:$0x3FAD]  }
0x31: {  	[smem:$0x3FB6] =	sst s10  }
0x32: {  	s10 =	sld [smem:$0x3FB4];
	_ =	sdelay $0x3  }
0x33: {  	p0 =	seq.s32 s10, $0x1;
	s10 =	sld [smem:$0x3FB6];
	_ =	sdelay $0x3  }
0x34: {  	[smem:$0x3FB6] =	sst s10  }
0x35: {  	s10 =	sld [smem:$0x3FB5];
	_ =	sdelay $0x3  }
0x36: {  	p1 =	seq.s32 s10, $0x1;
	s10 =	sld [smem:$0x3FB6];
	_ =	sdelay $0x3  }
0x37: {  	[smem:$0x3FB6] =	sst s10  }
0x38: {  	s10 =	sld [smem:$0x3FB7]  }
0x39: {  	_ = 	snop;
	(pc) =	sbr.ind lr, $3  }
0x3a: {  	_ = 	snop  }
0x3b: {  	_ = 	snop  }
0x3c: {  	p2 =	seq.s32 s10, $0x1;
	s10 =	sld [smem:$0x3FB6]  }
0x3d: {  	_ =	shalt  }
0x3e: {  	_ =	shalt  }
0x3f: {  	_ =	shalt  }
0x40: {  	_ =	shalt  }
0x41: {  	_ =	shalt  }
0x42: {  	_ =	shalt  }
0x43: {  	_ =	shalt  }
0x44: {  	_ =	shalt  }
0x45: {  	_ =	shalt  }
0x46: {  	_ =	shalt  }
0x47: {  	_ =	shalt  }
0x48: {  	_ =	shalt  }
0x49: {  	_ =	shalt  }
0x4a: {  	_ =	shalt  }
0x4b: {  	_ =	shalt  }
0x4c: {  	_ =	shalt  }
0x4d: {  	_ =	shalt  }
0x4e: {  	_ =	shalt  }
0x4f: {  	_ =	shalt  }
0x50: {  	_ =	shalt  }
0x51: {  	_ =	shalt  }
0x52: {  	_ =	shalt  }
0x53: {  	_ =	shalt  }
0x54: {  	_ =	shalt  }
0x55: {  	_ =	shalt  }
0x56: {  	_ =	shalt  }
0x57: {  	_ =	shalt  }
0x58: {  	_ =	shalt  }
0x59: {  	_ =	shalt  }
0x5a: {  	_ =	shalt  }
0x5b: {  	_ =	shalt  }
0x5c: {  	_ =	shalt  }
0x5d: {  	_ =	shalt  }
0x5e: {  	_ =	shalt  }
0x5f: {  	_ =	shalt  }
0x60: {  	_ =	shalt  }
0x61: {  	_ =	shalt  }
0x62: {  	_ =	shalt  }
0x63: {  	_ =	shalt  }
0x64: {  	_ =	shalt  }
0x65: {  	_ =	shalt  }
0x66: {  	_ =	shalt  }
0x67: {  	_ =	shalt  }
0x68: {  	_ =	shalt  }
0x69: {  	_ =	shalt  }
0x6a: {  	_ =	shalt  }
0x6b: {  	_ =	shalt  }
0x6c: {  	_ =	shalt  }
0x6d: {  	_ =	shalt  }
0x6e: {  	_ =	shalt  }
0x6f: {  	_ =	shalt  }
0x70: {  	_ =	shalt  }
0x71: {  	_ =	shalt  }
0x72: {  	_ =	shalt  }
0x73: {  	_ =	shalt  }
0x74: {  	_ =	shalt  }
0x75: {  	_ =	shalt  }
0x76: {  	_ =	shalt  }
0x77: {  	_ =	shalt  }
0x78: {  	_ =	shalt  }
0x79: {  	_ =	shalt  }
0x7a: {  	_ =	shalt  }
0x7b: {  	_ =	shalt  }
0x7c: {  	_ =	shalt  }
0x7d: {  	_ =	shalt  }
0x7e: {  	_ =	shalt  }
0x7f: {  	_ =	shalt  }
0x80: {  	_ =	shalt  }
0x81: {  	_ =	shalt  }
0x82: {  	_ =	shalt  }
0x83: {  	_ =	shalt  }
0x84: {  	_ =	shalt  }
0x85: {  	_ =	shalt  }
0x86: {  	_ =	shalt  }
0x87: {  	_ =	shalt  }
.Lfunc_end0:
.L_simem_size_0:
called_computation_lowered:
.L_overlay_start_0:
0x88: {  	s2 =	sld [smem:$0x3FD9]  }
0x89: {  	s3 =	sld [smem:$0x3FFE];
	_ =	sdelay $0x1  }
0x8a: {  	s1 =	srdreg.scid  }
0x8b: {  	s0 =	sand.u32 $0x1, s1  }
0x8c: {  	s17 =	sshll.u32 s0, $0xA;
	s2 =	sadd.s32 s3, s2  }
0x8d: {  	s2 =	sadd.s32 s2, s17  }
0x8e: {  	[smem:$0x3FC2] =	sst s2  }
0x8f: {  	_ = 	snop  }
0x90: {  	s2 =	sld [smem:$0x3FC7];
	(tm) =	ssettm $0x1  }
0x91: {  	s18 =	sld [smem:$0x3FFB];
	_ =	sdelay $0x3  }
0x92: {  	_ =	strace s18  }
0x93: {  	s3 =	sld [smem:$0x3FFC];
	_ =	sdelay $0x3  }
0x94: {  	_ =	strace s3  }
0x95: {  	s3 =	sld [smem:$0x3FFD];
	_ =	sdelay $0x3  }
0x96: {  	_ =	strace s3  }
0x97: {  	_ =	strace $0x8FFFFFFF  }
0x98: {  	s19 =	sld [smem:$0x3FDB];
	_ =	sdelay $0x1  }
0x99: {  	s4 =	simm.s32 $_scs_section_size  }
0x9a: {  	s5 =	simm.s32 $_size__tile_overlayer_lowered;
	s6 =	simm.s32 $_tile_overlayer_lowered  }
0x9b: {  	s22 =	simm.s32 $0x1BFF;
	s21 =	sshll.u32 s6, $0x1;
	s3 =	sadd.s32 s4, s19  }
0x9c: {  	s7 =	simm.s32 $0x0;
	s20 =	sshll.u32 s5, $0x1;
	s5 =	sadd.s32 s21, s3  }
0x9d: {  	[timem:s7], [sflag:s22] =	dma.local [hbm:s5], s20  }
0x9e: {  	_ =	swait.ge [sflag:s22], s20  }
0x9f: {  	s4 =	ssub.s32 $0x0, s20;
	[sflag:s22] =	ssyncset.done $0x0  }
0xa0: {  	[sflag:s22] =	ssyncadd.s32 s4;
	_ =	sdelay $0x1  }
0xa1: {  	s23 =	simm.s32 $0x1B8B  }
0xa2: {  	_ =	swait.ge [sflag:s23], $0x1  }
0xa3: {  	[sflag:s23] =	ssyncset.done $0x0  }
0xa4: {  	s25 =	simm.s32 $0x1B8E;
	s24 =	sld [smem:$0x3FFE];
	[sflag:s23] =	ssyncadd.s32 $0xFFFFFFFF  }
0xa5: {  	s26 =	simm.s32 $execute0_lowered;
	[smem:$0x3FD2] =	sst s25  }
0xa6: {  	s5 =	sshll.u32 s26, $0x1;
	_ =	strace $0x80000046;
	[dreg:$0x1] =	wrdreg $0xFFFFFFFF  }
0xa7: {  	s28 =	simm.s32 $_size_execute0_lowered;
	s3 =	sadd.s32 s3, s5;
	[dreg:$0x0] =	wrdreg $0x0  }
0xa8: {  	s5 =	sshll.u32 s28, $0x1;
	[dreg:$0x2] =	wrdreg s3  }
0xa9: {  	[dreg:$0x3] =	wrdreg s5  }
0xaa: {  	[dreg:$0x4] =	wrdreg $0xC0  }
0xab: {  	_ =	task [dreg:s7], $0x5FFFF  }
0xac: {  	[dreg:$0x1] =	wrdreg $0xFFFFFFFF  }
0xad: {  	[dreg:$0x0] =	wrdreg $0x60  }
0xae: {  	[dreg:$0x2] =	wrdreg s2  }
0xaf: {  	[dreg:$0x3] =	wrdreg s24  }
0xb0: {  	[dreg:$0x4] =	wrdreg $0x9  }
0xb1: {  	_ =	task.clear_ibuf [dreg:s7], $0x5FFFF;
	_ =	strace $0x90000046  }
0xb2: {  	s29 =	simm.s32 $0x9;
	_ =	strace $0x80000048  }
0xb3: {  	_ =	swait.ge [sflag:s29], $0x1  }
0xb4: {  	[sflag:s29] =	ssyncadd.s32 $0xFFFFFFFF  }
0xb5: {  	_ =	strace $0x90000048  }
0xb6: {  	_ =	sfence  }
0xb7: {  	s30 =	sld [smem:$0x0];
	_ =	sdelay $0x2  }
0xb8: {  	s31 =	sshll.u32 s1, $0xD;
	s1 =	sshrl.u32 s1, $0x2  }
0xb9: {  	s3 =	sand.u32 $0x4000, s31;
	s1 =	sadd.s32 s1, s30  }
0xba: {  	s0 =	sor.u32 s3, s0;
	s1 =	sshll.u32 s1, $0x11  }
0xbb: {  	s0 =	sor.u32 s1, s0  }
0xbc: {  	s0 =	sadd.s32 $0x8F2B, s0  }
0xbd: {  	[sflag:s0] =	ssyncadd.remote.s32 $0x1  }
0xbe: {  	_ =	sfence.sel $0xFFFF  }
0xbf: {  	[dreg:$0x0] =	wrdreg $0xFFFFFFFF;
	(pc) =	sbr.abs _section_cstart, $3  }
0xc0: {  	[dreg:$0x1] =	wrdreg $0xFFFFFFFF  }
0xc1: {  	_ =	task.clear_ibuf [dreg:s7], $0x2FFFF;
	_ =	strace $0x9FFFFFFF  }
0xc2: {  	(tm) =	ssettm $0x7FFFFFFF  }
0xc3: {  	_ =	shalt  }
tec
execute0_lowered:
.L_overlay_start_1:
0x0: {  	(tag) =	ssettag $0x1  }
0x1: {  	s3 =	rddreg [dreg:$0x0]  }
0x2: {  	s4 =	rddreg [dreg:$0x1]  }
0x3: {  	s0 =	rddreg [dreg:$0x2];
	s5 =	srdreg.scid  }
0x4: {  	s2 =	simm.s32 $0x0;
	s1 =	stileid.u32;
	s5 =	sand.u32 $0x1, s5  }
0x5: {  	s9 =	simm.s32 $0x0;
	s6 =	sshll.u32 s1, $0x8;
	s7 =	sshll.u32 s5, $0x7  }
0x6: {  	[smem:$0x7FF] =	sst s2;
	s5 =	ssub.s32 $0x2, s5;
	s6 =	sor.u32 s7, s6  }
0x7: {  	_ =	strace $0x80000047;
	s8 =	sshrl.u32 s5, $0x1;
	s7 =	sshll.u32 s6, $0x4  }
0x8: {  	s6 =	sshll.u32 s6, $0x6;
	s5 =	ssub.s32 s5, s8;
	s8 =	simm.s32 $0x2  }
0x9: {  	s4 =	sadd.s32 s7, s4;
	s3 =	sadd.s32 s3, s6;
	s5 =	smax.u32 s5, $0x1  }
0xa: {  	s6 =	simm.s32 $0x1;
	s7 =	simm.s32 $0x10000;
	s4 =	sadd.s32 $0x1200, s4  }
.LBB2_1:
0xb: {  	[tilespmem:s2], [sflag:$0x1] =	stream.linear.gather [hbm4b:s3+s2], $0x10000, $0x38;
	[tilespmem:$0x14000] =	vst v63  }
0xc: {  	_ =	swait.ge [sflag:s6], $0x10000  }
0xd: {  	[sflag:s6] =	ssyncset.done $0x0  }
0xe: {  	s10 =	simm.s32 $0x0;
	[sflag:s6] =	ssyncadd.s32 $0xFFFF0000  }
.LBB2_2:
0xf: {  	s11 =	sshll.u32 s10, $0xC  }
0x10: {  	v0 =	vld [tilespmem:s11+$0x0]  }
0x11: {  	v1 =	vld [tilespmem:s11+$0x80]  }
0x12: {  	v2 =	vld [tilespmem:s11+$0x100]  }
0x13: {  	v3 =	vld [tilespmem:s11+$0x180]  }
0x14: {  	v4 =	vld [tilespmem:s11+$0x200]  }
0x15: {  	v26 =	vld [tilespmem:s11+$0x280];
	(xrf1) =	vsort.ascd.msk.f32 $0xffff, v0, v0  }
0x16: {  	v27 =	vld [tilespmem:s11+$0x300];
	(xrf1) =	vsort.ascd.msk.f32 $0xffff, v1, v1  }
0x17: {  	v28 =	vld [tilespmem:s11+$0x380];
	(xrf1) =	vsort.ascd.msk.f32 $0xffff, v2, v2  }
0x18: {  	v29 =	vld [tilespmem:s11+$0x10];
	(xrf1) =	vsort.ascd.msk.f32 $0xffff, v3, v3  }
0x19: {  	(xrf1) =	vsort.ascd.msk.f32 $0xffff, v4, v4  }
0x1a: {  	(xrf1) =	vsort.ascd.msk.f32 $0xffff, v26, v26  }
0x1b: {  	(xrf1) =	vsort.ascd.msk.f32 $0xffff, v27, v27  }
0x1c: {  	(xrf1) =	vsort.ascd.msk.f32 $0xffff, v28, v28  }
0x1d: {  	(xrf1) =	vsort.dscd.msk.f32 $0xffff, v29, v29;
	_ =	sdelay $0x5  }
0x1e: {  	v30, _, _ =	vpop (xrf1)  }
0x1f: {  	v31, _, _ =	vpop (xrf1)  }
0x20: {  	v32, _, _ =	vpop (xrf1)  }
0x21: {  	v33, _, _ =	vpop (xrf1)  }
0x22: {  	v4, _, _ =	vpop (xrf1)  }
0x23: {  	v5, _, _ =	vpop (xrf1)  }
0x24: {  	v7 =	vld [tilespmem:s11+$0x90];
	v6, _, _ =	vpop (xrf1)  }
0x25: {  	v8, _, _ =	vpop (xrf1)  }
0x26: {  	v9, _, _ =	vpop (xrf1)  }
0x27: {  	v0 =	vmin.f32 v30, v9  }
0x28: {  	(xrf1) =	vsort.ascd.msk.f32 $0xffff, v0, v0  }
0x29: {  	(xrf1) =	vsort.dscd.msk.f32 $0xffff, v7, v7;
	_ =	sdelay $0xb  }
0x2a: {  	v34 =	vld [tilespmem:s11+$0x110]  }
0x2b: {  	v35, _, _ =	vpop (xrf1)  }
0x2c: {  	v36, _, _ =	vpop (xrf1)  }
0x2d: {  	v1 =	vmin.f32 v31, v36  }
0x2e: {  	(xrf1) =	vsort.ascd.msk.f32 $0xffff, v1, v1  }
0x2f: {  	(xrf1) =	vsort.dscd.msk.f32 $0xffff, v34, v34;
	_ =	sdelay $0xb  }
0x30: {  	v37 =	vld [tilespmem:s11+$0x190]  }
0x31: {  	v1, _, _ =	vpop (xrf1)  }
0x32: {  	v38, _, _ =	vpop (xrf1)  }
0x33: {  	v2 =	vmin.f32 v32, v38  }
0x34: {  	(xrf1) =	vsort.ascd.msk.f32 $0xffff, v2, v2  }
0x35: {  	(xrf1) =	vsort.dscd.msk.f32 $0xffff, v37, v37;
	_ =	sdelay $0xb  }
0x36: {  	v39 =	vld [tilespmem:s11+$0x210]  }
0x37: {  	v2, _, _ =	vpop (xrf1)  }
0x38: {  	v40, _, _ =	vpop (xrf1)  }
0x39: {  	v3 =	vmin.f32 v33, v40  }
0x3a: {  	(xrf1) =	vsort.ascd.msk.f32 $0xffff, v3, v3  }
0x3b: {  	(xrf1) =	vsort.dscd.msk.f32 $0xffff, v39, v39;
	_ =	sdelay $0xb  }
0x3c: {  	v41 =	vld [tilespmem:s11+$0x290]  }
0x3d: {  	v3, _, _ =	vpop (xrf1)  }
0x3e: {  	v42, _, _ =	vpop (xrf1)  }
0x3f: {  	v4 =	vmin.f32 v4, v42  }
0x40: {  	(xrf1) =	vsort.ascd.msk.f32 $0xffff, v4, v4  }
0x41: {  	(xrf1) =	vsort.dscd.msk.f32 $0xffff, v41, v41;
	_ =	sdelay $0xb  }
0x42: {  	v43 =	vld [tilespmem:s11+$0x310]  }
0x43: {  	v4, _, _ =	vpop (xrf1)  }
0x44: {  	v44, _, _ =	vpop (xrf1)  }
0x45: {  	v5 =	vmin.f32 v5, v44  }
0x46: {  	(xrf1) =	vsort.ascd.msk.f32 $0xffff, v5, v5  }
0x47: {  	(xrf1) =	vsort.dscd.msk.f32 $0xffff, v43, v43;
	_ =	sdelay $0xb  }
0x48: {  	v45 =	vld [tilespmem:s11+$0x390]  }
0x49: {  	v5, _, _ =	vpop (xrf1)  }
0x4a: {  	v46, _, _ =	vpop (xrf1)  }
0x4b: {  	v6 =	vmin.f32 v6, v46  }
0x4c: {  	(xrf1) =	vsort.ascd.msk.f32 $0xffff, v6, v6  }
0x4d: {  	(xrf1) =	vsort.dscd.msk.f32 $0xffff, v45, v45;
	_ =	sdelay $0xb  }
0x4e: {  	v47 =	vld [tilespmem:s11+$0x20]  }
0x4f: {  	v6, _, _ =	vpop (xrf1)  }
0x50: {  	v48, _, _ =	vpop (xrf1)  }
0x51: {  	v8 =	vmin.f32 v8, v48  }
0x52: {  	(xrf1) =	vsort.ascd.msk.f32 $0xffff, v8, v8  }
0x53: {  	(xrf1) =	vsort.dscd.msk.f32 $0xffff, v47, v47;
	_ =	sdelay $0xb  }
0x54: {  	v49 =	vld [tilespmem:s11+$0xA0]  }
0x55: {  	v8, _, _ =	vpop (xrf1)  }
0x56: {  	v50, _, _ =	vpop (xrf1)  }
0x57: {  	v7 =	vmin.f32 v35, v50  }
0x58: {  	(xrf1) =	vsort.ascd.msk.f32 $0xffff, v7, v7  }
0x59: {  	(xrf1) =	vsort.dscd.msk.f32 $0xffff, v49, v49;
	_ =	sdelay $0xb  }
0x5a: {  	v51 =	vld [tilespmem:s11+$0x120]  }
0x5b: {  	v7, _, _ =	vpop (xrf1)  }
0x5c: {  	v52, _, _ =	vpop (xrf1)  }
0x5d: {  	v1 =	vmin.f32 v1, v52  }
0x5e: {  	(xrf1) =	vsort.ascd.msk.f32 $0xffff, v1, v1  }
0x5f: {  	(xrf1) =	vsort.dscd.msk.f32 $0xffff, v51, v51;
	_ =	sdelay $0xb  }
0x60: {  	v53 =	vld [tilespmem:s11+$0x1A0]  }
0x61: {  	v1, _, _ =	vpop (xrf1)  }
0x62: {  	v54, _, _ =	vpop (xrf1)  }
0x63: {  	v2 =	vmin.f32 v2, v54  }
0x64: {  	(xrf1) =	vsort.ascd.msk.f32 $0xffff, v2, v2  }
0x65: {  	(xrf1) =	vsort.dscd.msk.f32 $0xffff, v53, v53;
	_ =	sdelay $0xb  }
0x66: {  	v55 =	vld [tilespmem:s11+$0x220]  }
0x67: {  	v2, _, _ =	vpop (xrf1)  }
0x68: {  	v56, _, _ =	vpop (xrf1)  }
0x69: {  	v3 =	vmin.f32 v3, v56  }
0x6a: {  	(xrf1) =	vsort.ascd.msk.f32 $0xffff, v3, v3  }
0x6b: {  	(xrf1) =	vsort.dscd.msk.f32 $0xffff, v55, v55;
	_ =	sdelay $0xb  }
0x6c: {  	v57 =	vld [tilespmem:s11+$0x2A0]  }
0x6d: {  	v3, _, _ =	vpop (xrf1)  }
0x6e: {  	v58, _, _ =	vpop (xrf1)  }
0x6f: {  	v4 =	vmin.f32 v4, v58  }
0x70: {  	(xrf1) =	vsort.ascd.msk.f32 $0xffff, v4, v4  }
0x71: {  	(xrf1) =	vsort.dscd.msk.f32 $0xffff, v57, v57;
	_ =	sdelay $0xb  }
0x72: {  	v59 =	vld [tilespmem:s11+$0x320]  }
0x73: {  	v4, _, _ =	vpop (xrf1)  }
0x74: {  	v60, _, _ =	vpop (xrf1)  }
0x75: {  	v5 =	vmin.f32 v5, v60  }
0x76: {  	(xrf1) =	vsort.ascd.msk.f32 $0xffff, v5, v5  }
0x77: {  	(xrf1) =	vsort.dscd.msk.f32 $0xffff, v59, v59;
	_ =	sdelay $0xb  }
0x78: {  	v61 =	vld [tilespmem:s11+$0x3A0]  }
0x79: {  	v5, _, _ =	vpop (xrf1)  }
0x7a: {  	v62, _, _ =	vpop (xrf1)  }
0x7b: {  	v6 =	vmin.f32 v6, v62  }
0x7c: {  	(xrf1) =	vsort.ascd.msk.f32 $0xffff, v6, v6  }
0x7d: {  	(xrf1) =	vsort.dscd.msk.f32 $0xffff, v61, v61;
	_ =	sdelay $0xb  }
0x7e: {  	v63 =	vld [tilespmem:s11+$0x30]  }
0x7f: {  	v6, _, _ =	vpop (xrf1)  }
0x80: {  	v12, _, _ =	vpop (xrf1)  }
0x81: {  	v8 =	vmin.f32 v8, v12  }
0x82: {  	(xrf1) =	vsort.ascd.msk.f32 $0xffff, v8, v8  }
0x83: {  	(xrf1) =	vsort.dscd.msk.f32 $0xffff, v63, v63;
	_ =	sdelay $0xb  }
0x84: {  	v13 =	vld [tilespmem:s11+$0xB0]  }
0x85: {  	v8, _, _ =	vpop (xrf1)  }
0x86: {  	v14, _, _ =	vpop (xrf1)  }
0x87: {  	v7 =	vmin.f32 v7, v14  }
0x88: {  	(xrf1) =	vsort.ascd.msk.f32 $0xffff, v7, v7  }
0x89: {  	(xrf1) =	vsort.dscd.msk.f32 $0xffff, v13, v13;
	_ =	sdelay $0xb  }
0x8a: {  	v15 =	vld [tilespmem:s11+$0x130]  }
0x8b: {  	v7, _, _ =	vpop (xrf1)  }
0x8c: {  	v16, _, _ =	vpop (xrf1)  }
0x8d: {  	v1 =	vmin.f32 v1, v16  }
0x8e: {  	(xrf1) =	vsort.ascd.msk.f32 $0xffff, v1, v1  }
0x8f: {  	(xrf1) =	vsort.dscd.msk.f32 $0xffff, v15, v15;
	_ =	sdelay $0xb  }
0x90: {  	v17 =	vld [tilespmem:s11+$0x1B0]  }
0x91: {  	v1, _, _ =	vpop (xrf1)  }
0x92: {  	v18, _, _ =	vpop (xrf1)  }
0x93: {  	v2 =	vmin.f32 v2, v18  }
0x94: {  	(xrf1) =	vsort.ascd.msk.f32 $0xffff, v2, v2  }
0x95: {  	(xrf1) =	vsort.dscd.msk.f32 $0xffff, v17, v17;
	_ =	sdelay $0xb  }
0x96: {  	v19 =	vld [tilespmem:s11+$0x230]  }
0x97: {  	v2, _, _ =	vpop (xrf1)  }
0x98: {  	v20, _, _ =	vpop (xrf1)  }
0x99: {  	v3 =	vmin.f32 v3, v20  }
0x9a: {  	(xrf1) =	vsort.ascd.msk.f32 $0xffff, v3, v3  }
0x9b: {  	(xrf1) =	vsort.dscd.msk.f32 $0xffff, v19, v19;
	_ =	sdelay $0xb  }
0x9c: {  	v21 =	vld [tilespmem:s11+$0x2B0]  }
0x9d: {  	v3, _, _ =	vpop (xrf1)  }
0x9e: {  	v22, _, _ =	vpop (xrf1)  }
0x9f: {  	v4 =	vmin.f32 v4, v22  }
0xa0: {  	(xrf1) =	vsort.ascd.msk.f32 $0xffff, v4, v4  }
0xa1: {  	(xrf1) =	vsort.dscd.msk.f32 $0xffff, v21, v21;
	_ =	sdelay $0xb  }
0xa2: {  	v23 =	vld [tilespmem:s11+$0x330]  }
0xa3: {  	v4, _, _ =	vpop (xrf1)  }
0xa4: {  	v24, _, _ =	vpop (xrf1)  }
0xa5: {  	v5 =	vmin.f32 v5, v24  }
0xa6: {  	(xrf1) =	vsort.ascd.msk.f32 $0xffff, v5, v5  }
0xa7: {  	(xrf1) =	vsort.dscd.msk.f32 $0xffff, v23, v23;
	_ =	sdelay $0xb  }
0xa8: {  	v25 =	vld [tilespmem:s11+$0x3B0]  }
0xa9: {  	v5, _, _ =	vpop (xrf1)  }
0xaa: {  	v26, _, _ =	vpop (xrf1)  }
0xab: {  	v6 =	vmin.f32 v6, v26  }
0xac: {  	(xrf1) =	vsort.ascd.msk.f32 $0xffff, v6, v6  }
0xad: {  	(xrf1) =	vsort.dscd.msk.f32 $0xffff, v25, v25;
	_ =	sdelay $0xb  }
0xae: {  	v27 =	vld [tilespmem:s11+$0x40]  }
0xaf: {  	v6, _, _ =	vpop (xrf1)  }
0xb0: {  	v28, _, _ =	vpop (xrf1)  }
0xb1: {  	v8 =	vmin.f32 v8, v28  }
0xb2: {  	(xrf1) =	vsort.ascd.msk.f32 $0xffff, v8, v8  }
0xb3: {  	(xrf1) =	vsort.dscd.msk.f32 $0xffff, v27, v27;
	_ =	sdelay $0xb  }
0xb4: {  	v29 =	vld [tilespmem:s11+$0xC0]  }
0xb5: {  	v8, _, _ =	vpop (xrf1)  }
0xb6: {  	v30, _, _ =	vpop (xrf1)  }
0xb7: {  	v7 =	vmin.f32 v7, v30  }
0xb8: {  	(xrf1) =	vsort.ascd.msk.f32 $0xffff, v7, v7  }
0xb9: {  	(xrf1) =	vsort.dscd.msk.f32 $0xffff, v29, v29;
	_ =	sdelay $0xb  }
0xba: {  	v31 =	vld [tilespmem:s11+$0x140]  }
0xbb: {  	v7, _, _ =	vpop (xrf1)  }
0xbc: {  	v32, _, _ =	vpop (xrf1)  }
0xbd: {  	v1 =	vmin.f32 v1, v32  }
0xbe: {  	(xrf1) =	vsort.ascd.msk.f32 $0xffff, v1, v1  }
0xbf: {  	(xrf1) =	vsort.dscd.msk.f32 $0xffff, v31, v31;
	_ =	sdelay $0xb  }
0xc0: {  	v33 =	vld [tilespmem:s11+$0x1C0]  }
0xc1: {  	v1, _, _ =	vpop (xrf1)  }
0xc2: {  	v34, _, _ =	vpop (xrf1)  }
0xc3: {  	v2 =	vmin.f32 v2, v34  }
0xc4: {  	(xrf1) =	vsort.ascd.msk.f32 $0xffff, v2, v2  }
0xc5: {  	(xrf1) =	vsort.dscd.msk.f32 $0xffff, v33, v33;
	_ =	sdelay $0xb  }
0xc6: {  	v35 =	vld [tilespmem:s11+$0x240]  }
0xc7: {  	v2, _, _ =	vpop (xrf1)  }
0xc8: {  	v36, _, _ =	vpop (xrf1)  }
0xc9: {  	v3 =	vmin.f32 v3, v36  }
0xca: {  	(xrf1) =	vsort.ascd.msk.f32 $0xffff, v3, v3  }
0xcb: {  	(xrf1) =	vsort.dscd.msk.f32 $0xffff, v35, v35;
	_ =	sdelay $0xb  }
0xcc: {  	v37 =	vld [tilespmem:s11+$0x2C0]  }
0xcd: {  	v3, _, _ =	vpop (xrf1)  }
0xce: {  	v38, _, _ =	vpop (xrf1)  }
0xcf: {  	v4 =	vmin.f32 v4, v38  }
0xd0: {  	(xrf1) =	vsort.ascd.msk.f32 $0xffff, v4, v4  }
0xd1: {  	(xrf1) =	vsort.dscd.msk.f32 $0xffff, v37, v37;
	_ =	sdelay $0xb  }
0xd2: {  	v39 =	vld [tilespmem:s11+$0x340]  }
0xd3: {  	v4, _, _ =	vpop (xrf1)  }
0xd4: {  	v40, _, _ =	vpop (xrf1)  }
0xd5: {  	v5 =	vmin.f32 v5, v40  }
0xd6: {  	(xrf1) =	vsort.ascd.msk.f32 $0xffff, v5, v5  }
0xd7: {  	(xrf1) =	vsort.dscd.msk.f32 $0xffff, v39, v39;
	_ =	sdelay $0xb  }
0xd8: {  	v41 =	vld [tilespmem:s11+$0x3C0]  }
0xd9: {  	v5, _, _ =	vpop (xrf1)  }
0xda: {  	v42, _, _ =	vpop (xrf1)  }
0xdb: {  	v6 =	vmin.f32 v6, v42  }
0xdc: {  	(xrf1) =	vsort.ascd.msk.f32 $0xffff, v6, v6  }
0xdd: {  	(xrf1) =	vsort.dscd.msk.f32 $0xffff, v41, v41;
	_ =	sdelay $0xb  }
0xde: {  	v43 =	vld [tilespmem:s11+$0x50]  }
0xdf: {  	v6, _, _ =	vpop (xrf1)  }
0xe0: {  	v44, _, _ =	vpop (xrf1)  }
0xe1: {  	v8 =	vmin.f32 v8, v44  }
0xe2: {  	(xrf1) =	vsort.ascd.msk.f32 $0xffff, v8, v8  }
0xe3: {  	(xrf1) =	vsort.dscd.msk.f32 $0xffff, v43, v43;
	_ =	sdelay $0xb  }
0xe4: {  	v45 =	vld [tilespmem:s11+$0xD0]  }
0xe5: {  	v8, _, _ =	vpop (xrf1)  }
0xe6: {  	v46, _, _ =	vpop (xrf1)  }
0xe7: {  	v7 =	vmin.f32 v7, v46  }
0xe8: {  	(xrf1) =	vsort.ascd.msk.f32 $0xffff, v7, v7  }
0xe9: {  	(xrf1) =	vsort.dscd.msk.f32 $0xffff, v45, v45;
	_ =	sdelay $0xb  }
0xea: {  	v47 =	vld [tilespmem:s11+$0x150]  }
0xeb: {  	v7, _, _ =	vpop (xrf1)  }
0xec: {  	v48, _, _ =	vpop (xrf1)  }
0xed: {  	v1 =	vmin.f32 v1, v48  }
0xee: {  	(xrf1) =	vsort.ascd.msk.f32 $0xffff, v1, v1  }
0xef: {  	(xrf1) =	vsort.dscd.msk.f32 $0xffff, v47, v47;
	_ =	sdelay $0xb  }
0xf0: {  	v49 =	vld [tilespmem:s11+$0x1D0]  }
0xf1: {  	v1, _, _ =	vpop (xrf1)  }
0xf2: {  	v50, _, _ =	vpop (xrf1)  }
0xf3: {  	v2 =	vmin.f32 v2, v50  }
0xf4: {  	(xrf1) =	vsort.ascd.msk.f32 $0xffff, v2, v2  }
0xf5: {  	(xrf1) =	vsort.dscd.msk.f32 $0xffff, v49, v49;
	_ =	sdelay $0xb  }
0xf6: {  	v51 =	vld [tilespmem:s11+$0x250]  }
0xf7: {  	v2, _, _ =	vpop (xrf1)  }
0xf8: {  	v52, _, _ =	vpop (xrf1)  }
0xf9: {  	v3 =	vmin.f32 v3, v52  }
0xfa: {  	(xrf1) =	vsort.ascd.msk.f32 $0xffff, v3, v3  }
0xfb: {  	(xrf1) =	vsort.dscd.msk.f32 $0xffff, v51, v51;
	_ =	sdelay $0xb  }
0xfc: {  	v53 =	vld [tilespmem:s11+$0x2D0]  }
0xfd: {  	v3, _, _ =	vpop (xrf1)  }
0xfe: {  	v54, _, _ =	vpop (xrf1)  }
0xff: {  	v4 =	vmin.f32 v4, v54  }
0x100: {  	(xrf1) =	vsort.ascd.msk.f32 $0xffff, v4, v4  }
0x101: {  	(xrf1) =	vsort.dscd.msk.f32 $0xffff, v53, v53;
	_ =	sdelay $0xb  }
0x102: {  	v55 =	vld [tilespmem:s11+$0x350]  }
0x103: {  	v4, _, _ =	vpop (xrf1)  }
0x104: {  	v56, _, _ =	vpop (xrf1)  }
0x105: {  	v5 =	vmin.f32 v5, v56  }
0x106: {  	(xrf1) =	vsort.ascd.msk.f32 $0xffff, v5, v5  }
0x107: {  	(xrf1) =	vsort.dscd.msk.f32 $0xffff, v55, v55;
	_ =	sdelay $0xb  }
0x108: {  	v57 =	vld [tilespmem:s11+$0x3D0]  }
0x109: {  	v5, _, _ =	vpop (xrf1)  }
0x10a: {  	v58, _, _ =	vpop (xrf1)  }
0x10b: {  	v6 =	vmin.f32 v6, v58  }
0x10c: {  	(xrf1) =	vsort.ascd.msk.f32 $0xffff, v6, v6  }
0x10d: {  	(xrf1) =	vsort.dscd.msk.f32 $0xffff, v57, v57;
	_ =	sdelay $0xb  }
0x10e: {  	v59 =	vld [tilespmem:s11+$0x60]  }
0x10f: {  	v6, _, _ =	vpop (xrf1)  }
0x110: {  	v60, _, _ =	vpop (xrf1)  }
0x111: {  	v8 =	vmin.f32 v8, v60  }
0x112: {  	(xrf1) =	vsort.ascd.msk.f32 $0xffff, v8, v8  }
0x113: {  	(xrf1) =	vsort.dscd.msk.f32 $0xffff, v59, v59;
	_ =	sdelay $0xb  }
0x114: {  	v61 =	vld [tilespmem:s11+$0xE0]  }
0x115: {  	v8, _, _ =	vpop (xrf1)  }
0x116: {  	v62, _, _ =	vpop (xrf1)  }
0x117: {  	v7 =	vmin.f32 v7, v62  }
0x118: {  	(xrf1) =	vsort.ascd.msk.f32 $0xffff, v7, v7  }
0x119: {  	(xrf1) =	vsort.dscd.msk.f32 $0xffff, v61, v61;
	_ =	sdelay $0xb  }
0x11a: {  	v63 =	vld [tilespmem:s11+$0x160]  }
0x11b: {  	v7, _, _ =	vpop (xrf1)  }
0x11c: {  	v12, _, _ =	vpop (xrf1)  }
0x11d: {  	v1 =	vmin.f32 v1, v12  }
0x11e: {  	(xrf1) =	vsort.ascd.msk.f32 $0xffff, v1, v1  }
0x11f: {  	(xrf1) =	vsort.dscd.msk.f32 $0xffff, v63, v63;
	_ =	sdelay $0xb  }
0x120: {  	v13 =	vld [tilespmem:s11+$0x1E0]  }
0x121: {  	v1, _, _ =	vpop (xrf1)  }
0x122: {  	v14, _, _ =	vpop (xrf1)  }
0x123: {  	v2 =	vmin.f32 v2, v14  }
0x124: {  	(xrf1) =	vsort.ascd.msk.f32 $0xffff, v2, v2  }
0x125: {  	(xrf1) =	vsort.dscd.msk.f32 $0xffff, v13, v13;
	_ =	sdelay $0xb  }
0x126: {  	v15 =	vld [tilespmem:s11+$0x260]  }
0x127: {  	v2, _, _ =	vpop (xrf1)  }
0x128: {  	v16, _, _ =	vpop (xrf1)  }
0x129: {  	v3 =	vmin.f32 v3, v16  }
0x12a: {  	(xrf1) =	vsort.ascd.msk.f32 $0xffff, v3, v3  }
0x12b: {  	(xrf1) =	vsort.dscd.msk.f32 $0xffff, v15, v15;
	_ =	sdelay $0xb  }
0x12c: {  	v17 =	vld [tilespmem:s11+$0x2E0]  }
0x12d: {  	v3, _, _ =	vpop (xrf1)  }
0x12e: {  	v18, _, _ =	vpop (xrf1)  }
0x12f: {  	v4 =	vmin.f32 v4, v18  }
0x130: {  	(xrf1) =	vsort.ascd.msk.f32 $0xffff, v4, v4  }
0x131: {  	(xrf1) =	vsort.dscd.msk.f32 $0xffff, v17, v17;
	_ =	sdelay $0xb  }
0x132: {  	v19 =	vld [tilespmem:s11+$0x360]  }
0x133: {  	v4, _, _ =	vpop (xrf1)  }
0x134: {  	v20, _, _ =	vpop (xrf1)  }
0x135: {  	v5 =	vmin.f32 v5, v20  }
0x136: {  	(xrf1) =	vsort.ascd.msk.f32 $0xffff, v5, v5  }
0x137: {  	(xrf1) =	vsort.dscd.msk.f32 $0xffff, v19, v19;
	_ =	sdelay $0xc  }
0x138: {  	v21, _, _ =	vpop (xrf1)  }
0x139: {  	v5, _, _ =	vpop (xrf1)  }
0x13a: {  	v22 =	vld [tilespmem:s11+$0x3E0];
	_ =	sdelay $0x2  }
0x13b: {  	v5 =	vmin.f32 v6, v5  }
0x13c: {  	(xrf1) =	vsort.ascd.msk.f32 $0xffff, v5, v5  }
0x13d: {  	(xrf1) =	vsort.dscd.msk.f32 $0xffff, v22, v22;
	_ =	sdelay $0xb  }
0x13e: {  	v23 =	vld [tilespmem:s11+$0x70]  }
0x13f: {  	v24, _, _ =	vpop (xrf1)  }
0x140: {  	v9, _, _ =	vpop (xrf1)  }
0x141: {  	v8 =	vmin.f32 v8, v9  }
0x142: {  	(xrf1) =	vsort.ascd.msk.f32 $0xffff, v8, v8  }
0x143: {  	(xrf1) =	vsort.dscd.msk.f32 $0xffff, v23, v23;
	_ =	sdelay $0xb  }
0x144: {  	v25 =	vld [tilespmem:s11+$0xF0]  }
0x145: {  	v8, _, _ =	vpop (xrf1)  }
0x146: {  	v26, _, _ =	vpop (xrf1)  }
0x147: {  	v7 =	vmin.f32 v7, v26  }
0x148: {  	(xrf1) =	vsort.ascd.msk.f32 $0xffff, v7, v7  }
0x149: {  	(xrf1) =	vsort.dscd.msk.f32 $0xffff, v25, v25;
	_ =	sdelay $0xb  }
0x14a: {  	v27 =	vld [tilespmem:s11+$0x170]  }
0x14b: {  	v7, _, _ =	vpop (xrf1)  }
0x14c: {  	v28, _, _ =	vpop (xrf1)  }
0x14d: {  	v1 =	vmin.f32 v1, v28  }
0x14e: {  	(xrf1) =	vsort.ascd.msk.f32 $0xffff, v1, v1  }
0x14f: {  	(xrf1) =	vsort.dscd.msk.f32 $0xffff, v27, v27;
	_ =	sdelay $0xb  }
0x150: {  	v29 =	vld [tilespmem:s11+$0x1F0]  }
0x151: {  	v30, _, _ =	vpop (xrf1)  }
0x152: {  	v31, _, _ =	vpop (xrf1)  }
0x153: {  	v2 =	vmin.f32 v2, v31  }
0x154: {  	(xrf1) =	vsort.ascd.msk.f32 $0xffff, v2, v2  }
0x155: {  	(xrf1) =	vsort.dscd.msk.f32 $0xffff, v29, v29;
	_ =	sdelay $0xb  }
0x156: {  	v32 =	vld [tilespmem:s11+$0x270]  }
0x157: {  	v2, _, _ =	vpop (xrf1)  }
0x158: {  	v33, _, _ =	vpop (xrf1)  }
0x159: {  	v3 =	vmin.f32 v3, v33  }
0x15a: {  	(xrf1) =	vsort.ascd.msk.f32 $0xffff, v3, v3  }
0x15b: {  	(xrf1) =	vsort.dscd.msk.f32 $0xffff, v32, v32;
	_ =	sdelay $0xb  }
0x15c: {  	v34 =	vld [tilespmem:s11+$0x2F0]  }
0x15d: {  	v3, _, _ =	vpop (xrf1)  }
0x15e: {  	v35, _, _ =	vpop (xrf1)  }
0x15f: {  	v4 =	vmin.f32 v4, v35  }
0x160: {  	(xrf1) =	vsort.ascd.msk.f32 $0xffff, v4, v4  }
0x161: {  	(xrf1) =	vsort.dscd.msk.f32 $0xffff, v34, v34;
	_ =	sdelay $0xb  }
0x162: {  	v36 =	vld [tilespmem:s11+$0x370]  }
0x163: {  	v4, _, _ =	vpop (xrf1)  }
0x164: {  	v37, _, _ =	vpop (xrf1)  }
0x165: {  	v0 =	vmin.f32 v21, v37  }
0x166: {  	(xrf1) =	vsort.ascd.msk.f32 $0xffff, v0, v0  }
0x167: {  	(xrf1) =	vsort.dscd.msk.f32 $0xffff, v36, v36;
	_ =	sdelay $0xb  }
0x168: {  	v38 =	vld [tilespmem:s11+$0x3F0]  }
0x169: {  	v39, _, _ =	vpop (xrf1)  }
0x16a: {  	v40, _, _ =	vpop (xrf1)  }
0x16b: {  	v6 =	vmin.f32 v24, v40  }
0x16c: {  	(xrf1) =	vsort.ascd.msk.f32 $0xffff, v6, v6  }
0x16d: {  	(xrf1) =	vsort.dscd.msk.f32 $0xffff, v38, v38;
	_ =	sdelay $0xb  }
0x16e: {  	v41 =	vld [tilespmem:s11+$0x400]  }
0x16f: {  	v6, _, _ =	vpop (xrf1)  }
0x170: {  	v42, _, _ =	vpop (xrf1)  }
0x171: {  	v8 =	vmin.f32 v8, v42  }
0x172: {  	(xrf1) =	vsort.ascd.msk.f32 $0xffff, v8, v8  }
0x173: {  	(xrf1) =	vsort.dscd.msk.f32 $0xffff, v41, v41;
	_ =	sdelay $0xb  }
0x174: {  	v43 =	vld [tilespmem:s11+$0x480]  }
0x175: {  	v8, _, _ =	vpop (xrf1)  }
0x176: {  	v44, _, _ =	vpop (xrf1)  }
0x177: {  	v7 =	vmin.f32 v7, v44  }
0x178: {  	(xrf1) =	vsort.ascd.msk.f32 $0xffff, v7, v7  }
0x179: {  	(xrf1) =	vsort.dscd.msk.f32 $0xffff, v43, v43;
	_ =	sdelay $0xb  }
0x17a: {  	v45 =	vld [tilespmem:s11+$0x500]  }
0x17b: {  	v7, _, _ =	vpop (xrf1)  }
0x17c: {  	v46, _, _ =	vpop (xrf1)  }
0x17d: {  	v5 =	vmin.f32 v30, v46  }
0x17e: {  	(xrf1) =	vsort.ascd.msk.f32 $0xffff, v5, v5  }
0x17f: {  	(xrf1) =	vsort.dscd.msk.f32 $0xffff, v45, v45;
	_ =	sdelay $0xb  }
0x180: {  	v47 =	vld [tilespmem:s11+$0x580]  }
0x181: {  	v5, _, _ =	vpop (xrf1)  }
0x182: {  	v48, _, _ =	vpop (xrf1)  }
0x183: {  	v2 =	vmin.f32 v2, v48  }
0x184: {  	(xrf1) =	vsort.ascd.msk.f32 $0xffff, v2, v2  }
0x185: {  	(xrf1) =	vsort.dscd.msk.f32 $0xffff, v47, v47;
	_ =	sdelay $0xb  }
0x186: {  	v49 =	vld [tilespmem:s11+$0x600]  }
0x187: {  	v2, _, _ =	vpop (xrf1)  }
0x188: {  	v50, _, _ =	vpop (xrf1)  }
0x189: {  	v3 =	vmin.f32 v3, v50  }
0x18a: {  	(xrf1) =	vsort.ascd.msk.f32 $0xffff, v3, v3  }
0x18b: {  	(xrf1) =	vsort.dscd.msk.f32 $0xffff, v49, v49;
	_ =	sdelay $0xb  }
0x18c: {  	v51 =	vld [tilespmem:s11+$0x680]  }
0x18d: {  	v3, _, _ =	vpop (xrf1)  }
0x18e: {  	v52, _, _ =	vpop (xrf1)  }
0x18f: {  	v4 =	vmin.f32 v4, v52  }
0x190: {  	(xrf1) =	vsort.ascd.msk.f32 $0xffff, v4, v4  }
0x191: {  	(xrf1) =	vsort.dscd.msk.f32 $0xffff, v51, v51;
	_ =	sdelay $0xb  }
0x192: {  	v53 =	vld [tilespmem:s11+$0x700]  }
0x193: {  	v4, _, _ =	vpop (xrf1)  }
0x194: {  	v54, _, _ =	vpop (xrf1)  }
0x195: {  	v1 =	vmin.f32 v39, v54  }
0x196: {  	(xrf1) =	vsort.ascd.msk.f32 $0xffff, v1, v1  }
0x197: {  	(xrf1) =	vsort.dscd.msk.f32 $0xffff, v53, v53;
	_ =	sdelay $0xb  }
0x198: {  	v55 =	vld [tilespmem:s11+$0x780]  }
0x199: {  	v1, _, _ =	vpop (xrf1)  }
0x19a: {  	v56, _, _ =	vpop (xrf1)  }
0x19b: {  	v6 =	vmin.f32 v6, v56  }
0x19c: {  	(xrf1) =	vsort.ascd.msk.f32 $0xffff, v6, v6  }
0x19d: {  	(xrf1) =	vsort.dscd.msk.f32 $0xffff, v55, v55;
	_ =	sdelay $0xb  }
0x19e: {  	v57 =	vld [tilespmem:s11+$0x410]  }
0x19f: {  	v6, _, _ =	vpop (xrf1)  }
0x1a0: {  	v58, _, _ =	vpop (xrf1)  }
0x1a1: {  	v8 =	vmin.f32 v8, v58  }
0x1a2: {  	(xrf1) =	vsort.ascd.msk.f32 $0xffff, v8, v8  }
0x1a3: {  	(xrf1) =	vsort.dscd.msk.f32 $0xffff, v57, v57;
	_ =	sdelay $0xb  }
0x1a4: {  	v59 =	vld [tilespmem:s11+$0x490]  }
0x1a5: {  	v8, _, _ =	vpop (xrf1)  }
0x1a6: {  	v60, _, _ =	vpop (xrf1)  }
0x1a7: {  	v7 =	vmin.f32 v7, v60  }
0x1a8: {  	(xrf1) =	vsort.ascd.msk.f32 $0xffff, v7, v7  }
0x1a9: {  	(xrf1) =	vsort.dscd.msk.f32 $0xffff, v59, v59;
	_ =	sdelay $0xb  }
0x1aa: {  	v61 =	vld [tilespmem:s11+$0x510]  }
0x1ab: {  	v7, _, _ =	vpop (xrf1)  }
0x1ac: {  	v62, _, _ =	vpop (xrf1)  }
0x1ad: {  	v5 =	vmin.f32 v5, v62  }
0x1ae: {  	(xrf1) =	vsort.ascd.msk.f32 $0xffff, v5, v5  }
0x1af: {  	(xrf1) =	vsort.dscd.msk.f32 $0xffff, v61, v61;
	_ =	sdelay $0xb  }
0x1b0: {  	v63 =	vld [tilespmem:s11+$0x590]  }
0x1b1: {  	v5, _, _ =	vpop (xrf1)  }
0x1b2: {  	v12, _, _ =	vpop (xrf1)  }
0x1b3: {  	v2 =	vmin.f32 v2, v12  }
0x1b4: {  	(xrf1) =	vsort.ascd.msk.f32 $0xffff, v2, v2  }
0x1b5: {  	(xrf1) =	vsort.dscd.msk.f32 $0xffff, v63, v63;
	_ =	sdelay $0xb  }
0x1b6: {  	v13 =	vld [tilespmem:s11+$0x610]  }
0x1b7: {  	v2, _, _ =	vpop (xrf1)  }
0x1b8: {  	v14, _, _ =	vpop (xrf1)  }
0x1b9: {  	v3 =	vmin.f32 v3, v14  }
0x1ba: {  	(xrf1) =	vsort.ascd.msk.f32 $0xffff, v3, v3  }
0x1bb: {  	(xrf1) =	vsort.dscd.msk.f32 $0xffff, v13, v13;
	_ =	sdelay $0xb  }
0x1bc: {  	v15 =	vld [tilespmem:s11+$0x690]  }
0x1bd: {  	v3, _, _ =	vpop (xrf1)  }
0x1be: {  	v16, _, _ =	vpop (xrf1)  }
0x1bf: {  	v4 =	vmin.f32 v4, v16  }
0x1c0: {  	(xrf1) =	vsort.ascd.msk.f32 $0xffff, v4, v4  }
0x1c1: {  	(xrf1) =	vsort.dscd.msk.f32 $0xffff, v15, v15;
	_ =	sdelay $0xb  }
0x1c2: {  	v17 =	vld [tilespmem:s11+$0x710]  }
0x1c3: {  	v4, _, _ =	vpop (xrf1)  }
0x1c4: {  	v18, _, _ =	vpop (xrf1)  }
0x1c5: {  	v1 =	vmin.f32 v1, v18  }
0x1c6: {  	(xrf1) =	vsort.ascd.msk.f32 $0xffff, v1, v1  }
0x1c7: {  	(xrf1) =	vsort.dscd.msk.f32 $0xffff, v17, v17;
	_ =	sdelay $0xb  }
0x1c8: {  	v19 =	vld [tilespmem:s11+$0x790]  }
0x1c9: {  	v1, _, _ =	vpop (xrf1)  }
0x1ca: {  	v20, _, _ =	vpop (xrf1)  }
0x1cb: {  	v6 =	vmin.f32 v6, v20  }
0x1cc: {  	(xrf1) =	vsort.ascd.msk.f32 $0xffff, v6, v6  }
0x1cd: {  	(xrf1) =	vsort.dscd.msk.f32 $0xffff, v19, v19;
	_ =	sdelay $0xb  }
0x1ce: {  	v21 =	vld [tilespmem:s11+$0x420]  }
0x1cf: {  	v6, _, _ =	vpop (xrf1)  }
0x1d0: {  	v22, _, _ =	vpop (xrf1)  }
0x1d1: {  	v8 =	vmin.f32 v8, v22  }
0x1d2: {  	(xrf1) =	vsort.ascd.msk.f32 $0xffff, v8, v8  }
0x1d3: {  	(xrf1) =	vsort.dscd.msk.f32 $0xffff, v21, v21;
	_ =	sdelay $0xb  }
0x1d4: {  	v23 =	vld [tilespmem:s11+$0x4A0]  }
0x1d5: {  	v8, _, _ =	vpop (xrf1)  }
0x1d6: {  	v24, _, _ =	vpop (xrf1)  }
0x1d7: {  	v7 =	vmin.f32 v7, v24  }
0x1d8: {  	(xrf1) =	vsort.ascd.msk.f32 $0xffff, v7, v7  }
0x1d9: {  	(xrf1) =	vsort.dscd.msk.f32 $0xffff, v23, v23;
	_ =	sdelay $0xb  }
0x1da: {  	v25 =	vld [tilespmem:s11+$0x520]  }
0x1db: {  	v7, _, _ =	vpop (xrf1)  }
0x1dc: {  	v26, _, _ =	vpop (xrf1)  }
0x1dd: {  	v5 =	vmin.f32 v5, v26  }
0x1de: {  	(xrf1) =	vsort.ascd.msk.f32 $0xffff, v5, v5  }
0x1df: {  	(xrf1) =	vsort.dscd.msk.f32 $0xffff, v25, v25;
	_ =	sdelay $0xb  }
0x1e0: {  	v27 =	vld [tilespmem:s11+$0x5A0]  }
0x1e1: {  	v5, _, _ =	vpop (xrf1)  }
0x1e2: {  	v28, _, _ =	vpop (xrf1)  }
0x1e3: {  	v2 =	vmin.f32 v2, v28  }
0x1e4: {  	(xrf1) =	vsort.ascd.msk.f32 $0xffff, v2, v2  }
0x1e5: {  	(xrf1) =	vsort.dscd.msk.f32 $0xffff, v27, v27;
	_ =	sdelay $0xb  }
0x1e6: {  	v29 =	vld [tilespmem:s11+$0x620]  }
0x1e7: {  	v2, _, _ =	vpop (xrf1)  }
0x1e8: {  	v30, _, _ =	vpop (xrf1)  }
0x1e9: {  	v3 =	vmin.f32 v3, v30  }
0x1ea: {  	(xrf1) =	vsort.ascd.msk.f32 $0xffff, v3, v3  }
0x1eb: {  	(xrf1) =	vsort.dscd.msk.f32 $0xffff, v29, v29;
	_ =	sdelay $0xb  }
0x1ec: {  	v31 =	vld [tilespmem:s11+$0x6A0]  }
0x1ed: {  	v3, _, _ =	vpop (xrf1)  }
0x1ee: {  	v32, _, _ =	vpop (xrf1)  }
0x1ef: {  	v4 =	vmin.f32 v4, v32  }
0x1f0: {  	(xrf1) =	vsort.ascd.msk.f32 $0xffff, v4, v4  }
0x1f1: {  	(xrf1) =	vsort.dscd.msk.f32 $0xffff, v31, v31;
	_ =	sdelay $0xb  }
0x1f2: {  	v33 =	vld [tilespmem:s11+$0x720]  }
0x1f3: {  	v4, _, _ =	vpop (xrf1)  }
0x1f4: {  	v34, _, _ =	vpop (xrf1)  }
0x1f5: {  	v1 =	vmin.f32 v1, v34  }
0x1f6: {  	(xrf1) =	vsort.ascd.msk.f32 $0xffff, v1, v1  }
0x1f7: {  	(xrf1) =	vsort.dscd.msk.f32 $0xffff, v33, v33;
	_ =	sdelay $0xb  }
0x1f8: {  	v35 =	vld [tilespmem:s11+$0x7A0]  }
0x1f9: {  	v1, _, _ =	vpop (xrf1)  }
0x1fa: {  	v36, _, _ =	vpop (xrf1)  }
0x1fb: {  	v6 =	vmin.f32 v6, v36  }
0x1fc: {  	(xrf1) =	vsort.ascd.msk.f32 $0xffff, v6, v6  }
0x1fd: {  	(xrf1) =	vsort.dscd.msk.f32 $0xffff, v35, v35;
	_ =	sdelay $0xb  }
0x1fe: {  	v37 =	vld [tilespmem:s11+$0x430]  }
0x1ff: {  	v6, _, _ =	vpop (xrf1)  }
0x200: {  	v38, _, _ =	vpop (xrf1)  }
0x201: {  	v8 =	vmin.f32 v8, v38  }
0x202: {  	(xrf1) =	vsort.ascd.msk.f32 $0xffff, v8, v8  }
0x203: {  	(xrf1) =	vsort.dscd.msk.f32 $0xffff, v37, v37;
	_ =	sdelay $0xb  }
0x204: {  	v39 =	vld [tilespmem:s11+$0x4B0]  }
0x205: {  	v8, _, _ =	vpop (xrf1)  }
0x206: {  	v40, _, _ =	vpop (xrf1)  }
0x207: {  	v7 =	vmin.f32 v7, v40  }
0x208: {  	(xrf1) =	vsort.ascd.msk.f32 $0xffff, v7, v7  }
0x209: {  	(xrf1) =	vsort.dscd.msk.f32 $0xffff, v39, v39;
	_ =	sdelay $0xb  }
0x20a: {  	v41 =	vld [tilespmem:s11+$0x530]  }
0x20b: {  	v7, _, _ =	vpop (xrf1)  }
0x20c: {  	v42, _, _ =	vpop (xrf1)  }
0x20d: {  	v5 =	vmin.f32 v5, v42  }
0x20e: {  	(xrf1) =	vsort.ascd.msk.f32 $0xffff, v5, v5  }
0x20f: {  	(xrf1) =	vsort.dscd.msk.f32 $0xffff, v41, v41;
	_ =	sdelay $0xb  }
0x210: {  	v43 =	vld [tilespmem:s11+$0x5B0]  }
0x211: {  	v5, _, _ =	vpop (xrf1)  }
0x212: {  	v44, _, _ =	vpop (xrf1)  }
0x213: {  	v2 =	vmin.f32 v2, v44  }
0x214: {  	(xrf1) =	vsort.ascd.msk.f32 $0xffff, v2, v2  }
0x215: {  	(xrf1) =	vsort.dscd.msk.f32 $0xffff, v43, v43;
	_ =	sdelay $0xb  }
0x216: {  	v45 =	vld [tilespmem:s11+$0x630]  }
0x217: {  	v2, _, _ =	vpop (xrf1)  }
0x218: {  	v46, _, _ =	vpop (xrf1)  }
0x219: {  	v3 =	vmin.f32 v3, v46  }
0x21a: {  	(xrf1) =	vsort.ascd.msk.f32 $0xffff, v3, v3  }
0x21b: {  	(xrf1) =	vsort.dscd.msk.f32 $0xffff, v45, v45;
	_ =	sdelay $0xb  }
0x21c: {  	v47 =	vld [tilespmem:s11+$0x6B0]  }
0x21d: {  	v3, _, _ =	vpop (xrf1)  }
0x21e: {  	v48, _, _ =	vpop (xrf1)  }
0x21f: {  	v4 =	vmin.f32 v4, v48  }
0x220: {  	(xrf1) =	vsort.ascd.msk.f32 $0xffff, v4, v4  }
0x221: {  	(xrf1) =	vsort.dscd.msk.f32 $0xffff, v47, v47;
	_ =	sdelay $0xb  }
0x222: {  	v49 =	vld [tilespmem:s11+$0x730]  }
0x223: {  	v4, _, _ =	vpop (xrf1)  }
0x224: {  	v50, _, _ =	vpop (xrf1)  }
0x225: {  	v1 =	vmin.f32 v1, v50  }
0x226: {  	(xrf1) =	vsort.ascd.msk.f32 $0xffff, v1, v1  }
0x227: {  	(xrf1) =	vsort.dscd.msk.f32 $0xffff, v49, v49;
	_ =	sdelay $0xb  }
0x228: {  	v51 =	vld [tilespmem:s11+$0x7B0]  }
0x229: {  	v1, _, _ =	vpop (xrf1)  }
0x22a: {  	v52, _, _ =	vpop (xrf1)  }
0x22b: {  	v6 =	vmin.f32 v6, v52  }
0x22c: {  	(xrf1) =	vsort.ascd.msk.f32 $0xffff, v6, v6  }
0x22d: {  	(xrf1) =	vsort.dscd.msk.f32 $0xffff, v51, v51;
	_ =	sdelay $0xb  }
0x22e: {  	v53 =	vld [tilespmem:s11+$0x440]  }
0x22f: {  	v6, _, _ =	vpop (xrf1)  }
0x230: {  	v54, _, _ =	vpop (xrf1)  }
0x231: {  	v8 =	vmin.f32 v8, v54  }
0x232: {  	(xrf1) =	vsort.ascd.msk.f32 $0xffff, v8, v8  }
0x233: {  	(xrf1) =	vsort.dscd.msk.f32 $0xffff, v53, v53;
	_ =	sdelay $0xb  }
0x234: {  	v55 =	vld [tilespmem:s11+$0x4C0]  }
0x235: {  	v8, _, _ =	vpop (xrf1)  }
0x236: {  	v56, _, _ =	vpop (xrf1)  }
0x237: {  	v7 =	vmin.f32 v7, v56  }
0x238: {  	(xrf1) =	vsort.ascd.msk.f32 $0xffff, v7, v7  }
0x239: {  	(xrf1) =	vsort.dscd.msk.f32 $0xffff, v55, v55;
	_ =	sdelay $0xb  }
0x23a: {  	v57 =	vld [tilespmem:s11+$0x540]  }
0x23b: {  	v7, _, _ =	vpop (xrf1)  }
0x23c: {  	v58, _, _ =	vpop (xrf1)  }
0x23d: {  	v5 =	vmin.f32 v5, v58  }
0x23e: {  	(xrf1) =	vsort.ascd.msk.f32 $0xffff, v5, v5  }
0x23f: {  	(xrf1) =	vsort.dscd.msk.f32 $0xffff, v57, v57;
	_ =	sdelay $0xb  }
0x240: {  	v59 =	vld [tilespmem:s11+$0x5C0]  }
0x241: {  	v5, _, _ =	vpop (xrf1)  }
0x242: {  	v60, _, _ =	vpop (xrf1)  }
0x243: {  	v2 =	vmin.f32 v2, v60  }
0x244: {  	(xrf1) =	vsort.ascd.msk.f32 $0xffff, v2, v2  }
0x245: {  	(xrf1) =	vsort.dscd.msk.f32 $0xffff, v59, v59;
	_ =	sdelay $0xb  }
0x246: {  	v61 =	vld [tilespmem:s11+$0x640]  }
0x247: {  	v2, _, _ =	vpop (xrf1)  }
0x248: {  	v62, _, _ =	vpop (xrf1)  }
0x249: {  	v3 =	vmin.f32 v3, v62  }
0x24a: {  	(xrf1) =	vsort.ascd.msk.f32 $0xffff, v3, v3  }
0x24b: {  	(xrf1) =	vsort.dscd.msk.f32 $0xffff, v61, v61;
	_ =	sdelay $0xb  }
0x24c: {  	v63 =	vld [tilespmem:s11+$0x6C0]  }
0x24d: {  	v3, _, _ =	vpop (xrf1)  }
0x24e: {  	v12, _, _ =	vpop (xrf1)  }
0x24f: {  	v4 =	vmin.f32 v4, v12  }
0x250: {  	(xrf1) =	vsort.ascd.msk.f32 $0xffff, v4, v4  }
0x251: {  	(xrf1) =	vsort.dscd.msk.f32 $0xffff, v63, v63;
	_ =	sdelay $0xb  }
0x252: {  	v13 =	vld [tilespmem:s11+$0x740]  }
0x253: {  	v4, _, _ =	vpop (xrf1)  }
0x254: {  	v14, _, _ =	vpop (xrf1)  }
0x255: {  	v1 =	vmin.f32 v1, v14  }
0x256: {  	(xrf1) =	vsort.ascd.msk.f32 $0xffff, v1, v1  }
0x257: {  	(xrf1) =	vsort.dscd.msk.f32 $0xffff, v13, v13;
	_ =	sdelay $0xb  }
0x258: {  	v15 =	vld [tilespmem:s11+$0x7C0]  }
0x259: {  	v1, _, _ =	vpop (xrf1)  }
0x25a: {  	v16, _, _ =	vpop (xrf1)  }
0x25b: {  	v6 =	vmin.f32 v6, v16  }
0x25c: {  	(xrf1) =	vsort.ascd.msk.f32 $0xffff, v6, v6  }
0x25d: {  	(xrf1) =	vsort.dscd.msk.f32 $0xffff, v15, v15;
	_ =	sdelay $0xb  }
0x25e: {  	v17 =	vld [tilespmem:s11+$0x450]  }
0x25f: {  	v6, _, _ =	vpop (xrf1)  }
0x260: {  	v18, _, _ =	vpop (xrf1)  }
0x261: {  	v8 =	vmin.f32 v8, v18  }
0x262: {  	(xrf1) =	vsort.ascd.msk.f32 $0xffff, v8, v8  }
0x263: {  	(xrf1) =	vsort.dscd.msk.f32 $0xffff, v17, v17;
	_ =	sdelay $0xb  }
0x264: {  	v19 =	vld [tilespmem:s11+$0x4D0]  }
0x265: {  	v8, _, _ =	vpop (xrf1)  }
0x266: {  	v20, _, _ =	vpop (xrf1)  }
0x267: {  	v7 =	vmin.f32 v7, v20  }
0x268: {  	(xrf1) =	vsort.ascd.msk.f32 $0xffff, v7, v7  }
0x269: {  	(xrf1) =	vsort.dscd.msk.f32 $0xffff, v19, v19;
	_ =	sdelay $0xb  }
0x26a: {  	v21 =	vld [tilespmem:s11+$0x550]  }
0x26b: {  	v7, _, _ =	vpop (xrf1)  }
0x26c: {  	v22, _, _ =	vpop (xrf1)  }
0x26d: {  	v5 =	vmin.f32 v5, v22  }
0x26e: {  	(xrf1) =	vsort.ascd.msk.f32 $0xffff, v5, v5  }
0x26f: {  	(xrf1) =	vsort.dscd.msk.f32 $0xffff, v21, v21;
	_ =	sdelay $0xb  }
0x270: {  	v23 =	vld [tilespmem:s11+$0x5D0]  }
0x271: {  	v5, _, _ =	vpop (xrf1)  }
0x272: {  	v24, _, _ =	vpop (xrf1)  }
0x273: {  	v2 =	vmin.f32 v2, v24  }
0x274: {  	(xrf1) =	vsort.ascd.msk.f32 $0xffff, v2, v2  }
0x275: {  	(xrf1) =	vsort.dscd.msk.f32 $0xffff, v23, v23;
	_ =	sdelay $0xb  }
0x276: {  	v25 =	vld [tilespmem:s11+$0x650]  }
0x277: {  	v2, _, _ =	vpop (xrf1)  }
0x278: {  	v26, _, _ =	vpop (xrf1)  }
0x279: {  	v3 =	vmin.f32 v3, v26  }
0x27a: {  	(xrf1) =	vsort.ascd.msk.f32 $0xffff, v3, v3  }
0x27b: {  	(xrf1) =	vsort.dscd.msk.f32 $0xffff, v25, v25;
	_ =	sdelay $0xb  }
0x27c: {  	v27 =	vld [tilespmem:s11+$0x6D0]  }
0x27d: {  	v3, _, _ =	vpop (xrf1)  }
0x27e: {  	v28, _, _ =	vpop (xrf1)  }
0x27f: {  	v4 =	vmin.f32 v4, v28  }
0x280: {  	(xrf1) =	vsort.ascd.msk.f32 $0xffff, v4, v4  }
0x281: {  	(xrf1) =	vsort.dscd.msk.f32 $0xffff, v27, v27;
	_ =	sdelay $0xb  }
0x282: {  	v29 =	vld [tilespmem:s11+$0x750]  }
0x283: {  	v4, _, _ =	vpop (xrf1)  }
0x284: {  	v30, _, _ =	vpop (xrf1)  }
0x285: {  	v1 =	vmin.f32 v1, v30  }
0x286: {  	(xrf1) =	vsort.ascd.msk.f32 $0xffff, v1, v1  }
0x287: {  	(xrf1) =	vsort.dscd.msk.f32 $0xffff, v29, v29;
	_ =	sdelay $0xb  }
0x288: {  	v31 =	vld [tilespmem:s11+$0x7D0]  }
0x289: {  	v1, _, _ =	vpop (xrf1)  }
0x28a: {  	v32, _, _ =	vpop (xrf1)  }
0x28b: {  	v6 =	vmin.f32 v6, v32  }
0x28c: {  	(xrf1) =	vsort.ascd.msk.f32 $0xffff, v6, v6  }
0x28d: {  	(xrf1) =	vsort.dscd.msk.f32 $0xffff, v31, v31;
	_ =	sdelay $0xb  }
0x28e: {  	v33 =	vld [tilespmem:s11+$0x460]  }
0x28f: {  	v6, _, _ =	vpop (xrf1)  }
0x290: {  	v34, _, _ =	vpop (xrf1)  }
0x291: {  	v8 =	vmin.f32 v8, v34  }
0x292: {  	(xrf1) =	vsort.ascd.msk.f32 $0xffff, v8, v8  }
0x293: {  	(xrf1) =	vsort.dscd.msk.f32 $0xffff, v33, v33;
	_ =	sdelay $0xb  }
0x294: {  	v35 =	vld [tilespmem:s11+$0x4E0]  }
0x295: {  	v8, _, _ =	vpop (xrf1)  }
0x296: {  	v36, _, _ =	vpop (xrf1)  }
0x297: {  	v7 =	vmin.f32 v7, v36  }
0x298: {  	(xrf1) =	vsort.ascd.msk.f32 $0xffff, v7, v7  }
0x299: {  	(xrf1) =	vsort.dscd.msk.f32 $0xffff, v35, v35;
	_ =	sdelay $0xb  }
0x29a: {  	v37 =	vld [tilespmem:s11+$0x560]  }
0x29b: {  	v7, _, _ =	vpop (xrf1)  }
0x29c: {  	v38, _, _ =	vpop (xrf1)  }
0x29d: {  	v5 =	vmin.f32 v5, v38  }
0x29e: {  	(xrf1) =	vsort.ascd.msk.f32 $0xffff, v5, v5  }
0x29f: {  	(xrf1) =	vsort.dscd.msk.f32 $0xffff, v37, v37;
	_ =	sdelay $0xb  }
0x2a0: {  	v39 =	vld [tilespmem:s11+$0x5E0]  }
0x2a1: {  	v5, _, _ =	vpop (xrf1)  }
0x2a2: {  	v40, _, _ =	vpop (xrf1)  }
0x2a3: {  	v2 =	vmin.f32 v2, v40  }
0x2a4: {  	(xrf1) =	vsort.ascd.msk.f32 $0xffff, v2, v2  }
0x2a5: {  	(xrf1) =	vsort.dscd.msk.f32 $0xffff, v39, v39;
	_ =	sdelay $0xb  }
0x2a6: {  	v41 =	vld [tilespmem:s11+$0x660]  }
0x2a7: {  	v2, _, _ =	vpop (xrf1)  }
0x2a8: {  	v42, _, _ =	vpop (xrf1)  }
0x2a9: {  	v3 =	vmin.f32 v3, v42  }
0x2aa: {  	(xrf1) =	vsort.ascd.msk.f32 $0xffff, v3, v3  }
0x2ab: {  	(xrf1) =	vsort.dscd.msk.f32 $0xffff, v41, v41;
	_ =	sdelay $0xb  }
0x2ac: {  	v43 =	vld [tilespmem:s11+$0x6E0]  }
0x2ad: {  	v3, _, _ =	vpop (xrf1)  }
0x2ae: {  	v44, _, _ =	vpop (xrf1)  }
0x2af: {  	v4 =	vmin.f32 v4, v44  }
0x2b0: {  	(xrf1) =	vsort.ascd.msk.f32 $0xffff, v4, v4  }
0x2b1: {  	(xrf1) =	vsort.dscd.msk.f32 $0xffff, v43, v43;
	_ =	sdelay $0xb  }
0x2b2: {  	v45 =	vld [tilespmem:s11+$0x760]  }
0x2b3: {  	v4, _, _ =	vpop (xrf1)  }
0x2b4: {  	v46, _, _ =	vpop (xrf1)  }
0x2b5: {  	v1 =	vmin.f32 v1, v46  }
0x2b6: {  	(xrf1) =	vsort.ascd.msk.f32 $0xffff, v1, v1  }
0x2b7: {  	(xrf1) =	vsort.dscd.msk.f32 $0xffff, v45, v45;
	_ =	sdelay $0xb  }
0x2b8: {  	v47 =	vld [tilespmem:s11+$0x7E0]  }
0x2b9: {  	v1, _, _ =	vpop (xrf1)  }
0x2ba: {  	v48, _, _ =	vpop (xrf1)  }
0x2bb: {  	v6 =	vmin.f32 v6, v48  }
0x2bc: {  	(xrf1) =	vsort.ascd.msk.f32 $0xffff, v6, v6  }
0x2bd: {  	(xrf1) =	vsort.dscd.msk.f32 $0xffff, v47, v47;
	_ =	sdelay $0xb  }
0x2be: {  	v49 =	vld [tilespmem:s11+$0x470]  }
0x2bf: {  	v6, _, _ =	vpop (xrf1)  }
0x2c0: {  	v50, _, _ =	vpop (xrf1)  }
0x2c1: {  	v8 =	vmin.f32 v8, v50  }
0x2c2: {  	(xrf1) =	vsort.ascd.msk.f32 $0xffff, v8, v8  }
0x2c3: {  	(xrf1) =	vsort.dscd.msk.f32 $0xffff, v49, v49;
	_ =	sdelay $0xb  }
0x2c4: {  	v51 =	vld [tilespmem:s11+$0x4F0]  }
0x2c5: {  	v8, _, _ =	vpop (xrf1)  }
0x2c6: {  	v52, _, _ =	vpop (xrf1)  }
0x2c7: {  	v7 =	vmin.f32 v7, v52  }
0x2c8: {  	(xrf1) =	vsort.ascd.msk.f32 $0xffff, v7, v7  }
0x2c9: {  	(xrf1) =	vsort.dscd.msk.f32 $0xffff, v51, v51;
	_ =	sdelay $0xb  }
0x2ca: {  	v53 =	vld [tilespmem:s11+$0x570]  }
0x2cb: {  	v7, _, _ =	vpop (xrf1)  }
0x2cc: {  	v54, _, _ =	vpop (xrf1)  }
0x2cd: {  	v5 =	vmin.f32 v5, v54  }
0x2ce: {  	(xrf1) =	vsort.ascd.msk.f32 $0xffff, v5, v5  }
0x2cf: {  	(xrf1) =	vsort.dscd.msk.f32 $0xffff, v53, v53;
	_ =	sdelay $0xb  }
0x2d0: {  	v55 =	vld [tilespmem:s11+$0x5F0]  }
0x2d1: {  	v5, _, _ =	vpop (xrf1)  }
0x2d2: {  	v56, _, _ =	vpop (xrf1)  }
0x2d3: {  	v2 =	vmin.f32 v2, v56  }
0x2d4: {  	(xrf1) =	vsort.ascd.msk.f32 $0xffff, v2, v2  }
0x2d5: {  	(xrf1) =	vsort.dscd.msk.f32 $0xffff, v55, v55;
	_ =	sdelay $0xb  }
0x2d6: {  	v57 =	vld [tilespmem:s11+$0x670]  }
0x2d7: {  	v2, _, _ =	vpop (xrf1)  }
0x2d8: {  	v58, _, _ =	vpop (xrf1)  }
0x2d9: {  	v3 =	vmin.f32 v3, v58  }
0x2da: {  	(xrf1) =	vsort.ascd.msk.f32 $0xffff, v3, v3  }
0x2db: {  	(xrf1) =	vsort.dscd.msk.f32 $0xffff, v57, v57;
	_ =	sdelay $0xb  }
0x2dc: {  	v59 =	vld [tilespmem:s11+$0x6F0]  }
0x2dd: {  	v3, _, _ =	vpop (xrf1)  }
0x2de: {  	v60, _, _ =	vpop (xrf1)  }
0x2df: {  	v4 =	vmin.f32 v4, v60  }
0x2e0: {  	(xrf1) =	vsort.ascd.msk.f32 $0xffff, v4, v4  }
0x2e1: {  	(xrf1) =	vsort.dscd.msk.f32 $0xffff, v59, v59;
	_ =	sdelay $0xb  }
0x2e2: {  	v61 =	vld [tilespmem:s11+$0x770]  }
0x2e3: {  	v4, _, _ =	vpop (xrf1)  }
0x2e4: {  	v62, _, _ =	vpop (xrf1)  }
0x2e5: {  	v1 =	vmin.f32 v1, v62  }
0x2e6: {  	(xrf1) =	vsort.ascd.msk.f32 $0xffff, v1, v1  }
0x2e7: {  	(xrf1) =	vsort.dscd.msk.f32 $0xffff, v61, v61;
	_ =	sdelay $0xb  }
0x2e8: {  	v63 =	vld [tilespmem:s11+$0x7F0]  }
0x2e9: {  	v1, _, _ =	vpop (xrf1)  }
0x2ea: {  	v12, _, _ =	vpop (xrf1)  }
0x2eb: {  	v6 =	vmin.f32 v6, v12  }
0x2ec: {  	(xrf1) =	vsort.ascd.msk.f32 $0xffff, v6, v6  }
0x2ed: {  	(xrf1) =	vsort.dscd.msk.f32 $0xffff, v63, v63;
	_ =	sdelay $0xb  }
0x2ee: {  	v13 =	vld [tilespmem:s11+$0x800]  }
0x2ef: {  	v6, _, _ =	vpop (xrf1)  }
0x2f0: {  	v14, _, _ =	vpop (xrf1)  }
0x2f1: {  	v8 =	vmin.f32 v8, v14  }
0x2f2: {  	(xrf1) =	vsort.ascd.msk.f32 $0xffff, v8, v8  }
0x2f3: {  	(xrf1) =	vsort.dscd.msk.f32 $0xffff, v13, v13;
	_ =	sdelay $0xb  }
0x2f4: {  	v15 =	vld [tilespmem:s11+$0x880]  }
0x2f5: {  	v8, _, _ =	vpop (xrf1)  }
0x2f6: {  	v16, _, _ =	vpop (xrf1)  }
0x2f7: {  	v7 =	vmin.f32 v7, v16  }
0x2f8: {  	(xrf1) =	vsort.ascd.msk.f32 $0xffff, v7, v7  }
0x2f9: {  	(xrf1) =	vsort.dscd.msk.f32 $0xffff, v15, v15;
	_ =	sdelay $0xb  }
0x2fa: {  	v17 =	vld [tilespmem:s11+$0x900]  }
0x2fb: {  	v7, _, _ =	vpop (xrf1)  }
0x2fc: {  	v18, _, _ =	vpop (xrf1)  }
0x2fd: {  	v5 =	vmin.f32 v5, v18  }
0x2fe: {  	(xrf1) =	vsort.ascd.msk.f32 $0xffff, v5, v5  }
0x2ff: {  	(xrf1) =	vsort.dscd.msk.f32 $0xffff, v17, v17;
	_ =	sdelay $0xb  }
0x300: {  	v19 =	vld [tilespmem:s11+$0x980]  }
0x301: {  	v5, _, _ =	vpop (xrf1)  }
0x302: {  	v20, _, _ =	vpop (xrf1)  }
0x303: {  	v2 =	vmin.f32 v2, v20  }
0x304: {  	(xrf1) =	vsort.ascd.msk.f32 $0xffff, v2, v2  }
0x305: {  	(xrf1) =	vsort.dscd.msk.f32 $0xffff, v19, v19;
	_ =	sdelay $0xb  }
0x306: {  	v21 =	vld [tilespmem:s11+$0xA00]  }
0x307: {  	v2, _, _ =	vpop (xrf1)  }
0x308: {  	v22, _, _ =	vpop (xrf1)  }
0x309: {  	v3 =	vmin.f32 v3, v22  }
0x30a: {  	(xrf1) =	vsort.ascd.msk.f32 $0xffff, v3, v3  }
0x30b: {  	(xrf1) =	vsort.dscd.msk.f32 $0xffff, v21, v21;
	_ =	sdelay $0xb  }
0x30c: {  	v23 =	vld [tilespmem:s11+$0xA80]  }
0x30d: {  	v3, _, _ =	vpop (xrf1)  }
0x30e: {  	v24, _, _ =	vpop (xrf1)  }
0x30f: {  	v4 =	vmin.f32 v4, v24  }
0x310: {  	(xrf1) =	vsort.ascd.msk.f32 $0xffff, v4, v4  }
0x311: {  	(xrf1) =	vsort.dscd.msk.f32 $0xffff, v23, v23;
	_ =	sdelay $0xb  }
0x312: {  	v25 =	vld [tilespmem:s11+$0xB00]  }
0x313: {  	v4, _, _ =	vpop (xrf1)  }
0x314: {  	v26, _, _ =	vpop (xrf1)  }
0x315: {  	v1 =	vmin.f32 v1, v26  }
0x316: {  	(xrf1) =	vsort.ascd.msk.f32 $0xffff, v1, v1  }
0x317: {  	(xrf1) =	vsort.dscd.msk.f32 $0xffff, v25, v25;
	_ =	sdelay $0xb  }
0x318: {  	v27 =	vld [tilespmem:s11+$0xB80]  }
0x319: {  	v1, _, _ =	vpop (xrf1)  }
0x31a: {  	v28, _, _ =	vpop (xrf1)  }
0x31b: {  	v6 =	vmin.f32 v6, v28  }
0x31c: {  	(xrf1) =	vsort.ascd.msk.f32 $0xffff, v6, v6  }
0x31d: {  	(xrf1) =	vsort.dscd.msk.f32 $0xffff, v27, v27;
	_ =	sdelay $0xb  }
0x31e: {  	v29 =	vld [tilespmem:s11+$0x810]  }
0x31f: {  	v6, _, _ =	vpop (xrf1)  }
0x320: {  	v30, _, _ =	vpop (xrf1)  }
0x321: {  	v8 =	vmin.f32 v8, v30  }
0x322: {  	(xrf1) =	vsort.ascd.msk.f32 $0xffff, v8, v8  }
0x323: {  	(xrf1) =	vsort.dscd.msk.f32 $0xffff, v29, v29;
	_ =	sdelay $0xb  }
0x324: {  	v31 =	vld [tilespmem:s11+$0x890]  }
0x325: {  	v8, _, _ =	vpop (xrf1)  }
0x326: {  	v32, _, _ =	vpop (xrf1)  }
0x327: {  	v7 =	vmin.f32 v7, v32  }
0x328: {  	(xrf1) =	vsort.ascd.msk.f32 $0xffff, v7, v7  }
0x329: {  	(xrf1) =	vsort.dscd.msk.f32 $0xffff, v31, v31;
	_ =	sdelay $0xb  }
0x32a: {  	v33 =	vld [tilespmem:s11+$0x910]  }
0x32b: {  	v7, _, _ =	vpop (xrf1)  }
0x32c: {  	v34, _, _ =	vpop (xrf1)  }
0x32d: {  	v5 =	vmin.f32 v5, v34  }
0x32e: {  	(xrf1) =	vsort.ascd.msk.f32 $0xffff, v5, v5  }
0x32f: {  	(xrf1) =	vsort.dscd.msk.f32 $0xffff, v33, v33;
	_ =	sdelay $0xb  }
0x330: {  	v35 =	vld [tilespmem:s11+$0x990]  }
0x331: {  	v5, _, _ =	vpop (xrf1)  }
0x332: {  	v36, _, _ =	vpop (xrf1)  }
0x333: {  	v2 =	vmin.f32 v2, v36  }
0x334: {  	(xrf1) =	vsort.ascd.msk.f32 $0xffff, v2, v2  }
0x335: {  	(xrf1) =	vsort.dscd.msk.f32 $0xffff, v35, v35;
	_ =	sdelay $0xb  }
0x336: {  	v37 =	vld [tilespmem:s11+$0xA10]  }
0x337: {  	v2, _, _ =	vpop (xrf1)  }
0x338: {  	v38, _, _ =	vpop (xrf1)  }
0x339: {  	v3 =	vmin.f32 v3, v38  }
0x33a: {  	(xrf1) =	vsort.ascd.msk.f32 $0xffff, v3, v3  }
0x33b: {  	(xrf1) =	vsort.dscd.msk.f32 $0xffff, v37, v37;
	_ =	sdelay $0xb  }
0x33c: {  	v39 =	vld [tilespmem:s11+$0xA90]  }
0x33d: {  	v3, _, _ =	vpop (xrf1)  }
0x33e: {  	v40, _, _ =	vpop (xrf1)  }
0x33f: {  	v4 =	vmin.f32 v4, v40  }
0x340: {  	(xrf1) =	vsort.ascd.msk.f32 $0xffff, v4, v4  }
0x341: {  	(xrf1) =	vsort.dscd.msk.f32 $0xffff, v39, v39;
	_ =	sdelay $0xb  }
0x342: {  	v41 =	vld [tilespmem:s11+$0xB10]  }
0x343: {  	v4, _, _ =	vpop (xrf1)  }
0x344: {  	v42, _, _ =	vpop (xrf1)  }
0x345: {  	v1 =	vmin.f32 v1, v42  }
0x346: {  	(xrf1) =	vsort.ascd.msk.f32 $0xffff, v1, v1  }
0x347: {  	(xrf1) =	vsort.dscd.msk.f32 $0xffff, v41, v41;
	_ =	sdelay $0xb  }
0x348: {  	v43 =	vld [tilespmem:s11+$0xB90]  }
0x349: {  	v1, _, _ =	vpop (xrf1)  }
0x34a: {  	v44, _, _ =	vpop (xrf1)  }
0x34b: {  	v6 =	vmin.f32 v6, v44  }
0x34c: {  	(xrf1) =	vsort.ascd.msk.f32 $0xffff, v6, v6  }
0x34d: {  	(xrf1) =	vsort.dscd.msk.f32 $0xffff, v43, v43;
	_ =	sdelay $0xb  }
0x34e: {  	v45 =	vld [tilespmem:s11+$0x820]  }
0x34f: {  	v6, _, _ =	vpop (xrf1)  }
0x350: {  	v46, _, _ =	vpop (xrf1)  }
0x351: {  	v8 =	vmin.f32 v8, v46  }
0x352: {  	(xrf1) =	vsort.ascd.msk.f32 $0xffff, v8, v8  }
0x353: {  	(xrf1) =	vsort.dscd.msk.f32 $0xffff, v45, v45;
	_ =	sdelay $0xb  }
0x354: {  	v47 =	vld [tilespmem:s11+$0x8A0]  }
0x355: {  	v8, _, _ =	vpop (xrf1)  }
0x356: {  	v48, _, _ =	vpop (xrf1)  }
0x357: {  	v7 =	vmin.f32 v7, v48  }
0x358: {  	(xrf1) =	vsort.ascd.msk.f32 $0xffff, v7, v7  }
0x359: {  	(xrf1) =	vsort.dscd.msk.f32 $0xffff, v47, v47;
	_ =	sdelay $0xb  }
0x35a: {  	v49 =	vld [tilespmem:s11+$0x920]  }
0x35b: {  	v7, _, _ =	vpop (xrf1)  }
0x35c: {  	v50, _, _ =	vpop (xrf1)  }
0x35d: {  	v5 =	vmin.f32 v5, v50  }
0x35e: {  	(xrf1) =	vsort.ascd.msk.f32 $0xffff, v5, v5  }
0x35f: {  	(xrf1) =	vsort.dscd.msk.f32 $0xffff, v49, v49;
	_ =	sdelay $0xb  }
0x360: {  	v51 =	vld [tilespmem:s11+$0x9A0]  }
0x361: {  	v5, _, _ =	vpop (xrf1)  }
0x362: {  	v52, _, _ =	vpop (xrf1)  }
0x363: {  	v2 =	vmin.f32 v2, v52  }
0x364: {  	(xrf1) =	vsort.ascd.msk.f32 $0xffff, v2, v2  }
0x365: {  	(xrf1) =	vsort.dscd.msk.f32 $0xffff, v51, v51;
	_ =	sdelay $0xb  }
0x366: {  	v53 =	vld [tilespmem:s11+$0xA20]  }
0x367: {  	v2, _, _ =	vpop (xrf1)  }
0x368: {  	v54, _, _ =	vpop (xrf1)  }
0x369: {  	v3 =	vmin.f32 v3, v54  }
0x36a: {  	(xrf1) =	vsort.ascd.msk.f32 $0xffff, v3, v3  }
0x36b: {  	(xrf1) =	vsort.dscd.msk.f32 $0xffff, v53, v53;
	_ =	sdelay $0xb  }
0x36c: {  	v55 =	vld [tilespmem:s11+$0xAA0]  }
0x36d: {  	v3, _, _ =	vpop (xrf1)  }
0x36e: {  	v56, _, _ =	vpop (xrf1)  }
0x36f: {  	v4 =	vmin.f32 v4, v56  }
0x370: {  	(xrf1) =	vsort.ascd.msk.f32 $0xffff, v4, v4  }
0x371: {  	(xrf1) =	vsort.dscd.msk.f32 $0xffff, v55, v55;
	_ =	sdelay $0xb  }
0x372: {  	v57 =	vld [tilespmem:s11+$0xB20]  }
0x373: {  	v4, _, _ =	vpop (xrf1)  }
0x374: {  	v58, _, _ =	vpop (xrf1)  }
0x375: {  	v1 =	vmin.f32 v1, v58  }
0x376: {  	(xrf1) =	vsort.ascd.msk.f32 $0xffff, v1, v1  }
0x377: {  	(xrf1) =	vsort.dscd.msk.f32 $0xffff, v57, v57;
	_ =	sdelay $0xb  }
0x378: {  	v59 =	vld [tilespmem:s11+$0xBA0]  }
0x379: {  	v1, _, _ =	vpop (xrf1)  }
0x37a: {  	v60, _, _ =	vpop (xrf1)  }
0x37b: {  	v6 =	vmin.f32 v6, v60  }
0x37c: {  	(xrf1) =	vsort.ascd.msk.f32 $0xffff, v6, v6  }
0x37d: {  	(xrf1) =	vsort.dscd.msk.f32 $0xffff, v59, v59;
	_ =	sdelay $0xb  }
0x37e: {  	v61 =	vld [tilespmem:s11+$0x830]  }
0x37f: {  	v6, _, _ =	vpop (xrf1)  }
0x380: {  	v62, _, _ =	vpop (xrf1)  }
0x381: {  	v8 =	vmin.f32 v8, v62  }
0x382: {  	(xrf1) =	vsort.ascd.msk.f32 $0xffff, v8, v8  }
0x383: {  	(xrf1) =	vsort.dscd.msk.f32 $0xffff, v61, v61;
	_ =	sdelay $0xb  }
0x384: {  	v63 =	vld [tilespmem:s11+$0x8B0]  }
0x385: {  	v8, _, _ =	vpop (xrf1)  }
0x386: {  	v12, _, _ =	vpop (xrf1)  }
0x387: {  	v7 =	vmin.f32 v7, v12  }
0x388: {  	(xrf1) =	vsort.ascd.msk.f32 $0xffff, v7, v7  }
0x389: {  	(xrf1) =	vsort.dscd.msk.f32 $0xffff, v63, v63;
	_ =	sdelay $0xb  }
0x38a: {  	v13 =	vld [tilespmem:s11+$0x930]  }
0x38b: {  	v7, _, _ =	vpop (xrf1)  }
0x38c: {  	v14, _, _ =	vpop (xrf1)  }
0x38d: {  	v5 =	vmin.f32 v5, v14  }
0x38e: {  	(xrf1) =	vsort.ascd.msk.f32 $0xffff, v5, v5  }
0x38f: {  	(xrf1) =	vsort.dscd.msk.f32 $0xffff, v13, v13;
	_ =	sdelay $0xc  }
0x390: {  	v15, _, _ =	vpop (xrf1)  }
0x391: {  	v5, _, _ =	vpop (xrf1)  }
0x392: {  	v16 =	vld [tilespmem:s11+$0x9B0];
	_ =	sdelay $0x2  }
0x393: {  	v2 =	vmin.f32 v2, v5  }
0x394: {  	(xrf1) =	vsort.ascd.msk.f32 $0xffff, v2, v2  }
0x395: {  	(xrf1) =	vsort.dscd.msk.f32 $0xffff, v16, v16;
	_ =	sdelay $0xb  }
0x396: {  	v17 =	vld [tilespmem:s11+$0xA30]  }
0x397: {  	v18, _, _ =	vpop (xrf1)  }
0x398: {  	v9, _, _ =	vpop (xrf1)  }
0x399: {  	v3 =	vmin.f32 v3, v9  }
0x39a: {  	(xrf1) =	vsort.ascd.msk.f32 $0xffff, v3, v3  }
0x39b: {  	(xrf1) =	vsort.dscd.msk.f32 $0xffff, v17, v17;
	_ =	sdelay $0xb  }
0x39c: {  	v19 =	vld [tilespmem:s11+$0xAB0]  }
0x39d: {  	v3, _, _ =	vpop (xrf1)  }
0x39e: {  	v20, _, _ =	vpop (xrf1)  }
0x39f: {  	v4 =	vmin.f32 v4, v20  }
0x3a0: {  	(xrf1) =	vsort.ascd.msk.f32 $0xffff, v4, v4  }
0x3a1: {  	(xrf1) =	vsort.dscd.msk.f32 $0xffff, v19, v19;
	_ =	sdelay $0xb  }
0x3a2: {  	v21 =	vld [tilespmem:s11+$0xB30]  }
0x3a3: {  	v4, _, _ =	vpop (xrf1)  }
0x3a4: {  	v22, _, _ =	vpop (xrf1)  }
0x3a5: {  	v1 =	vmin.f32 v1, v22  }
0x3a6: {  	(xrf1) =	vsort.ascd.msk.f32 $0xffff, v1, v1  }
0x3a7: {  	(xrf1) =	vsort.dscd.msk.f32 $0xffff, v21, v21;
	_ =	sdelay $0xb  }
0x3a8: {  	v23 =	vld [tilespmem:s11+$0xBB0]  }
0x3a9: {  	v24, _, _ =	vpop (xrf1)  }
0x3aa: {  	v25, _, _ =	vpop (xrf1)  }
0x3ab: {  	v6 =	vmin.f32 v6, v25  }
0x3ac: {  	(xrf1) =	vsort.ascd.msk.f32 $0xffff, v6, v6  }
0x3ad: {  	(xrf1) =	vsort.dscd.msk.f32 $0xffff, v23, v23;
	_ =	sdelay $0xb  }
0x3ae: {  	v26 =	vld [tilespmem:s11+$0x840]  }
0x3af: {  	v6, _, _ =	vpop (xrf1)  }
0x3b0: {  	v27, _, _ =	vpop (xrf1)  }
0x3b1: {  	v8 =	vmin.f32 v8, v27  }
0x3b2: {  	(xrf1) =	vsort.ascd.msk.f32 $0xffff, v8, v8  }
0x3b3: {  	(xrf1) =	vsort.dscd.msk.f32 $0xffff, v26, v26;
	_ =	sdelay $0xb  }
0x3b4: {  	v28 =	vld [tilespmem:s11+$0x8C0]  }
0x3b5: {  	v8, _, _ =	vpop (xrf1)  }
0x3b6: {  	v29, _, _ =	vpop (xrf1)  }
0x3b7: {  	v7 =	vmin.f32 v7, v29  }
0x3b8: {  	(xrf1) =	vsort.ascd.msk.f32 $0xffff, v7, v7  }
0x3b9: {  	(xrf1) =	vsort.dscd.msk.f32 $0xffff, v28, v28;
	_ =	sdelay $0xb  }
0x3ba: {  	v30 =	vld [tilespmem:s11+$0x940]  }
0x3bb: {  	v7, _, _ =	vpop (xrf1)  }
0x3bc: {  	v31, _, _ =	vpop (xrf1)  }
0x3bd: {  	v0 =	vmin.f32 v15, v31  }
0x3be: {  	(xrf1) =	vsort.ascd.msk.f32 $0xffff, v0, v0  }
0x3bf: {  	(xrf1) =	vsort.dscd.msk.f32 $0xffff, v30, v30;
	_ =	sdelay $0xb  }
0x3c0: {  	v32 =	vld [tilespmem:s11+$0x9C0]  }
0x3c1: {  	v33, _, _ =	vpop (xrf1)  }
0x3c2: {  	v34, _, _ =	vpop (xrf1)  }
0x3c3: {  	v5 =	vmin.f32 v18, v34  }
0x3c4: {  	(xrf1) =	vsort.ascd.msk.f32 $0xffff, v5, v5  }
0x3c5: {  	(xrf1) =	vsort.dscd.msk.f32 $0xffff, v32, v32;
	_ =	sdelay $0xb  }
0x3c6: {  	v35 =	vld [tilespmem:s11+$0xA40]  }
0x3c7: {  	v5, _, _ =	vpop (xrf1)  }
0x3c8: {  	v36, _, _ =	vpop (xrf1)  }
0x3c9: {  	v3 =	vmin.f32 v3, v36  }
0x3ca: {  	(xrf1) =	vsort.ascd.msk.f32 $0xffff, v3, v3  }
0x3cb: {  	(xrf1) =	vsort.dscd.msk.f32 $0xffff, v35, v35;
	_ =	sdelay $0xb  }
0x3cc: {  	v37 =	vld [tilespmem:s11+$0xAC0]  }
0x3cd: {  	v3, _, _ =	vpop (xrf1)  }
0x3ce: {  	v38, _, _ =	vpop (xrf1)  }
0x3cf: {  	v4 =	vmin.f32 v4, v38  }
0x3d0: {  	(xrf1) =	vsort.ascd.msk.f32 $0xffff, v4, v4  }
0x3d1: {  	(xrf1) =	vsort.dscd.msk.f32 $0xffff, v37, v37;
	_ =	sdelay $0xb  }
0x3d2: {  	v39 =	vld [tilespmem:s11+$0xB40]  }
0x3d3: {  	v4, _, _ =	vpop (xrf1)  }
0x3d4: {  	v40, _, _ =	vpop (xrf1)  }
0x3d5: {  	v2 =	vmin.f32 v24, v40  }
0x3d6: {  	(xrf1) =	vsort.ascd.msk.f32 $0xffff, v2, v2  }
0x3d7: {  	(xrf1) =	vsort.dscd.msk.f32 $0xffff, v39, v39;
	_ =	sdelay $0xb  }
0x3d8: {  	v41 =	vld [tilespmem:s11+$0xBC0]  }
0x3d9: {  	v2, _, _ =	vpop (xrf1)  }
0x3da: {  	v42, _, _ =	vpop (xrf1)  }
0x3db: {  	v6 =	vmin.f32 v6, v42  }
0x3dc: {  	(xrf1) =	vsort.ascd.msk.f32 $0xffff, v6, v6  }
0x3dd: {  	(xrf1) =	vsort.dscd.msk.f32 $0xffff, v41, v41;
	_ =	sdelay $0xb  }
0x3de: {  	v43 =	vld [tilespmem:s11+$0x850]  }
0x3df: {  	v6, _, _ =	vpop (xrf1)  }
0x3e0: {  	v44, _, _ =	vpop (xrf1)  }
0x3e1: {  	v8 =	vmin.f32 v8, v44  }
0x3e2: {  	(xrf1) =	vsort.ascd.msk.f32 $0xffff, v8, v8  }
0x3e3: {  	(xrf1) =	vsort.dscd.msk.f32 $0xffff, v43, v43;
	_ =	sdelay $0xb  }
0x3e4: {  	v45 =	vld [tilespmem:s11+$0x8D0]  }
0x3e5: {  	v8, _, _ =	vpop (xrf1)  }
0x3e6: {  	v46, _, _ =	vpop (xrf1)  }
0x3e7: {  	v7 =	vmin.f32 v7, v46  }
0x3e8: {  	(xrf1) =	vsort.ascd.msk.f32 $0xffff, v7, v7  }
0x3e9: {  	(xrf1) =	vsort.dscd.msk.f32 $0xffff, v45, v45;
	_ =	sdelay $0xb  }
0x3ea: {  	v47 =	vld [tilespmem:s11+$0x950]  }
0x3eb: {  	v7, _, _ =	vpop (xrf1)  }
0x3ec: {  	v48, _, _ =	vpop (xrf1)  }
0x3ed: {  	v1 =	vmin.f32 v33, v48  }
0x3ee: {  	(xrf1) =	vsort.ascd.msk.f32 $0xffff, v1, v1  }
0x3ef: {  	(xrf1) =	vsort.dscd.msk.f32 $0xffff, v47, v47;
	_ =	sdelay $0xb  }
0x3f0: {  	v49 =	vld [tilespmem:s11+$0x9D0]  }
0x3f1: {  	v1, _, _ =	vpop (xrf1)  }
0x3f2: {  	v50, _, _ =	vpop (xrf1)  }
0x3f3: {  	v5 =	vmin.f32 v5, v50  }
0x3f4: {  	(xrf1) =	vsort.ascd.msk.f32 $0xffff, v5, v5  }
0x3f5: {  	(xrf1) =	vsort.dscd.msk.f32 $0xffff, v49, v49;
	_ =	sdelay $0xb  }
0x3f6: {  	v51 =	vld [tilespmem:s11+$0xA50]  }
0x3f7: {  	v5, _, _ =	vpop (xrf1)  }
0x3f8: {  	v52, _, _ =	vpop (xrf1)  }
0x3f9: {  	v3 =	vmin.f32 v3, v52  }
0x3fa: {  	(xrf1) =	vsort.ascd.msk.f32 $0xffff, v3, v3  }
0x3fb: {  	(xrf1) =	vsort.dscd.msk.f32 $0xffff, v51, v51;
	_ =	sdelay $0xb  }
0x3fc: {  	v53 =	vld [tilespmem:s11+$0xAD0]  }
0x3fd: {  	v3, _, _ =	vpop (xrf1)  }
0x3fe: {  	v54, _, _ =	vpop (xrf1)  }
0x3ff: {  	v4 =	vmin.f32 v4, v54  }
0x400: {  	(xrf1) =	vsort.ascd.msk.f32 $0xffff, v4, v4  }
0x401: {  	(xrf1) =	vsort.dscd.msk.f32 $0xffff, v53, v53;
	_ =	sdelay $0xb  }
0x402: {  	v55 =	vld [tilespmem:s11+$0xB50]  }
0x403: {  	v4, _, _ =	vpop (xrf1)  }
0x404: {  	v56, _, _ =	vpop (xrf1)  }
0x405: {  	v2 =	vmin.f32 v2, v56  }
0x406: {  	(xrf1) =	vsort.ascd.msk.f32 $0xffff, v2, v2  }
0x407: {  	(xrf1) =	vsort.dscd.msk.f32 $0xffff, v55, v55;
	_ =	sdelay $0xb  }
0x408: {  	v57 =	vld [tilespmem:s11+$0xBD0]  }
0x409: {  	v2, _, _ =	vpop (xrf1)  }
0x40a: {  	v58, _, _ =	vpop (xrf1)  }
0x40b: {  	v6 =	vmin.f32 v6, v58  }
0x40c: {  	(xrf1) =	vsort.ascd.msk.f32 $0xffff, v6, v6  }
0x40d: {  	(xrf1) =	vsort.dscd.msk.f32 $0xffff, v57, v57;
	_ =	sdelay $0xb  }
0x40e: {  	v59 =	vld [tilespmem:s11+$0x860]  }
0x40f: {  	v6, _, _ =	vpop (xrf1)  }
0x410: {  	v60, _, _ =	vpop (xrf1)  }
0x411: {  	v8 =	vmin.f32 v8, v60  }
0x412: {  	(xrf1) =	vsort.ascd.msk.f32 $0xffff, v8, v8  }
0x413: {  	(xrf1) =	vsort.dscd.msk.f32 $0xffff, v59, v59;
	_ =	sdelay $0xb  }
0x414: {  	v61 =	vld [tilespmem:s11+$0x8E0]  }
0x415: {  	v8, _, _ =	vpop (xrf1)  }
0x416: {  	v62, _, _ =	vpop (xrf1)  }
0x417: {  	v7 =	vmin.f32 v7, v62  }
0x418: {  	(xrf1) =	vsort.ascd.msk.f32 $0xffff, v7, v7  }
0x419: {  	(xrf1) =	vsort.dscd.msk.f32 $0xffff, v61, v61;
	_ =	sdelay $0xb  }
0x41a: {  	v63 =	vld [tilespmem:s11+$0x960]  }
0x41b: {  	v7, _, _ =	vpop (xrf1)  }
0x41c: {  	v12, _, _ =	vpop (xrf1)  }
0x41d: {  	v1 =	vmin.f32 v1, v12  }
0x41e: {  	(xrf1) =	vsort.ascd.msk.f32 $0xffff, v1, v1  }
0x41f: {  	(xrf1) =	vsort.dscd.msk.f32 $0xffff, v63, v63;
	_ =	sdelay $0xb  }
0x420: {  	v13 =	vld [tilespmem:s11+$0x9E0]  }
0x421: {  	v1, _, _ =	vpop (xrf1)  }
0x422: {  	v14, _, _ =	vpop (xrf1)  }
0x423: {  	v5 =	vmin.f32 v5, v14  }
0x424: {  	(xrf1) =	vsort.ascd.msk.f32 $0xffff, v5, v5  }
0x425: {  	(xrf1) =	vsort.dscd.msk.f32 $0xffff, v13, v13;
	_ =	sdelay $0xb  }
0x426: {  	v15 =	vld [tilespmem:s11+$0xA60]  }
0x427: {  	v5, _, _ =	vpop (xrf1)  }
0x428: {  	v16, _, _ =	vpop (xrf1)  }
0x429: {  	v3 =	vmin.f32 v3, v16  }
0x42a: {  	(xrf1) =	vsort.ascd.msk.f32 $0xffff, v3, v3  }
0x42b: {  	(xrf1) =	vsort.dscd.msk.f32 $0xffff, v15, v15;
	_ =	sdelay $0xb  }
0x42c: {  	v17 =	vld [tilespmem:s11+$0xAE0]  }
0x42d: {  	v3, _, _ =	vpop (xrf1)  }
0x42e: {  	v18, _, _ =	vpop (xrf1)  }
0x42f: {  	v4 =	vmin.f32 v4, v18  }
0x430: {  	(xrf1) =	vsort.ascd.msk.f32 $0xffff, v4, v4  }
0x431: {  	(xrf1) =	vsort.dscd.msk.f32 $0xffff, v17, v17;
	_ =	sdelay $0xb  }
0x432: {  	v19 =	vld [tilespmem:s11+$0xB60]  }
0x433: {  	v4, _, _ =	vpop (xrf1)  }
0x434: {  	v20, _, _ =	vpop (xrf1)  }
0x435: {  	v2 =	vmin.f32 v2, v20  }
0x436: {  	(xrf1) =	vsort.ascd.msk.f32 $0xffff, v2, v2  }
0x437: {  	(xrf1) =	vsort.dscd.msk.f32 $0xffff, v19, v19;
	_ =	sdelay $0xb  }
0x438: {  	v21 =	vld [tilespmem:s11+$0xBE0]  }
0x439: {  	v2, _, _ =	vpop (xrf1)  }
0x43a: {  	v22, _, _ =	vpop (xrf1)  }
0x43b: {  	v6 =	vmin.f32 v6, v22  }
0x43c: {  	(xrf1) =	vsort.ascd.msk.f32 $0xffff, v6, v6  }
0x43d: {  	(xrf1) =	vsort.dscd.msk.f32 $0xffff, v21, v21;
	_ =	sdelay $0xb  }
0x43e: {  	v23 =	vld [tilespmem:s11+$0x870]  }
0x43f: {  	v6, _, _ =	vpop (xrf1)  }
0x440: {  	v24, _, _ =	vpop (xrf1)  }
0x441: {  	v8 =	vmin.f32 v8, v24  }
0x442: {  	(xrf1) =	vsort.ascd.msk.f32 $0xffff, v8, v8  }
0x443: {  	(xrf1) =	vsort.dscd.msk.f32 $0xffff, v23, v23;
	_ =	sdelay $0xb  }
0x444: {  	v25 =	vld [tilespmem:s11+$0x8F0]  }
0x445: {  	v8, _, _ =	vpop (xrf1)  }
0x446: {  	v26, _, _ =	vpop (xrf1)  }
0x447: {  	v7 =	vmin.f32 v7, v26  }
0x448: {  	(xrf1) =	vsort.ascd.msk.f32 $0xffff, v7, v7  }
0x449: {  	(xrf1) =	vsort.dscd.msk.f32 $0xffff, v25, v25;
	_ =	sdelay $0xb  }
0x44a: {  	v27 =	vld [tilespmem:s11+$0x970]  }
0x44b: {  	v7, _, _ =	vpop (xrf1)  }
0x44c: {  	v28, _, _ =	vpop (xrf1)  }
0x44d: {  	v1 =	vmin.f32 v1, v28  }
0x44e: {  	(xrf1) =	vsort.ascd.msk.f32 $0xffff, v1, v1  }
0x44f: {  	(xrf1) =	vsort.dscd.msk.f32 $0xffff, v27, v27;
	_ =	sdelay $0xb  }
0x450: {  	v29 =	vld [tilespmem:s11+$0x9F0]  }
0x451: {  	v1, _, _ =	vpop (xrf1)  }
0x452: {  	v30, _, _ =	vpop (xrf1)  }
0x453: {  	v5 =	vmin.f32 v5, v30  }
0x454: {  	(xrf1) =	vsort.ascd.msk.f32 $0xffff, v5, v5  }
0x455: {  	(xrf1) =	vsort.dscd.msk.f32 $0xffff, v29, v29;
	_ =	sdelay $0xb  }
0x456: {  	v31 =	vld [tilespmem:s11+$0xA70]  }
0x457: {  	v5, _, _ =	vpop (xrf1)  }
0x458: {  	v32, _, _ =	vpop (xrf1)  }
0x459: {  	v3 =	vmin.f32 v3, v32  }
0x45a: {  	(xrf1) =	vsort.ascd.msk.f32 $0xffff, v3, v3  }
0x45b: {  	(xrf1) =	vsort.dscd.msk.f32 $0xffff, v31, v31;
	_ =	sdelay $0xb  }
0x45c: {  	v33 =	vld [tilespmem:s11+$0xAF0]  }
0x45d: {  	v3, _, _ =	vpop (xrf1)  }
0x45e: {  	v34, _, _ =	vpop (xrf1)  }
0x45f: {  	v4 =	vmin.f32 v4, v34  }
0x460: {  	(xrf1) =	vsort.ascd.msk.f32 $0xffff, v4, v4  }
0x461: {  	(xrf1) =	vsort.dscd.msk.f32 $0xffff, v33, v33;
	_ =	sdelay $0xb  }
0x462: {  	v35 =	vld [tilespmem:s11+$0xB70]  }
0x463: {  	v4, _, _ =	vpop (xrf1)  }
0x464: {  	v36, _, _ =	vpop (xrf1)  }
0x465: {  	v2 =	vmin.f32 v2, v36  }
0x466: {  	(xrf1) =	vsort.ascd.msk.f32 $0xffff, v2, v2  }
0x467: {  	(xrf1) =	vsort.dscd.msk.f32 $0xffff, v35, v35;
	_ =	sdelay $0xb  }
0x468: {  	v37 =	vld [tilespmem:s11+$0xBF0]  }
0x469: {  	v2, _, _ =	vpop (xrf1)  }
0x46a: {  	v38, _, _ =	vpop (xrf1)  }
0x46b: {  	v6 =	vmin.f32 v6, v38  }
0x46c: {  	(xrf1) =	vsort.ascd.msk.f32 $0xffff, v6, v6  }
0x46d: {  	(xrf1) =	vsort.dscd.msk.f32 $0xffff, v37, v37;
	_ =	sdelay $0xb  }
0x46e: {  	v39 =	vld [tilespmem:s11+$0xC00]  }
0x46f: {  	v6, _, _ =	vpop (xrf1)  }
0x470: {  	v40, _, _ =	vpop (xrf1)  }
0x471: {  	v8 =	vmin.f32 v8, v40  }
0x472: {  	(xrf1) =	vsort.ascd.msk.f32 $0xffff, v8, v8  }
0x473: {  	(xrf1) =	vsort.dscd.msk.f32 $0xffff, v39, v39;
	_ =	sdelay $0xb  }
0x474: {  	v41 =	vld [tilespmem:s11+$0xC80]  }
0x475: {  	v8, _, _ =	vpop (xrf1)  }
0x476: {  	v42, _, _ =	vpop (xrf1)  }
0x477: {  	v7 =	vmin.f32 v7, v42  }
0x478: {  	(xrf1) =	vsort.ascd.msk.f32 $0xffff, v7, v7  }
0x479: {  	(xrf1) =	vsort.dscd.msk.f32 $0xffff, v41, v41;
	_ =	sdelay $0xb  }
0x47a: {  	v43 =	vld [tilespmem:s11+$0xD00]  }
0x47b: {  	v7, _, _ =	vpop (xrf1)  }
0x47c: {  	v44, _, _ =	vpop (xrf1)  }
0x47d: {  	v1 =	vmin.f32 v1, v44  }
0x47e: {  	(xrf1) =	vsort.ascd.msk.f32 $0xffff, v1, v1  }
0x47f: {  	(xrf1) =	vsort.dscd.msk.f32 $0xffff, v43, v43;
	_ =	sdelay $0xb  }
0x480: {  	v45 =	vld [tilespmem:s11+$0xD80]  }
0x481: {  	v1, _, _ =	vpop (xrf1)  }
0x482: {  	v46, _, _ =	vpop (xrf1)  }
0x483: {  	v5 =	vmin.f32 v5, v46  }
0x484: {  	(xrf1) =	vsort.ascd.msk.f32 $0xffff, v5, v5  }
0x485: {  	(xrf1) =	vsort.dscd.msk.f32 $0xffff, v45, v45;
	_ =	sdelay $0xb  }
0x486: {  	v47 =	vld [tilespmem:s11+$0xE00]  }
0x487: {  	v5, _, _ =	vpop (xrf1)  }
0x488: {  	v48, _, _ =	vpop (xrf1)  }
0x489: {  	v3 =	vmin.f32 v3, v48  }
0x48a: {  	(xrf1) =	vsort.ascd.msk.f32 $0xffff, v3, v3  }
0x48b: {  	(xrf1) =	vsort.dscd.msk.f32 $0xffff, v47, v47;
	_ =	sdelay $0xb  }
0x48c: {  	v49 =	vld [tilespmem:s11+$0xE80]  }
0x48d: {  	v3, _, _ =	vpop (xrf1)  }
0x48e: {  	v50, _, _ =	vpop (xrf1)  }
0x48f: {  	v4 =	vmin.f32 v4, v50  }
0x490: {  	(xrf1) =	vsort.ascd.msk.f32 $0xffff, v4, v4  }
0x491: {  	(xrf1) =	vsort.dscd.msk.f32 $0xffff, v49, v49;
	_ =	sdelay $0xb  }
0x492: {  	v51 =	vld [tilespmem:s11+$0xF00]  }
0x493: {  	v4, _, _ =	vpop (xrf1)  }
0x494: {  	v52, _, _ =	vpop (xrf1)  }
0x495: {  	v2 =	vmin.f32 v2, v52  }
0x496: {  	(xrf1) =	vsort.ascd.msk.f32 $0xffff, v2, v2  }
0x497: {  	(xrf1) =	vsort.dscd.msk.f32 $0xffff, v51, v51;
	_ =	sdelay $0xb  }
0x498: {  	v53 =	vld [tilespmem:s11+$0xF80]  }
0x499: {  	v2, _, _ =	vpop (xrf1)  }
0x49a: {  	v54, _, _ =	vpop (xrf1)  }
0x49b: {  	v6 =	vmin.f32 v6, v54  }
0x49c: {  	(xrf1) =	vsort.ascd.msk.f32 $0xffff, v6, v6  }
0x49d: {  	(xrf1) =	vsort.dscd.msk.f32 $0xffff, v53, v53;
	_ =	sdelay $0xb  }
0x49e: {  	v55 =	vld [tilespmem:s11+$0xC10]  }
0x49f: {  	v6, _, _ =	vpop (xrf1)  }
0x4a0: {  	v56, _, _ =	vpop (xrf1)  }
0x4a1: {  	v8 =	vmin.f32 v8, v56  }
0x4a2: {  	(xrf1) =	vsort.ascd.msk.f32 $0xffff, v8, v8  }
0x4a3: {  	(xrf1) =	vsort.dscd.msk.f32 $0xffff, v55, v55;
	_ =	sdelay $0xb  }
0x4a4: {  	v57 =	vld [tilespmem:s11+$0xC90]  }
0x4a5: {  	v8, _, _ =	vpop (xrf1)  }
0x4a6: {  	v58, _, _ =	vpop (xrf1)  }
0x4a7: {  	v7 =	vmin.f32 v7, v58  }
0x4a8: {  	(xrf1) =	vsort.ascd.msk.f32 $0xffff, v7, v7  }
0x4a9: {  	(xrf1) =	vsort.dscd.msk.f32 $0xffff, v57, v57;
	_ =	sdelay $0xb  }
0x4aa: {  	v59 =	vld [tilespmem:s11+$0xD10]  }
0x4ab: {  	v7, _, _ =	vpop (xrf1)  }
0x4ac: {  	v60, _, _ =	vpop (xrf1)  }
0x4ad: {  	v1 =	vmin.f32 v1, v60  }
0x4ae: {  	(xrf1) =	vsort.ascd.msk.f32 $0xffff, v1, v1  }
0x4af: {  	(xrf1) =	vsort.dscd.msk.f32 $0xffff, v59, v59;
	_ =	sdelay $0xb  }
0x4b0: {  	v61 =	vld [tilespmem:s11+$0xD90]  }
0x4b1: {  	v1, _, _ =	vpop (xrf1)  }
0x4b2: {  	v62, _, _ =	vpop (xrf1)  }
0x4b3: {  	v5 =	vmin.f32 v5, v62  }
0x4b4: {  	(xrf1) =	vsort.ascd.msk.f32 $0xffff, v5, v5  }
0x4b5: {  	(xrf1) =	vsort.dscd.msk.f32 $0xffff, v61, v61;
	_ =	sdelay $0xb  }
0x4b6: {  	v63 =	vld [tilespmem:s11+$0xE10]  }
0x4b7: {  	v5, _, _ =	vpop (xrf1)  }
0x4b8: {  	v12, _, _ =	vpop (xrf1)  }
0x4b9: {  	v3 =	vmin.f32 v3, v12  }
0x4ba: {  	(xrf1) =	vsort.ascd.msk.f32 $0xffff, v3, v3  }
0x4bb: {  	(xrf1) =	vsort.dscd.msk.f32 $0xffff, v63, v63;
	_ =	sdelay $0xb  }
0x4bc: {  	v13 =	vld [tilespmem:s11+$0xE90]  }
0x4bd: {  	v3, _, _ =	vpop (xrf1)  }
0x4be: {  	v14, _, _ =	vpop (xrf1)  }
0x4bf: {  	v4 =	vmin.f32 v4, v14  }
0x4c0: {  	(xrf1) =	vsort.ascd.msk.f32 $0xffff, v4, v4  }
0x4c1: {  	(xrf1) =	vsort.dscd.msk.f32 $0xffff, v13, v13;
	_ =	sdelay $0xb  }
0x4c2: {  	v15 =	vld [tilespmem:s11+$0xF10]  }
0x4c3: {  	v4, _, _ =	vpop (xrf1)  }
0x4c4: {  	v16, _, _ =	vpop (xrf1)  }
0x4c5: {  	v2 =	vmin.f32 v2, v16  }
0x4c6: {  	(xrf1) =	vsort.ascd.msk.f32 $0xffff, v2, v2  }
0x4c7: {  	(xrf1) =	vsort.dscd.msk.f32 $0xffff, v15, v15;
	_ =	sdelay $0xb  }
0x4c8: {  	v17 =	vld [tilespmem:s11+$0xF90]  }
0x4c9: {  	v2, _, _ =	vpop (xrf1)  }
0x4ca: {  	v18, _, _ =	vpop (xrf1)  }
0x4cb: {  	v6 =	vmin.f32 v6, v18  }
0x4cc: {  	(xrf1) =	vsort.ascd.msk.f32 $0xffff, v6, v6  }
0x4cd: {  	(xrf1) =	vsort.dscd.msk.f32 $0xffff, v17, v17;
	_ =	sdelay $0xb  }
0x4ce: {  	v19 =	vld [tilespmem:s11+$0xC20]  }
0x4cf: {  	v6, _, _ =	vpop (xrf1)  }
0x4d0: {  	v20, _, _ =	vpop (xrf1)  }
0x4d1: {  	v8 =	vmin.f32 v8, v20  }
0x4d2: {  	(xrf1) =	vsort.ascd.msk.f32 $0xffff, v8, v8  }
0x4d3: {  	(xrf1) =	vsort.dscd.msk.f32 $0xffff, v19, v19;
	_ =	sdelay $0xb  }
0x4d4: {  	v21 =	vld [tilespmem:s11+$0xCA0]  }
0x4d5: {  	v8, _, _ =	vpop (xrf1)  }
0x4d6: {  	v22, _, _ =	vpop (xrf1)  }
0x4d7: {  	v7 =	vmin.f32 v7, v22  }
0x4d8: {  	(xrf1) =	vsort.ascd.msk.f32 $0xffff, v7, v7  }
0x4d9: {  	(xrf1) =	vsort.dscd.msk.f32 $0xffff, v21, v21;
	_ =	sdelay $0xb  }
0x4da: {  	v23 =	vld [tilespmem:s11+$0xD20]  }
0x4db: {  	v7, _, _ =	vpop (xrf1)  }
0x4dc: {  	v24, _, _ =	vpop (xrf1)  }
0x4dd: {  	v1 =	vmin.f32 v1, v24  }
0x4de: {  	(xrf1) =	vsort.ascd.msk.f32 $0xffff, v1, v1  }
0x4df: {  	(xrf1) =	vsort.dscd.msk.f32 $0xffff, v23, v23;
	_ =	sdelay $0xb  }
0x4e0: {  	v25 =	vld [tilespmem:s11+$0xDA0]  }
0x4e1: {  	v1, _, _ =	vpop (xrf1)  }
0x4e2: {  	v26, _, _ =	vpop (xrf1)  }
0x4e3: {  	v5 =	vmin.f32 v5, v26  }
0x4e4: {  	(xrf1) =	vsort.ascd.msk.f32 $0xffff, v5, v5  }
0x4e5: {  	(xrf1) =	vsort.dscd.msk.f32 $0xffff, v25, v25;
	_ =	sdelay $0xb  }
0x4e6: {  	v27 =	vld [tilespmem:s11+$0xE20]  }
0x4e7: {  	v5, _, _ =	vpop (xrf1)  }
0x4e8: {  	v28, _, _ =	vpop (xrf1)  }
0x4e9: {  	v3 =	vmin.f32 v3, v28  }
0x4ea: {  	(xrf1) =	vsort.ascd.msk.f32 $0xffff, v3, v3  }
0x4eb: {  	(xrf1) =	vsort.dscd.msk.f32 $0xffff, v27, v27;
	_ =	sdelay $0xb  }
0x4ec: {  	v29 =	vld [tilespmem:s11+$0xEA0]  }
0x4ed: {  	v3, _, _ =	vpop (xrf1)  }
0x4ee: {  	v30, _, _ =	vpop (xrf1)  }
0x4ef: {  	v4 =	vmin.f32 v4, v30  }
0x4f0: {  	(xrf1) =	vsort.ascd.msk.f32 $0xffff, v4, v4  }
0x4f1: {  	(xrf1) =	vsort.dscd.msk.f32 $0xffff, v29, v29;
	_ =	sdelay $0xb  }
0x4f2: {  	v31 =	vld [tilespmem:s11+$0xF20]  }
0x4f3: {  	v4, _, _ =	vpop (xrf1)  }
0x4f4: {  	v32, _, _ =	vpop (xrf1)  }
0x4f5: {  	v2 =	vmin.f32 v2, v32  }
0x4f6: {  	(xrf1) =	vsort.ascd.msk.f32 $0xffff, v2, v2  }
0x4f7: {  	(xrf1) =	vsort.dscd.msk.f32 $0xffff, v31, v31;
	_ =	sdelay $0xb  }
0x4f8: {  	v33 =	vld [tilespmem:s11+$0xFA0]  }
0x4f9: {  	v2, _, _ =	vpop (xrf1)  }
0x4fa: {  	v34, _, _ =	vpop (xrf1)  }
0x4fb: {  	v6 =	vmin.f32 v6, v34  }
0x4fc: {  	(xrf1) =	vsort.ascd.msk.f32 $0xffff, v6, v6  }
0x4fd: {  	(xrf1) =	vsort.dscd.msk.f32 $0xffff, v33, v33;
	_ =	sdelay $0xb  }
0x4fe: {  	v35 =	vld [tilespmem:s11+$0xC30]  }
0x4ff: {  	v6, _, _ =	vpop (xrf1)  }
0x500: {  	v36, _, _ =	vpop (xrf1)  }
0x501: {  	v8 =	vmin.f32 v8, v36  }
0x502: {  	(xrf1) =	vsort.ascd.msk.f32 $0xffff, v8, v8  }
0x503: {  	(xrf1) =	vsort.dscd.msk.f32 $0xffff, v35, v35;
	_ =	sdelay $0xb  }
0x504: {  	v37 =	vld [tilespmem:s11+$0xCB0]  }
0x505: {  	v8, _, _ =	vpop (xrf1)  }
0x506: {  	v38, _, _ =	vpop (xrf1)  }
0x507: {  	v7 =	vmin.f32 v7, v38  }
0x508: {  	(xrf1) =	vsort.ascd.msk.f32 $0xffff, v7, v7  }
0x509: {  	(xrf1) =	vsort.dscd.msk.f32 $0xffff, v37, v37;
	_ =	sdelay $0xb  }
0x50a: {  	v39 =	vld [tilespmem:s11+$0xD30]  }
0x50b: {  	v7, _, _ =	vpop (xrf1)  }
0x50c: {  	v40, _, _ =	vpop (xrf1)  }
0x50d: {  	v1 =	vmin.f32 v1, v40  }
0x50e: {  	(xrf1) =	vsort.ascd.msk.f32 $0xffff, v1, v1  }
0x50f: {  	(xrf1) =	vsort.dscd.msk.f32 $0xffff, v39, v39;
	_ =	sdelay $0xb  }
0x510: {  	v41 =	vld [tilespmem:s11+$0xDB0]  }
0x511: {  	v1, _, _ =	vpop (xrf1)  }
0x512: {  	v42, _, _ =	vpop (xrf1)  }
0x513: {  	v5 =	vmin.f32 v5, v42  }
0x514: {  	(xrf1) =	vsort.ascd.msk.f32 $0xffff, v5, v5  }
0x515: {  	(xrf1) =	vsort.dscd.msk.f32 $0xffff, v41, v41;
	_ =	sdelay $0xb  }
0x516: {  	v43 =	vld [tilespmem:s11+$0xE30]  }
0x517: {  	v5, _, _ =	vpop (xrf1)  }
0x518: {  	v44, _, _ =	vpop (xrf1)  }
0x519: {  	v3 =	vmin.f32 v3, v44  }
0x51a: {  	(xrf1) =	vsort.ascd.msk.f32 $0xffff, v3, v3  }
0x51b: {  	(xrf1) =	vsort.dscd.msk.f32 $0xffff, v43, v43;
	_ =	sdelay $0xb  }
0x51c: {  	v45 =	vld [tilespmem:s11+$0xEB0]  }
0x51d: {  	v3, _, _ =	vpop (xrf1)  }
0x51e: {  	v46, _, _ =	vpop (xrf1)  }
0x51f: {  	v4 =	vmin.f32 v4, v46  }
0x520: {  	(xrf1) =	vsort.ascd.msk.f32 $0xffff, v4, v4  }
0x521: {  	(xrf1) =	vsort.dscd.msk.f32 $0xffff, v45, v45;
	_ =	sdelay $0xb  }
0x522: {  	v47 =	vld [tilespmem:s11+$0xF30]  }
0x523: {  	v4, _, _ =	vpop (xrf1)  }
0x524: {  	v48, _, _ =	vpop (xrf1)  }
0x525: {  	v2 =	vmin.f32 v2, v48  }
0x526: {  	(xrf1) =	vsort.ascd.msk.f32 $0xffff, v2, v2  }
0x527: {  	(xrf1) =	vsort.dscd.msk.f32 $0xffff, v47, v47;
	_ =	sdelay $0xb  }
0x528: {  	v49 =	vld [tilespmem:s11+$0xFB0]  }
0x529: {  	v2, _, _ =	vpop (xrf1)  }
0x52a: {  	v50, _, _ =	vpop (xrf1)  }
0x52b: {  	v6 =	vmin.f32 v6, v50  }
0x52c: {  	(xrf1) =	vsort.ascd.msk.f32 $0xffff, v6, v6  }
0x52d: {  	(xrf1) =	vsort.dscd.msk.f32 $0xffff, v49, v49;
	_ =	sdelay $0xb  }
0x52e: {  	v51 =	vld [tilespmem:s11+$0xC40]  }
0x52f: {  	v6, _, _ =	vpop (xrf1)  }
0x530: {  	v52, _, _ =	vpop (xrf1)  }
0x531: {  	v8 =	vmin.f32 v8, v52  }
0x532: {  	(xrf1) =	vsort.ascd.msk.f32 $0xffff, v8, v8  }
0x533: {  	(xrf1) =	vsort.dscd.msk.f32 $0xffff, v51, v51;
	_ =	sdelay $0xb  }
0x534: {  	v53 =	vld [tilespmem:s11+$0xCC0]  }
0x535: {  	v8, _, _ =	vpop (xrf1)  }
0x536: {  	v54, _, _ =	vpop (xrf1)  }
0x537: {  	v7 =	vmin.f32 v7, v54  }
0x538: {  	(xrf1) =	vsort.ascd.msk.f32 $0xffff, v7, v7  }
0x539: {  	(xrf1) =	vsort.dscd.msk.f32 $0xffff, v53, v53;
	_ =	sdelay $0xb  }
0x53a: {  	v55 =	vld [tilespmem:s11+$0xD40]  }
0x53b: {  	v7, _, _ =	vpop (xrf1)  }
0x53c: {  	v56, _, _ =	vpop (xrf1)  }
0x53d: {  	v1 =	vmin.f32 v1, v56  }
0x53e: {  	(xrf1) =	vsort.ascd.msk.f32 $0xffff, v1, v1  }
0x53f: {  	(xrf1) =	vsort.dscd.msk.f32 $0xffff, v55, v55;
	_ =	sdelay $0xb  }
0x540: {  	v57 =	vld [tilespmem:s11+$0xDC0]  }
0x541: {  	v1, _, _ =	vpop (xrf1)  }
0x542: {  	v58, _, _ =	vpop (xrf1)  }
0x543: {  	v5 =	vmin.f32 v5, v58  }
0x544: {  	(xrf1) =	vsort.ascd.msk.f32 $0xffff, v5, v5  }
0x545: {  	(xrf1) =	vsort.dscd.msk.f32 $0xffff, v57, v57;
	_ =	sdelay $0xb  }
0x546: {  	v59 =	vld [tilespmem:s11+$0xE40]  }
0x547: {  	v5, _, _ =	vpop (xrf1)  }
0x548: {  	v60, _, _ =	vpop (xrf1)  }
0x549: {  	v3 =	vmin.f32 v3, v60  }
0x54a: {  	(xrf1) =	vsort.ascd.msk.f32 $0xffff, v3, v3  }
0x54b: {  	(xrf1) =	vsort.dscd.msk.f32 $0xffff, v59, v59;
	_ =	sdelay $0xb  }
0x54c: {  	v61 =	vld [tilespmem:s11+$0xEC0]  }
0x54d: {  	v3, _, _ =	vpop (xrf1)  }
0x54e: {  	v62, _, _ =	vpop (xrf1)  }
0x54f: {  	v4 =	vmin.f32 v4, v62  }
0x550: {  	(xrf1) =	vsort.ascd.msk.f32 $0xffff, v4, v4  }
0x551: {  	(xrf1) =	vsort.dscd.msk.f32 $0xffff, v61, v61;
	_ =	sdelay $0xb  }
0x552: {  	v63 =	vld [tilespmem:s11+$0xF40]  }
0x553: {  	v4, _, _ =	vpop (xrf1)  }
0x554: {  	v12, _, _ =	vpop (xrf1)  }
0x555: {  	v2 =	vmin.f32 v2, v12  }
0x556: {  	(xrf1) =	vsort.ascd.msk.f32 $0xffff, v2, v2  }
0x557: {  	(xrf1) =	vsort.dscd.msk.f32 $0xffff, v63, v63;
	_ =	sdelay $0xb  }
0x558: {  	v13 =	vld [tilespmem:s11+$0xFC0]  }
0x559: {  	v2, _, _ =	vpop (xrf1)  }
0x55a: {  	v14, _, _ =	vpop (xrf1)  }
0x55b: {  	v6 =	vmin.f32 v6, v14  }
0x55c: {  	(xrf1) =	vsort.ascd.msk.f32 $0xffff, v6, v6  }
0x55d: {  	(xrf1) =	vsort.dscd.msk.f32 $0xffff, v13, v13;
	_ =	sdelay $0xb  }
0x55e: {  	v15 =	vld [tilespmem:s11+$0xC50]  }
0x55f: {  	v6, _, _ =	vpop (xrf1)  }
0x560: {  	v16, _, _ =	vpop (xrf1)  }
0x561: {  	v8 =	vmin.f32 v8, v16  }
0x562: {  	(xrf1) =	vsort.ascd.msk.f32 $0xffff, v8, v8  }
0x563: {  	(xrf1) =	vsort.dscd.msk.f32 $0xffff, v15, v15;
	_ =	sdelay $0xb  }
0x564: {  	v17 =	vld [tilespmem:s11+$0xCD0]  }
0x565: {  	v8, _, _ =	vpop (xrf1)  }
0x566: {  	v18, _, _ =	vpop (xrf1)  }
0x567: {  	v7 =	vmin.f32 v7, v18  }
0x568: {  	(xrf1) =	vsort.ascd.msk.f32 $0xffff, v7, v7  }
0x569: {  	(xrf1) =	vsort.dscd.msk.f32 $0xffff, v17, v17;
	_ =	sdelay $0xb  }
0x56a: {  	v19 =	vld [tilespmem:s11+$0xD50]  }
0x56b: {  	v7, _, _ =	vpop (xrf1)  }
0x56c: {  	v20, _, _ =	vpop (xrf1)  }
0x56d: {  	v1 =	vmin.f32 v1, v20  }
0x56e: {  	(xrf1) =	vsort.ascd.msk.f32 $0xffff, v1, v1  }
0x56f: {  	(xrf1) =	vsort.dscd.msk.f32 $0xffff, v19, v19;
	_ =	sdelay $0xb  }
0x570: {  	v21 =	vld [tilespmem:s11+$0xDD0]  }
0x571: {  	v1, _, _ =	vpop (xrf1)  }
0x572: {  	v22, _, _ =	vpop (xrf1)  }
0x573: {  	v5 =	vmin.f32 v5, v22  }
0x574: {  	(xrf1) =	vsort.ascd.msk.f32 $0xffff, v5, v5  }
0x575: {  	(xrf1) =	vsort.dscd.msk.f32 $0xffff, v21, v21;
	_ =	sdelay $0xb  }
0x576: {  	v23 =	vld [tilespmem:s11+$0xE50]  }
0x577: {  	v5, _, _ =	vpop (xrf1)  }
0x578: {  	v24, _, _ =	vpop (xrf1)  }
0x579: {  	v3 =	vmin.f32 v3, v24  }
0x57a: {  	(xrf1) =	vsort.ascd.msk.f32 $0xffff, v3, v3  }
0x57b: {  	(xrf1) =	vsort.dscd.msk.f32 $0xffff, v23, v23;
	_ =	sdelay $0xb  }
0x57c: {  	v25 =	vld [tilespmem:s11+$0xED0]  }
0x57d: {  	v3, _, _ =	vpop (xrf1)  }
0x57e: {  	v26, _, _ =	vpop (xrf1)  }
0x57f: {  	v4 =	vmin.f32 v4, v26  }
0x580: {  	(xrf1) =	vsort.ascd.msk.f32 $0xffff, v4, v4  }
0x581: {  	(xrf1) =	vsort.dscd.msk.f32 $0xffff, v25, v25;
	_ =	sdelay $0xb  }
0x582: {  	v27 =	vld [tilespmem:s11+$0xF50]  }
0x583: {  	v4, _, _ =	vpop (xrf1)  }
0x584: {  	v28, _, _ =	vpop (xrf1)  }
0x585: {  	v2 =	vmin.f32 v2, v28  }
0x586: {  	(xrf1) =	vsort.ascd.msk.f32 $0xffff, v2, v2  }
0x587: {  	(xrf1) =	vsort.dscd.msk.f32 $0xffff, v27, v27;
	_ =	sdelay $0xb  }
0x588: {  	v29 =	vld [tilespmem:s11+$0xFD0]  }
0x589: {  	v2, _, _ =	vpop (xrf1)  }
0x58a: {  	v30, _, _ =	vpop (xrf1)  }
0x58b: {  	v6 =	vmin.f32 v6, v30  }
0x58c: {  	(xrf1) =	vsort.ascd.msk.f32 $0xffff, v6, v6  }
0x58d: {  	(xrf1) =	vsort.dscd.msk.f32 $0xffff, v29, v29;
	_ =	sdelay $0xb  }
0x58e: {  	v31 =	vld [tilespmem:s11+$0xC60]  }
0x58f: {  	v6, _, _ =	vpop (xrf1)  }
0x590: {  	v32, _, _ =	vpop (xrf1)  }
0x591: {  	v8 =	vmin.f32 v8, v32  }
0x592: {  	(xrf1) =	vsort.ascd.msk.f32 $0xffff, v8, v8  }
0x593: {  	(xrf1) =	vsort.dscd.msk.f32 $0xffff, v31, v31;
	_ =	sdelay $0xb  }
0x594: {  	v33 =	vld [tilespmem:s11+$0xCE0]  }
0x595: {  	v8, _, _ =	vpop (xrf1)  }
0x596: {  	v34, _, _ =	vpop (xrf1)  }
0x597: {  	v7 =	vmin.f32 v7, v34  }
0x598: {  	(xrf1) =	vsort.ascd.msk.f32 $0xffff, v7, v7  }
0x599: {  	(xrf1) =	vsort.dscd.msk.f32 $0xffff, v33, v33;
	_ =	sdelay $0xb  }
0x59a: {  	v35 =	vld [tilespmem:s11+$0xD60]  }
0x59b: {  	v7, _, _ =	vpop (xrf1)  }
0x59c: {  	v36, _, _ =	vpop (xrf1)  }
0x59d: {  	v1 =	vmin.f32 v1, v36  }
0x59e: {  	(xrf1) =	vsort.ascd.msk.f32 $0xffff, v1, v1  }
0x59f: {  	(xrf1) =	vsort.dscd.msk.f32 $0xffff, v35, v35;
	_ =	sdelay $0xb  }
0x5a0: {  	v37 =	vld [tilespmem:s11+$0xDE0]  }
0x5a1: {  	v1, _, _ =	vpop (xrf1)  }
0x5a2: {  	v38, _, _ =	vpop (xrf1)  }
0x5a3: {  	v5 =	vmin.f32 v5, v38  }
0x5a4: {  	(xrf1) =	vsort.ascd.msk.f32 $0xffff, v5, v5  }
0x5a5: {  	(xrf1) =	vsort.dscd.msk.f32 $0xffff, v37, v37;
	_ =	sdelay $0xb  }
0x5a6: {  	v39 =	vld [tilespmem:s11+$0xE60]  }
0x5a7: {  	v5, _, _ =	vpop (xrf1)  }
0x5a8: {  	v40, _, _ =	vpop (xrf1)  }
0x5a9: {  	v3 =	vmin.f32 v3, v40  }
0x5aa: {  	(xrf1) =	vsort.ascd.msk.f32 $0xffff, v3, v3  }
0x5ab: {  	(xrf1) =	vsort.dscd.msk.f32 $0xffff, v39, v39;
	_ =	sdelay $0xb  }
0x5ac: {  	v41 =	vld [tilespmem:s11+$0xEE0]  }
0x5ad: {  	v3, _, _ =	vpop (xrf1)  }
0x5ae: {  	v42, _, _ =	vpop (xrf1)  }
0x5af: {  	v4 =	vmin.f32 v4, v42  }
0x5b0: {  	(xrf1) =	vsort.ascd.msk.f32 $0xffff, v4, v4  }
0x5b1: {  	(xrf1) =	vsort.dscd.msk.f32 $0xffff, v41, v41;
	_ =	sdelay $0xb  }
0x5b2: {  	v43 =	vld [tilespmem:s11+$0xF60]  }
0x5b3: {  	v4, _, _ =	vpop (xrf1)  }
0x5b4: {  	v44, _, _ =	vpop (xrf1)  }
0x5b5: {  	v2 =	vmin.f32 v2, v44  }
0x5b6: {  	(xrf1) =	vsort.ascd.msk.f32 $0xffff, v2, v2  }
0x5b7: {  	(xrf1) =	vsort.dscd.msk.f32 $0xffff, v43, v43;
	_ =	sdelay $0xb  }
0x5b8: {  	v45 =	vld [tilespmem:s11+$0xFE0]  }
0x5b9: {  	v2, _, _ =	vpop (xrf1)  }
0x5ba: {  	v46, _, _ =	vpop (xrf1)  }
0x5bb: {  	v6 =	vmin.f32 v6, v46  }
0x5bc: {  	(xrf1) =	vsort.ascd.msk.f32 $0xffff, v6, v6  }
0x5bd: {  	(xrf1) =	vsort.dscd.msk.f32 $0xffff, v45, v45;
	_ =	sdelay $0xb  }
0x5be: {  	v47 =	vld [tilespmem:s11+$0xC70]  }
0x5bf: {  	v48 =	vld [tilespmem:s11+$0xCF0];
	v6, _, _ =	vpop (xrf1)  }
0x5c0: {  	v11 =	vld [tilespmem:s11+$0xD70];
	v10, _, _ =	vpop (xrf1)  }
0x5c1: {  	v49 =	vld [tilespmem:s11+$0xDF0];
	v8 =	vmin.f32 v8, v10  }
0x5c2: {  	v50 =	vld [tilespmem:s11+$0xE70];
	(xrf1) =	vsort.ascd.msk.f32 $0xffff, v8, v8  }
0x5c3: {  	v51 =	vld [tilespmem:s11+$0xEF0];
	(xrf1) =	vsort.dscd.msk.f32 $0xffff, v47, v47  }
0x5c4: {  	v52 =	vld [tilespmem:s11+$0xF70];
	(xrf1) =	vsort.dscd.msk.f32 $0xffff, v48, v48  }
0x5c5: {  	v53 =	vld [tilespmem:s11+$0xFF0];
	(xrf1) =	vsort.dscd.msk.f32 $0xffff, v11, v11  }
0x5c6: {  	(xrf1) =	vsort.dscd.msk.f32 $0xffff, v49, v49  }
0x5c7: {  	(xrf1) =	vsort.dscd.msk.f32 $0xffff, v50, v50  }
0x5c8: {  	(xrf1) =	vsort.dscd.msk.f32 $0xffff, v51, v51  }
0x5c9: {  	(xrf1) =	vsort.dscd.msk.f32 $0xffff, v52, v52  }
0x5ca: {  	(xrf1) =	vsort.dscd.msk.f32 $0xffff, v53, v53;
	_ =	sdelay $0x5  }
0x5cb: {  	v54, _, _ =	vpop (xrf1)  }
0x5cc: {  	v55, _, _ =	vpop (xrf1)  }
0x5cd: {  	s11 =	sshrl.u32 s11, $0x2;
	v56, _, _ =	vpop (xrf1);
	v7 =	vmin.f32 v7, v55  }
0x5ce: {  	v57, _, _ =	vpop (xrf1);
	v1 =	vmin.f32 v1, v56;
	[tilespmem:s11+$0x10000] =	vst v7  }
0x5cf: {  	v58, _, _ =	vpop (xrf1);
	v5 =	vmin.f32 v5, v57;
	[tilespmem:s11+$0x10080] =	vst v1  }
0x5d0: {  	p0 =	sne.s32 s10, $0xF;
	v59, _, _ =	vpop (xrf1);
	v3 =	vmin.f32 v3, v58;
	[tilespmem:s11+$0x10100] =	vst v5  }
.Ltmp0:
0x5d1: {  	v60, _, _ =	vpop (xrf1);
	v1 =	vmin.f32 v4, v59;
	[tilespmem:s11+$0x10180] =	vst v3;
	(pc) =	sbr.rel @p0 .LBB2_2-.Ltmp0, $4  }
0x5d2: {  	v61, _, _ =	vpop (xrf1);
	v2 =	vmin.f32 v2, v60;
	[tilespmem:s11+$0x10200] =	vst v1  }
0x5d3: {  	v62 =	vmin.f32 v6, v61;
	v63, _, _ =	vpop (xrf1);
	[tilespmem:s11+$0x10280] =	vst v2  }
0x5d4: {  	v0 =	vmin.f32 v54, v63;
	[tilespmem:s11+$0x10300] =	vst v62  }
0x5d5: {  	s10 =	sadd.s32 $0x1, s10;
	[tilespmem:s11+$0x10380] =	vst v0  }
0x5d6: {  	s9 =	sadd.s32 $0x1, s9  }
0x5d7: {  	p0 =	sne.s32 s9, s5  }
.Ltmp1:
0x5d8: {  	_ = 	snop;
	(pc) =	sbr.rel @p0 .LBB2_1-.Ltmp1, $4  }
0x5d9: {  	[hbm4b:s4+s2] =	stream.linear.scatter [tilespmem:s7], [sflag:$0x2], $0x4000, $0x38;
	[tilespmem:$0x14000] =	vst v63  }
0x5da: {  	_ =	swait.ge [sflag:s8], $0x4000  }
0x5db: {  	[sflag:s8] =	ssyncset.done $0x0  }
0x5dc: {  	[sflag:s8] =	ssyncadd.s32 $0xFFFFC000  }
0x5dd: {  	_ =	sfence.sel $0x180000  }
0x5de: {  	[bflag:$0x0] =	sbarrier.arrive $0xFFFF  }
0x5df: {  	p0 =	sne.s32 s1, $0x0;
	_ =	strace $0x90000047  }
0x5e0: {  	s0 =	sadd.s32 @!p0 $0x100000, s0;
	[bflag:$0x2] =	sbarrier.arrive $0xFFFF  }
0x5e1: {  	[sflag:s0] =	ssyncadd.tile.s32 @!p0 $0x1;
	_ =	shalt  }
.Lfunc_end2:
_tile_overlayer_lowered:
.L_overlay_start_2:
0x5e2: {  	(tag) =	ssettag $0x2  }
0x5e3: {  	s0 =	rddreg [dreg:$0x0];
	s2 =	stileid.u32  }
0x5e4: {  	s1 =	rddreg [dreg:$0x1];
	p0 =	sne.s32 s2, $0x0  }
0x5e5: {  	s3 =	rddreg [dreg:$0x2];
	[bflag:$0x3] =	sbarrier.arrive $0xFFFF;
	s2 =	simm.s32 @!p0 $0x1C02  }
0x5e6: {  	[timem:s3], [sflag:s2] =	dma.local @!p0 [hbm:s0], s1  }
0x5e7: {  	s0 =	simm.s32 @!p0 $0x2  }
0x5e8: {  	_ =	swait.ge @!p0 [sflag:s0], s1  }
0x5e9: {  	s1 =	ssub.s32 @!p0 $0x0, s1;
	[sflag:s0] =	ssyncset.done @!p0 $0x0  }
0x5ea: {  	[sflag:s0] =	ssyncadd.s32 @!p0 s1  }
0x5eb: {  	[bflag:$0x3] =	sbarrier.arrive $0xFFFF  }
0x5ec: {  	_ =	shalt  }

</sc_bundles>
